<compile_context>
chip_gen: v7x
topology: tpu7x:2x2x1
jax: 0.10.2.dev20260603
libtpu: 0.0.44.dev20260713+nightly
codegen_flags: <defaults>
</compile_context>

<pallas_src>
import functools

import jax
import jax.numpy as jnp
from jax import lax
from jax.experimental import pallas as pl
from jax.experimental.pallas import tpu as pltpu
from jax.experimental.pallas import tpu_sc as plsc

N = 10000
E = 320000
G = 64
H = 256

NC = 2
NS = 16
L = 16

K = 128
EPS = 20480
E_PAD = NS * EPS
CHUNKS = EPS // K
N_PAD = 10240
RPT = N_PAD // NS

BLK = 1000
NBLK = N // BLK



def _zero_acc(sid, rows_v, acc_sh, nvec):
    zeros16 = jnp.zeros((L,), jnp.float32)

    def _zero_body(t, _):
        r = t // nvec
        dv = t % nvec
        rows_v[r, pl.ds(dv * L, L)] = zeros16
        return 0

    lax.fori_loop(0, K * nvec, _zero_body, 0)
    for j in range(RPT // K):
        pltpu.sync_copy(rows_v, acc_sh.at[pl.ds(sid * RPT + j * K, K)])
    plsc.subcore_barrier()


def _scale_rows(w_v, w_off, rows_v, nvec):
    def _mul_body(j, _):
        wv16 = w_v[pl.ds(w_off + j * L, L)]
        for t in range(L):
            wb = jnp.broadcast_to(lax.slice_in_dim(wv16, t, t + 1), (L,))
            row = j * L + t
            for dv in range(nvec):
                sl = pl.ds(dv * L, L)
                rows_v[row, sl] = rows_v[row, sl] * wb
        return 0

    lax.fori_loop(0, K // L, _mul_body, 0)


def _write_out(cid, sid, acc_sh, agg0, agg1):
    plsc.subcore_barrier()

    @pl.when(cid == 0)
    def _():
        pltpu.sync_copy(acc_sh.at[pl.ds(sid * RPT, RPT)],
                        agg0.at[pl.ds(sid * RPT, RPT)])

    @pl.when(cid == 1)
    def _():
        pltpu.sync_copy(acc_sh.at[pl.ds(sid * RPT, RPT)],
                        agg1.at[pl.ds(sid * RPT, RPT)])


BE = 2048
CB = BE // K


def _run_pipeline(gather_from, acc_sh, eps, chunks, base, src, dst2, w,
                  src_v, dst_v, w_v, rows0, rows1, sem0, sem1, sem2, sem3):
    nvec = 128 // L
    nblk = eps // BE
    rows = (rows0, rows1)
    sems = (sem0, sem1)

    ssems = (sem2, sem3)

    def _gather(g, b):
        return pltpu.async_copy(
            gather_from.at[src_v.at[pl.ds(g * K, K)]], rows[b], sems[b])

    def _gather_wait(g, b):
        pltpu.make_async_copy(
            gather_from.at[src_v.at[pl.ds(g * K, K)]], rows[b],
            sems[b]).wait()

    def _scatter(g, b):
        return
        pltpu.async_copy(rows[b], acc_sh.at[dst_v.at[g]], ssems[b],
                         add=True)

    def _scatter_wait(b):
        return
        pltpu.make_async_copy(rows[b], acc_sh.at[dst_v.at[0]],
                              ssems[b]).wait()

    def _blk_body(blk, _):
        @pl.when(blk > 0)
        def _():
            _scatter_wait(0)
            _scatter_wait(1)

        eb = base + blk * BE
        pltpu.sync_copy(src.at[pl.ds(eb, BE)], src_v)
        pltpu.sync_copy(dst2.at[pl.ds(pl.multiple_of(eb // K, 8), CB)],
                        dst_v)
        pltpu.sync_copy(w.at[pl.ds(eb, BE)], w_v)
        _gather(0, 0)

        def _pair_body(g2, _):
            for b in range(2):
                g = 2 * g2 + b
                _gather_wait(g, b)
                if b == 0:
                    @pl.when(g2 == 0)
                    def _():
                        _gather(g + 1, 1)

                    @pl.when(g2 > 0)
                    def _():
                        _scatter_wait(1)
                        _gather(g + 1, 1)
                else:
                    @pl.when(g2 < CB // 2 - 1)
                    def _():
                        _scatter_wait(0)
                        _gather(g + 1, 0)
                _scatter(g, b)
            return 0

        lax.fori_loop(0, CB // 2, _pair_body, 0)
        return 0

    lax.fori_loop(0, nblk, _blk_body, 0)
    _scatter_wait(0)
    _scatter_wait(1)


def _seg_body_feat(h0, h1, src, dst2, w, agg0, agg1,
                   src_v, dst_v, w_v, rows0, rows1, acc_sh,
                   sem0, sem1, sem2, sem3):
    cid = lax.axis_index("c")
    sid = lax.axis_index("s")
    _zero_acc(sid, rows0, acc_sh, 128 // L)
    base = sid * EPS

    @pl.when(cid == 0)
    def _():
        _run_pipeline(h0, acc_sh, EPS, CHUNKS, base, src, dst2, w,
                      src_v, dst_v, w_v, rows0, rows1, sem0, sem1,
                      sem2, sem3)

    @pl.when(cid == 1)
    def _():
        _run_pipeline(h1, acc_sh, EPS, CHUNKS, base, src, dst2, w,
                      src_v, dst_v, w_v, rows0, rows1, sem0, sem1,
                      sem2, sem3)

    _write_out(cid, sid, acc_sh, agg0, agg1)


def _seg_body_edge(h, src, dst2, w, agg0, agg1,
                   src_v, dst_v, w_v, rows0, rows1, acc_sh,
                   sem0, sem1, sem2, sem3):
    cid = lax.axis_index("c")
    sid = lax.axis_index("s")
    eps = E_PAD // (NC * NS)
    chunks = eps // K
    _zero_acc(sid, rows0, acc_sh, 128 // L)
    base = (cid * NS + sid) * eps
    _run_pipeline(h, acc_sh, eps, chunks, base, src, dst2, w,
                  src_v, dst_v, w_v, rows0, rows1, sem0, sem1,
                  sem2, sem3)
    _write_out(cid, sid, acc_sh, agg0, agg1)


@functools.lru_cache(maxsize=None)
def _make_seg_sum(edge_split):
    mesh = plsc.VectorSubcoreMesh(core_axis_name="c", subcore_axis_name="s")
    eps = E_PAD // (NC * NS) if edge_split else EPS
    chunks = eps // K
    return pl.kernel(
        _seg_body_edge if edge_split else _seg_body_feat,
        out_type=(jax.ShapeDtypeStruct((N_PAD, 128), jnp.float32),
                  jax.ShapeDtypeStruct((N_PAD, 128), jnp.float32)),
        mesh=mesh,
        scratch_types=[
            pltpu.VMEM((BE,), jnp.int32),
            pltpu.VMEM((CB, K), jnp.int32),
            pltpu.VMEM((BE,), jnp.float32),
            pltpu.VMEM((K, 128), jnp.float32),
            pltpu.VMEM((K, 128), jnp.float32),
            pltpu.VMEM_SHARED((N_PAD, 128), jnp.float32),
            pltpu.SemaphoreType.DMA,
            pltpu.SemaphoreType.DMA,
            pltpu.SemaphoreType.DMA,
            pltpu.SemaphoreType.DMA,
        ],
    )



def _lin_body(a0, a1, h0, h1, wrt, wrb, wot, wob, brel, z, sums, sumsq, acc):
    i = pl.program_id(0)
    zb = (jnp.dot(a0[...], wrt[...], preferred_element_type=jnp.float32)
          + jnp.dot(a1[...], wrb[...], preferred_element_type=jnp.float32)
          + jnp.dot(h0[...], wot[...], preferred_element_type=jnp.float32)
          + jnp.dot(h1[...], wob[...], preferred_element_type=jnp.float32)
          + brel[...])
    z[...] = zb

    @pl.when(i == 0)
    def _():
        acc[...] = jnp.zeros_like(acc)

    acc[0:1, :] += jnp.sum(zb, axis=0, keepdims=True)
    acc[1:2, :] += jnp.sum(zb * zb, axis=0, keepdims=True)

    @pl.when(i == NBLK - 1)
    def _():
        sums[...] = acc[0:1, :]
        sumsq[...] = acc[1:2, :]


def _linear_stats(a0, a1, h0, h1, wrt, wrb, wot, wob, brel):
    D2a = a0.shape[1]
    D2h = h0.shape[1]
    return pl.pallas_call(
        _lin_body,
        grid=(NBLK,),
        in_specs=[
            pl.BlockSpec((BLK, D2a), lambda i: (i, 0)),
            pl.BlockSpec((BLK, D2a), lambda i: (i, 0)),
            pl.BlockSpec((BLK, D2h), lambda i: (i, 0)),
            pl.BlockSpec((BLK, D2h), lambda i: (i, 0)),
            pl.BlockSpec((D2a, H), lambda i: (0, 0)),
            pl.BlockSpec((D2a, H), lambda i: (0, 0)),
            pl.BlockSpec((D2h, H), lambda i: (0, 0)),
            pl.BlockSpec((D2h, H), lambda i: (0, 0)),
            pl.BlockSpec((1, H), lambda i: (0, 0)),
        ],
        out_specs=[
            pl.BlockSpec((BLK, H), lambda i: (i, 0)),
            pl.BlockSpec((1, H), lambda i: (0, 0)),
            pl.BlockSpec((1, H), lambda i: (0, 0)),
        ],
        out_shape=[
            jax.ShapeDtypeStruct((N, H), jnp.float32),
            jax.ShapeDtypeStruct((1, H), jnp.float32),
            jax.ShapeDtypeStruct((1, H), jnp.float32),
        ],
        scratch_shapes=[pltpu.VMEM((2, H), jnp.float32)],
    )(a0, a1, h0, h1, wrt, wrb, wot, wob, brel)


def _bn_relu_body(z, sums, sumsq, gamma, beta, h0, h1):
    mu = sums[...] * (1.0 / N)
    var = sumsq[...] * (1.0 / N) - mu * mu
    inv = gamma[...] * lax.rsqrt(var + 1e-5)
    hb = jnp.maximum((z[...] - mu) * inv + beta[...], 0.0)
    half = hb.shape[1] // 2
    h0[...] = hb[:, :half]
    h1[...] = hb[:, half:]


def _bn_relu(z, sums, sumsq, gamma, beta):
    return pl.pallas_call(
        _bn_relu_body,
        grid=(NBLK,),
        in_specs=[
            pl.BlockSpec((BLK, H), lambda i: (i, 0)),
            pl.BlockSpec((1, H), lambda i: (0, 0)),
            pl.BlockSpec((1, H), lambda i: (0, 0)),
            pl.BlockSpec((1, H), lambda i: (0, 0)),
            pl.BlockSpec((1, H), lambda i: (0, 0)),
        ],
        out_specs=[
            pl.BlockSpec((BLK, H // 2), lambda i: (i, 0)),
            pl.BlockSpec((BLK, H // 2), lambda i: (i, 0)),
        ],
        out_shape=[
            jax.ShapeDtypeStruct((N, H // 2), jnp.float32),
            jax.ShapeDtypeStruct((N, H // 2), jnp.float32),
        ],
    )(z, sums, sumsq, gamma, beta)


def _final_body(z, sums, sumsq, gamma, beta, batch3, fcw, fcb, out,
                pacc, cacc):
    i = pl.program_id(0)
    mu = sums[...] * (1.0 / N)
    var = sumsq[...] * (1.0 / N) - mu * mu
    inv = gamma[...] * lax.rsqrt(var + 1e-5)
    hb = jnp.maximum((z[...] - mu) * inv + beta[...], 0.0)

    b = batch3[0, 0, :]
    onehot = (b[:, None] == lax.broadcasted_iota(jnp.int32, (1, G), 1))
    onehot = onehot.astype(jnp.float32)

    @pl.when(i == 0)
    def _():
        pacc[...] = jnp.zeros_like(pacc)
        cacc[...] = jnp.zeros_like(cacc)

    pacc[...] += lax.dot_general(onehot, hb, (((0,), (0,)), ((), ())),
                                 preferred_element_type=jnp.float32)
    cacc[...] += jnp.sum(onehot, axis=0, keepdims=True)

    @pl.when(i == NBLK - 1)
    def _():
        val = lax.dot_general(fcw[...], pacc[...], (((1,), (1,)), ((), ())),
                              preferred_element_type=jnp.float32)
        val = val / jnp.maximum(cacc[...], 1.0) + fcb[0, 0]
        out[...] = 1.0 / (1.0 + jnp.exp(-val))


def _final(z, sums, sumsq, gamma, beta, batch3, fcw, fcb):
    return pl.pallas_call(
        _final_body,
        grid=(NBLK,),
        in_specs=[
            pl.BlockSpec((BLK, H), lambda i: (i, 0)),
            pl.BlockSpec((1, H), lambda i: (0, 0)),
            pl.BlockSpec((1, H), lambda i: (0, 0)),
            pl.BlockSpec((1, H), lambda i: (0, 0)),
            pl.BlockSpec((1, H), lambda i: (0, 0)),
            pl.BlockSpec((1, 1, BLK), lambda i: (i, 0, 0)),
            pl.BlockSpec((1, H), lambda i: (0, 0)),
            pl.BlockSpec(memory_space=pltpu.SMEM),
        ],
        out_specs=pl.BlockSpec((1, G), lambda i: (0, 0)),
        out_shape=jax.ShapeDtypeStruct((1, G), jnp.float32),
        scratch_shapes=[
            pltpu.VMEM((G, H), jnp.float32),
            pltpu.VMEM((1, G), jnp.float32),
        ],
    )(z, sums, sumsq, gamma, beta, batch3, fcw, fcb)



def kernel(x, edge_index, edge_attr, batch,
           Wrel0, brel0, Wroot0, gamma0, beta0,
           Wrel1, brel1, Wroot1, gamma1, beta1,
           Wrel2, brel2, Wroot2, gamma2, beta2,
           fcW, fcb):
    src = edge_index[0]
    dst = edge_index[1]
    pad = E_PAD - E
    zpad_i = jnp.zeros((pad,), jnp.int32)
    srcp = jnp.concatenate([src, zpad_i])
    dstp2 = jnp.concatenate([dst, zpad_i]).reshape(E_PAD // K, K)
    wp = jnp.concatenate([edge_attr, jnp.zeros((pad,), jnp.float32)])

    batch3 = batch.reshape(NBLK, 1, BLK)
    params = [(Wrel0, brel0, Wroot0, gamma0, beta0),
              (Wrel1, brel1, Wroot1, gamma1, beta1),
              (Wrel2, brel2, Wroot2, gamma2, beta2)]

    h0 = x[:, :64]
    h1 = x[:, 64:]
    z = sums = sumsq = None
    for l, (Wrel, brel, Wroot, gamma, beta) in enumerate(params):
        D2 = h0.shape[1]
        if l == 0:
            a0, a1 = _make_seg_sum(True)(x, srcp, dstp2, wp)
            wrt, wrb = Wrel, Wrel
        else:
            a0, a1 = _make_seg_sum(False)(h0, h1, srcp, dstp2, wp)
            wrt, wrb = Wrel[:D2], Wrel[D2:]
        a0 = a0[:N]
        a1 = a1[:N]
        z, sums, sumsq = _linear_stats(
            a0, a1, h0, h1,
            wrt, wrb, Wroot[:D2], Wroot[D2:],
            brel.reshape(1, H))
        if l < 2:
            h0, h1 = _bn_relu(z, sums, sumsq,
                              gamma.reshape(1, H), beta.reshape(1, H))

    out_row = _final(z, sums, sumsq,
                     gamma2.reshape(1, H), beta2.reshape(1, H),
                     batch3, fcW.reshape(1, H), fcb.reshape(1, 1))
    return jnp.reshape(out_row, (G, 1))

# --- scband reference (transcript-rebuilt; emitter-appended) ---
"""Pipeline reference for scband-graph-binary-classification-model-optuna-28509992910997 (READ-ONLY COPY).

The authoritative reference and input builder live on the scoring server;
editing this copy changes nothing except your own understanding.
"""

import jax, jax.numpy as jnp
import numpy as np

N = 10000
E = 320000
D_IN = 128
H = 256
G = 64

def setup_inputs(seed: int = 0) -> dict:
    key = jax.random.key(seed)
    ks = jax.random.split(key, 24)
    inp = {}
    inp["x"] = jax.random.normal(ks[0], (N, D_IN), dtype=jnp.float32)
    inp["edge_index"] = jax.random.randint(ks[1], (2, E), 0, N, dtype=jnp.int32)
    inp["edge_attr"] = jax.random.uniform(ks[2], (E,), dtype=jnp.float32)
    inp["batch"] = jnp.sort(jax.random.randint(ks[3], (N,), 0, G, dtype=jnp.int32))
    dims = [(D_IN, H), (H, H), (H, H)]
    for l, (di, do) in enumerate(dims):
        inp[f"Wrel{l}"] = jax.random.normal(ks[4 + 3 * l], (di, do), dtype=jnp.float32) / np.sqrt(di)
        inp[f"brel{l}"] = jnp.zeros((do,), dtype=jnp.float32)
        inp[f"Wroot{l}"] = jax.random.normal(ks[5 + 3 * l], (di, do), dtype=jnp.float32) / np.sqrt(di)
        inp[f"gamma{l}"] = jnp.ones((do,), dtype=jnp.float32)
        inp[f"beta{l}"] = jnp.zeros((do,), dtype=jnp.float32)
    inp["fcW"] = jax.random.normal(ks[20], (H, 1), dtype=jnp.float32) / np.sqrt(H)
    inp["fcb"] = jnp.zeros((1,), dtype=jnp.float32)
    return inp

def _graph_conv(x, src, dst, w, Wrel, brel, Wroot):
    # PyG GraphConv: out_i = lin_rel(sum_{j->i} e_ji * x_j) + lin_root(x_i)
    msg = x[src] * w[:, None]
    agg = jax.ops.segment_sum(msg, dst, num_segments=N)
    return agg @ Wrel + brel + x @ Wroot

def _bn(x, gamma, beta, eps=1e-5):
    mu = jnp.mean(x, axis=0)
    var = jnp.var(x, axis=0)
    return gamma * (x - mu) / jnp.sqrt(var + eps) + beta

def reference(x, edge_index, edge_attr, batch, Wrel0, brel0, Wroot0, gamma0, beta0, Wrel1, brel1, Wroot1, gamma1, beta1, Wrel2, brel2, Wroot2, gamma2, beta2, fcW, fcb):
    src = edge_index[0]
    dst = edge_index[1]
    params = [(Wrel0, brel0, Wroot0, gamma0, beta0),
              (Wrel1, brel1, Wroot1, gamma1, beta1),
              (Wrel2, brel2, Wroot2, gamma2, beta2)]
    h = x
    for (Wrel, brel, Wroot, gamma, beta) in params:
        h = _graph_conv(h, src, dst, edge_attr, Wrel, brel, Wroot)
        h = _bn(h, gamma, beta)
        h = jax.nn.relu(h)
        # dropout p=0.0 -> identity
    sums = jax.ops.segment_sum(h, batch, num_segments=G)
    counts = jax.ops.segment_sum(jnp.ones((N,), dtype=jnp.float32), batch, num_segments=G)
    pooled = sums / jnp.maximum(counts, 1.0)[:, None]
    out = pooled @ fcW + fcb
    return jax.nn.sigmoid(out)

if __name__ == "__main__":
    import jax
    _d = setup_inputs()
    print(jax.jit(kernel)(*tuple(_d.values())))

</pallas_src>

<mosaic_0001>
#map = affine_map<(d0, d1) -> (0, 0)>
#map1 = affine_map<(d0, d1) -> (0)>
module attributes {stable_mosaic.version = 14 : i64} {
  func.func @_seg_body_edge(%arg0: i32, %arg1: i32, %arg2: memref<10000x128xf32, #tpu.memory_space<hbm>>, %arg3: memref<327680xi32, #tpu.memory_space<hbm>>, %arg4: memref<2560x128xi32, #tpu.memory_space<hbm>>, %arg5: memref<327680xf32, #tpu.memory_space<hbm>>, %arg6: memref<10240x128xf32, #tpu.memory_space<hbm>>, %arg7: memref<10240x128xf32, #tpu.memory_space<hbm>>, %arg8: memref<2048xi32, #tpu.memory_space<vmem>>, %arg9: memref<16x128xi32, #tpu.memory_space<vmem>>, %arg10: memref<2048xf32, #tpu.memory_space<vmem>>, %arg11: memref<128x128xf32, #tpu.memory_space<vmem>>, %arg12: memref<128x128xf32, #tpu.memory_space<vmem>>, %arg13: memref<10240x128xf32, #tpu.memory_space<vmem_shared>>, %arg14: memref<!tpu.dma_semaphore, #tpu.memory_space<semaphore_mem>>, %arg15: memref<!tpu.dma_semaphore, #tpu.memory_space<semaphore_mem>>, %arg16: memref<!tpu.dma_semaphore, #tpu.memory_space<semaphore_mem>>, %arg17: memref<!tpu.dma_semaphore, #tpu.memory_space<semaphore_mem>>) attributes {dimension_semantics = [#tpu.dimension_semantics<core_parallel>, #tpu.dimension_semantics<subcore_parallel>], iteration_bounds = array<i64: 2, 16>, scalar_prefetch = 0 : i64, scratch_operands = 10 : i64, tpu.core_type = #tpu.core_type<sc_vector_subcore>, window_params = [{transform_indices = #map}, {transform_indices = #map1}, {transform_indices = #map}, {transform_indices = #map1}, {transform_indices = #map}, {transform_indices = #map}]} {
    %broadcast_in_dim3A = arith.constant 0.000000e+00 : f32
    %broadcast_in_dim3A_0 = vector.broadcast %broadcast_in_dim3A : f32 to vector<16xf32>
    %scan3A = arith.constant 0 : i32
    %scan3A_1 = arith.constant 0 : i32
    %scan3A_2 = arith.constant 1024 : i32
    %scan3A_3 = arith.addi %scan3A_1, %scan3A_2 : i32
    %scan3A_4 = arith.constant 1 : i32
    %scan3A_5 = scf.for %scan3A_45 = %scan3A_1 to %scan3A_3 step %scan3A_4 iter_args(%scan3A_46 = %scan3A) -> (i32)  : i32 {
      %jit3A = arith.constant 8 : i32
      %div3A = arith.divsi %scan3A_45, %jit3A : i32
      %sign3A = arith.constant 0 : i32
      %sign3A_47 = arith.cmpi sgt, %scan3A_45, %sign3A : i32
      %sign3A_48 = arith.extui %sign3A_47 : i1 to i32
      %sign3A_49 = arith.constant 0 : i32
      %sign3A_50 = arith.cmpi slt, %scan3A_45, %sign3A_49 : i32
      %sign3A_51 = arith.extui %sign3A_50 : i1 to i32
      %sign3A_52 = arith.subi %sign3A_48, %sign3A_51 : i32
      %sign3A_53 = arith.constant 0 : i32
      %sign3A_54 = arith.cmpi sgt, %jit3A, %sign3A_53 : i32
      %sign3A_55 = arith.extui %sign3A_54 : i1 to i32
      %sign3A_56 = arith.constant 0 : i32
      %sign3A_57 = arith.cmpi slt, %jit3A, %sign3A_56 : i32
      %sign3A_58 = arith.extui %sign3A_57 : i1 to i32
      %sign3A_59 = arith.subi %sign3A_55, %sign3A_58 : i32
      %ne3A = arith.cmpi ne, %sign3A_52, %sign3A_59 : i32
      %rem3A = arith.remsi %scan3A_45, %jit3A : i32
      %ne3A_60 = arith.constant 0 : i32
      %ne3A_61 = arith.cmpi ne, %rem3A, %ne3A_60 : i32
      %and3A = arith.andi %ne3A, %ne3A_61 : i1
      %sub3A = arith.constant 1 : i32
      %sub3A_62 = arith.subi %div3A, %sub3A : i32
      %select_n3A = arith.select %and3A, %sub3A_62, %div3A : i32
      %jit3A_63 = arith.constant 8 : i32
      %eq3A_64 = arith.constant 0 : i32
      %eq3A_65 = arith.cmpi eq, %jit3A_63, %eq3A_64 : i32
      %jit3A_66 = arith.constant 1 : i32
      %select_n3A_67 = arith.select %eq3A_65, %jit3A_66, %jit3A_63 : i32
      %rem3A_68 = arith.remsi %scan3A_45, %select_n3A_67 : i32
      %ne3A_69 = arith.constant 0 : i32
      %ne3A_70 = arith.cmpi ne, %rem3A_68, %ne3A_69 : i32
      %lt3A = arith.constant 0 : i32
      %lt3A_71 = arith.cmpi slt, %rem3A_68, %lt3A : i32
      %lt3A_72 = arith.constant 0 : i32
      %lt3A_73 = arith.cmpi slt, %select_n3A_67, %lt3A_72 : i32
      %ne3A_74 = arith.xori %lt3A_71, %lt3A_73 : i1
      %and3A_75 = arith.andi %ne3A_74, %ne3A_70 : i1
      %add3A_76 = arith.addi %rem3A_68, %select_n3A_67 : i32
      %select_n3A_77 = arith.select %and3A_75, %add3A_76, %rem3A_68 : i32
      %mul3A_78 = arith.constant 16 : i32
      %mul3A_79 = arith.muli %select_n3A_77, %mul3A_78 : i32
      %swap3A = arith.index_cast %select_n3A : i32 to index
      %swap3A_80 = arith.index_cast %mul3A_79 : i32 to index
      %swap3A_81 = tpu.vector_load %arg11[%swap3A, %swap3A_80] {strides = array<i32>} : memref<128x128xf32, #tpu.memory_space<vmem>>, vector<1x16xf32>,
      %swap3A_82 = vector.shape_cast %swap3A_81 : vector<1x16xf32> to vector<16xf32>
      %swap3A_83 = vector.shape_cast %broadcast_in_dim3A_0 : vector<16xf32> to vector<1x16xf32>
      tpu.vector_store %arg11[%swap3A, %swap3A_80], %swap3A_83 {strides = array<i32>} : memref<128x128xf32, #tpu.memory_space<vmem>>, vector<1x16xf32>,
      %scan3A_84 = arith.constant 0 : i32
      scf.yield %scan3A_84 : i32
    }
    %scan3A_6 = arith.constant 1024 : i32
    %mul3A = arith.constant 640 : i32
    %mul3A_7 = arith.muli %arg1, %mul3A : i32
    %add3A = arith.constant 0 : i32
    %add3A_8 = arith.addi %mul3A_7, %add3A : i32
    "tpu.region"() ({
      %run_scoped3A = tpu.sem_alloc : memref<!tpu.dma_semaphore, #tpu.memory_space<semaphore_mem>>
      %dma_start3A = arith.constant 0 : i32
      %dma_start3A_45 = tpu.memref_slice %arg13[%add3A_8, %dma_start3A] : memref<10240x128xf32, #tpu.memory_space<vmem_shared>> -> memref<128x128xf32, #tpu.memory_space<vmem_shared>>
      %dma_start3A_46 = arith.constant 0 : i32
      %dma_start3A_47 = tpu.memref_slice %arg13[%add3A_8, %dma_start3A_46] : memref<10240x128xf32, #tpu.memory_space<vmem_shared>> -> memref<128x128xf32, #tpu.memory_space<vmem_shared>>
      tpu.enqueue_dma source(%arg11 : memref<128x128xf32, #tpu.memory_space<vmem>>) target(%dma_start3A_47 : memref<128x128xf32, #tpu.memory_space<vmem_shared>>) target_semaphore(%run_scoped3A : memref<!tpu.dma_semaphore, #tpu.memory_space<semaphore_mem>>)
      %dma_wait3A = arith.constant 0 : i32
      %dma_wait3A_48 = tpu.memref_slice %arg13[%add3A_8, %dma_wait3A] : memref<10240x128xf32, #tpu.memory_space<vmem_shared>> -> memref<128x128xf32, #tpu.memory_space<vmem_shared>>
      %dma_wait3A_49 = arith.constant 0 : i32
      %dma_wait3A_50 = tpu.memref_slice %arg13[%add3A_8, %dma_wait3A_49] : memref<10240x128xf32, #tpu.memory_space<vmem_shared>> -> memref<128x128xf32, #tpu.memory_space<vmem_shared>>
      tpu.wait_dma2 semaphore(%run_scoped3A : memref<!tpu.dma_semaphore, #tpu.memory_space<semaphore_mem>>) src(%arg11 : memref<128x128xf32, #tpu.memory_space<vmem>>) dst(%dma_wait3A_50 : memref<128x128xf32, #tpu.memory_space<vmem_shared>>)
      tpu.yield
    }) : () -> ()
    %mul3A_9 = arith.constant 640 : i32
    %mul3A_10 = arith.muli %arg1, %mul3A_9 : i32
    %add3A_11 = arith.constant 128 : i32
    %add3A_12 = arith.addi %mul3A_10, %add3A_11 : i32
    "tpu.region"() ({
      %run_scoped3A = tpu.sem_alloc : memref<!tpu.dma_semaphore, #tpu.memory_space<semaphore_mem>>
      %dma_start3A = arith.constant 0 : i32
      %dma_start3A_45 = tpu.memref_slice %arg13[%add3A_12, %dma_start3A] : memref<10240x128xf32, #tpu.memory_space<vmem_shared>> -> memref<128x128xf32, #tpu.memory_space<vmem_shared>>
      %dma_start3A_46 = arith.constant 0 : i32
      %dma_start3A_47 = tpu.memref_slice %arg13[%add3A_12, %dma_start3A_46] : memref<10240x128xf32, #tpu.memory_space<vmem_shared>> -> memref<128x128xf32, #tpu.memory_space<vmem_shared>>
      tpu.enqueue_dma source(%arg11 : memref<128x128xf32, #tpu.memory_space<vmem>>) target(%dma_start3A_47 : memref<128x128xf32, #tpu.memory_space<vmem_shared>>) target_semaphore(%run_scoped3A : memref<!tpu.dma_semaphore, #tpu.memory_space<semaphore_mem>>)
      %dma_wait3A = arith.constant 0 : i32
      %dma_wait3A_48 = tpu.memref_slice %arg13[%add3A_12, %dma_wait3A] : memref<10240x128xf32, #tpu.memory_space<vmem_shared>> -> memref<128x128xf32, #tpu.memory_space<vmem_shared>>
      %dma_wait3A_49 = arith.constant 0 : i32
      %dma_wait3A_50 = tpu.memref_slice %arg13[%add3A_12, %dma_wait3A_49] : memref<10240x128xf32, #tpu.memory_space<vmem_shared>> -> memref<128x128xf32, #tpu.memory_space<vmem_shared>>
      tpu.wait_dma2 semaphore(%run_scoped3A : memref<!tpu.dma_semaphore, #tpu.memory_space<semaphore_mem>>) src(%arg11 : memref<128x128xf32, #tpu.memory_space<vmem>>) dst(%dma_wait3A_50 : memref<128x128xf32, #tpu.memory_space<vmem_shared>>)
      tpu.yield
    }) : () -> ()
    %mul3A_13 = arith.constant 640 : i32
    %mul3A_14 = arith.muli %arg1, %mul3A_13 : i32
    %add3A_15 = arith.constant 256 : i32
    %add3A_16 = arith.addi %mul3A_14, %add3A_15 : i32
    "tpu.region"() ({
      %run_scoped3A = tpu.sem_alloc : memref<!tpu.dma_semaphore, #tpu.memory_space<semaphore_mem>>
      %dma_start3A = arith.constant 0 : i32
      %dma_start3A_45 = tpu.memref_slice %arg13[%add3A_16, %dma_start3A] : memref<10240x128xf32, #tpu.memory_space<vmem_shared>> -> memref<128x128xf32, #tpu.memory_space<vmem_shared>>
      %dma_start3A_46 = arith.constant 0 : i32
      %dma_start3A_47 = tpu.memref_slice %arg13[%add3A_16, %dma_start3A_46] : memref<10240x128xf32, #tpu.memory_space<vmem_shared>> -> memref<128x128xf32, #tpu.memory_space<vmem_shared>>
      tpu.enqueue_dma source(%arg11 : memref<128x128xf32, #tpu.memory_space<vmem>>) target(%dma_start3A_47 : memref<128x128xf32, #tpu.memory_space<vmem_shared>>) target_semaphore(%run_scoped3A : memref<!tpu.dma_semaphore, #tpu.memory_space<semaphore_mem>>)
      %dma_wait3A = arith.constant 0 : i32
      %dma_wait3A_48 = tpu.memref_slice %arg13[%add3A_16, %dma_wait3A] : memref<10240x128xf32, #tpu.memory_space<vmem_shared>> -> memref<128x128xf32, #tpu.memory_space<vmem_shared>>
      %dma_wait3A_49 = arith.constant 0 : i32
      %dma_wait3A_50 = tpu.memref_slice %arg13[%add3A_16, %dma_wait3A_49] : memref<10240x128xf32, #tpu.memory_space<vmem_shared>> -> memref<128x128xf32, #tpu.memory_space<vmem_shared>>
      tpu.wait_dma2 semaphore(%run_scoped3A : memref<!tpu.dma_semaphore, #tpu.memory_space<semaphore_mem>>) src(%arg11 : memref<128x128xf32, #tpu.memory_space<vmem>>) dst(%dma_wait3A_50 : memref<128x128xf32, #tpu.memory_space<vmem_shared>>)
      tpu.yield
    }) : () -> ()
    %mul3A_17 = arith.constant 640 : i32
    %mul3A_18 = arith.muli %arg1, %mul3A_17 : i32
    %add3A_19 = arith.constant 384 : i32
    %add3A_20 = arith.addi %mul3A_18, %add3A_19 : i32
    "tpu.region"() ({
      %run_scoped3A = tpu.sem_alloc : memref<!tpu.dma_semaphore, #tpu.memory_space<semaphore_mem>>
      %dma_start3A = arith.constant 0 : i32
      %dma_start3A_45 = tpu.memref_slice %arg13[%add3A_20, %dma_start3A] : memref<10240x128xf32, #tpu.memory_space<vmem_shared>> -> memref<128x128xf32, #tpu.memory_space<vmem_shared>>
      %dma_start3A_46 = arith.constant 0 : i32
      %dma_start3A_47 = tpu.memref_slice %arg13[%add3A_20, %dma_start3A_46] : memref<10240x128xf32, #tpu.memory_space<vmem_shared>> -> memref<128x128xf32, #tpu.memory_space<vmem_shared>>
      tpu.enqueue_dma source(%arg11 : memref<128x128xf32, #tpu.memory_space<vmem>>) target(%dma_start3A_47 : memref<128x128xf32, #tpu.memory_space<vmem_shared>>) target_semaphore(%run_scoped3A : memref<!tpu.dma_semaphore, #tpu.memory_space<semaphore_mem>>)
      %dma_wait3A = arith.constant 0 : i32
      %dma_wait3A_48 = tpu.memref_slice %arg13[%add3A_20, %dma_wait3A] : memref<10240x128xf32, #tpu.memory_space<vmem_shared>> -> memref<128x128xf32, #tpu.memory_space<vmem_shared>>
      %dma_wait3A_49 = arith.constant 0 : i32
      %dma_wait3A_50 = tpu.memref_slice %arg13[%add3A_20, %dma_wait3A_49] : memref<10240x128xf32, #tpu.memory_space<vmem_shared>> -> memref<128x128xf32, #tpu.memory_space<vmem_shared>>
      tpu.wait_dma2 semaphore(%run_scoped3A : memref<!tpu.dma_semaphore, #tpu.memory_space<semaphore_mem>>) src(%arg11 : memref<128x128xf32, #tpu.memory_space<vmem>>) dst(%dma_wait3A_50 : memref<128x128xf32, #tpu.memory_space<vmem_shared>>)
      tpu.yield
    }) : () -> ()
    %mul3A_21 = arith.constant 640 : i32
    %mul3A_22 = arith.muli %arg1, %mul3A_21 : i32
    %add3A_23 = arith.constant 512 : i32
    %add3A_24 = arith.addi %mul3A_22, %add3A_23 : i32
    "tpu.region"() ({
      %run_scoped3A = tpu.sem_alloc : memref<!tpu.dma_semaphore, #tpu.memory_space<semaphore_mem>>
      %dma_start3A = arith.constant 0 : i32
      %dma_start3A_45 = tpu.memref_slice %arg13[%add3A_24, %dma_start3A] : memref<10240x128xf32, #tpu.memory_space<vmem_shared>> -> memref<128x128xf32, #tpu.memory_space<vmem_shared>>
      %dma_start3A_46 = arith.constant 0 : i32
      %dma_start3A_47 = tpu.memref_slice %arg13[%add3A_24, %dma_start3A_46] : memref<10240x128xf32, #tpu.memory_space<vmem_shared>> -> memref<128x128xf32, #tpu.memory_space<vmem_shared>>
      tpu.enqueue_dma source(%arg11 : memref<128x128xf32, #tpu.memory_space<vmem>>) target(%dma_start3A_47 : memref<128x128xf32, #tpu.memory_space<vmem_shared>>) target_semaphore(%run_scoped3A : memref<!tpu.dma_semaphore, #tpu.memory_space<semaphore_mem>>)
      %dma_wait3A = arith.constant 0 : i32
      %dma_wait3A_48 = tpu.memref_slice %arg13[%add3A_24, %dma_wait3A] : memref<10240x128xf32, #tpu.memory_space<vmem_shared>> -> memref<128x128xf32, #tpu.memory_space<vmem_shared>>
      %dma_wait3A_49 = arith.constant 0 : i32
      %dma_wait3A_50 = tpu.memref_slice %arg13[%add3A_24, %dma_wait3A_49] : memref<10240x128xf32, #tpu.memory_space<vmem_shared>> -> memref<128x128xf32, #tpu.memory_space<vmem_shared>>
      tpu.wait_dma2 semaphore(%run_scoped3A : memref<!tpu.dma_semaphore, #tpu.memory_space<semaphore_mem>>) src(%arg11 : memref<128x128xf32, #tpu.memory_space<vmem>>) dst(%dma_wait3A_50 : memref<128x128xf32, #tpu.memory_space<vmem_shared>>)
      tpu.yield
    }) : () -> ()
    %barrier3A = arith.constant 0 : index
    tpu.barrier barrier_id(%barrier3A)
    %mul3A_25 = arith.constant 16 : i32
    %mul3A_26 = arith.muli %arg0, %mul3A_25 : i32
    %add3A_27 = arith.addi %mul3A_26, %arg1 : i32
    %mul3A_28 = arith.constant 10240 : i32
    %mul3A_29 = arith.muli %add3A_27, %mul3A_28 : i32
    %scan3A_30 = arith.constant 0 : i32
    %scan3A_31 = arith.constant 0 : i32
    %scan3A_32 = arith.constant 5 : i32
    %scan3A_33 = arith.addi %scan3A_31, %scan3A_32 : i32
    %scan3A_34 = arith.constant 1 : i32
    %scan3A_35 = scf.for %scan3A_45 = %scan3A_31 to %scan3A_33 step %scan3A_34 iter_args(%scan3A_46 = %scan3A_30) -> (i32)  : i32 {
      %gt3A = arith.constant 0 : i32
      %gt3A_47 = arith.cmpi sgt, %scan3A_45, %gt3A : i32
      %convert_element_type3A_48 = arith.extui %gt3A_47 : i1 to i32
      %cond3A_49 = arith.constant 0 : i32
      %cond3A_50 = arith.cmpi ne, %convert_element_type3A_48, %cond3A_49 : i32
      scf.if %cond3A_50 {
      } else {
      }
      %mul3A_51 = arith.constant 2048 : i32
      %mul3A_52 = arith.muli %scan3A_45, %mul3A_51 : i32
      %add3A_53 = arith.addi %mul3A_29, %mul3A_52 : i32
      "tpu.region"() ({
        %run_scoped3A = tpu.sem_alloc : memref<!tpu.dma_semaphore, #tpu.memory_space<semaphore_mem>>
        %dma_start3A_82 = tpu.memref_slice %arg3[%add3A_53] : memref<327680xi32, #tpu.memory_space<hbm>> -> memref<2048xi32, #tpu.memory_space<hbm>>
        %dma_start3A_83 = tpu.memref_slice %arg3[%add3A_53] : memref<327680xi32, #tpu.memory_space<hbm>> -> memref<2048xi32, #tpu.memory_space<hbm>>
        tpu.enqueue_dma source(%dma_start3A_83 : memref<2048xi32, #tpu.memory_space<hbm>>) target(%arg8 : memref<2048xi32, #tpu.memory_space<vmem>>) target_semaphore(%run_scoped3A : memref<!tpu.dma_semaphore, #tpu.memory_space<semaphore_mem>>)
        %dma_wait3A = tpu.memref_slice %arg3[%add3A_53] : memref<327680xi32, #tpu.memory_space<hbm>> -> memref<2048xi32, #tpu.memory_space<hbm>>
        %dma_wait3A_84 = tpu.memref_slice %arg3[%add3A_53] : memref<327680xi32, #tpu.memory_space<hbm>> -> memref<2048xi32, #tpu.memory_space<hbm>>
        tpu.wait_dma2 semaphore(%run_scoped3A : memref<!tpu.dma_semaphore, #tpu.memory_space<semaphore_mem>>) src(%dma_wait3A_84 : memref<2048xi32, #tpu.memory_space<hbm>>) dst(%arg8 : memref<2048xi32, #tpu.memory_space<vmem>>)
        tpu.yield
      }) : () -> ()
      %jit3A = arith.constant 128 : i32
      %div3A = arith.divsi %add3A_53, %jit3A : i32
      %sign3A = arith.constant 0 : i32
      %sign3A_54 = arith.cmpi sgt, %add3A_53, %sign3A : i32
      %sign3A_55 = arith.extui %sign3A_54 : i1 to i32
      %sign3A_56 = arith.constant 0 : i32
      %sign3A_57 = arith.cmpi slt, %add3A_53, %sign3A_56 : i32
      %sign3A_58 = arith.extui %sign3A_57 : i1 to i32
      %sign3A_59 = arith.subi %sign3A_55, %sign3A_58 : i32
      %sign3A_60 = arith.constant 0 : i32
      %sign3A_61 = arith.cmpi sgt, %jit3A, %sign3A_60 : i32
      %sign3A_62 = arith.extui %sign3A_61 : i1 to i32
      %sign3A_63 = arith.constant 0 : i32
      %sign3A_64 = arith.cmpi slt, %jit3A, %sign3A_63 : i32
      %sign3A_65 = arith.extui %sign3A_64 : i1 to i32
      %sign3A_66 = arith.subi %sign3A_62, %sign3A_65 : i32
      %ne3A = arith.cmpi ne, %sign3A_59, %sign3A_66 : i32
      %rem3A = arith.remsi %add3A_53, %jit3A : i32
      %ne3A_67 = arith.constant 0 : i32
      %ne3A_68 = arith.cmpi ne, %rem3A, %ne3A_67 : i32
      %and3A = arith.andi %ne3A, %ne3A_68 : i1
      %sub3A = arith.constant 1 : i32
      %sub3A_69 = arith.subi %div3A, %sub3A : i32
      %select_n3A = arith.select %and3A, %sub3A_69, %div3A : i32
      %multiple_of3A = tpu.assume_multiple %select_n3A, 8 : i32
      "tpu.region"() ({
        %run_scoped3A = tpu.sem_alloc : memref<!tpu.dma_semaphore, #tpu.memory_space<semaphore_mem>>
        %dma_start3A_82 = arith.constant 0 : i32
        %dma_start3A_83 = tpu.memref_slice %arg4[%multiple_of3A, %dma_start3A_82] : memref<2560x128xi32, #tpu.memory_space<hbm>> -> memref<16x128xi32, #tpu.memory_space<hbm>>
        %dma_start3A_84 = arith.constant 0 : i32
        %dma_start3A_85 = tpu.memref_slice %arg4[%multiple_of3A, %dma_start3A_84] : memref<2560x128xi32, #tpu.memory_space<hbm>> -> memref<16x128xi32, #tpu.memory_space<hbm>>
        tpu.enqueue_dma source(%dma_start3A_85 : memref<16x128xi32, #tpu.memory_space<hbm>>) target(%arg9 : memref<16x128xi32, #tpu.memory_space<vmem>>) target_semaphore(%run_scoped3A : memref<!tpu.dma_semaphore, #tpu.memory_space<semaphore_mem>>)
        %dma_wait3A = arith.constant 0 : i32
        %dma_wait3A_86 = tpu.memref_slice %arg4[%multiple_of3A, %dma_wait3A] : memref<2560x128xi32, #tpu.memory_space<hbm>> -> memref<16x128xi32, #tpu.memory_space<hbm>>
        %dma_wait3A_87 = arith.constant 0 : i32
        %dma_wait3A_88 = tpu.memref_slice %arg4[%multiple_of3A, %dma_wait3A_87] : memref<2560x128xi32, #tpu.memory_space<hbm>> -> memref<16x128xi32, #tpu.memory_space<hbm>>
        tpu.wait_dma2 semaphore(%run_scoped3A : memref<!tpu.dma_semaphore, #tpu.memory_space<semaphore_mem>>) src(%dma_wait3A_88 : memref<16x128xi32, #tpu.memory_space<hbm>>) dst(%arg9 : memref<16x128xi32, #tpu.memory_space<vmem>>)
        tpu.yield
      }) : () -> ()
      "tpu.region"() ({
        %run_scoped3A = tpu.sem_alloc : memref<!tpu.dma_semaphore, #tpu.memory_space<semaphore_mem>>
        %dma_start3A_82 = tpu.memref_slice %arg5[%add3A_53] : memref<327680xf32, #tpu.memory_space<hbm>> -> memref<2048xf32, #tpu.memory_space<hbm>>
        %dma_start3A_83 = tpu.memref_slice %arg5[%add3A_53] : memref<327680xf32, #tpu.memory_space<hbm>> -> memref<2048xf32, #tpu.memory_space<hbm>>
        tpu.enqueue_dma source(%dma_start3A_83 : memref<2048xf32, #tpu.memory_space<hbm>>) target(%arg10 : memref<2048xf32, #tpu.memory_space<vmem>>) target_semaphore(%run_scoped3A : memref<!tpu.dma_semaphore, #tpu.memory_space<semaphore_mem>>)
        %dma_wait3A = tpu.memref_slice %arg5[%add3A_53] : memref<327680xf32, #tpu.memory_space<hbm>> -> memref<2048xf32, #tpu.memory_space<hbm>>
        %dma_wait3A_84 = tpu.memref_slice %arg5[%add3A_53] : memref<327680xf32, #tpu.memory_space<hbm>> -> memref<2048xf32, #tpu.memory_space<hbm>>
        tpu.wait_dma2 semaphore(%run_scoped3A : memref<!tpu.dma_semaphore, #tpu.memory_space<semaphore_mem>>) src(%dma_wait3A_84 : memref<2048xf32, #tpu.memory_space<hbm>>) dst(%arg10 : memref<2048xf32, #tpu.memory_space<vmem>>)
        tpu.yield
      }) : () -> ()
      %dma_start3A = arith.constant 0 : i32
      %dma_start3A_70 = tpu.memref_slice %arg8[%dma_start3A] : memref<2048xi32, #tpu.memory_space<vmem>> -> memref<128xi32, #tpu.memory_space<vmem>>
      %dma_start3A_71 = arith.constant 0 : i32
      %dma_start3A_72 = arith.constant 0 : i32
      %dma_start3A_73 = tpu.memref_slice %arg2[%dma_start3A_71, %dma_start3A_72] : memref<10000x128xf32, #tpu.memory_space<hbm>> -> memref<10000x128xf32, #tpu.memory_space<hbm>>
      tpu.enqueue_indirect_dma source(%dma_start3A_73 : memref<10000x128xf32, #tpu.memory_space<hbm>>) target(%arg11 : memref<128x128xf32, #tpu.memory_space<vmem>>) offsets(%dma_start3A_70 : memref<128xi32, #tpu.memory_space<vmem>>) semaphore(%arg14 : memref<!tpu.dma_semaphore, #tpu.memory_space<semaphore_mem>>)
      %scan3A_74 = arith.constant 0 : i32
      %scan3A_75 = arith.constant 0 : i32
      %scan3A_76 = arith.constant 8 : i32
      %scan3A_77 = arith.addi %scan3A_75, %scan3A_76 : i32
      %scan3A_78 = arith.constant 1 : i32
      %scan3A_79 = scf.for %scan3A_82 = %scan3A_75 to %scan3A_77 step %scan3A_78 iter_args(%scan3A_83 = %scan3A_74) -> (i32)  : i32 {
        %mul3A_84 = arith.constant 2 : i32
        %mul3A_85 = arith.muli %mul3A_84, %scan3A_82 : i32
        %add3A_86 = arith.constant 0 : i32
        %add3A_87 = arith.addi %mul3A_85, %add3A_86 : i32
        %mul3A_88 = arith.constant 128 : i32
        %mul3A_89 = arith.muli %add3A_87, %mul3A_88 : i32
        %dma_wait3A = tpu.memref_slice %arg8[%mul3A_89] : memref<2048xi32, #tpu.memory_space<vmem>> -> memref<128xi32, #tpu.memory_space<vmem>>
        %dma_wait3A_90 = arith.constant 0 : i32
        %dma_wait3A_91 = arith.constant 0 : i32
        %dma_wait3A_92 = tpu.memref_slice %arg2[%dma_wait3A_90, %dma_wait3A_91] : memref<10000x128xf32, #tpu.memory_space<hbm>> -> memref<10000x128xf32, #tpu.memory_space<hbm>>
        tpu.wait_indirect_dma semaphore(%arg14 : memref<!tpu.dma_semaphore, #tpu.memory_space<semaphore_mem>>) src(%dma_wait3A_92 : memref<10000x128xf32, #tpu.memory_space<hbm>>) dst(%arg11 : memref<128x128xf32, #tpu.memory_space<vmem>>)
        %eq3A_93 = arith.constant 0 : i32
        %eq3A_94 = arith.cmpi eq, %scan3A_82, %eq3A_93 : i32
        %convert_element_type3A_95 = arith.extui %eq3A_94 : i1 to i32
        %cond3A_96 = arith.constant 0 : i32
        %cond3A_97 = arith.cmpi ne, %convert_element_type3A_95, %cond3A_96 : i32
        scf.if %cond3A_97 {
          %add3A_118 = arith.constant 1 : i32
          %add3A_119 = arith.addi %add3A_87, %add3A_118 : i32
          %mul3A_120 = arith.constant 128 : i32
          %mul3A_121 = arith.muli %add3A_119, %mul3A_120 : i32
          %dma_start3A_122 = tpu.memref_slice %arg8[%mul3A_121] : memref<2048xi32, #tpu.memory_space<vmem>> -> memref<128xi32, #tpu.memory_space<vmem>>
          %dma_start3A_123 = arith.constant 0 : i32
          %dma_start3A_124 = arith.constant 0 : i32
          %dma_start3A_125 = tpu.memref_slice %arg2[%dma_start3A_123, %dma_start3A_124] : memref<10000x128xf32, #tpu.memory_space<hbm>> -> memref<10000x128xf32, #tpu.memory_space<hbm>>
          tpu.enqueue_indirect_dma source(%dma_start3A_125 : memref<10000x128xf32, #tpu.memory_space<hbm>>) target(%arg12 : memref<128x128xf32, #tpu.memory_space<vmem>>) offsets(%dma_start3A_122 : memref<128xi32, #tpu.memory_space<vmem>>) semaphore(%arg15 : memref<!tpu.dma_semaphore, #tpu.memory_space<semaphore_mem>>)
        } else {
        }
        %gt3A_98 = arith.constant 0 : i32
        %gt3A_99 = arith.cmpi sgt, %scan3A_82, %gt3A_98 : i32
        %convert_element_type3A_100 = arith.extui %gt3A_99 : i1 to i32
        %cond3A_101 = arith.constant 0 : i32
        %cond3A_102 = arith.cmpi ne, %convert_element_type3A_100, %cond3A_101 : i32
        scf.if %cond3A_102 {
          %add3A_118 = arith.constant 1 : i32
          %add3A_119 = arith.addi %add3A_87, %add3A_118 : i32
          %mul3A_120 = arith.constant 128 : i32
          %mul3A_121 = arith.muli %add3A_119, %mul3A_120 : i32
          %dma_start3A_122 = tpu.memref_slice %arg8[%mul3A_121] : memref<2048xi32, #tpu.memory_space<vmem>> -> memref<128xi32, #tpu.memory_space<vmem>>
          %dma_start3A_123 = arith.constant 0 : i32
          %dma_start3A_124 = arith.constant 0 : i32
          %dma_start3A_125 = tpu.memref_slice %arg2[%dma_start3A_123, %dma_start3A_124] : memref<10000x128xf32, #tpu.memory_space<hbm>> -> memref<10000x128xf32, #tpu.memory_space<hbm>>
          tpu.enqueue_indirect_dma source(%dma_start3A_125 : memref<10000x128xf32, #tpu.memory_space<hbm>>) target(%arg12 : memref<128x128xf32, #tpu.memory_space<vmem>>) offsets(%dma_start3A_122 : memref<128xi32, #tpu.memory_space<vmem>>) semaphore(%arg15 : memref<!tpu.dma_semaphore, #tpu.memory_space<semaphore_mem>>)
        } else {
        }
        %mul3A_103 = arith.constant 2 : i32
        %mul3A_104 = arith.muli %mul3A_103, %scan3A_82 : i32
        %add3A_105 = arith.constant 1 : i32
        %add3A_106 = arith.addi %mul3A_104, %add3A_105 : i32
        %mul3A_107 = arith.constant 128 : i32
        %mul3A_108 = arith.muli %add3A_106, %mul3A_107 : i32
        %dma_wait3A_109 = tpu.memref_slice %arg8[%mul3A_108] : memref<2048xi32, #tpu.memory_space<vmem>> -> memref<128xi32, #tpu.memory_space<vmem>>
        %dma_wait3A_110 = arith.constant 0 : i32
        %dma_wait3A_111 = arith.constant 0 : i32
        %dma_wait3A_112 = tpu.memref_slice %arg2[%dma_wait3A_110, %dma_wait3A_111] : memref<10000x128xf32, #tpu.memory_space<hbm>> -> memref<10000x128xf32, #tpu.memory_space<hbm>>
        tpu.wait_indirect_dma semaphore(%arg15 : memref<!tpu.dma_semaphore, #tpu.memory_space<semaphore_mem>>) src(%dma_wait3A_112 : memref<10000x128xf32, #tpu.memory_space<hbm>>) dst(%arg12 : memref<128x128xf32, #tpu.memory_space<vmem>>)
        %lt3A = arith.constant 7 : i32
        %lt3A_113 = arith.cmpi slt, %scan3A_82, %lt3A : i32
        %convert_element_type3A_114 = arith.extui %lt3A_113 : i1 to i32
        %cond3A_115 = arith.constant 0 : i32
        %cond3A_116 = arith.cmpi ne, %convert_element_type3A_114, %cond3A_115 : i32
        scf.if %cond3A_116 {
          %add3A_118 = arith.constant 1 : i32
          %add3A_119 = arith.addi %add3A_106, %add3A_118 : i32
          %mul3A_120 = arith.constant 128 : i32
          %mul3A_121 = arith.muli %add3A_119, %mul3A_120 : i32
          %dma_start3A_122 = tpu.memref_slice %arg8[%mul3A_121] : memref<2048xi32, #tpu.memory_space<vmem>> -> memref<128xi32, #tpu.memory_space<vmem>>
          %dma_start3A_123 = arith.constant 0 : i32
          %dma_start3A_124 = arith.constant 0 : i32
          %dma_start3A_125 = tpu.memref_slice %arg2[%dma_start3A_123, %dma_start3A_124] : memref<10000x128xf32, #tpu.memory_space<hbm>> -> memref<10000x128xf32, #tpu.memory_space<hbm>>
          tpu.enqueue_indirect_dma source(%dma_start3A_125 : memref<10000x128xf32, #tpu.memory_space<hbm>>) target(%arg11 : memref<128x128xf32, #tpu.memory_space<vmem>>) offsets(%dma_start3A_122 : memref<128xi32, #tpu.memory_space<vmem>>) semaphore(%arg14 : memref<!tpu.dma_semaphore, #tpu.memory_space<semaphore_mem>>)
        } else {
        }
        %scan3A_117 = arith.constant 0 : i32
        scf.yield %scan3A_117 : i32
      }
      %scan3A_80 = arith.constant 8 : i32
      %scan3A_81 = arith.constant 0 : i32
      scf.yield %scan3A_81 : i32
    }
    %scan3A_36 = arith.constant 5 : i32
    %barrier3A_37 = arith.constant 0 : index
    tpu.barrier barrier_id(%barrier3A_37)
    %eq3A = arith.constant 0 : i32
    %eq3A_38 = arith.cmpi eq, %arg0, %eq3A : i32
    %convert_element_type3A = arith.extui %eq3A_38 : i1 to i32
    %cond3A = arith.constant 0 : i32
    %cond3A_39 = arith.cmpi ne, %convert_element_type3A, %cond3A : i32
    scf.if %cond3A_39 {
      %mul3A_45 = arith.constant 640 : i32
      %mul3A_46 = arith.muli %arg1, %mul3A_45 : i32
      %mul3A_47 = arith.constant 640 : i32
      %mul3A_48 = arith.muli %arg1, %mul3A_47 : i32
      "tpu.region"() ({
        %run_scoped3A = tpu.sem_alloc : memref<!tpu.dma_semaphore, #tpu.memory_space<semaphore_mem>>
        %dma_start3A = arith.constant 0 : i32
        %dma_start3A_49 = tpu.memref_slice %arg6[%mul3A_48, %dma_start3A] : memref<10240x128xf32, #tpu.memory_space<hbm>> -> memref<640x128xf32, #tpu.memory_space<hbm>>
        %dma_start3A_50 = arith.constant 0 : i32
        %dma_start3A_51 = tpu.memref_slice %arg13[%mul3A_46, %dma_start3A_50] : memref<10240x128xf32, #tpu.memory_space<vmem_shared>> -> memref<640x128xf32, #tpu.memory_space<vmem_shared>>
        tpu.enqueue_dma source(%dma_start3A_51 : memref<640x128xf32, #tpu.memory_space<vmem_shared>>) target(%dma_start3A_49 : memref<640x128xf32, #tpu.memory_space<hbm>>) target_semaphore(%run_scoped3A : memref<!tpu.dma_semaphore, #tpu.memory_space<semaphore_mem>>)
        %dma_wait3A = arith.constant 0 : i32
        %dma_wait3A_52 = tpu.memref_slice %arg6[%mul3A_48, %dma_wait3A] : memref<10240x128xf32, #tpu.memory_space<hbm>> -> memref<640x128xf32, #tpu.memory_space<hbm>>
        %dma_wait3A_53 = arith.constant 0 : i32
        %dma_wait3A_54 = tpu.memref_slice %arg13[%mul3A_46, %dma_wait3A_53] : memref<10240x128xf32, #tpu.memory_space<vmem_shared>> -> memref<640x128xf32, #tpu.memory_space<vmem_shared>>
        tpu.wait_dma2 semaphore(%run_scoped3A : memref<!tpu.dma_semaphore, #tpu.memory_space<semaphore_mem>>) src(%dma_wait3A_54 : memref<640x128xf32, #tpu.memory_space<vmem_shared>>) dst(%dma_wait3A_52 : memref<640x128xf32, #tpu.memory_space<hbm>>)
        tpu.yield
      }) : () -> ()
    } else {
    }
    %eq3A_40 = arith.constant 1 : i32
    %eq3A_41 = arith.cmpi eq, %arg0, %eq3A_40 : i32
    %convert_element_type3A_42 = arith.extui %eq3A_41 : i1 to i32
    %cond3A_43 = arith.constant 0 : i32
    %cond3A_44 = arith.cmpi ne, %convert_element_type3A_42, %cond3A_43 : i32
    scf.if %cond3A_44 {
      %mul3A_45 = arith.constant 640 : i32
      %mul3A_46 = arith.muli %arg1, %mul3A_45 : i32
      %mul3A_47 = arith.constant 640 : i32
      %mul3A_48 = arith.muli %arg1, %mul3A_47 : i32
      "tpu.region"() ({
        %run_scoped3A = tpu.sem_alloc : memref<!tpu.dma_semaphore, #tpu.memory_space<semaphore_mem>>
        %dma_start3A = arith.constant 0 : i32
        %dma_start3A_49 = tpu.memref_slice %arg7[%mul3A_48, %dma_start3A] : memref<10240x128xf32, #tpu.memory_space<hbm>> -> memref<640x128xf32, #tpu.memory_space<hbm>>
        %dma_start3A_50 = arith.constant 0 : i32
        %dma_start3A_51 = tpu.memref_slice %arg13[%mul3A_46, %dma_start3A_50] : memref<10240x128xf32, #tpu.memory_space<vmem_shared>> -> memref<640x128xf32, #tpu.memory_space<vmem_shared>>
        tpu.enqueue_dma source(%dma_start3A_51 : memref<640x128xf32, #tpu.memory_space<vmem_shared>>) target(%dma_start3A_49 : memref<640x128xf32, #tpu.memory_space<hbm>>) target_semaphore(%run_scoped3A : memref<!tpu.dma_semaphore, #tpu.memory_space<semaphore_mem>>)
        %dma_wait3A = arith.constant 0 : i32
        %dma_wait3A_52 = tpu.memref_slice %arg7[%mul3A_48, %dma_wait3A] : memref<10240x128xf32, #tpu.memory_space<hbm>> -> memref<640x128xf32, #tpu.memory_space<hbm>>
        %dma_wait3A_53 = arith.constant 0 : i32
        %dma_wait3A_54 = tpu.memref_slice %arg13[%mul3A_46, %dma_wait3A_53] : memref<10240x128xf32, #tpu.memory_space<vmem_shared>> -> memref<640x128xf32, #tpu.memory_space<vmem_shared>>
        tpu.wait_dma2 semaphore(%run_scoped3A : memref<!tpu.dma_semaphore, #tpu.memory_space<semaphore_mem>>) src(%dma_wait3A_54 : memref<640x128xf32, #tpu.memory_space<vmem_shared>>) dst(%dma_wait3A_52 : memref<640x128xf32, #tpu.memory_space<hbm>>)
        tpu.yield
      }) : () -> ()
    } else {
    }
    return
  }
}

#map = affine_map<(d0, d1) -> (0, 0)>
#map1 = affine_map<(d0, d1) -> (0)>
module attributes {stable_mosaic.version = 14 : i64} {
  func.func @_seg_body_feat(%arg0: i32, %arg1: i32, %arg2: memref<10000x128xf32, #tpu.memory_space<hbm>>, %arg3: memref<10000x128xf32, #tpu.memory_space<hbm>>, %arg4: memref<327680xi32, #tpu.memory_space<hbm>>, %arg5: memref<2560x128xi32, #tpu.memory_space<hbm>>, %arg6: memref<327680xf32, #tpu.memory_space<hbm>>, %arg7: memref<10240x128xf32, #tpu.memory_space<hbm>>, %arg8: memref<10240x128xf32, #tpu.memory_space<hbm>>, %arg9: memref<2048xi32, #tpu.memory_space<vmem>>, %arg10: memref<16x128xi32, #tpu.memory_space<vmem>>, %arg11: memref<2048xf32, #tpu.memory_space<vmem>>, %arg12: memref<128x128xf32, #tpu.memory_space<vmem>>, %arg13: memref<128x128xf32, #tpu.memory_space<vmem>>, %arg14: memref<10240x128xf32, #tpu.memory_space<vmem_shared>>, %arg15: memref<!tpu.dma_semaphore, #tpu.memory_space<semaphore_mem>>, %arg16: memref<!tpu.dma_semaphore, #tpu.memory_space<semaphore_mem>>, %arg17: memref<!tpu.dma_semaphore, #tpu.memory_space<semaphore_mem>>, %arg18: memref<!tpu.dma_semaphore, #tpu.memory_space<semaphore_mem>>) attributes {dimension_semantics = [#tpu.dimension_semantics<core_parallel>, #tpu.dimension_semantics<subcore_parallel>], iteration_bounds = array<i64: 2, 16>, scalar_prefetch = 0 : i64, scratch_operands = 10 : i64, tpu.core_type = #tpu.core_type<sc_vector_subcore>, window_params = [{transform_indices = #map}, {transform_indices = #map}, {transform_indices = #map1}, {transform_indices = #map}, {transform_indices = #map1}, {transform_indices = #map}, {transform_indices = #map}]} {
    %broadcast_in_dim3A = arith.constant 0.000000e+00 : f32
    %broadcast_in_dim3A_0 = vector.broadcast %broadcast_in_dim3A : f32 to vector<16xf32>
    %scan3A = arith.constant 0 : i32
    %scan3A_1 = arith.constant 0 : i32
    %scan3A_2 = arith.constant 1024 : i32
    %scan3A_3 = arith.addi %scan3A_1, %scan3A_2 : i32
    %scan3A_4 = arith.constant 1 : i32
    %scan3A_5 = scf.for %scan3A_45 = %scan3A_1 to %scan3A_3 step %scan3A_4 iter_args(%scan3A_46 = %scan3A) -> (i32)  : i32 {
      %jit3A = arith.constant 8 : i32
      %div3A = arith.divsi %scan3A_45, %jit3A : i32
      %sign3A = arith.constant 0 : i32
      %sign3A_47 = arith.cmpi sgt, %scan3A_45, %sign3A : i32
      %sign3A_48 = arith.extui %sign3A_47 : i1 to i32
      %sign3A_49 = arith.constant 0 : i32
      %sign3A_50 = arith.cmpi slt, %scan3A_45, %sign3A_49 : i32
      %sign3A_51 = arith.extui %sign3A_50 : i1 to i32
      %sign3A_52 = arith.subi %sign3A_48, %sign3A_51 : i32
      %sign3A_53 = arith.constant 0 : i32
      %sign3A_54 = arith.cmpi sgt, %jit3A, %sign3A_53 : i32
      %sign3A_55 = arith.extui %sign3A_54 : i1 to i32
      %sign3A_56 = arith.constant 0 : i32
      %sign3A_57 = arith.cmpi slt, %jit3A, %sign3A_56 : i32
      %sign3A_58 = arith.extui %sign3A_57 : i1 to i32
      %sign3A_59 = arith.subi %sign3A_55, %sign3A_58 : i32
      %ne3A = arith.cmpi ne, %sign3A_52, %sign3A_59 : i32
      %rem3A = arith.remsi %scan3A_45, %jit3A : i32
      %ne3A_60 = arith.constant 0 : i32
      %ne3A_61 = arith.cmpi ne, %rem3A, %ne3A_60 : i32
      %and3A = arith.andi %ne3A, %ne3A_61 : i1
      %sub3A = arith.constant 1 : i32
      %sub3A_62 = arith.subi %div3A, %sub3A : i32
      %select_n3A = arith.select %and3A, %sub3A_62, %div3A : i32
      %jit3A_63 = arith.constant 8 : i32
      %eq3A_64 = arith.constant 0 : i32
      %eq3A_65 = arith.cmpi eq, %jit3A_63, %eq3A_64 : i32
      %jit3A_66 = arith.constant 1 : i32
      %select_n3A_67 = arith.select %eq3A_65, %jit3A_66, %jit3A_63 : i32
      %rem3A_68 = arith.remsi %scan3A_45, %select_n3A_67 : i32
      %ne3A_69 = arith.constant 0 : i32
      %ne3A_70 = arith.cmpi ne, %rem3A_68, %ne3A_69 : i32
      %lt3A = arith.constant 0 : i32
      %lt3A_71 = arith.cmpi slt, %rem3A_68, %lt3A : i32
      %lt3A_72 = arith.constant 0 : i32
      %lt3A_73 = arith.cmpi slt, %select_n3A_67, %lt3A_72 : i32
      %ne3A_74 = arith.xori %lt3A_71, %lt3A_73 : i1
      %and3A_75 = arith.andi %ne3A_74, %ne3A_70 : i1
      %add3A_76 = arith.addi %rem3A_68, %select_n3A_67 : i32
      %select_n3A_77 = arith.select %and3A_75, %add3A_76, %rem3A_68 : i32
      %mul3A_78 = arith.constant 16 : i32
      %mul3A_79 = arith.muli %select_n3A_77, %mul3A_78 : i32
      %swap3A = arith.index_cast %select_n3A : i32 to index
      %swap3A_80 = arith.index_cast %mul3A_79 : i32 to index
      %swap3A_81 = tpu.vector_load %arg12[%swap3A, %swap3A_80] {strides = array<i32>} : memref<128x128xf32, #tpu.memory_space<vmem>>, vector<1x16xf32>,
      %swap3A_82 = vector.shape_cast %swap3A_81 : vector<1x16xf32> to vector<16xf32>
      %swap3A_83 = vector.shape_cast %broadcast_in_dim3A_0 : vector<16xf32> to vector<1x16xf32>
      tpu.vector_store %arg12[%swap3A, %swap3A_80], %swap3A_83 {strides = array<i32>} : memref<128x128xf32, #tpu.memory_space<vmem>>, vector<1x16xf32>,
      %scan3A_84 = arith.constant 0 : i32
      scf.yield %scan3A_84 : i32
    }
    %scan3A_6 = arith.constant 1024 : i32
    %mul3A = arith.constant 640 : i32
    %mul3A_7 = arith.muli %arg1, %mul3A : i32
    %add3A = arith.constant 0 : i32
    %add3A_8 = arith.addi %mul3A_7, %add3A : i32
    "tpu.region"() ({
      %run_scoped3A = tpu.sem_alloc : memref<!tpu.dma_semaphore, #tpu.memory_space<semaphore_mem>>
      %dma_start3A = arith.constant 0 : i32
      %dma_start3A_45 = tpu.memref_slice %arg14[%add3A_8, %dma_start3A] : memref<10240x128xf32, #tpu.memory_space<vmem_shared>> -> memref<128x128xf32, #tpu.memory_space<vmem_shared>>
      %dma_start3A_46 = arith.constant 0 : i32
      %dma_start3A_47 = tpu.memref_slice %arg14[%add3A_8, %dma_start3A_46] : memref<10240x128xf32, #tpu.memory_space<vmem_shared>> -> memref<128x128xf32, #tpu.memory_space<vmem_shared>>
      tpu.enqueue_dma source(%arg12 : memref<128x128xf32, #tpu.memory_space<vmem>>) target(%dma_start3A_47 : memref<128x128xf32, #tpu.memory_space<vmem_shared>>) target_semaphore(%run_scoped3A : memref<!tpu.dma_semaphore, #tpu.memory_space<semaphore_mem>>)
      %dma_wait3A = arith.constant 0 : i32
      %dma_wait3A_48 = tpu.memref_slice %arg14[%add3A_8, %dma_wait3A] : memref<10240x128xf32, #tpu.memory_space<vmem_shared>> -> memref<128x128xf32, #tpu.memory_space<vmem_shared>>
      %dma_wait3A_49 = arith.constant 0 : i32
      %dma_wait3A_50 = tpu.memref_slice %arg14[%add3A_8, %dma_wait3A_49] : memref<10240x128xf32, #tpu.memory_space<vmem_shared>> -> memref<128x128xf32, #tpu.memory_space<vmem_shared>>
      tpu.wait_dma2 semaphore(%run_scoped3A : memref<!tpu.dma_semaphore, #tpu.memory_space<semaphore_mem>>) src(%arg12 : memref<128x128xf32, #tpu.memory_space<vmem>>) dst(%dma_wait3A_50 : memref<128x128xf32, #tpu.memory_space<vmem_shared>>)
      tpu.yield
    }) : () -> ()
    %mul3A_9 = arith.constant 640 : i32
    %mul3A_10 = arith.muli %arg1, %mul3A_9 : i32
    %add3A_11 = arith.constant 128 : i32
    %add3A_12 = arith.addi %mul3A_10, %add3A_11 : i32
    "tpu.region"() ({
      %run_scoped3A = tpu.sem_alloc : memref<!tpu.dma_semaphore, #tpu.memory_space<semaphore_mem>>
      %dma_start3A = arith.constant 0 : i32
      %dma_start3A_45 = tpu.memref_slice %arg14[%add3A_12, %dma_start3A] : memref<10240x128xf32, #tpu.memory_space<vmem_shared>> -> memref<128x128xf32, #tpu.memory_space<vmem_shared>>
      %dma_start3A_46 = arith.constant 0 : i32
      %dma_start3A_47 = tpu.memref_slice %arg14[%add3A_12, %dma_start3A_46] : memref<10240x128xf32, #tpu.memory_space<vmem_shared>> -> memref<128x128xf32, #tpu.memory_space<vmem_shared>>
      tpu.enqueue_dma source(%arg12 : memref<128x128xf32, #tpu.memory_space<vmem>>) target(%dma_start3A_47 : memref<128x128xf32, #tpu.memory_space<vmem_shared>>) target_semaphore(%run_scoped3A : memref<!tpu.dma_semaphore, #tpu.memory_space<semaphore_mem>>)
      %dma_wait3A = arith.constant 0 : i32
      %dma_wait3A_48 = tpu.memref_slice %arg14[%add3A_12, %dma_wait3A] : memref<10240x128xf32, #tpu.memory_space<vmem_shared>> -> memref<128x128xf32, #tpu.memory_space<vmem_shared>>
      %dma_wait3A_49 = arith.constant 0 : i32
      %dma_wait3A_50 = tpu.memref_slice %arg14[%add3A_12, %dma_wait3A_49] : memref<10240x128xf32, #tpu.memory_space<vmem_shared>> -> memref<128x128xf32, #tpu.memory_space<vmem_shared>>
      tpu.wait_dma2 semaphore(%run_scoped3A : memref<!tpu.dma_semaphore, #tpu.memory_space<semaphore_mem>>) src(%arg12 : memref<128x128xf32, #tpu.memory_space<vmem>>) dst(%dma_wait3A_50 : memref<128x128xf32, #tpu.memory_space<vmem_shared>>)
      tpu.yield
    }) : () -> ()
    %mul3A_13 = arith.constant 640 : i32
    %mul3A_14 = arith.muli %arg1, %mul3A_13 : i32
    %add3A_15 = arith.constant 256 : i32
    %add3A_16 = arith.addi %mul3A_14, %add3A_15 : i32
    "tpu.region"() ({
      %run_scoped3A = tpu.sem_alloc : memref<!tpu.dma_semaphore, #tpu.memory_space<semaphore_mem>>
      %dma_start3A = arith.constant 0 : i32
      %dma_start3A_45 = tpu.memref_slice %arg14[%add3A_16, %dma_start3A] : memref<10240x128xf32, #tpu.memory_space<vmem_shared>> -> memref<128x128xf32, #tpu.memory_space<vmem_shared>>
      %dma_start3A_46 = arith.constant 0 : i32
      %dma_start3A_47 = tpu.memref_slice %arg14[%add3A_16, %dma_start3A_46] : memref<10240x128xf32, #tpu.memory_space<vmem_shared>> -> memref<128x128xf32, #tpu.memory_space<vmem_shared>>
      tpu.enqueue_dma source(%arg12 : memref<128x128xf32, #tpu.memory_space<vmem>>) target(%dma_start3A_47 : memref<128x128xf32, #tpu.memory_space<vmem_shared>>) target_semaphore(%run_scoped3A : memref<!tpu.dma_semaphore, #tpu.memory_space<semaphore_mem>>)
      %dma_wait3A = arith.constant 0 : i32
      %dma_wait3A_48 = tpu.memref_slice %arg14[%add3A_16, %dma_wait3A] : memref<10240x128xf32, #tpu.memory_space<vmem_shared>> -> memref<128x128xf32, #tpu.memory_space<vmem_shared>>
      %dma_wait3A_49 = arith.constant 0 : i32
      %dma_wait3A_50 = tpu.memref_slice %arg14[%add3A_16, %dma_wait3A_49] : memref<10240x128xf32, #tpu.memory_space<vmem_shared>> -> memref<128x128xf32, #tpu.memory_space<vmem_shared>>
      tpu.wait_dma2 semaphore(%run_scoped3A : memref<!tpu.dma_semaphore, #tpu.memory_space<semaphore_mem>>) src(%arg12 : memref<128x128xf32, #tpu.memory_space<vmem>>) dst(%dma_wait3A_50 : memref<128x128xf32, #tpu.memory_space<vmem_shared>>)
      tpu.yield
    }) : () -> ()
    %mul3A_17 = arith.constant 640 : i32
    %mul3A_18 = arith.muli %arg1, %mul3A_17 : i32
    %add3A_19 = arith.constant 384 : i32
    %add3A_20 = arith.addi %mul3A_18, %add3A_19 : i32
    "tpu.region"() ({
      %run_scoped3A = tpu.sem_alloc : memref<!tpu.dma_semaphore, #tpu.memory_space<semaphore_mem>>
      %dma_start3A = arith.constant 0 : i32
      %dma_start3A_45 = tpu.memref_slice %arg14[%add3A_20, %dma_start3A] : memref<10240x128xf32, #tpu.memory_space<vmem_shared>> -> memref<128x128xf32, #tpu.memory_space<vmem_shared>>
      %dma_start3A_46 = arith.constant 0 : i32
      %dma_start3A_47 = tpu.memref_slice %arg14[%add3A_20, %dma_start3A_46] : memref<10240x128xf32, #tpu.memory_space<vmem_shared>> -> memref<128x128xf32, #tpu.memory_space<vmem_shared>>
      tpu.enqueue_dma source(%arg12 : memref<128x128xf32, #tpu.memory_space<vmem>>) target(%dma_start3A_47 : memref<128x128xf32, #tpu.memory_space<vmem_shared>>) target_semaphore(%run_scoped3A : memref<!tpu.dma_semaphore, #tpu.memory_space<semaphore_mem>>)
      %dma_wait3A = arith.constant 0 : i32
      %dma_wait3A_48 = tpu.memref_slice %arg14[%add3A_20, %dma_wait3A] : memref<10240x128xf32, #tpu.memory_space<vmem_shared>> -> memref<128x128xf32, #tpu.memory_space<vmem_shared>>
      %dma_wait3A_49 = arith.constant 0 : i32
      %dma_wait3A_50 = tpu.memref_slice %arg14[%add3A_20, %dma_wait3A_49] : memref<10240x128xf32, #tpu.memory_space<vmem_shared>> -> memref<128x128xf32, #tpu.memory_space<vmem_shared>>
      tpu.wait_dma2 semaphore(%run_scoped3A : memref<!tpu.dma_semaphore, #tpu.memory_space<semaphore_mem>>) src(%arg12 : memref<128x128xf32, #tpu.memory_space<vmem>>) dst(%dma_wait3A_50 : memref<128x128xf32, #tpu.memory_space<vmem_shared>>)
      tpu.yield
    }) : () -> ()
    %mul3A_21 = arith.constant 640 : i32
    %mul3A_22 = arith.muli %arg1, %mul3A_21 : i32
    %add3A_23 = arith.constant 512 : i32
    %add3A_24 = arith.addi %mul3A_22, %add3A_23 : i32
    "tpu.region"() ({
      %run_scoped3A = tpu.sem_alloc : memref<!tpu.dma_semaphore, #tpu.memory_space<semaphore_mem>>
      %dma_start3A = arith.constant 0 : i32
      %dma_start3A_45 = tpu.memref_slice %arg14[%add3A_24, %dma_start3A] : memref<10240x128xf32, #tpu.memory_space<vmem_shared>> -> memref<128x128xf32, #tpu.memory_space<vmem_shared>>
      %dma_start3A_46 = arith.constant 0 : i32
      %dma_start3A_47 = tpu.memref_slice %arg14[%add3A_24, %dma_start3A_46] : memref<10240x128xf32, #tpu.memory_space<vmem_shared>> -> memref<128x128xf32, #tpu.memory_space<vmem_shared>>
      tpu.enqueue_dma source(%arg12 : memref<128x128xf32, #tpu.memory_space<vmem>>) target(%dma_start3A_47 : memref<128x128xf32, #tpu.memory_space<vmem_shared>>) target_semaphore(%run_scoped3A : memref<!tpu.dma_semaphore, #tpu.memory_space<semaphore_mem>>)
      %dma_wait3A = arith.constant 0 : i32
      %dma_wait3A_48 = tpu.memref_slice %arg14[%add3A_24, %dma_wait3A] : memref<10240x128xf32, #tpu.memory_space<vmem_shared>> -> memref<128x128xf32, #tpu.memory_space<vmem_shared>>
      %dma_wait3A_49 = arith.constant 0 : i32
      %dma_wait3A_50 = tpu.memref_slice %arg14[%add3A_24, %dma_wait3A_49] : memref<10240x128xf32, #tpu.memory_space<vmem_shared>> -> memref<128x128xf32, #tpu.memory_space<vmem_shared>>
      tpu.wait_dma2 semaphore(%run_scoped3A : memref<!tpu.dma_semaphore, #tpu.memory_space<semaphore_mem>>) src(%arg12 : memref<128x128xf32, #tpu.memory_space<vmem>>) dst(%dma_wait3A_50 : memref<128x128xf32, #tpu.memory_space<vmem_shared>>)
      tpu.yield
    }) : () -> ()
    %barrier3A = arith.constant 0 : index
    tpu.barrier barrier_id(%barrier3A)
    %mul3A_25 = arith.constant 20480 : i32
    %mul3A_26 = arith.muli %arg1, %mul3A_25 : i32
    %eq3A = arith.constant 0 : i32
    %eq3A_27 = arith.cmpi eq, %arg0, %eq3A : i32
    %convert_element_type3A = arith.extui %eq3A_27 : i1 to i32
    %cond3A = arith.constant 0 : i32
    %cond3A_28 = arith.cmpi ne, %convert_element_type3A, %cond3A : i32
    scf.if %cond3A_28 {
      %scan3A_45 = arith.constant 0 : i32
      %scan3A_46 = arith.constant 0 : i32
      %scan3A_47 = arith.constant 10 : i32
      %scan3A_48 = arith.addi %scan3A_46, %scan3A_47 : i32
      %scan3A_49 = arith.constant 1 : i32
      %scan3A_50 = scf.for %scan3A_52 = %scan3A_46 to %scan3A_48 step %scan3A_49 iter_args(%scan3A_53 = %scan3A_45) -> (i32)  : i32 {
        %gt3A = arith.constant 0 : i32
        %gt3A_54 = arith.cmpi sgt, %scan3A_52, %gt3A : i32
        %convert_element_type3A_55 = arith.extui %gt3A_54 : i1 to i32
        %cond3A_56 = arith.constant 0 : i32
        %cond3A_57 = arith.cmpi ne, %convert_element_type3A_55, %cond3A_56 : i32
        scf.if %cond3A_57 {
        } else {
        }
        %mul3A_58 = arith.constant 2048 : i32
        %mul3A_59 = arith.muli %scan3A_52, %mul3A_58 : i32
        %add3A_60 = arith.addi %mul3A_26, %mul3A_59 : i32
        "tpu.region"() ({
          %run_scoped3A = tpu.sem_alloc : memref<!tpu.dma_semaphore, #tpu.memory_space<semaphore_mem>>
          %dma_start3A_89 = tpu.memref_slice %arg4[%add3A_60] : memref<327680xi32, #tpu.memory_space<hbm>> -> memref<2048xi32, #tpu.memory_space<hbm>>
          %dma_start3A_90 = tpu.memref_slice %arg4[%add3A_60] : memref<327680xi32, #tpu.memory_space<hbm>> -> memref<2048xi32, #tpu.memory_space<hbm>>
          tpu.enqueue_dma source(%dma_start3A_90 : memref<2048xi32, #tpu.memory_space<hbm>>) target(%arg9 : memref<2048xi32, #tpu.memory_space<vmem>>) target_semaphore(%run_scoped3A : memref<!tpu.dma_semaphore, #tpu.memory_space<semaphore_mem>>)
          %dma_wait3A = tpu.memref_slice %arg4[%add3A_60] : memref<327680xi32, #tpu.memory_space<hbm>> -> memref<2048xi32, #tpu.memory_space<hbm>>
          %dma_wait3A_91 = tpu.memref_slice %arg4[%add3A_60] : memref<327680xi32, #tpu.memory_space<hbm>> -> memref<2048xi32, #tpu.memory_space<hbm>>
          tpu.wait_dma2 semaphore(%run_scoped3A : memref<!tpu.dma_semaphore, #tpu.memory_space<semaphore_mem>>) src(%dma_wait3A_91 : memref<2048xi32, #tpu.memory_space<hbm>>) dst(%arg9 : memref<2048xi32, #tpu.memory_space<vmem>>)
          tpu.yield
        }) : () -> ()
        %jit3A = arith.constant 128 : i32
        %div3A = arith.divsi %add3A_60, %jit3A : i32
        %sign3A = arith.constant 0 : i32
        %sign3A_61 = arith.cmpi sgt, %add3A_60, %sign3A : i32
        %sign3A_62 = arith.extui %sign3A_61 : i1 to i32
        %sign3A_63 = arith.constant 0 : i32
        %sign3A_64 = arith.cmpi slt, %add3A_60, %sign3A_63 : i32
        %sign3A_65 = arith.extui %sign3A_64 : i1 to i32
        %sign3A_66 = arith.subi %sign3A_62, %sign3A_65 : i32
        %sign3A_67 = arith.constant 0 : i32
        %sign3A_68 = arith.cmpi sgt, %jit3A, %sign3A_67 : i32
        %sign3A_69 = arith.extui %sign3A_68 : i1 to i32
        %sign3A_70 = arith.constant 0 : i32
        %sign3A_71 = arith.cmpi slt, %jit3A, %sign3A_70 : i32
        %sign3A_72 = arith.extui %sign3A_71 : i1 to i32
        %sign3A_73 = arith.subi %sign3A_69, %sign3A_72 : i32
        %ne3A = arith.cmpi ne, %sign3A_66, %sign3A_73 : i32
        %rem3A = arith.remsi %add3A_60, %jit3A : i32
        %ne3A_74 = arith.constant 0 : i32
        %ne3A_75 = arith.cmpi ne, %rem3A, %ne3A_74 : i32
        %and3A = arith.andi %ne3A, %ne3A_75 : i1
        %sub3A = arith.constant 1 : i32
        %sub3A_76 = arith.subi %div3A, %sub3A : i32
        %select_n3A = arith.select %and3A, %sub3A_76, %div3A : i32
        %multiple_of3A = tpu.assume_multiple %select_n3A, 8 : i32
        "tpu.region"() ({
          %run_scoped3A = tpu.sem_alloc : memref<!tpu.dma_semaphore, #tpu.memory_space<semaphore_mem>>
          %dma_start3A_89 = arith.constant 0 : i32
          %dma_start3A_90 = tpu.memref_slice %arg5[%multiple_of3A, %dma_start3A_89] : memref<2560x128xi32, #tpu.memory_space<hbm>> -> memref<16x128xi32, #tpu.memory_space<hbm>>
          %dma_start3A_91 = arith.constant 0 : i32
          %dma_start3A_92 = tpu.memref_slice %arg5[%multiple_of3A, %dma_start3A_91] : memref<2560x128xi32, #tpu.memory_space<hbm>> -> memref<16x128xi32, #tpu.memory_space<hbm>>
          tpu.enqueue_dma source(%dma_start3A_92 : memref<16x128xi32, #tpu.memory_space<hbm>>) target(%arg10 : memref<16x128xi32, #tpu.memory_space<vmem>>) target_semaphore(%run_scoped3A : memref<!tpu.dma_semaphore, #tpu.memory_space<semaphore_mem>>)
          %dma_wait3A = arith.constant 0 : i32
          %dma_wait3A_93 = tpu.memref_slice %arg5[%multiple_of3A, %dma_wait3A] : memref<2560x128xi32, #tpu.memory_space<hbm>> -> memref<16x128xi32, #tpu.memory_space<hbm>>
          %dma_wait3A_94 = arith.constant 0 : i32
          %dma_wait3A_95 = tpu.memref_slice %arg5[%multiple_of3A, %dma_wait3A_94] : memref<2560x128xi32, #tpu.memory_space<hbm>> -> memref<16x128xi32, #tpu.memory_space<hbm>>
          tpu.wait_dma2 semaphore(%run_scoped3A : memref<!tpu.dma_semaphore, #tpu.memory_space<semaphore_mem>>) src(%dma_wait3A_95 : memref<16x128xi32, #tpu.memory_space<hbm>>) dst(%arg10 : memref<16x128xi32, #tpu.memory_space<vmem>>)
          tpu.yield
        }) : () -> ()
        "tpu.region"() ({
          %run_scoped3A = tpu.sem_alloc : memref<!tpu.dma_semaphore, #tpu.memory_space<semaphore_mem>>
          %dma_start3A_89 = tpu.memref_slice %arg6[%add3A_60] : memref<327680xf32, #tpu.memory_space<hbm>> -> memref<2048xf32, #tpu.memory_space<hbm>>
          %dma_start3A_90 = tpu.memref_slice %arg6[%add3A_60] : memref<327680xf32, #tpu.memory_space<hbm>> -> memref<2048xf32, #tpu.memory_space<hbm>>
          tpu.enqueue_dma source(%dma_start3A_90 : memref<2048xf32, #tpu.memory_space<hbm>>) target(%arg11 : memref<2048xf32, #tpu.memory_space<vmem>>) target_semaphore(%run_scoped3A : memref<!tpu.dma_semaphore, #tpu.memory_space<semaphore_mem>>)
          %dma_wait3A = tpu.memref_slice %arg6[%add3A_60] : memref<327680xf32, #tpu.memory_space<hbm>> -> memref<2048xf32, #tpu.memory_space<hbm>>
          %dma_wait3A_91 = tpu.memref_slice %arg6[%add3A_60] : memref<327680xf32, #tpu.memory_space<hbm>> -> memref<2048xf32, #tpu.memory_space<hbm>>
          tpu.wait_dma2 semaphore(%run_scoped3A : memref<!tpu.dma_semaphore, #tpu.memory_space<semaphore_mem>>) src(%dma_wait3A_91 : memref<2048xf32, #tpu.memory_space<hbm>>) dst(%arg11 : memref<2048xf32, #tpu.memory_space<vmem>>)
          tpu.yield
        }) : () -> ()
        %dma_start3A = arith.constant 0 : i32
        %dma_start3A_77 = tpu.memref_slice %arg9[%dma_start3A] : memref<2048xi32, #tpu.memory_space<vmem>> -> memref<128xi32, #tpu.memory_space<vmem>>
        %dma_start3A_78 = arith.constant 0 : i32
        %dma_start3A_79 = arith.constant 0 : i32
        %dma_start3A_80 = tpu.memref_slice %arg2[%dma_start3A_78, %dma_start3A_79] : memref<10000x128xf32, #tpu.memory_space<hbm>> -> memref<10000x128xf32, #tpu.memory_space<hbm>>
        tpu.enqueue_indirect_dma source(%dma_start3A_80 : memref<10000x128xf32, #tpu.memory_space<hbm>>) target(%arg12 : memref<128x128xf32, #tpu.memory_space<vmem>>) offsets(%dma_start3A_77 : memref<128xi32, #tpu.memory_space<vmem>>) semaphore(%arg15 : memref<!tpu.dma_semaphore, #tpu.memory_space<semaphore_mem>>)
        %scan3A_81 = arith.constant 0 : i32
        %scan3A_82 = arith.constant 0 : i32
        %scan3A_83 = arith.constant 8 : i32
        %scan3A_84 = arith.addi %scan3A_82, %scan3A_83 : i32
        %scan3A_85 = arith.constant 1 : i32
        %scan3A_86 = scf.for %scan3A_89 = %scan3A_82 to %scan3A_84 step %scan3A_85 iter_args(%scan3A_90 = %scan3A_81) -> (i32)  : i32 {
          %mul3A_91 = arith.constant 2 : i32
          %mul3A_92 = arith.muli %mul3A_91, %scan3A_89 : i32
          %add3A_93 = arith.constant 0 : i32
          %add3A_94 = arith.addi %mul3A_92, %add3A_93 : i32
          %mul3A_95 = arith.constant 128 : i32
          %mul3A_96 = arith.muli %add3A_94, %mul3A_95 : i32
          %dma_wait3A = tpu.memref_slice %arg9[%mul3A_96] : memref<2048xi32, #tpu.memory_space<vmem>> -> memref<128xi32, #tpu.memory_space<vmem>>
          %dma_wait3A_97 = arith.constant 0 : i32
          %dma_wait3A_98 = arith.constant 0 : i32
          %dma_wait3A_99 = tpu.memref_slice %arg2[%dma_wait3A_97, %dma_wait3A_98] : memref<10000x128xf32, #tpu.memory_space<hbm>> -> memref<10000x128xf32, #tpu.memory_space<hbm>>
          tpu.wait_indirect_dma semaphore(%arg15 : memref<!tpu.dma_semaphore, #tpu.memory_space<semaphore_mem>>) src(%dma_wait3A_99 : memref<10000x128xf32, #tpu.memory_space<hbm>>) dst(%arg12 : memref<128x128xf32, #tpu.memory_space<vmem>>)
          %eq3A_100 = arith.constant 0 : i32
          %eq3A_101 = arith.cmpi eq, %scan3A_89, %eq3A_100 : i32
          %convert_element_type3A_102 = arith.extui %eq3A_101 : i1 to i32
          %cond3A_103 = arith.constant 0 : i32
          %cond3A_104 = arith.cmpi ne, %convert_element_type3A_102, %cond3A_103 : i32
          scf.if %cond3A_104 {
            %add3A_125 = arith.constant 1 : i32
            %add3A_126 = arith.addi %add3A_94, %add3A_125 : i32
            %mul3A_127 = arith.constant 128 : i32
            %mul3A_128 = arith.muli %add3A_126, %mul3A_127 : i32
            %dma_start3A_129 = tpu.memref_slice %arg9[%mul3A_128] : memref<2048xi32, #tpu.memory_space<vmem>> -> memref<128xi32, #tpu.memory_space<vmem>>
            %dma_start3A_130 = arith.constant 0 : i32
            %dma_start3A_131 = arith.constant 0 : i32
            %dma_start3A_132 = tpu.memref_slice %arg2[%dma_start3A_130, %dma_start3A_131] : memref<10000x128xf32, #tpu.memory_space<hbm>> -> memref<10000x128xf32, #tpu.memory_space<hbm>>
            tpu.enqueue_indirect_dma source(%dma_start3A_132 : memref<10000x128xf32, #tpu.memory_space<hbm>>) target(%arg13 : memref<128x128xf32, #tpu.memory_space<vmem>>) offsets(%dma_start3A_129 : memref<128xi32, #tpu.memory_space<vmem>>) semaphore(%arg16 : memref<!tpu.dma_semaphore, #tpu.memory_space<semaphore_mem>>)
          } else {
          }
          %gt3A_105 = arith.constant 0 : i32
          %gt3A_106 = arith.cmpi sgt, %scan3A_89, %gt3A_105 : i32
          %convert_element_type3A_107 = arith.extui %gt3A_106 : i1 to i32
          %cond3A_108 = arith.constant 0 : i32
          %cond3A_109 = arith.cmpi ne, %convert_element_type3A_107, %cond3A_108 : i32
          scf.if %cond3A_109 {
            %add3A_125 = arith.constant 1 : i32
            %add3A_126 = arith.addi %add3A_94, %add3A_125 : i32
            %mul3A_127 = arith.constant 128 : i32
            %mul3A_128 = arith.muli %add3A_126, %mul3A_127 : i32
            %dma_start3A_129 = tpu.memref_slice %arg9[%mul3A_128] : memref<2048xi32, #tpu.memory_space<vmem>> -> memref<128xi32, #tpu.memory_space<vmem>>
            %dma_start3A_130 = arith.constant 0 : i32
            %dma_start3A_131 = arith.constant 0 : i32
            %dma_start3A_132 = tpu.memref_slice %arg2[%dma_start3A_130, %dma_start3A_131] : memref<10000x128xf32, #tpu.memory_space<hbm>> -> memref<10000x128xf32, #tpu.memory_space<hbm>>
            tpu.enqueue_indirect_dma source(%dma_start3A_132 : memref<10000x128xf32, #tpu.memory_space<hbm>>) target(%arg13 : memref<128x128xf32, #tpu.memory_space<vmem>>) offsets(%dma_start3A_129 : memref<128xi32, #tpu.memory_space<vmem>>) semaphore(%arg16 : memref<!tpu.dma_semaphore, #tpu.memory_space<semaphore_mem>>)
          } else {
          }
          %mul3A_110 = arith.constant 2 : i32
          %mul3A_111 = arith.muli %mul3A_110, %scan3A_89 : i32
          %add3A_112 = arith.constant 1 : i32
          %add3A_113 = arith.addi %mul3A_111, %add3A_112 : i32
          %mul3A_114 = arith.constant 128 : i32
          %mul3A_115 = arith.muli %add3A_113, %mul3A_114 : i32
          %dma_wait3A_116 = tpu.memref_slice %arg9[%mul3A_115] : memref<2048xi32, #tpu.memory_space<vmem>> -> memref<128xi32, #tpu.memory_space<vmem>>
          %dma_wait3A_117 = arith.constant 0 : i32
          %dma_wait3A_118 = arith.constant 0 : i32
          %dma_wait3A_119 = tpu.memref_slice %arg2[%dma_wait3A_117, %dma_wait3A_118] : memref<10000x128xf32, #tpu.memory_space<hbm>> -> memref<10000x128xf32, #tpu.memory_space<hbm>>
          tpu.wait_indirect_dma semaphore(%arg16 : memref<!tpu.dma_semaphore, #tpu.memory_space<semaphore_mem>>) src(%dma_wait3A_119 : memref<10000x128xf32, #tpu.memory_space<hbm>>) dst(%arg13 : memref<128x128xf32, #tpu.memory_space<vmem>>)
          %lt3A = arith.constant 7 : i32
          %lt3A_120 = arith.cmpi slt, %scan3A_89, %lt3A : i32
          %convert_element_type3A_121 = arith.extui %lt3A_120 : i1 to i32
          %cond3A_122 = arith.constant 0 : i32
          %cond3A_123 = arith.cmpi ne, %convert_element_type3A_121, %cond3A_122 : i32
          scf.if %cond3A_123 {
            %add3A_125 = arith.constant 1 : i32
            %add3A_126 = arith.addi %add3A_113, %add3A_125 : i32
            %mul3A_127 = arith.constant 128 : i32
            %mul3A_128 = arith.muli %add3A_126, %mul3A_127 : i32
            %dma_start3A_129 = tpu.memref_slice %arg9[%mul3A_128] : memref<2048xi32, #tpu.memory_space<vmem>> -> memref<128xi32, #tpu.memory_space<vmem>>
            %dma_start3A_130 = arith.constant 0 : i32
            %dma_start3A_131 = arith.constant 0 : i32
            %dma_start3A_132 = tpu.memref_slice %arg2[%dma_start3A_130, %dma_start3A_131] : memref<10000x128xf32, #tpu.memory_space<hbm>> -> memref<10000x128xf32, #tpu.memory_space<hbm>>
            tpu.enqueue_indirect_dma source(%dma_start3A_132 : memref<10000x128xf32, #tpu.memory_space<hbm>>) target(%arg12 : memref<128x128xf32, #tpu.memory_space<vmem>>) offsets(%dma_start3A_129 : memref<128xi32, #tpu.memory_space<vmem>>) semaphore(%arg15 : memref<!tpu.dma_semaphore, #tpu.memory_space<semaphore_mem>>)
          } else {
          }
          %scan3A_124 = arith.constant 0 : i32
          scf.yield %scan3A_124 : i32
        }
        %scan3A_87 = arith.constant 8 : i32
        %scan3A_88 = arith.constant 0 : i32
        scf.yield %scan3A_88 : i32
      }
      %scan3A_51 = arith.constant 10 : i32
    } else {
    }
    %eq3A_29 = arith.constant 1 : i32
    %eq3A_30 = arith.cmpi eq, %arg0, %eq3A_29 : i32
    %convert_element_type3A_31 = arith.extui %eq3A_30 : i1 to i32
    %cond3A_32 = arith.constant 0 : i32
    %cond3A_33 = arith.cmpi ne, %convert_element_type3A_31, %cond3A_32 : i32
    scf.if %cond3A_33 {
      %scan3A_45 = arith.constant 0 : i32
      %scan3A_46 = arith.constant 0 : i32
      %scan3A_47 = arith.constant 10 : i32
      %scan3A_48 = arith.addi %scan3A_46, %scan3A_47 : i32
      %scan3A_49 = arith.constant 1 : i32
      %scan3A_50 = scf.for %scan3A_52 = %scan3A_46 to %scan3A_48 step %scan3A_49 iter_args(%scan3A_53 = %scan3A_45) -> (i32)  : i32 {
        %gt3A = arith.constant 0 : i32
        %gt3A_54 = arith.cmpi sgt, %scan3A_52, %gt3A : i32
        %convert_element_type3A_55 = arith.extui %gt3A_54 : i1 to i32
        %cond3A_56 = arith.constant 0 : i32
        %cond3A_57 = arith.cmpi ne, %convert_element_type3A_55, %cond3A_56 : i32
        scf.if %cond3A_57 {
        } else {
        }
        %mul3A_58 = arith.constant 2048 : i32
        %mul3A_59 = arith.muli %scan3A_52, %mul3A_58 : i32
        %add3A_60 = arith.addi %mul3A_26, %mul3A_59 : i32
        "tpu.region"() ({
          %run_scoped3A = tpu.sem_alloc : memref<!tpu.dma_semaphore, #tpu.memory_space<semaphore_mem>>
          %dma_start3A_89 = tpu.memref_slice %arg4[%add3A_60] : memref<327680xi32, #tpu.memory_space<hbm>> -> memref<2048xi32, #tpu.memory_space<hbm>>
          %dma_start3A_90 = tpu.memref_slice %arg4[%add3A_60] : memref<327680xi32, #tpu.memory_space<hbm>> -> memref<2048xi32, #tpu.memory_space<hbm>>
          tpu.enqueue_dma source(%dma_start3A_90 : memref<2048xi32, #tpu.memory_space<hbm>>) target(%arg9 : memref<2048xi32, #tpu.memory_space<vmem>>) target_semaphore(%run_scoped3A : memref<!tpu.dma_semaphore, #tpu.memory_space<semaphore_mem>>)
          %dma_wait3A = tpu.memref_slice %arg4[%add3A_60] : memref<327680xi32, #tpu.memory_space<hbm>> -> memref<2048xi32, #tpu.memory_space<hbm>>
          %dma_wait3A_91 = tpu.memref_slice %arg4[%add3A_60] : memref<327680xi32, #tpu.memory_space<hbm>> -> memref<2048xi32, #tpu.memory_space<hbm>>
          tpu.wait_dma2 semaphore(%run_scoped3A : memref<!tpu.dma_semaphore, #tpu.memory_space<semaphore_mem>>) src(%dma_wait3A_91 : memref<2048xi32, #tpu.memory_space<hbm>>) dst(%arg9 : memref<2048xi32, #tpu.memory_space<vmem>>)
          tpu.yield
        }) : () -> ()
        %jit3A = arith.constant 128 : i32
        %div3A = arith.divsi %add3A_60, %jit3A : i32
        %sign3A = arith.constant 0 : i32
        %sign3A_61 = arith.cmpi sgt, %add3A_60, %sign3A : i32
        %sign3A_62 = arith.extui %sign3A_61 : i1 to i32
        %sign3A_63 = arith.constant 0 : i32
        %sign3A_64 = arith.cmpi slt, %add3A_60, %sign3A_63 : i32
        %sign3A_65 = arith.extui %sign3A_64 : i1 to i32
        %sign3A_66 = arith.subi %sign3A_62, %sign3A_65 : i32
        %sign3A_67 = arith.constant 0 : i32
        %sign3A_68 = arith.cmpi sgt, %jit3A, %sign3A_67 : i32
        %sign3A_69 = arith.extui %sign3A_68 : i1 to i32
        %sign3A_70 = arith.constant 0 : i32
        %sign3A_71 = arith.cmpi slt, %jit3A, %sign3A_70 : i32
        %sign3A_72 = arith.extui %sign3A_71 : i1 to i32
        %sign3A_73 = arith.subi %sign3A_69, %sign3A_72 : i32
        %ne3A = arith.cmpi ne, %sign3A_66, %sign3A_73 : i32
        %rem3A = arith.remsi %add3A_60, %jit3A : i32
        %ne3A_74 = arith.constant 0 : i32
        %ne3A_75 = arith.cmpi ne, %rem3A, %ne3A_74 : i32
        %and3A = arith.andi %ne3A, %ne3A_75 : i1
        %sub3A = arith.constant 1 : i32
        %sub3A_76 = arith.subi %div3A, %sub3A : i32
        %select_n3A = arith.select %and3A, %sub3A_76, %div3A : i32
        %multiple_of3A = tpu.assume_multiple %select_n3A, 8 : i32
        "tpu.region"() ({
          %run_scoped3A = tpu.sem_alloc : memref<!tpu.dma_semaphore, #tpu.memory_space<semaphore_mem>>
          %dma_start3A_89 = arith.constant 0 : i32
          %dma_start3A_90 = tpu.memref_slice %arg5[%multiple_of3A, %dma_start3A_89] : memref<2560x128xi32, #tpu.memory_space<hbm>> -> memref<16x128xi32, #tpu.memory_space<hbm>>
          %dma_start3A_91 = arith.constant 0 : i32
          %dma_start3A_92 = tpu.memref_slice %arg5[%multiple_of3A, %dma_start3A_91] : memref<2560x128xi32, #tpu.memory_space<hbm>> -> memref<16x128xi32, #tpu.memory_space<hbm>>
          tpu.enqueue_dma source(%dma_start3A_92 : memref<16x128xi32, #tpu.memory_space<hbm>>) target(%arg10 : memref<16x128xi32, #tpu.memory_space<vmem>>) target_semaphore(%run_scoped3A : memref<!tpu.dma_semaphore, #tpu.memory_space<semaphore_mem>>)
          %dma_wait3A = arith.constant 0 : i32
          %dma_wait3A_93 = tpu.memref_slice %arg5[%multiple_of3A, %dma_wait3A] : memref<2560x128xi32, #tpu.memory_space<hbm>> -> memref<16x128xi32, #tpu.memory_space<hbm>>
          %dma_wait3A_94 = arith.constant 0 : i32
          %dma_wait3A_95 = tpu.memref_slice %arg5[%multiple_of3A, %dma_wait3A_94] : memref<2560x128xi32, #tpu.memory_space<hbm>> -> memref<16x128xi32, #tpu.memory_space<hbm>>
          tpu.wait_dma2 semaphore(%run_scoped3A : memref<!tpu.dma_semaphore, #tpu.memory_space<semaphore_mem>>) src(%dma_wait3A_95 : memref<16x128xi32, #tpu.memory_space<hbm>>) dst(%arg10 : memref<16x128xi32, #tpu.memory_space<vmem>>)
          tpu.yield
        }) : () -> ()
        "tpu.region"() ({
          %run_scoped3A = tpu.sem_alloc : memref<!tpu.dma_semaphore, #tpu.memory_space<semaphore_mem>>
          %dma_start3A_89 = tpu.memref_slice %arg6[%add3A_60] : memref<327680xf32, #tpu.memory_space<hbm>> -> memref<2048xf32, #tpu.memory_space<hbm>>
          %dma_start3A_90 = tpu.memref_slice %arg6[%add3A_60] : memref<327680xf32, #tpu.memory_space<hbm>> -> memref<2048xf32, #tpu.memory_space<hbm>>
          tpu.enqueue_dma source(%dma_start3A_90 : memref<2048xf32, #tpu.memory_space<hbm>>) target(%arg11 : memref<2048xf32, #tpu.memory_space<vmem>>) target_semaphore(%run_scoped3A : memref<!tpu.dma_semaphore, #tpu.memory_space<semaphore_mem>>)
          %dma_wait3A = tpu.memref_slice %arg6[%add3A_60] : memref<327680xf32, #tpu.memory_space<hbm>> -> memref<2048xf32, #tpu.memory_space<hbm>>
          %dma_wait3A_91 = tpu.memref_slice %arg6[%add3A_60] : memref<327680xf32, #tpu.memory_space<hbm>> -> memref<2048xf32, #tpu.memory_space<hbm>>
          tpu.wait_dma2 semaphore(%run_scoped3A : memref<!tpu.dma_semaphore, #tpu.memory_space<semaphore_mem>>) src(%dma_wait3A_91 : memref<2048xf32, #tpu.memory_space<hbm>>) dst(%arg11 : memref<2048xf32, #tpu.memory_space<vmem>>)
          tpu.yield
        }) : () -> ()
        %dma_start3A = arith.constant 0 : i32
        %dma_start3A_77 = tpu.memref_slice %arg9[%dma_start3A] : memref<2048xi32, #tpu.memory_space<vmem>> -> memref<128xi32, #tpu.memory_space<vmem>>
        %dma_start3A_78 = arith.constant 0 : i32
        %dma_start3A_79 = arith.constant 0 : i32
        %dma_start3A_80 = tpu.memref_slice %arg3[%dma_start3A_78, %dma_start3A_79] : memref<10000x128xf32, #tpu.memory_space<hbm>> -> memref<10000x128xf32, #tpu.memory_space<hbm>>
        tpu.enqueue_indirect_dma source(%dma_start3A_80 : memref<10000x128xf32, #tpu.memory_space<hbm>>) target(%arg12 : memref<128x128xf32, #tpu.memory_space<vmem>>) offsets(%dma_start3A_77 : memref<128xi32, #tpu.memory_space<vmem>>) semaphore(%arg15 : memref<!tpu.dma_semaphore, #tpu.memory_space<semaphore_mem>>)
        %scan3A_81 = arith.constant 0 : i32
        %scan3A_82 = arith.constant 0 : i32
        %scan3A_83 = arith.constant 8 : i32
        %scan3A_84 = arith.addi %scan3A_82, %scan3A_83 : i32
        %scan3A_85 = arith.constant 1 : i32
        %scan3A_86 = scf.for %scan3A_89 = %scan3A_82 to %scan3A_84 step %scan3A_85 iter_args(%scan3A_90 = %scan3A_81) -> (i32)  : i32 {
          %mul3A_91 = arith.constant 2 : i32
          %mul3A_92 = arith.muli %mul3A_91, %scan3A_89 : i32
          %add3A_93 = arith.constant 0 : i32
          %add3A_94 = arith.addi %mul3A_92, %add3A_93 : i32
          %mul3A_95 = arith.constant 128 : i32
          %mul3A_96 = arith.muli %add3A_94, %mul3A_95 : i32
          %dma_wait3A = tpu.memref_slice %arg9[%mul3A_96] : memref<2048xi32, #tpu.memory_space<vmem>> -> memref<128xi32, #tpu.memory_space<vmem>>
          %dma_wait3A_97 = arith.constant 0 : i32
          %dma_wait3A_98 = arith.constant 0 : i32
          %dma_wait3A_99 = tpu.memref_slice %arg3[%dma_wait3A_97, %dma_wait3A_98] : memref<10000x128xf32, #tpu.memory_space<hbm>> -> memref<10000x128xf32, #tpu.memory_space<hbm>>
          tpu.wait_indirect_dma semaphore(%arg15 : memref<!tpu.dma_semaphore, #tpu.memory_space<semaphore_mem>>) src(%dma_wait3A_99 : memref<10000x128xf32, #tpu.memory_space<hbm>>) dst(%arg12 : memref<128x128xf32, #tpu.memory_space<vmem>>)
          %eq3A_100 = arith.constant 0 : i32
          %eq3A_101 = arith.cmpi eq, %scan3A_89, %eq3A_100 : i32
          %convert_element_type3A_102 = arith.extui %eq3A_101 : i1 to i32
          %cond3A_103 = arith.constant 0 : i32
          %cond3A_104 = arith.cmpi ne, %convert_element_type3A_102, %cond3A_103 : i32
          scf.if %cond3A_104 {
            %add3A_125 = arith.constant 1 : i32
            %add3A_126 = arith.addi %add3A_94, %add3A_125 : i32
            %mul3A_127 = arith.constant 128 : i32
            %mul3A_128 = arith.muli %add3A_126, %mul3A_127 : i32
            %dma_start3A_129 = tpu.memref_slice %arg9[%mul3A_128] : memref<2048xi32, #tpu.memory_space<vmem>> -> memref<128xi32, #tpu.memory_space<vmem>>
            %dma_start3A_130 = arith.constant 0 : i32
            %dma_start3A_131 = arith.constant 0 : i32
            %dma_start3A_132 = tpu.memref_slice %arg3[%dma_start3A_130, %dma_start3A_131] : memref<10000x128xf32, #tpu.memory_space<hbm>> -> memref<10000x128xf32, #tpu.memory_space<hbm>>
            tpu.enqueue_indirect_dma source(%dma_start3A_132 : memref<10000x128xf32, #tpu.memory_space<hbm>>) target(%arg13 : memref<128x128xf32, #tpu.memory_space<vmem>>) offsets(%dma_start3A_129 : memref<128xi32, #tpu.memory_space<vmem>>) semaphore(%arg16 : memref<!tpu.dma_semaphore, #tpu.memory_space<semaphore_mem>>)
          } else {
          }
          %gt3A_105 = arith.constant 0 : i32
          %gt3A_106 = arith.cmpi sgt, %scan3A_89, %gt3A_105 : i32
          %convert_element_type3A_107 = arith.extui %gt3A_106 : i1 to i32
          %cond3A_108 = arith.constant 0 : i32
          %cond3A_109 = arith.cmpi ne, %convert_element_type3A_107, %cond3A_108 : i32
          scf.if %cond3A_109 {
            %add3A_125 = arith.constant 1 : i32
            %add3A_126 = arith.addi %add3A_94, %add3A_125 : i32
            %mul3A_127 = arith.constant 128 : i32
            %mul3A_128 = arith.muli %add3A_126, %mul3A_127 : i32
            %dma_start3A_129 = tpu.memref_slice %arg9[%mul3A_128] : memref<2048xi32, #tpu.memory_space<vmem>> -> memref<128xi32, #tpu.memory_space<vmem>>
            %dma_start3A_130 = arith.constant 0 : i32
            %dma_start3A_131 = arith.constant 0 : i32
            %dma_start3A_132 = tpu.memref_slice %arg3[%dma_start3A_130, %dma_start3A_131] : memref<10000x128xf32, #tpu.memory_space<hbm>> -> memref<10000x128xf32, #tpu.memory_space<hbm>>
            tpu.enqueue_indirect_dma source(%dma_start3A_132 : memref<10000x128xf32, #tpu.memory_space<hbm>>) target(%arg13 : memref<128x128xf32, #tpu.memory_space<vmem>>) offsets(%dma_start3A_129 : memref<128xi32, #tpu.memory_space<vmem>>) semaphore(%arg16 : memref<!tpu.dma_semaphore, #tpu.memory_space<semaphore_mem>>)
          } else {
          }
          %mul3A_110 = arith.constant 2 : i32
          %mul3A_111 = arith.muli %mul3A_110, %scan3A_89 : i32
          %add3A_112 = arith.constant 1 : i32
          %add3A_113 = arith.addi %mul3A_111, %add3A_112 : i32
          %mul3A_114 = arith.constant 128 : i32
          %mul3A_115 = arith.muli %add3A_113, %mul3A_114 : i32
          %dma_wait3A_116 = tpu.memref_slice %arg9[%mul3A_115] : memref<2048xi32, #tpu.memory_space<vmem>> -> memref<128xi32, #tpu.memory_space<vmem>>
          %dma_wait3A_117 = arith.constant 0 : i32
          %dma_wait3A_118 = arith.constant 0 : i32
          %dma_wait3A_119 = tpu.memref_slice %arg3[%dma_wait3A_117, %dma_wait3A_118] : memref<10000x128xf32, #tpu.memory_space<hbm>> -> memref<10000x128xf32, #tpu.memory_space<hbm>>
          tpu.wait_indirect_dma semaphore(%arg16 : memref<!tpu.dma_semaphore, #tpu.memory_space<semaphore_mem>>) src(%dma_wait3A_119 : memref<10000x128xf32, #tpu.memory_space<hbm>>) dst(%arg13 : memref<128x128xf32, #tpu.memory_space<vmem>>)
          %lt3A = arith.constant 7 : i32
          %lt3A_120 = arith.cmpi slt, %scan3A_89, %lt3A : i32
          %convert_element_type3A_121 = arith.extui %lt3A_120 : i1 to i32
          %cond3A_122 = arith.constant 0 : i32
          %cond3A_123 = arith.cmpi ne, %convert_element_type3A_121, %cond3A_122 : i32
          scf.if %cond3A_123 {
            %add3A_125 = arith.constant 1 : i32
            %add3A_126 = arith.addi %add3A_113, %add3A_125 : i32
            %mul3A_127 = arith.constant 128 : i32
            %mul3A_128 = arith.muli %add3A_126, %mul3A_127 : i32
            %dma_start3A_129 = tpu.memref_slice %arg9[%mul3A_128] : memref<2048xi32, #tpu.memory_space<vmem>> -> memref<128xi32, #tpu.memory_space<vmem>>
            %dma_start3A_130 = arith.constant 0 : i32
            %dma_start3A_131 = arith.constant 0 : i32
            %dma_start3A_132 = tpu.memref_slice %arg3[%dma_start3A_130, %dma_start3A_131] : memref<10000x128xf32, #tpu.memory_space<hbm>> -> memref<10000x128xf32, #tpu.memory_space<hbm>>
            tpu.enqueue_indirect_dma source(%dma_start3A_132 : memref<10000x128xf32, #tpu.memory_space<hbm>>) target(%arg12 : memref<128x128xf32, #tpu.memory_space<vmem>>) offsets(%dma_start3A_129 : memref<128xi32, #tpu.memory_space<vmem>>) semaphore(%arg15 : memref<!tpu.dma_semaphore, #tpu.memory_space<semaphore_mem>>)
          } else {
          }
          %scan3A_124 = arith.constant 0 : i32
          scf.yield %scan3A_124 : i32
        }
        %scan3A_87 = arith.constant 8 : i32
        %scan3A_88 = arith.constant 0 : i32
        scf.yield %scan3A_88 : i32
      }
      %scan3A_51 = arith.constant 10 : i32
    } else {
    }
    %barrier3A_34 = arith.constant 0 : index
    tpu.barrier barrier_id(%barrier3A_34)
    %eq3A_35 = arith.constant 0 : i32
    %eq3A_36 = arith.cmpi eq, %arg0, %eq3A_35 : i32
    %convert_element_type3A_37 = arith.extui %eq3A_36 : i1 to i32
    %cond3A_38 = arith.constant 0 : i32
    %cond3A_39 = arith.cmpi ne, %convert_element_type3A_37, %cond3A_38 : i32
    scf.if %cond3A_39 {
      %mul3A_45 = arith.constant 640 : i32
      %mul3A_46 = arith.muli %arg1, %mul3A_45 : i32
      %mul3A_47 = arith.constant 640 : i32
      %mul3A_48 = arith.muli %arg1, %mul3A_47 : i32
      "tpu.region"() ({
        %run_scoped3A = tpu.sem_alloc : memref<!tpu.dma_semaphore, #tpu.memory_space<semaphore_mem>>
        %dma_start3A = arith.constant 0 : i32
        %dma_start3A_49 = tpu.memref_slice %arg7[%mul3A_48, %dma_start3A] : memref<10240x128xf32, #tpu.memory_space<hbm>> -> memref<640x128xf32, #tpu.memory_space<hbm>>
        %dma_start3A_50 = arith.constant 0 : i32
        %dma_start3A_51 = tpu.memref_slice %arg14[%mul3A_46, %dma_start3A_50] : memref<10240x128xf32, #tpu.memory_space<vmem_shared>> -> memref<640x128xf32, #tpu.memory_space<vmem_shared>>
        tpu.enqueue_dma source(%dma_start3A_51 : memref<640x128xf32, #tpu.memory_space<vmem_shared>>) target(%dma_start3A_49 : memref<640x128xf32, #tpu.memory_space<hbm>>) target_semaphore(%run_scoped3A : memref<!tpu.dma_semaphore, #tpu.memory_space<semaphore_mem>>)
        %dma_wait3A = arith.constant 0 : i32
        %dma_wait3A_52 = tpu.memref_slice %arg7[%mul3A_48, %dma_wait3A] : memref<10240x128xf32, #tpu.memory_space<hbm>> -> memref<640x128xf32, #tpu.memory_space<hbm>>
        %dma_wait3A_53 = arith.constant 0 : i32
        %dma_wait3A_54 = tpu.memref_slice %arg14[%mul3A_46, %dma_wait3A_53] : memref<10240x128xf32, #tpu.memory_space<vmem_shared>> -> memref<640x128xf32, #tpu.memory_space<vmem_shared>>
        tpu.wait_dma2 semaphore(%run_scoped3A : memref<!tpu.dma_semaphore, #tpu.memory_space<semaphore_mem>>) src(%dma_wait3A_54 : memref<640x128xf32, #tpu.memory_space<vmem_shared>>) dst(%dma_wait3A_52 : memref<640x128xf32, #tpu.memory_space<hbm>>)
        tpu.yield
      }) : () -> ()
    } else {
    }
    %eq3A_40 = arith.constant 1 : i32
    %eq3A_41 = arith.cmpi eq, %arg0, %eq3A_40 : i32
    %convert_element_type3A_42 = arith.extui %eq3A_41 : i1 to i32
    %cond3A_43 = arith.constant 0 : i32
    %cond3A_44 = arith.cmpi ne, %convert_element_type3A_42, %cond3A_43 : i32
    scf.if %cond3A_44 {
      %mul3A_45 = arith.constant 640 : i32
      %mul3A_46 = arith.muli %arg1, %mul3A_45 : i32
      %mul3A_47 = arith.constant 640 : i32
      %mul3A_48 = arith.muli %arg1, %mul3A_47 : i32
      "tpu.region"() ({
        %run_scoped3A = tpu.sem_alloc : memref<!tpu.dma_semaphore, #tpu.memory_space<semaphore_mem>>
        %dma_start3A = arith.constant 0 : i32
        %dma_start3A_49 = tpu.memref_slice %arg8[%mul3A_48, %dma_start3A] : memref<10240x128xf32, #tpu.memory_space<hbm>> -> memref<640x128xf32, #tpu.memory_space<hbm>>
        %dma_start3A_50 = arith.constant 0 : i32
        %dma_start3A_51 = tpu.memref_slice %arg14[%mul3A_46, %dma_start3A_50] : memref<10240x128xf32, #tpu.memory_space<vmem_shared>> -> memref<640x128xf32, #tpu.memory_space<vmem_shared>>
        tpu.enqueue_dma source(%dma_start3A_51 : memref<640x128xf32, #tpu.memory_space<vmem_shared>>) target(%dma_start3A_49 : memref<640x128xf32, #tpu.memory_space<hbm>>) target_semaphore(%run_scoped3A : memref<!tpu.dma_semaphore, #tpu.memory_space<semaphore_mem>>)
        %dma_wait3A = arith.constant 0 : i32
        %dma_wait3A_52 = tpu.memref_slice %arg8[%mul3A_48, %dma_wait3A] : memref<10240x128xf32, #tpu.memory_space<hbm>> -> memref<640x128xf32, #tpu.memory_space<hbm>>
        %dma_wait3A_53 = arith.constant 0 : i32
        %dma_wait3A_54 = tpu.memref_slice %arg14[%mul3A_46, %dma_wait3A_53] : memref<10240x128xf32, #tpu.memory_space<vmem_shared>> -> memref<640x128xf32, #tpu.memory_space<vmem_shared>>
        tpu.wait_dma2 semaphore(%run_scoped3A : memref<!tpu.dma_semaphore, #tpu.memory_space<semaphore_mem>>) src(%dma_wait3A_54 : memref<640x128xf32, #tpu.memory_space<vmem_shared>>) dst(%dma_wait3A_52 : memref<640x128xf32, #tpu.memory_space<hbm>>)
        tpu.yield
      }) : () -> ()
    } else {
    }
    return
  }
}

#map = affine_map<(d0, d1) -> (0, 0)>
#map1 = affine_map<(d0, d1) -> (0)>
module attributes {stable_mosaic.version = 14 : i64} {
  func.func @_seg_body_feat(%arg0: i32, %arg1: i32, %arg2: memref<10000x128xf32, #tpu.memory_space<hbm>>, %arg3: memref<10000x128xf32, #tpu.memory_space<hbm>>, %arg4: memref<327680xi32, #tpu.memory_space<hbm>>, %arg5: memref<2560x128xi32, #tpu.memory_space<hbm>>, %arg6: memref<327680xf32, #tpu.memory_space<hbm>>, %arg7: memref<10240x128xf32, #tpu.memory_space<hbm>>, %arg8: memref<10240x128xf32, #tpu.memory_space<hbm>>, %arg9: memref<2048xi32, #tpu.memory_space<vmem>>, %arg10: memref<16x128xi32, #tpu.memory_space<vmem>>, %arg11: memref<2048xf32, #tpu.memory_space<vmem>>, %arg12: memref<128x128xf32, #tpu.memory_space<vmem>>, %arg13: memref<128x128xf32, #tpu.memory_space<vmem>>, %arg14: memref<10240x128xf32, #tpu.memory_space<vmem_shared>>, %arg15: memref<!tpu.dma_semaphore, #tpu.memory_space<semaphore_mem>>, %arg16: memref<!tpu.dma_semaphore, #tpu.memory_space<semaphore_mem>>, %arg17: memref<!tpu.dma_semaphore, #tpu.memory_space<semaphore_mem>>, %arg18: memref<!tpu.dma_semaphore, #tpu.memory_space<semaphore_mem>>) attributes {dimension_semantics = [#tpu.dimension_semantics<core_parallel>, #tpu.dimension_semantics<subcore_parallel>], iteration_bounds = array<i64: 2, 16>, scalar_prefetch = 0 : i64, scratch_operands = 10 : i64, tpu.core_type = #tpu.core_type<sc_vector_subcore>, window_params = [{transform_indices = #map}, {transform_indices = #map}, {transform_indices = #map1}, {transform_indices = #map}, {transform_indices = #map1}, {transform_indices = #map}, {transform_indices = #map}]} {
    %broadcast_in_dim3A = arith.constant 0.000000e+00 : f32
    %broadcast_in_dim3A_0 = vector.broadcast %broadcast_in_dim3A : f32 to vector<16xf32>
    %scan3A = arith.constant 0 : i32
    %scan3A_1 = arith.constant 0 : i32
    %scan3A_2 = arith.constant 1024 : i32
    %scan3A_3 = arith.addi %scan3A_1, %scan3A_2 : i32
    %scan3A_4 = arith.constant 1 : i32
    %scan3A_5 = scf.for %scan3A_45 = %scan3A_1 to %scan3A_3 step %scan3A_4 iter_args(%scan3A_46 = %scan3A) -> (i32)  : i32 {
      %jit3A = arith.constant 8 : i32
      %div3A = arith.divsi %scan3A_45, %jit3A : i32
      %sign3A = arith.constant 0 : i32
      %sign3A_47 = arith.cmpi sgt, %scan3A_45, %sign3A : i32
      %sign3A_48 = arith.extui %sign3A_47 : i1 to i32
      %sign3A_49 = arith.constant 0 : i32
      %sign3A_50 = arith.cmpi slt, %scan3A_45, %sign3A_49 : i32
      %sign3A_51 = arith.extui %sign3A_50 : i1 to i32
      %sign3A_52 = arith.subi %sign3A_48, %sign3A_51 : i32
      %sign3A_53 = arith.constant 0 : i32
      %sign3A_54 = arith.cmpi sgt, %jit3A, %sign3A_53 : i32
      %sign3A_55 = arith.extui %sign3A_54 : i1 to i32
      %sign3A_56 = arith.constant 0 : i32
      %sign3A_57 = arith.cmpi slt, %jit3A, %sign3A_56 : i32
      %sign3A_58 = arith.extui %sign3A_57 : i1 to i32
      %sign3A_59 = arith.subi %sign3A_55, %sign3A_58 : i32
      %ne3A = arith.cmpi ne, %sign3A_52, %sign3A_59 : i32
      %rem3A = arith.remsi %scan3A_45, %jit3A : i32
      %ne3A_60 = arith.constant 0 : i32
      %ne3A_61 = arith.cmpi ne, %rem3A, %ne3A_60 : i32
      %and3A = arith.andi %ne3A, %ne3A_61 : i1
      %sub3A = arith.constant 1 : i32
      %sub3A_62 = arith.subi %div3A, %sub3A : i32
      %select_n3A = arith.select %and3A, %sub3A_62, %div3A : i32
      %jit3A_63 = arith.constant 8 : i32
      %eq3A_64 = arith.constant 0 : i32
      %eq3A_65 = arith.cmpi eq, %jit3A_63, %eq3A_64 : i32
      %jit3A_66 = arith.constant 1 : i32
      %select_n3A_67 = arith.select %eq3A_65, %jit3A_66, %jit3A_63 : i32
      %rem3A_68 = arith.remsi %scan3A_45, %select_n3A_67 : i32
      %ne3A_69 = arith.constant 0 : i32
      %ne3A_70 = arith.cmpi ne, %rem3A_68, %ne3A_69 : i32
      %lt3A = arith.constant 0 : i32
      %lt3A_71 = arith.cmpi slt, %rem3A_68, %lt3A : i32
      %lt3A_72 = arith.constant 0 : i32
      %lt3A_73 = arith.cmpi slt, %select_n3A_67, %lt3A_72 : i32
      %ne3A_74 = arith.xori %lt3A_71, %lt3A_73 : i1
      %and3A_75 = arith.andi %ne3A_74, %ne3A_70 : i1
      %add3A_76 = arith.addi %rem3A_68, %select_n3A_67 : i32
      %select_n3A_77 = arith.select %and3A_75, %add3A_76, %rem3A_68 : i32
      %mul3A_78 = arith.constant 16 : i32
      %mul3A_79 = arith.muli %select_n3A_77, %mul3A_78 : i32
      %swap3A = arith.index_cast %select_n3A : i32 to index
      %swap3A_80 = arith.index_cast %mul3A_79 : i32 to index
      %swap3A_81 = tpu.vector_load %arg12[%swap3A, %swap3A_80] {strides = array<i32>} : memref<128x128xf32, #tpu.memory_space<vmem>>, vector<1x16xf32>,
      %swap3A_82 = vector.shape_cast %swap3A_81 : vector<1x16xf32> to vector<16xf32>
      %swap3A_83 = vector.shape_cast %broadcast_in_dim3A_0 : vector<16xf32> to vector<1x16xf32>
      tpu.vector_store %arg12[%swap3A, %swap3A_80], %swap3A_83 {strides = array<i32>} : memref<128x128xf32, #tpu.memory_space<vmem>>, vector<1x16xf32>,
      %scan3A_84 = arith.constant 0 : i32
      scf.yield %scan3A_84 : i32
    }
    %scan3A_6 = arith.constant 1024 : i32
    %mul3A = arith.constant 640 : i32
    %mul3A_7 = arith.muli %arg1, %mul3A : i32
    %add3A = arith.constant 0 : i32
    %add3A_8 = arith.addi %mul3A_7, %add3A : i32
    "tpu.region"() ({
      %run_scoped3A = tpu.sem_alloc : memref<!tpu.dma_semaphore, #tpu.memory_space<semaphore_mem>>
      %dma_start3A = arith.constant 0 : i32
      %dma_start3A_45 = tpu.memref_slice %arg14[%add3A_8, %dma_start3A] : memref<10240x128xf32, #tpu.memory_space<vmem_shared>> -> memref<128x128xf32, #tpu.memory_space<vmem_shared>>
      %dma_start3A_46 = arith.constant 0 : i32
      %dma_start3A_47 = tpu.memref_slice %arg14[%add3A_8, %dma_start3A_46] : memref<10240x128xf32, #tpu.memory_space<vmem_shared>> -> memref<128x128xf32, #tpu.memory_space<vmem_shared>>
      tpu.enqueue_dma source(%arg12 : memref<128x128xf32, #tpu.memory_space<vmem>>) target(%dma_start3A_47 : memref<128x128xf32, #tpu.memory_space<vmem_shared>>) target_semaphore(%run_scoped3A : memref<!tpu.dma_semaphore, #tpu.memory_space<semaphore_mem>>)
      %dma_wait3A = arith.constant 0 : i32
      %dma_wait3A_48 = tpu.memref_slice %arg14[%add3A_8, %dma_wait3A] : memref<10240x128xf32, #tpu.memory_space<vmem_shared>> -> memref<128x128xf32, #tpu.memory_space<vmem_shared>>
      %dma_wait3A_49 = arith.constant 0 : i32
      %dma_wait3A_50 = tpu.memref_slice %arg14[%add3A_8, %dma_wait3A_49] : memref<10240x128xf32, #tpu.memory_space<vmem_shared>> -> memref<128x128xf32, #tpu.memory_space<vmem_shared>>
      tpu.wait_dma2 semaphore(%run_scoped3A : memref<!tpu.dma_semaphore, #tpu.memory_space<semaphore_mem>>) src(%arg12 : memref<128x128xf32, #tpu.memory_space<vmem>>) dst(%dma_wait3A_50 : memref<128x128xf32, #tpu.memory_space<vmem_shared>>)
      tpu.yield
    }) : () -> ()
    %mul3A_9 = arith.constant 640 : i32
    %mul3A_10 = arith.muli %arg1, %mul3A_9 : i32
    %add3A_11 = arith.constant 128 : i32
    %add3A_12 = arith.addi %mul3A_10, %add3A_11 : i32
    "tpu.region"() ({
      %run_scoped3A = tpu.sem_alloc : memref<!tpu.dma_semaphore, #tpu.memory_space<semaphore_mem>>
      %dma_start3A = arith.constant 0 : i32
      %dma_start3A_45 = tpu.memref_slice %arg14[%add3A_12, %dma_start3A] : memref<10240x128xf32, #tpu.memory_space<vmem_shared>> -> memref<128x128xf32, #tpu.memory_space<vmem_shared>>
      %dma_start3A_46 = arith.constant 0 : i32
      %dma_start3A_47 = tpu.memref_slice %arg14[%add3A_12, %dma_start3A_46] : memref<10240x128xf32, #tpu.memory_space<vmem_shared>> -> memref<128x128xf32, #tpu.memory_space<vmem_shared>>
      tpu.enqueue_dma source(%arg12 : memref<128x128xf32, #tpu.memory_space<vmem>>) target(%dma_start3A_47 : memref<128x128xf32, #tpu.memory_space<vmem_shared>>) target_semaphore(%run_scoped3A : memref<!tpu.dma_semaphore, #tpu.memory_space<semaphore_mem>>)
      %dma_wait3A = arith.constant 0 : i32
      %dma_wait3A_48 = tpu.memref_slice %arg14[%add3A_12, %dma_wait3A] : memref<10240x128xf32, #tpu.memory_space<vmem_shared>> -> memref<128x128xf32, #tpu.memory_space<vmem_shared>>
      %dma_wait3A_49 = arith.constant 0 : i32
      %dma_wait3A_50 = tpu.memref_slice %arg14[%add3A_12, %dma_wait3A_49] : memref<10240x128xf32, #tpu.memory_space<vmem_shared>> -> memref<128x128xf32, #tpu.memory_space<vmem_shared>>
      tpu.wait_dma2 semaphore(%run_scoped3A : memref<!tpu.dma_semaphore, #tpu.memory_space<semaphore_mem>>) src(%arg12 : memref<128x128xf32, #tpu.memory_space<vmem>>) dst(%dma_wait3A_50 : memref<128x128xf32, #tpu.memory_space<vmem_shared>>)
      tpu.yield
    }) : () -> ()
    %mul3A_13 = arith.constant 640 : i32
    %mul3A_14 = arith.muli %arg1, %mul3A_13 : i32
    %add3A_15 = arith.constant 256 : i32
    %add3A_16 = arith.addi %mul3A_14, %add3A_15 : i32
    "tpu.region"() ({
      %run_scoped3A = tpu.sem_alloc : memref<!tpu.dma_semaphore, #tpu.memory_space<semaphore_mem>>
      %dma_start3A = arith.constant 0 : i32
      %dma_start3A_45 = tpu.memref_slice %arg14[%add3A_16, %dma_start3A] : memref<10240x128xf32, #tpu.memory_space<vmem_shared>> -> memref<128x128xf32, #tpu.memory_space<vmem_shared>>
      %dma_start3A_46 = arith.constant 0 : i32
      %dma_start3A_47 = tpu.memref_slice %arg14[%add3A_16, %dma_start3A_46] : memref<10240x128xf32, #tpu.memory_space<vmem_shared>> -> memref<128x128xf32, #tpu.memory_space<vmem_shared>>
      tpu.enqueue_dma source(%arg12 : memref<128x128xf32, #tpu.memory_space<vmem>>) target(%dma_start3A_47 : memref<128x128xf32, #tpu.memory_space<vmem_shared>>) target_semaphore(%run_scoped3A : memref<!tpu.dma_semaphore, #tpu.memory_space<semaphore_mem>>)
      %dma_wait3A = arith.constant 0 : i32
      %dma_wait3A_48 = tpu.memref_slice %arg14[%add3A_16, %dma_wait3A] : memref<10240x128xf32, #tpu.memory_space<vmem_shared>> -> memref<128x128xf32, #tpu.memory_space<vmem_shared>>
      %dma_wait3A_49 = arith.constant 0 : i32
      %dma_wait3A_50 = tpu.memref_slice %arg14[%add3A_16, %dma_wait3A_49] : memref<10240x128xf32, #tpu.memory_space<vmem_shared>> -> memref<128x128xf32, #tpu.memory_space<vmem_shared>>
      tpu.wait_dma2 semaphore(%run_scoped3A : memref<!tpu.dma_semaphore, #tpu.memory_space<semaphore_mem>>) src(%arg12 : memref<128x128xf32, #tpu.memory_space<vmem>>) dst(%dma_wait3A_50 : memref<128x128xf32, #tpu.memory_space<vmem_shared>>)
      tpu.yield
    }) : () -> ()
    %mul3A_17 = arith.constant 640 : i32
    %mul3A_18 = arith.muli %arg1, %mul3A_17 : i32
    %add3A_19 = arith.constant 384 : i32
    %add3A_20 = arith.addi %mul3A_18, %add3A_19 : i32
    "tpu.region"() ({
      %run_scoped3A = tpu.sem_alloc : memref<!tpu.dma_semaphore, #tpu.memory_space<semaphore_mem>>
      %dma_start3A = arith.constant 0 : i32
      %dma_start3A_45 = tpu.memref_slice %arg14[%add3A_20, %dma_start3A] : memref<10240x128xf32, #tpu.memory_space<vmem_shared>> -> memref<128x128xf32, #tpu.memory_space<vmem_shared>>
      %dma_start3A_46 = arith.constant 0 : i32
      %dma_start3A_47 = tpu.memref_slice %arg14[%add3A_20, %dma_start3A_46] : memref<10240x128xf32, #tpu.memory_space<vmem_shared>> -> memref<128x128xf32, #tpu.memory_space<vmem_shared>>
      tpu.enqueue_dma source(%arg12 : memref<128x128xf32, #tpu.memory_space<vmem>>) target(%dma_start3A_47 : memref<128x128xf32, #tpu.memory_space<vmem_shared>>) target_semaphore(%run_scoped3A : memref<!tpu.dma_semaphore, #tpu.memory_space<semaphore_mem>>)
      %dma_wait3A = arith.constant 0 : i32
      %dma_wait3A_48 = tpu.memref_slice %arg14[%add3A_20, %dma_wait3A] : memref<10240x128xf32, #tpu.memory_space<vmem_shared>> -> memref<128x128xf32, #tpu.memory_space<vmem_shared>>
      %dma_wait3A_49 = arith.constant 0 : i32
      %dma_wait3A_50 = tpu.memref_slice %arg14[%add3A_20, %dma_wait3A_49] : memref<10240x128xf32, #tpu.memory_space<vmem_shared>> -> memref<128x128xf32, #tpu.memory_space<vmem_shared>>
      tpu.wait_dma2 semaphore(%run_scoped3A : memref<!tpu.dma_semaphore, #tpu.memory_space<semaphore_mem>>) src(%arg12 : memref<128x128xf32, #tpu.memory_space<vmem>>) dst(%dma_wait3A_50 : memref<128x128xf32, #tpu.memory_space<vmem_shared>>)
      tpu.yield
    }) : () -> ()
    %mul3A_21 = arith.constant 640 : i32
    %mul3A_22 = arith.muli %arg1, %mul3A_21 : i32
    %add3A_23 = arith.constant 512 : i32
    %add3A_24 = arith.addi %mul3A_22, %add3A_23 : i32
    "tpu.region"() ({
      %run_scoped3A = tpu.sem_alloc : memref<!tpu.dma_semaphore, #tpu.memory_space<semaphore_mem>>
      %dma_start3A = arith.constant 0 : i32
      %dma_start3A_45 = tpu.memref_slice %arg14[%add3A_24, %dma_start3A] : memref<10240x128xf32, #tpu.memory_space<vmem_shared>> -> memref<128x128xf32, #tpu.memory_space<vmem_shared>>
      %dma_start3A_46 = arith.constant 0 : i32
      %dma_start3A_47 = tpu.memref_slice %arg14[%add3A_24, %dma_start3A_46] : memref<10240x128xf32, #tpu.memory_space<vmem_shared>> -> memref<128x128xf32, #tpu.memory_space<vmem_shared>>
      tpu.enqueue_dma source(%arg12 : memref<128x128xf32, #tpu.memory_space<vmem>>) target(%dma_start3A_47 : memref<128x128xf32, #tpu.memory_space<vmem_shared>>) target_semaphore(%run_scoped3A : memref<!tpu.dma_semaphore, #tpu.memory_space<semaphore_mem>>)
      %dma_wait3A = arith.constant 0 : i32
      %dma_wait3A_48 = tpu.memref_slice %arg14[%add3A_24, %dma_wait3A] : memref<10240x128xf32, #tpu.memory_space<vmem_shared>> -> memref<128x128xf32, #tpu.memory_space<vmem_shared>>
      %dma_wait3A_49 = arith.constant 0 : i32
      %dma_wait3A_50 = tpu.memref_slice %arg14[%add3A_24, %dma_wait3A_49] : memref<10240x128xf32, #tpu.memory_space<vmem_shared>> -> memref<128x128xf32, #tpu.memory_space<vmem_shared>>
      tpu.wait_dma2 semaphore(%run_scoped3A : memref<!tpu.dma_semaphore, #tpu.memory_space<semaphore_mem>>) src(%arg12 : memref<128x128xf32, #tpu.memory_space<vmem>>) dst(%dma_wait3A_50 : memref<128x128xf32, #tpu.memory_space<vmem_shared>>)
      tpu.yield
    }) : () -> ()
    %barrier3A = arith.constant 0 : index
    tpu.barrier barrier_id(%barrier3A)
    %mul3A_25 = arith.constant 20480 : i32
    %mul3A_26 = arith.muli %arg1, %mul3A_25 : i32
    %eq3A = arith.constant 0 : i32
    %eq3A_27 = arith.cmpi eq, %arg0, %eq3A : i32
    %convert_element_type3A = arith.extui %eq3A_27 : i1 to i32
    %cond3A = arith.constant 0 : i32
    %cond3A_28 = arith.cmpi ne, %convert_element_type3A, %cond3A : i32
    scf.if %cond3A_28 {
      %scan3A_45 = arith.constant 0 : i32
      %scan3A_46 = arith.constant 0 : i32
      %scan3A_47 = arith.constant 10 : i32
      %scan3A_48 = arith.addi %scan3A_46, %scan3A_47 : i32
      %scan3A_49 = arith.constant 1 : i32
      %scan3A_50 = scf.for %scan3A_52 = %scan3A_46 to %scan3A_48 step %scan3A_49 iter_args(%scan3A_53 = %scan3A_45) -> (i32)  : i32 {
        %gt3A = arith.constant 0 : i32
        %gt3A_54 = arith.cmpi sgt, %scan3A_52, %gt3A : i32
        %convert_element_type3A_55 = arith.extui %gt3A_54 : i1 to i32
        %cond3A_56 = arith.constant 0 : i32
        %cond3A_57 = arith.cmpi ne, %convert_element_type3A_55, %cond3A_56 : i32
        scf.if %cond3A_57 {
        } else {
        }
        %mul3A_58 = arith.constant 2048 : i32
        %mul3A_59 = arith.muli %scan3A_52, %mul3A_58 : i32
        %add3A_60 = arith.addi %mul3A_26, %mul3A_59 : i32
        "tpu.region"() ({
          %run_scoped3A = tpu.sem_alloc : memref<!tpu.dma_semaphore, #tpu.memory_space<semaphore_mem>>
          %dma_start3A_89 = tpu.memref_slice %arg4[%add3A_60] : memref<327680xi32, #tpu.memory_space<hbm>> -> memref<2048xi32, #tpu.memory_space<hbm>>
          %dma_start3A_90 = tpu.memref_slice %arg4[%add3A_60] : memref<327680xi32, #tpu.memory_space<hbm>> -> memref<2048xi32, #tpu.memory_space<hbm>>
          tpu.enqueue_dma source(%dma_start3A_90 : memref<2048xi32, #tpu.memory_space<hbm>>) target(%arg9 : memref<2048xi32, #tpu.memory_space<vmem>>) target_semaphore(%run_scoped3A : memref<!tpu.dma_semaphore, #tpu.memory_space<semaphore_mem>>)
          %dma_wait3A = tpu.memref_slice %arg4[%add3A_60] : memref<327680xi32, #tpu.memory_space<hbm>> -> memref<2048xi32, #tpu.memory_space<hbm>>
          %dma_wait3A_91 = tpu.memref_slice %arg4[%add3A_60] : memref<327680xi32, #tpu.memory_space<hbm>> -> memref<2048xi32, #tpu.memory_space<hbm>>
          tpu.wait_dma2 semaphore(%run_scoped3A : memref<!tpu.dma_semaphore, #tpu.memory_space<semaphore_mem>>) src(%dma_wait3A_91 : memref<2048xi32, #tpu.memory_space<hbm>>) dst(%arg9 : memref<2048xi32, #tpu.memory_space<vmem>>)
          tpu.yield
        }) : () -> ()
        %jit3A = arith.constant 128 : i32
        %div3A = arith.divsi %add3A_60, %jit3A : i32
        %sign3A = arith.constant 0 : i32
        %sign3A_61 = arith.cmpi sgt, %add3A_60, %sign3A : i32
        %sign3A_62 = arith.extui %sign3A_61 : i1 to i32
        %sign3A_63 = arith.constant 0 : i32
        %sign3A_64 = arith.cmpi slt, %add3A_60, %sign3A_63 : i32
        %sign3A_65 = arith.extui %sign3A_64 : i1 to i32
        %sign3A_66 = arith.subi %sign3A_62, %sign3A_65 : i32
        %sign3A_67 = arith.constant 0 : i32
        %sign3A_68 = arith.cmpi sgt, %jit3A, %sign3A_67 : i32
        %sign3A_69 = arith.extui %sign3A_68 : i1 to i32
        %sign3A_70 = arith.constant 0 : i32
        %sign3A_71 = arith.cmpi slt, %jit3A, %sign3A_70 : i32
        %sign3A_72 = arith.extui %sign3A_71 : i1 to i32
        %sign3A_73 = arith.subi %sign3A_69, %sign3A_72 : i32
        %ne3A = arith.cmpi ne, %sign3A_66, %sign3A_73 : i32
        %rem3A = arith.remsi %add3A_60, %jit3A : i32
        %ne3A_74 = arith.constant 0 : i32
        %ne3A_75 = arith.cmpi ne, %rem3A, %ne3A_74 : i32
        %and3A = arith.andi %ne3A, %ne3A_75 : i1
        %sub3A = arith.constant 1 : i32
        %sub3A_76 = arith.subi %div3A, %sub3A : i32
        %select_n3A = arith.select %and3A, %sub3A_76, %div3A : i32
        %multiple_of3A = tpu.assume_multiple %select_n3A, 8 : i32
        "tpu.region"() ({
          %run_scoped3A = tpu.sem_alloc : memref<!tpu.dma_semaphore, #tpu.memory_space<semaphore_mem>>
          %dma_start3A_89 = arith.constant 0 : i32
          %dma_start3A_90 = tpu.memref_slice %arg5[%multiple_of3A, %dma_start3A_89] : memref<2560x128xi32, #tpu.memory_space<hbm>> -> memref<16x128xi32, #tpu.memory_space<hbm>>
          %dma_start3A_91 = arith.constant 0 : i32
          %dma_start3A_92 = tpu.memref_slice %arg5[%multiple_of3A, %dma_start3A_91] : memref<2560x128xi32, #tpu.memory_space<hbm>> -> memref<16x128xi32, #tpu.memory_space<hbm>>
          tpu.enqueue_dma source(%dma_start3A_92 : memref<16x128xi32, #tpu.memory_space<hbm>>) target(%arg10 : memref<16x128xi32, #tpu.memory_space<vmem>>) target_semaphore(%run_scoped3A : memref<!tpu.dma_semaphore, #tpu.memory_space<semaphore_mem>>)
          %dma_wait3A = arith.constant 0 : i32
          %dma_wait3A_93 = tpu.memref_slice %arg5[%multiple_of3A, %dma_wait3A] : memref<2560x128xi32, #tpu.memory_space<hbm>> -> memref<16x128xi32, #tpu.memory_space<hbm>>
          %dma_wait3A_94 = arith.constant 0 : i32
          %dma_wait3A_95 = tpu.memref_slice %arg5[%multiple_of3A, %dma_wait3A_94] : memref<2560x128xi32, #tpu.memory_space<hbm>> -> memref<16x128xi32, #tpu.memory_space<hbm>>
          tpu.wait_dma2 semaphore(%run_scoped3A : memref<!tpu.dma_semaphore, #tpu.memory_space<semaphore_mem>>) src(%dma_wait3A_95 : memref<16x128xi32, #tpu.memory_space<hbm>>) dst(%arg10 : memref<16x128xi32, #tpu.memory_space<vmem>>)
          tpu.yield
        }) : () -> ()
        "tpu.region"() ({
          %run_scoped3A = tpu.sem_alloc : memref<!tpu.dma_semaphore, #tpu.memory_space<semaphore_mem>>
          %dma_start3A_89 = tpu.memref_slice %arg6[%add3A_60] : memref<327680xf32, #tpu.memory_space<hbm>> -> memref<2048xf32, #tpu.memory_space<hbm>>
          %dma_start3A_90 = tpu.memref_slice %arg6[%add3A_60] : memref<327680xf32, #tpu.memory_space<hbm>> -> memref<2048xf32, #tpu.memory_space<hbm>>
          tpu.enqueue_dma source(%dma_start3A_90 : memref<2048xf32, #tpu.memory_space<hbm>>) target(%arg11 : memref<2048xf32, #tpu.memory_space<vmem>>) target_semaphore(%run_scoped3A : memref<!tpu.dma_semaphore, #tpu.memory_space<semaphore_mem>>)
          %dma_wait3A = tpu.memref_slice %arg6[%add3A_60] : memref<327680xf32, #tpu.memory_space<hbm>> -> memref<2048xf32, #tpu.memory_space<hbm>>
          %dma_wait3A_91 = tpu.memref_slice %arg6[%add3A_60] : memref<327680xf32, #tpu.memory_space<hbm>> -> memref<2048xf32, #tpu.memory_space<hbm>>
          tpu.wait_dma2 semaphore(%run_scoped3A : memref<!tpu.dma_semaphore, #tpu.memory_space<semaphore_mem>>) src(%dma_wait3A_91 : memref<2048xf32, #tpu.memory_space<hbm>>) dst(%arg11 : memref<2048xf32, #tpu.memory_space<vmem>>)
          tpu.yield
        }) : () -> ()
        %dma_start3A = arith.constant 0 : i32
        %dma_start3A_77 = tpu.memref_slice %arg9[%dma_start3A] : memref<2048xi32, #tpu.memory_space<vmem>> -> memref<128xi32, #tpu.memory_space<vmem>>
        %dma_start3A_78 = arith.constant 0 : i32
        %dma_start3A_79 = arith.constant 0 : i32
        %dma_start3A_80 = tpu.memref_slice %arg2[%dma_start3A_78, %dma_start3A_79] : memref<10000x128xf32, #tpu.memory_space<hbm>> -> memref<10000x128xf32, #tpu.memory_space<hbm>>
        tpu.enqueue_indirect_dma source(%dma_start3A_80 : memref<10000x128xf32, #tpu.memory_space<hbm>>) target(%arg12 : memref<128x128xf32, #tpu.memory_space<vmem>>) offsets(%dma_start3A_77 : memref<128xi32, #tpu.memory_space<vmem>>) semaphore(%arg15 : memref<!tpu.dma_semaphore, #tpu.memory_space<semaphore_mem>>)
        %scan3A_81 = arith.constant 0 : i32
        %scan3A_82 = arith.constant 0 : i32
        %scan3A_83 = arith.constant 8 : i32
        %scan3A_84 = arith.addi %scan3A_82, %scan3A_83 : i32
        %scan3A_85 = arith.constant 1 : i32
        %scan3A_86 = scf.for %scan3A_89 = %scan3A_82 to %scan3A_84 step %scan3A_85 iter_args(%scan3A_90 = %scan3A_81) -> (i32)  : i32 {
          %mul3A_91 = arith.constant 2 : i32
          %mul3A_92 = arith.muli %mul3A_91, %scan3A_89 : i32
          %add3A_93 = arith.constant 0 : i32
          %add3A_94 = arith.addi %mul3A_92, %add3A_93 : i32
          %mul3A_95 = arith.constant 128 : i32
          %mul3A_96 = arith.muli %add3A_94, %mul3A_95 : i32
          %dma_wait3A = tpu.memref_slice %arg9[%mul3A_96] : memref<2048xi32, #tpu.memory_space<vmem>> -> memref<128xi32, #tpu.memory_space<vmem>>
          %dma_wait3A_97 = arith.constant 0 : i32
          %dma_wait3A_98 = arith.constant 0 : i32
          %dma_wait3A_99 = tpu.memref_slice %arg2[%dma_wait3A_97, %dma_wait3A_98] : memref<10000x128xf32, #tpu.memory_space<hbm>> -> memref<10000x128xf32, #tpu.memory_space<hbm>>
          tpu.wait_indirect_dma semaphore(%arg15 : memref<!tpu.dma_semaphore, #tpu.memory_space<semaphore_mem>>) src(%dma_wait3A_99 : memref<10000x128xf32, #tpu.memory_space<hbm>>) dst(%arg12 : memref<128x128xf32, #tpu.memory_space<vmem>>)
          %eq3A_100 = arith.constant 0 : i32
          %eq3A_101 = arith.cmpi eq, %scan3A_89, %eq3A_100 : i32
          %convert_element_type3A_102 = arith.extui %eq3A_101 : i1 to i32
          %cond3A_103 = arith.constant 0 : i32
          %cond3A_104 = arith.cmpi ne, %convert_element_type3A_102, %cond3A_103 : i32
          scf.if %cond3A_104 {
            %add3A_125 = arith.constant 1 : i32
            %add3A_126 = arith.addi %add3A_94, %add3A_125 : i32
            %mul3A_127 = arith.constant 128 : i32
            %mul3A_128 = arith.muli %add3A_126, %mul3A_127 : i32
            %dma_start3A_129 = tpu.memref_slice %arg9[%mul3A_128] : memref<2048xi32, #tpu.memory_space<vmem>> -> memref<128xi32, #tpu.memory_space<vmem>>
            %dma_start3A_130 = arith.constant 0 : i32
            %dma_start3A_131 = arith.constant 0 : i32
            %dma_start3A_132 = tpu.memref_slice %arg2[%dma_start3A_130, %dma_start3A_131] : memref<10000x128xf32, #tpu.memory_space<hbm>> -> memref<10000x128xf32, #tpu.memory_space<hbm>>
            tpu.enqueue_indirect_dma source(%dma_start3A_132 : memref<10000x128xf32, #tpu.memory_space<hbm>>) target(%arg13 : memref<128x128xf32, #tpu.memory_space<vmem>>) offsets(%dma_start3A_129 : memref<128xi32, #tpu.memory_space<vmem>>) semaphore(%arg16 : memref<!tpu.dma_semaphore, #tpu.memory_space<semaphore_mem>>)
          } else {
          }
          %gt3A_105 = arith.constant 0 : i32
          %gt3A_106 = arith.cmpi sgt, %scan3A_89, %gt3A_105 : i32
          %convert_element_type3A_107 = arith.extui %gt3A_106 : i1 to i32
          %cond3A_108 = arith.constant 0 : i32
          %cond3A_109 = arith.cmpi ne, %convert_element_type3A_107, %cond3A_108 : i32
          scf.if %cond3A_109 {
            %add3A_125 = arith.constant 1 : i32
            %add3A_126 = arith.addi %add3A_94, %add3A_125 : i32
            %mul3A_127 = arith.constant 128 : i32
            %mul3A_128 = arith.muli %add3A_126, %mul3A_127 : i32
            %dma_start3A_129 = tpu.memref_slice %arg9[%mul3A_128] : memref<2048xi32, #tpu.memory_space<vmem>> -> memref<128xi32, #tpu.memory_space<vmem>>
            %dma_start3A_130 = arith.constant 0 : i32
            %dma_start3A_131 = arith.constant 0 : i32
            %dma_start3A_132 = tpu.memref_slice %arg2[%dma_start3A_130, %dma_start3A_131] : memref<10000x128xf32, #tpu.memory_space<hbm>> -> memref<10000x128xf32, #tpu.memory_space<hbm>>
            tpu.enqueue_indirect_dma source(%dma_start3A_132 : memref<10000x128xf32, #tpu.memory_space<hbm>>) target(%arg13 : memref<128x128xf32, #tpu.memory_space<vmem>>) offsets(%dma_start3A_129 : memref<128xi32, #tpu.memory_space<vmem>>) semaphore(%arg16 : memref<!tpu.dma_semaphore, #tpu.memory_space<semaphore_mem>>)
          } else {
          }
          %mul3A_110 = arith.constant 2 : i32
          %mul3A_111 = arith.muli %mul3A_110, %scan3A_89 : i32
          %add3A_112 = arith.constant 1 : i32
          %add3A_113 = arith.addi %mul3A_111, %add3A_112 : i32
          %mul3A_114 = arith.constant 128 : i32
          %mul3A_115 = arith.muli %add3A_113, %mul3A_114 : i32
          %dma_wait3A_116 = tpu.memref_slice %arg9[%mul3A_115] : memref<2048xi32, #tpu.memory_space<vmem>> -> memref<128xi32, #tpu.memory_space<vmem>>
          %dma_wait3A_117 = arith.constant 0 : i32
          %dma_wait3A_118 = arith.constant 0 : i32
          %dma_wait3A_119 = tpu.memref_slice %arg2[%dma_wait3A_117, %dma_wait3A_118] : memref<10000x128xf32, #tpu.memory_space<hbm>> -> memref<10000x128xf32, #tpu.memory_space<hbm>>
          tpu.wait_indirect_dma semaphore(%arg16 : memref<!tpu.dma_semaphore, #tpu.memory_space<semaphore_mem>>) src(%dma_wait3A_119 : memref<10000x128xf32, #tpu.memory_space<hbm>>) dst(%arg13 : memref<128x128xf32, #tpu.memory_space<vmem>>)
          %lt3A = arith.constant 7 : i32
          %lt3A_120 = arith.cmpi slt, %scan3A_89, %lt3A : i32
          %convert_element_type3A_121 = arith.extui %lt3A_120 : i1 to i32
          %cond3A_122 = arith.constant 0 : i32
          %cond3A_123 = arith.cmpi ne, %convert_element_type3A_121, %cond3A_122 : i32
          scf.if %cond3A_123 {
            %add3A_125 = arith.constant 1 : i32
            %add3A_126 = arith.addi %add3A_113, %add3A_125 : i32
            %mul3A_127 = arith.constant 128 : i32
            %mul3A_128 = arith.muli %add3A_126, %mul3A_127 : i32
            %dma_start3A_129 = tpu.memref_slice %arg9[%mul3A_128] : memref<2048xi32, #tpu.memory_space<vmem>> -> memref<128xi32, #tpu.memory_space<vmem>>
            %dma_start3A_130 = arith.constant 0 : i32
            %dma_start3A_131 = arith.constant 0 : i32
            %dma_start3A_132 = tpu.memref_slice %arg2[%dma_start3A_130, %dma_start3A_131] : memref<10000x128xf32, #tpu.memory_space<hbm>> -> memref<10000x128xf32, #tpu.memory_space<hbm>>
            tpu.enqueue_indirect_dma source(%dma_start3A_132 : memref<10000x128xf32, #tpu.memory_space<hbm>>) target(%arg12 : memref<128x128xf32, #tpu.memory_space<vmem>>) offsets(%dma_start3A_129 : memref<128xi32, #tpu.memory_space<vmem>>) semaphore(%arg15 : memref<!tpu.dma_semaphore, #tpu.memory_space<semaphore_mem>>)
          } else {
          }
          %scan3A_124 = arith.constant 0 : i32
          scf.yield %scan3A_124 : i32
        }
        %scan3A_87 = arith.constant 8 : i32
        %scan3A_88 = arith.constant 0 : i32
        scf.yield %scan3A_88 : i32
      }
      %scan3A_51 = arith.constant 10 : i32
    } else {
    }
    %eq3A_29 = arith.constant 1 : i32
    %eq3A_30 = arith.cmpi eq, %arg0, %eq3A_29 : i32
    %convert_element_type3A_31 = arith.extui %eq3A_30 : i1 to i32
    %cond3A_32 = arith.constant 0 : i32
    %cond3A_33 = arith.cmpi ne, %convert_element_type3A_31, %cond3A_32 : i32
    scf.if %cond3A_33 {
      %scan3A_45 = arith.constant 0 : i32
      %scan3A_46 = arith.constant 0 : i32
      %scan3A_47 = arith.constant 10 : i32
      %scan3A_48 = arith.addi %scan3A_46, %scan3A_47 : i32
      %scan3A_49 = arith.constant 1 : i32
      %scan3A_50 = scf.for %scan3A_52 = %scan3A_46 to %scan3A_48 step %scan3A_49 iter_args(%scan3A_53 = %scan3A_45) -> (i32)  : i32 {
        %gt3A = arith.constant 0 : i32
        %gt3A_54 = arith.cmpi sgt, %scan3A_52, %gt3A : i32
        %convert_element_type3A_55 = arith.extui %gt3A_54 : i1 to i32
        %cond3A_56 = arith.constant 0 : i32
        %cond3A_57 = arith.cmpi ne, %convert_element_type3A_55, %cond3A_56 : i32
        scf.if %cond3A_57 {
        } else {
        }
        %mul3A_58 = arith.constant 2048 : i32
        %mul3A_59 = arith.muli %scan3A_52, %mul3A_58 : i32
        %add3A_60 = arith.addi %mul3A_26, %mul3A_59 : i32
        "tpu.region"() ({
          %run_scoped3A = tpu.sem_alloc : memref<!tpu.dma_semaphore, #tpu.memory_space<semaphore_mem>>
          %dma_start3A_89 = tpu.memref_slice %arg4[%add3A_60] : memref<327680xi32, #tpu.memory_space<hbm>> -> memref<2048xi32, #tpu.memory_space<hbm>>
          %dma_start3A_90 = tpu.memref_slice %arg4[%add3A_60] : memref<327680xi32, #tpu.memory_space<hbm>> -> memref<2048xi32, #tpu.memory_space<hbm>>
          tpu.enqueue_dma source(%dma_start3A_90 : memref<2048xi32, #tpu.memory_space<hbm>>) target(%arg9 : memref<2048xi32, #tpu.memory_space<vmem>>) target_semaphore(%run_scoped3A : memref<!tpu.dma_semaphore, #tpu.memory_space<semaphore_mem>>)
          %dma_wait3A = tpu.memref_slice %arg4[%add3A_60] : memref<327680xi32, #tpu.memory_space<hbm>> -> memref<2048xi32, #tpu.memory_space<hbm>>
          %dma_wait3A_91 = tpu.memref_slice %arg4[%add3A_60] : memref<327680xi32, #tpu.memory_space<hbm>> -> memref<2048xi32, #tpu.memory_space<hbm>>
          tpu.wait_dma2 semaphore(%run_scoped3A : memref<!tpu.dma_semaphore, #tpu.memory_space<semaphore_mem>>) src(%dma_wait3A_91 : memref<2048xi32, #tpu.memory_space<hbm>>) dst(%arg9 : memref<2048xi32, #tpu.memory_space<vmem>>)
          tpu.yield
        }) : () -> ()
        %jit3A = arith.constant 128 : i32
        %div3A = arith.divsi %add3A_60, %jit3A : i32
        %sign3A = arith.constant 0 : i32
        %sign3A_61 = arith.cmpi sgt, %add3A_60, %sign3A : i32
        %sign3A_62 = arith.extui %sign3A_61 : i1 to i32
        %sign3A_63 = arith.constant 0 : i32
        %sign3A_64 = arith.cmpi slt, %add3A_60, %sign3A_63 : i32
        %sign3A_65 = arith.extui %sign3A_64 : i1 to i32
        %sign3A_66 = arith.subi %sign3A_62, %sign3A_65 : i32
        %sign3A_67 = arith.constant 0 : i32
        %sign3A_68 = arith.cmpi sgt, %jit3A, %sign3A_67 : i32
        %sign3A_69 = arith.extui %sign3A_68 : i1 to i32
        %sign3A_70 = arith.constant 0 : i32
        %sign3A_71 = arith.cmpi slt, %jit3A, %sign3A_70 : i32
        %sign3A_72 = arith.extui %sign3A_71 : i1 to i32
        %sign3A_73 = arith.subi %sign3A_69, %sign3A_72 : i32
        %ne3A = arith.cmpi ne, %sign3A_66, %sign3A_73 : i32
        %rem3A = arith.remsi %add3A_60, %jit3A : i32
        %ne3A_74 = arith.constant 0 : i32
        %ne3A_75 = arith.cmpi ne, %rem3A, %ne3A_74 : i32
        %and3A = arith.andi %ne3A, %ne3A_75 : i1
        %sub3A = arith.constant 1 : i32
        %sub3A_76 = arith.subi %div3A, %sub3A : i32
        %select_n3A = arith.select %and3A, %sub3A_76, %div3A : i32
        %multiple_of3A = tpu.assume_multiple %select_n3A, 8 : i32
        "tpu.region"() ({
          %run_scoped3A = tpu.sem_alloc : memref<!tpu.dma_semaphore, #tpu.memory_space<semaphore_mem>>
          %dma_start3A_89 = arith.constant 0 : i32
          %dma_start3A_90 = tpu.memref_slice %arg5[%multiple_of3A, %dma_start3A_89] : memref<2560x128xi32, #tpu.memory_space<hbm>> -> memref<16x128xi32, #tpu.memory_space<hbm>>
          %dma_start3A_91 = arith.constant 0 : i32
          %dma_start3A_92 = tpu.memref_slice %arg5[%multiple_of3A, %dma_start3A_91] : memref<2560x128xi32, #tpu.memory_space<hbm>> -> memref<16x128xi32, #tpu.memory_space<hbm>>
          tpu.enqueue_dma source(%dma_start3A_92 : memref<16x128xi32, #tpu.memory_space<hbm>>) target(%arg10 : memref<16x128xi32, #tpu.memory_space<vmem>>) target_semaphore(%run_scoped3A : memref<!tpu.dma_semaphore, #tpu.memory_space<semaphore_mem>>)
          %dma_wait3A = arith.constant 0 : i32
          %dma_wait3A_93 = tpu.memref_slice %arg5[%multiple_of3A, %dma_wait3A] : memref<2560x128xi32, #tpu.memory_space<hbm>> -> memref<16x128xi32, #tpu.memory_space<hbm>>
          %dma_wait3A_94 = arith.constant 0 : i32
          %dma_wait3A_95 = tpu.memref_slice %arg5[%multiple_of3A, %dma_wait3A_94] : memref<2560x128xi32, #tpu.memory_space<hbm>> -> memref<16x128xi32, #tpu.memory_space<hbm>>
          tpu.wait_dma2 semaphore(%run_scoped3A : memref<!tpu.dma_semaphore, #tpu.memory_space<semaphore_mem>>) src(%dma_wait3A_95 : memref<16x128xi32, #tpu.memory_space<hbm>>) dst(%arg10 : memref<16x128xi32, #tpu.memory_space<vmem>>)
          tpu.yield
        }) : () -> ()
        "tpu.region"() ({
          %run_scoped3A = tpu.sem_alloc : memref<!tpu.dma_semaphore, #tpu.memory_space<semaphore_mem>>
          %dma_start3A_89 = tpu.memref_slice %arg6[%add3A_60] : memref<327680xf32, #tpu.memory_space<hbm>> -> memref<2048xf32, #tpu.memory_space<hbm>>
          %dma_start3A_90 = tpu.memref_slice %arg6[%add3A_60] : memref<327680xf32, #tpu.memory_space<hbm>> -> memref<2048xf32, #tpu.memory_space<hbm>>
          tpu.enqueue_dma source(%dma_start3A_90 : memref<2048xf32, #tpu.memory_space<hbm>>) target(%arg11 : memref<2048xf32, #tpu.memory_space<vmem>>) target_semaphore(%run_scoped3A : memref<!tpu.dma_semaphore, #tpu.memory_space<semaphore_mem>>)
          %dma_wait3A = tpu.memref_slice %arg6[%add3A_60] : memref<327680xf32, #tpu.memory_space<hbm>> -> memref<2048xf32, #tpu.memory_space<hbm>>
          %dma_wait3A_91 = tpu.memref_slice %arg6[%add3A_60] : memref<327680xf32, #tpu.memory_space<hbm>> -> memref<2048xf32, #tpu.memory_space<hbm>>
          tpu.wait_dma2 semaphore(%run_scoped3A : memref<!tpu.dma_semaphore, #tpu.memory_space<semaphore_mem>>) src(%dma_wait3A_91 : memref<2048xf32, #tpu.memory_space<hbm>>) dst(%arg11 : memref<2048xf32, #tpu.memory_space<vmem>>)
          tpu.yield
        }) : () -> ()
        %dma_start3A = arith.constant 0 : i32
        %dma_start3A_77 = tpu.memref_slice %arg9[%dma_start3A] : memref<2048xi32, #tpu.memory_space<vmem>> -> memref<128xi32, #tpu.memory_space<vmem>>
        %dma_start3A_78 = arith.constant 0 : i32
        %dma_start3A_79 = arith.constant 0 : i32
        %dma_start3A_80 = tpu.memref_slice %arg3[%dma_start3A_78, %dma_start3A_79] : memref<10000x128xf32, #tpu.memory_space<hbm>> -> memref<10000x128xf32, #tpu.memory_space<hbm>>
        tpu.enqueue_indirect_dma source(%dma_start3A_80 : memref<10000x128xf32, #tpu.memory_space<hbm>>) target(%arg12 : memref<128x128xf32, #tpu.memory_space<vmem>>) offsets(%dma_start3A_77 : memref<128xi32, #tpu.memory_space<vmem>>) semaphore(%arg15 : memref<!tpu.dma_semaphore, #tpu.memory_space<semaphore_mem>>)
        %scan3A_81 = arith.constant 0 : i32
        %scan3A_82 = arith.constant 0 : i32
        %scan3A_83 = arith.constant 8 : i32
        %scan3A_84 = arith.addi %scan3A_82, %scan3A_83 : i32
        %scan3A_85 = arith.constant 1 : i32
        %scan3A_86 = scf.for %scan3A_89 = %scan3A_82 to %scan3A_84 step %scan3A_85 iter_args(%scan3A_90 = %scan3A_81) -> (i32)  : i32 {
          %mul3A_91 = arith.constant 2 : i32
          %mul3A_92 = arith.muli %mul3A_91, %scan3A_89 : i32
          %add3A_93 = arith.constant 0 : i32
          %add3A_94 = arith.addi %mul3A_92, %add3A_93 : i32
          %mul3A_95 = arith.constant 128 : i32
          %mul3A_96 = arith.muli %add3A_94, %mul3A_95 : i32
          %dma_wait3A = tpu.memref_slice %arg9[%mul3A_96] : memref<2048xi32, #tpu.memory_space<vmem>> -> memref<128xi32, #tpu.memory_space<vmem>>
          %dma_wait3A_97 = arith.constant 0 : i32
          %dma_wait3A_98 = arith.constant 0 : i32
          %dma_wait3A_99 = tpu.memref_slice %arg3[%dma_wait3A_97, %dma_wait3A_98] : memref<10000x128xf32, #tpu.memory_space<hbm>> -> memref<10000x128xf32, #tpu.memory_space<hbm>>
          tpu.wait_indirect_dma semaphore(%arg15 : memref<!tpu.dma_semaphore, #tpu.memory_space<semaphore_mem>>) src(%dma_wait3A_99 : memref<10000x128xf32, #tpu.memory_space<hbm>>) dst(%arg12 : memref<128x128xf32, #tpu.memory_space<vmem>>)
          %eq3A_100 = arith.constant 0 : i32
          %eq3A_101 = arith.cmpi eq, %scan3A_89, %eq3A_100 : i32
          %convert_element_type3A_102 = arith.extui %eq3A_101 : i1 to i32
          %cond3A_103 = arith.constant 0 : i32
          %cond3A_104 = arith.cmpi ne, %convert_element_type3A_102, %cond3A_103 : i32
          scf.if %cond3A_104 {
            %add3A_125 = arith.constant 1 : i32
            %add3A_126 = arith.addi %add3A_94, %add3A_125 : i32
            %mul3A_127 = arith.constant 128 : i32
            %mul3A_128 = arith.muli %add3A_126, %mul3A_127 : i32
            %dma_start3A_129 = tpu.memref_slice %arg9[%mul3A_128] : memref<2048xi32, #tpu.memory_space<vmem>> -> memref<128xi32, #tpu.memory_space<vmem>>
            %dma_start3A_130 = arith.constant 0 : i32
            %dma_start3A_131 = arith.constant 0 : i32
            %dma_start3A_132 = tpu.memref_slice %arg3[%dma_start3A_130, %dma_start3A_131] : memref<10000x128xf32, #tpu.memory_space<hbm>> -> memref<10000x128xf32, #tpu.memory_space<hbm>>
            tpu.enqueue_indirect_dma source(%dma_start3A_132 : memref<10000x128xf32, #tpu.memory_space<hbm>>) target(%arg13 : memref<128x128xf32, #tpu.memory_space<vmem>>) offsets(%dma_start3A_129 : memref<128xi32, #tpu.memory_space<vmem>>) semaphore(%arg16 : memref<!tpu.dma_semaphore, #tpu.memory_space<semaphore_mem>>)
          } else {
          }
          %gt3A_105 = arith.constant 0 : i32
          %gt3A_106 = arith.cmpi sgt, %scan3A_89, %gt3A_105 : i32
          %convert_element_type3A_107 = arith.extui %gt3A_106 : i1 to i32
          %cond3A_108 = arith.constant 0 : i32
          %cond3A_109 = arith.cmpi ne, %convert_element_type3A_107, %cond3A_108 : i32
          scf.if %cond3A_109 {
            %add3A_125 = arith.constant 1 : i32
            %add3A_126 = arith.addi %add3A_94, %add3A_125 : i32
            %mul3A_127 = arith.constant 128 : i32
            %mul3A_128 = arith.muli %add3A_126, %mul3A_127 : i32
            %dma_start3A_129 = tpu.memref_slice %arg9[%mul3A_128] : memref<2048xi32, #tpu.memory_space<vmem>> -> memref<128xi32, #tpu.memory_space<vmem>>
            %dma_start3A_130 = arith.constant 0 : i32
            %dma_start3A_131 = arith.constant 0 : i32
            %dma_start3A_132 = tpu.memref_slice %arg3[%dma_start3A_130, %dma_start3A_131] : memref<10000x128xf32, #tpu.memory_space<hbm>> -> memref<10000x128xf32, #tpu.memory_space<hbm>>
            tpu.enqueue_indirect_dma source(%dma_start3A_132 : memref<10000x128xf32, #tpu.memory_space<hbm>>) target(%arg13 : memref<128x128xf32, #tpu.memory_space<vmem>>) offsets(%dma_start3A_129 : memref<128xi32, #tpu.memory_space<vmem>>) semaphore(%arg16 : memref<!tpu.dma_semaphore, #tpu.memory_space<semaphore_mem>>)
          } else {
          }
          %mul3A_110 = arith.constant 2 : i32
          %mul3A_111 = arith.muli %mul3A_110, %scan3A_89 : i32
          %add3A_112 = arith.constant 1 : i32
          %add3A_113 = arith.addi %mul3A_111, %add3A_112 : i32
          %mul3A_114 = arith.constant 128 : i32
          %mul3A_115 = arith.muli %add3A_113, %mul3A_114 : i32
          %dma_wait3A_116 = tpu.memref_slice %arg9[%mul3A_115] : memref<2048xi32, #tpu.memory_space<vmem>> -> memref<128xi32, #tpu.memory_space<vmem>>
          %dma_wait3A_117 = arith.constant 0 : i32
          %dma_wait3A_118 = arith.constant 0 : i32
          %dma_wait3A_119 = tpu.memref_slice %arg3[%dma_wait3A_117, %dma_wait3A_118] : memref<10000x128xf32, #tpu.memory_space<hbm>> -> memref<10000x128xf32, #tpu.memory_space<hbm>>
          tpu.wait_indirect_dma semaphore(%arg16 : memref<!tpu.dma_semaphore, #tpu.memory_space<semaphore_mem>>) src(%dma_wait3A_119 : memref<10000x128xf32, #tpu.memory_space<hbm>>) dst(%arg13 : memref<128x128xf32, #tpu.memory_space<vmem>>)
          %lt3A = arith.constant 7 : i32
          %lt3A_120 = arith.cmpi slt, %scan3A_89, %lt3A : i32
          %convert_element_type3A_121 = arith.extui %lt3A_120 : i1 to i32
          %cond3A_122 = arith.constant 0 : i32
          %cond3A_123 = arith.cmpi ne, %convert_element_type3A_121, %cond3A_122 : i32
          scf.if %cond3A_123 {
            %add3A_125 = arith.constant 1 : i32
            %add3A_126 = arith.addi %add3A_113, %add3A_125 : i32
            %mul3A_127 = arith.constant 128 : i32
            %mul3A_128 = arith.muli %add3A_126, %mul3A_127 : i32
            %dma_start3A_129 = tpu.memref_slice %arg9[%mul3A_128] : memref<2048xi32, #tpu.memory_space<vmem>> -> memref<128xi32, #tpu.memory_space<vmem>>
            %dma_start3A_130 = arith.constant 0 : i32
            %dma_start3A_131 = arith.constant 0 : i32
            %dma_start3A_132 = tpu.memref_slice %arg3[%dma_start3A_130, %dma_start3A_131] : memref<10000x128xf32, #tpu.memory_space<hbm>> -> memref<10000x128xf32, #tpu.memory_space<hbm>>
            tpu.enqueue_indirect_dma source(%dma_start3A_132 : memref<10000x128xf32, #tpu.memory_space<hbm>>) target(%arg12 : memref<128x128xf32, #tpu.memory_space<vmem>>) offsets(%dma_start3A_129 : memref<128xi32, #tpu.memory_space<vmem>>) semaphore(%arg15 : memref<!tpu.dma_semaphore, #tpu.memory_space<semaphore_mem>>)
          } else {
          }
          %scan3A_124 = arith.constant 0 : i32
          scf.yield %scan3A_124 : i32
        }
        %scan3A_87 = arith.constant 8 : i32
        %scan3A_88 = arith.constant 0 : i32
        scf.yield %scan3A_88 : i32
      }
      %scan3A_51 = arith.constant 10 : i32
    } else {
    }
    %barrier3A_34 = arith.constant 0 : index
    tpu.barrier barrier_id(%barrier3A_34)
    %eq3A_35 = arith.constant 0 : i32
    %eq3A_36 = arith.cmpi eq, %arg0, %eq3A_35 : i32
    %convert_element_type3A_37 = arith.extui %eq3A_36 : i1 to i32
    %cond3A_38 = arith.constant 0 : i32
    %cond3A_39 = arith.cmpi ne, %convert_element_type3A_37, %cond3A_38 : i32
    scf.if %cond3A_39 {
      %mul3A_45 = arith.constant 640 : i32
      %mul3A_46 = arith.muli %arg1, %mul3A_45 : i32
      %mul3A_47 = arith.constant 640 : i32
      %mul3A_48 = arith.muli %arg1, %mul3A_47 : i32
      "tpu.region"() ({
        %run_scoped3A = tpu.sem_alloc : memref<!tpu.dma_semaphore, #tpu.memory_space<semaphore_mem>>
        %dma_start3A = arith.constant 0 : i32
        %dma_start3A_49 = tpu.memref_slice %arg7[%mul3A_48, %dma_start3A] : memref<10240x128xf32, #tpu.memory_space<hbm>> -> memref<640x128xf32, #tpu.memory_space<hbm>>
        %dma_start3A_50 = arith.constant 0 : i32
        %dma_start3A_51 = tpu.memref_slice %arg14[%mul3A_46, %dma_start3A_50] : memref<10240x128xf32, #tpu.memory_space<vmem_shared>> -> memref<640x128xf32, #tpu.memory_space<vmem_shared>>
        tpu.enqueue_dma source(%dma_start3A_51 : memref<640x128xf32, #tpu.memory_space<vmem_shared>>) target(%dma_start3A_49 : memref<640x128xf32, #tpu.memory_space<hbm>>) target_semaphore(%run_scoped3A : memref<!tpu.dma_semaphore, #tpu.memory_space<semaphore_mem>>)
        %dma_wait3A = arith.constant 0 : i32
        %dma_wait3A_52 = tpu.memref_slice %arg7[%mul3A_48, %dma_wait3A] : memref<10240x128xf32, #tpu.memory_space<hbm>> -> memref<640x128xf32, #tpu.memory_space<hbm>>
        %dma_wait3A_53 = arith.constant 0 : i32
        %dma_wait3A_54 = tpu.memref_slice %arg14[%mul3A_46, %dma_wait3A_53] : memref<10240x128xf32, #tpu.memory_space<vmem_shared>> -> memref<640x128xf32, #tpu.memory_space<vmem_shared>>
        tpu.wait_dma2 semaphore(%run_scoped3A : memref<!tpu.dma_semaphore, #tpu.memory_space<semaphore_mem>>) src(%dma_wait3A_54 : memref<640x128xf32, #tpu.memory_space<vmem_shared>>) dst(%dma_wait3A_52 : memref<640x128xf32, #tpu.memory_space<hbm>>)
        tpu.yield
      }) : () -> ()
    } else {
    }
    %eq3A_40 = arith.constant 1 : i32
    %eq3A_41 = arith.cmpi eq, %arg0, %eq3A_40 : i32
    %convert_element_type3A_42 = arith.extui %eq3A_41 : i1 to i32
    %cond3A_43 = arith.constant 0 : i32
    %cond3A_44 = arith.cmpi ne, %convert_element_type3A_42, %cond3A_43 : i32
    scf.if %cond3A_44 {
      %mul3A_45 = arith.constant 640 : i32
      %mul3A_46 = arith.muli %arg1, %mul3A_45 : i32
      %mul3A_47 = arith.constant 640 : i32
      %mul3A_48 = arith.muli %arg1, %mul3A_47 : i32
      "tpu.region"() ({
        %run_scoped3A = tpu.sem_alloc : memref<!tpu.dma_semaphore, #tpu.memory_space<semaphore_mem>>
        %dma_start3A = arith.constant 0 : i32
        %dma_start3A_49 = tpu.memref_slice %arg8[%mul3A_48, %dma_start3A] : memref<10240x128xf32, #tpu.memory_space<hbm>> -> memref<640x128xf32, #tpu.memory_space<hbm>>
        %dma_start3A_50 = arith.constant 0 : i32
        %dma_start3A_51 = tpu.memref_slice %arg14[%mul3A_46, %dma_start3A_50] : memref<10240x128xf32, #tpu.memory_space<vmem_shared>> -> memref<640x128xf32, #tpu.memory_space<vmem_shared>>
        tpu.enqueue_dma source(%dma_start3A_51 : memref<640x128xf32, #tpu.memory_space<vmem_shared>>) target(%dma_start3A_49 : memref<640x128xf32, #tpu.memory_space<hbm>>) target_semaphore(%run_scoped3A : memref<!tpu.dma_semaphore, #tpu.memory_space<semaphore_mem>>)
        %dma_wait3A = arith.constant 0 : i32
        %dma_wait3A_52 = tpu.memref_slice %arg8[%mul3A_48, %dma_wait3A] : memref<10240x128xf32, #tpu.memory_space<hbm>> -> memref<640x128xf32, #tpu.memory_space<hbm>>
        %dma_wait3A_53 = arith.constant 0 : i32
        %dma_wait3A_54 = tpu.memref_slice %arg14[%mul3A_46, %dma_wait3A_53] : memref<10240x128xf32, #tpu.memory_space<vmem_shared>> -> memref<640x128xf32, #tpu.memory_space<vmem_shared>>
        tpu.wait_dma2 semaphore(%run_scoped3A : memref<!tpu.dma_semaphore, #tpu.memory_space<semaphore_mem>>) src(%dma_wait3A_54 : memref<640x128xf32, #tpu.memory_space<vmem_shared>>) dst(%dma_wait3A_52 : memref<640x128xf32, #tpu.memory_space<hbm>>)
        tpu.yield
      }) : () -> ()
    } else {
    }
    return
  }
}

module attributes {stable_mosaic.version = 14 : i64} {
  func.func @_lin_body(%arg0: i32, %arg1: memref<1000x128xf32, #tpu.memory_space<vmem>>, %arg2: memref<1000x128xf32, #tpu.memory_space<vmem>>, %arg3: memref<1000x64xf32, #tpu.memory_space<vmem>>, %arg4: memref<1000x64xf32, #tpu.memory_space<vmem>>, %arg5: memref<128x256xf32, #tpu.memory_space<vmem>>, %arg6: memref<128x256xf32, #tpu.memory_space<vmem>>, %arg7: memref<64x256xf32, #tpu.memory_space<vmem>>, %arg8: memref<64x256xf32, #tpu.memory_space<vmem>>, %arg9: memref<1x256xf32, #tpu.memory_space<vmem>>, %arg10: memref<1000x256xf32, #tpu.memory_space<vmem>>, %arg11: memref<1x256xf32, #tpu.memory_space<vmem>>, %arg12: memref<1x256xf32, #tpu.memory_space<vmem>>, %arg13: memref<2x256xf32, #tpu.memory_space<vmem>>) attributes {dimension_semantics = [#tpu.dimension_semantics<arbitrary>], iteration_bounds = array<i64: 10>, scalar_prefetch = 0 : i64, scratch_operands = 1 : i64, tpu.core_type = #tpu.core_type<tc>, window_params = [{transform_indices = @transform_0, window_bounds = array<i64: 1000, 128>}, {transform_indices = @transform_1, window_bounds = array<i64: 1000, 128>}, {transform_indices = @transform_2, window_bounds = array<i64: 1000, 64>}, {transform_indices = @transform_3, window_bounds = array<i64: 1000, 64>}, {pipeline_mode = #tpu.pipeline_mode<synchronous>, transform_indices = @transform_4, window_bounds = array<i64: 128, 256>}, {pipeline_mode = #tpu.pipeline_mode<synchronous>, transform_indices = @transform_5, window_bounds = array<i64: 128, 256>}, {pipeline_mode = #tpu.pipeline_mode<synchronous>, transform_indices = @transform_6, window_bounds = array<i64: 64, 256>}, {pipeline_mode = #tpu.pipeline_mode<synchronous>, transform_indices = @transform_7, window_bounds = array<i64: 64, 256>}, {pipeline_mode = #tpu.pipeline_mode<synchronous>, transform_indices = @transform_8, window_bounds = array<i64: 1, 256>}, {transform_indices = @transform_9, window_bounds = array<i64: 1000, 256>}, {pipeline_mode = #tpu.pipeline_mode<synchronous>, transform_indices = @transform_10, window_bounds = array<i64: 1, 256>}, {pipeline_mode = #tpu.pipeline_mode<synchronous>, transform_indices = @transform_11, window_bounds = array<i64: 1, 256>}]} {
    %get3A = arith.constant 0 : index
    %get3A_0 = arith.constant 0 : index
    %get3A_1 = vector.load %arg1[%get3A, %get3A_0] : memref<1000x128xf32, #tpu.memory_space<vmem>>, vector<1000x128xf32>
    %get3A_2 = arith.constant 0 : index
    %get3A_3 = arith.constant 0 : index
    %get3A_4 = vector.load %arg5[%get3A_2, %get3A_3] : memref<128x256xf32, #tpu.memory_space<vmem>>, vector<128x256xf32>
    %dot_general3A = arith.constant dense<0.000000e+00> : vector<1000x256xf32>
    %dot_general3A_5 = tpu.matmul %get3A_1, %get3A_4, %dot_general3A {dimension_numbers = #tpu.dot_dimension_numbers<[1], [0], [0], [1], [0, 0, 1, 1], [], []>, transpose_lhs_hint = false} : vector<1000x128xf32>, vector<128x256xf32>, vector<1000x256xf32> -> vector<1000x256xf32>
    %get3A_6 = arith.constant 0 : index
    %get3A_7 = arith.constant 0 : index
    %get3A_8 = vector.load %arg2[%get3A_6, %get3A_7] : memref<1000x128xf32, #tpu.memory_space<vmem>>, vector<1000x128xf32>
    %get3A_9 = arith.constant 0 : index
    %get3A_10 = arith.constant 0 : index
    %get3A_11 = vector.load %arg6[%get3A_9, %get3A_10] : memref<128x256xf32, #tpu.memory_space<vmem>>, vector<128x256xf32>
    %dot_general3A_12 = arith.constant dense<0.000000e+00> : vector<1000x256xf32>
    %dot_general3A_13 = tpu.matmul %get3A_8, %get3A_11, %dot_general3A_12 {dimension_numbers = #tpu.dot_dimension_numbers<[1], [0], [0], [1], [0, 0, 1, 1], [], []>, transpose_lhs_hint = false} : vector<1000x128xf32>, vector<128x256xf32>, vector<1000x256xf32> -> vector<1000x256xf32>
    %add3A = arith.addf %dot_general3A_5, %dot_general3A_13 : vector<1000x256xf32>
    %get3A_14 = arith.constant 0 : index
    %get3A_15 = arith.constant 0 : index
    %get3A_16 = vector.load %arg3[%get3A_14, %get3A_15] : memref<1000x64xf32, #tpu.memory_space<vmem>>, vector<1000x64xf32>
    %get3A_17 = arith.constant 0 : index
    %get3A_18 = arith.constant 0 : index
    %get3A_19 = vector.load %arg7[%get3A_17, %get3A_18] : memref<64x256xf32, #tpu.memory_space<vmem>>, vector<64x256xf32>
    %dot_general3A_20 = arith.constant dense<0.000000e+00> : vector<1000x256xf32>
    %dot_general3A_21 = tpu.matmul %get3A_16, %get3A_19, %dot_general3A_20 {dimension_numbers = #tpu.dot_dimension_numbers<[1], [0], [0], [1], [0, 0, 1, 1], [], []>, transpose_lhs_hint = false} : vector<1000x64xf32>, vector<64x256xf32>, vector<1000x256xf32> -> vector<1000x256xf32>
    %add3A_22 = arith.addf %add3A, %dot_general3A_21 : vector<1000x256xf32>
    %get3A_23 = arith.constant 0 : index
    %get3A_24 = arith.constant 0 : index
    %get3A_25 = vector.load %arg4[%get3A_23, %get3A_24] : memref<1000x64xf32, #tpu.memory_space<vmem>>, vector<1000x64xf32>
    %get3A_26 = arith.constant 0 : index
    %get3A_27 = arith.constant 0 : index
    %get3A_28 = vector.load %arg8[%get3A_26, %get3A_27] : memref<64x256xf32, #tpu.memory_space<vmem>>, vector<64x256xf32>
    %dot_general3A_29 = arith.constant dense<0.000000e+00> : vector<1000x256xf32>
    %dot_general3A_30 = tpu.matmul %get3A_25, %get3A_28, %dot_general3A_29 {dimension_numbers = #tpu.dot_dimension_numbers<[1], [0], [0], [1], [0, 0, 1, 1], [], []>, transpose_lhs_hint = false} : vector<1000x64xf32>, vector<64x256xf32>, vector<1000x256xf32> -> vector<1000x256xf32>
    %add3A_31 = arith.addf %add3A_22, %dot_general3A_30 : vector<1000x256xf32>
    %get3A_32 = arith.constant 0 : index
    %get3A_33 = arith.constant 0 : index
    %get3A_34 = vector.load %arg9[%get3A_32, %get3A_33] : memref<1x256xf32, #tpu.memory_space<vmem>>, vector<1x256xf32>
    %add3A_35 = vector.broadcast %get3A_34 : vector<1x256xf32> to vector<1000x256xf32>
    %add3A_36 = arith.addf %add3A_31, %add3A_35 : vector<1000x256xf32>
    %swap3A = arith.constant 0 : index
    %swap3A_37 = arith.constant 0 : index
    %swap3A_38 = vector.load %arg10[%swap3A, %swap3A_37] : memref<1000x256xf32, #tpu.memory_space<vmem>>, vector<1000x256xf32>
    tpu.vector_store %arg10[%swap3A, %swap3A_37], %add3A_36 {strides = array<i32>} : memref<1000x256xf32, #tpu.memory_space<vmem>>, vector<1000x256xf32>,
    %eq3A = arith.constant 0 : i32
    %eq3A_39 = arith.cmpi eq, %arg0, %eq3A : i32
    %convert_element_type3A = arith.extui %eq3A_39 : i1 to i32
    %cond3A = arith.constant 0 : i32
    %cond3A_40 = arith.cmpi ne, %convert_element_type3A, %cond3A : i32
    scf.if %cond3A_40 {
      %broadcast_in_dim3A_64 = arith.constant 0.000000e+00 : f32
      %broadcast_in_dim3A_65 = vector.broadcast %broadcast_in_dim3A_64 : f32 to vector<2x256xf32>
      %swap3A_66 = arith.constant 0 : index
      %swap3A_67 = arith.constant 0 : index
      %swap3A_68 = vector.load %arg13[%swap3A_66, %swap3A_67] : memref<2x256xf32, #tpu.memory_space<vmem>>, vector<2x256xf32>
      tpu.vector_store %arg13[%swap3A_66, %swap3A_67], %broadcast_in_dim3A_65 {strides = array<i32>} : memref<2x256xf32, #tpu.memory_space<vmem>>, vector<2x256xf32>,
    } else {
    }
    %get3A_41 = arith.constant 0 : index
    %get3A_42 = arith.constant 0 : index
    %get3A_43 = vector.load %arg13[%get3A_41, %get3A_42] : memref<2x256xf32, #tpu.memory_space<vmem>>, vector<1x256xf32>
    %reduce_sum3A = arith.constant dense<0.000000e+00> : vector<256xf32>
    %reduce_sum3A_44 = vector.multi_reduction <add>, %add3A_36, %reduce_sum3A [0] : vector<1000x256xf32> to vector<256xf32>
    %broadcast_in_dim3A = vector.shape_cast %reduce_sum3A_44 : vector<256xf32> to vector<1x256xf32>
    %add3A_45 = arith.addf %get3A_43, %broadcast_in_dim3A : vector<1x256xf32>
    %swap3A_46 = arith.constant 0 : index
    %swap3A_47 = arith.constant 0 : index
    %swap3A_48 = vector.load %arg13[%swap3A_46, %swap3A_47] : memref<2x256xf32, #tpu.memory_space<vmem>>, vector<1x256xf32>
    tpu.vector_store %arg13[%swap3A_46, %swap3A_47], %add3A_45 {strides = array<i32>} : memref<2x256xf32, #tpu.memory_space<vmem>>, vector<1x256xf32>,
    %get3A_49 = arith.constant 1 : index
    %get3A_50 = arith.constant 0 : index
    %get3A_51 = vector.load %arg13[%get3A_49, %get3A_50] : memref<2x256xf32, #tpu.memory_space<vmem>>, vector<1x256xf32>
    %mul3A = arith.mulf %add3A_36, %add3A_36 : vector<1000x256xf32>
    %reduce_sum3A_52 = arith.constant dense<0.000000e+00> : vector<256xf32>
    %reduce_sum3A_53 = vector.multi_reduction <add>, %mul3A, %reduce_sum3A_52 [0] : vector<1000x256xf32> to vector<256xf32>
    %broadcast_in_dim3A_54 = vector.shape_cast %reduce_sum3A_53 : vector<256xf32> to vector<1x256xf32>
    %add3A_55 = arith.addf %get3A_51, %broadcast_in_dim3A_54 : vector<1x256xf32>
    %swap3A_56 = arith.constant 1 : index
    %swap3A_57 = arith.constant 0 : index
    %swap3A_58 = vector.load %arg13[%swap3A_56, %swap3A_57] : memref<2x256xf32, #tpu.memory_space<vmem>>, vector<1x256xf32>
    tpu.vector_store %arg13[%swap3A_56, %swap3A_57], %add3A_55 {strides = array<i32>} : memref<2x256xf32, #tpu.memory_space<vmem>>, vector<1x256xf32>,
    %eq3A_59 = arith.constant 9 : i32
    %eq3A_60 = arith.cmpi eq, %arg0, %eq3A_59 : i32
    %convert_element_type3A_61 = arith.extui %eq3A_60 : i1 to i32
    %cond3A_62 = arith.constant 0 : i32
    %cond3A_63 = arith.cmpi ne, %convert_element_type3A_61, %cond3A_62 : i32
    scf.if %cond3A_63 {
      %get3A_64 = arith.constant 0 : index
      %get3A_65 = arith.constant 0 : index
      %get3A_66 = vector.load %arg13[%get3A_64, %get3A_65] : memref<2x256xf32, #tpu.memory_space<vmem>>, vector<1x256xf32>
      %swap3A_67 = arith.constant 0 : index
      %swap3A_68 = arith.constant 0 : index
      %swap3A_69 = vector.load %arg11[%swap3A_67, %swap3A_68] : memref<1x256xf32, #tpu.memory_space<vmem>>, vector<1x256xf32>
      tpu.vector_store %arg11[%swap3A_67, %swap3A_68], %get3A_66 {strides = array<i32>} : memref<1x256xf32, #tpu.memory_space<vmem>>, vector<1x256xf32>,
      %get3A_70 = arith.constant 1 : index
      %get3A_71 = arith.constant 0 : index
      %get3A_72 = vector.load %arg13[%get3A_70, %get3A_71] : memref<2x256xf32, #tpu.memory_space<vmem>>, vector<1x256xf32>
      %swap3A_73 = arith.constant 0 : index
      %swap3A_74 = arith.constant 0 : index
      %swap3A_75 = vector.load %arg12[%swap3A_73, %swap3A_74] : memref<1x256xf32, #tpu.memory_space<vmem>>, vector<1x256xf32>
      tpu.vector_store %arg12[%swap3A_73, %swap3A_74], %get3A_72 {strides = array<i32>} : memref<1x256xf32, #tpu.memory_space<vmem>>, vector<1x256xf32>,
    } else {
    }
    return
  }
  func.func @transform_0(%arg0: i32) -> (i32, i32) {
    %c0_i32 = arith.constant 0 : i32
    %c0_i32_0 = arith.constant 0 : i32
    return %arg0, %c0_i32 : i32, i32
  }
  func.func @transform_1(%arg0: i32) -> (i32, i32) {
    %c0_i32 = arith.constant 0 : i32
    %c0_i32_0 = arith.constant 0 : i32
    return %arg0, %c0_i32 : i32, i32
  }
  func.func @transform_2(%arg0: i32) -> (i32, i32) {
    %c0_i32 = arith.constant 0 : i32
    %c0_i32_0 = arith.constant 0 : i32
    return %arg0, %c0_i32 : i32, i32
  }
  func.func @transform_3(%arg0: i32) -> (i32, i32) {
    %c0_i32 = arith.constant 0 : i32
    %c0_i32_0 = arith.constant 0 : i32
    return %arg0, %c0_i32 : i32, i32
  }
  func.func @transform_4(%arg0: i32) -> (i32, i32) {
    %c0_i32 = arith.constant 0 : i32
    %c0_i32_0 = arith.constant 0 : i32
    %c0_i32_1 = arith.constant 0 : i32
    return %c0_i32, %c0_i32_0 : i32, i32
  }
  func.func @transform_5(%arg0: i32) -> (i32, i32) {
    %c0_i32 = arith.constant 0 : i32
    %c0_i32_0 = arith.constant 0 : i32
    %c0_i32_1 = arith.constant 0 : i32
    return %c0_i32, %c0_i32_0 : i32, i32
  }
  func.func @transform_6(%arg0: i32) -> (i32, i32) {
    %c0_i32 = arith.constant 0 : i32
    %c0_i32_0 = arith.constant 0 : i32
    %c0_i32_1 = arith.constant 0 : i32
    return %c0_i32, %c0_i32_0 : i32, i32
  }
  func.func @transform_7(%arg0: i32) -> (i32, i32) {
    %c0_i32 = arith.constant 0 : i32
    %c0_i32_0 = arith.constant 0 : i32
    %c0_i32_1 = arith.constant 0 : i32
    return %c0_i32, %c0_i32_0 : i32, i32
  }
  func.func @transform_8(%arg0: i32) -> (i32, i32) {
    %c0_i32 = arith.constant 0 : i32
    %c0_i32_0 = arith.constant 0 : i32
    %c0_i32_1 = arith.constant 0 : i32
    return %c0_i32, %c0_i32_0 : i32, i32
  }
  func.func @transform_9(%arg0: i32) -> (i32, i32) {
    %c0_i32 = arith.constant 0 : i32
    %c0_i32_0 = arith.constant 0 : i32
    return %arg0, %c0_i32 : i32, i32
  }
  func.func @transform_10(%arg0: i32) -> (i32, i32) {
    %c0_i32 = arith.constant 0 : i32
    %c0_i32_0 = arith.constant 0 : i32
    %c0_i32_1 = arith.constant 0 : i32
    return %c0_i32, %c0_i32_0 : i32, i32
  }
  func.func @transform_11(%arg0: i32) -> (i32, i32) {
    %c0_i32 = arith.constant 0 : i32
    %c0_i32_0 = arith.constant 0 : i32
    %c0_i32_1 = arith.constant 0 : i32
    return %c0_i32, %c0_i32_0 : i32, i32
  }
}

module attributes {stable_mosaic.version = 14 : i64} {
  func.func @_bn_relu_body(%arg0: i32, %arg1: memref<1000x256xf32, #tpu.memory_space<vmem>>, %arg2: memref<1x256xf32, #tpu.memory_space<vmem>>, %arg3: memref<1x256xf32, #tpu.memory_space<vmem>>, %arg4: memref<1x256xf32, #tpu.memory_space<vmem>>, %arg5: memref<1x256xf32, #tpu.memory_space<vmem>>, %arg6: memref<1000x128xf32, #tpu.memory_space<vmem>>, %arg7: memref<1000x128xf32, #tpu.memory_space<vmem>>) attributes {dimension_semantics = [#tpu.dimension_semantics<arbitrary>], iteration_bounds = array<i64: 10>, scalar_prefetch = 0 : i64, scratch_operands = 0 : i64, tpu.core_type = #tpu.core_type<tc>, window_params = [{transform_indices = @transform_0, window_bounds = array<i64: 1000, 256>}, {pipeline_mode = #tpu.pipeline_mode<synchronous>, transform_indices = @transform_1, window_bounds = array<i64: 1, 256>}, {pipeline_mode = #tpu.pipeline_mode<synchronous>, transform_indices = @transform_2, window_bounds = array<i64: 1, 256>}, {pipeline_mode = #tpu.pipeline_mode<synchronous>, transform_indices = @transform_3, window_bounds = array<i64: 1, 256>}, {pipeline_mode = #tpu.pipeline_mode<synchronous>, transform_indices = @transform_4, window_bounds = array<i64: 1, 256>}, {transform_indices = @transform_5, window_bounds = array<i64: 1000, 128>}, {transform_indices = @transform_6, window_bounds = array<i64: 1000, 128>}]} {
    %get3A = arith.constant 0 : index
    %get3A_0 = arith.constant 0 : index
    %get3A_1 = vector.load %arg2[%get3A, %get3A_0] : memref<1x256xf32, #tpu.memory_space<vmem>>, vector<1x256xf32>
    %mul3A = arith.constant 9.99999974E-5 : f32
    %mul3A_2 = vector.broadcast %mul3A : f32 to vector<1x256xf32>
    %mul3A_3 = arith.mulf %get3A_1, %mul3A_2 : vector<1x256xf32>
    %get3A_4 = arith.constant 0 : index
    %get3A_5 = arith.constant 0 : index
    %get3A_6 = vector.load %arg3[%get3A_4, %get3A_5] : memref<1x256xf32, #tpu.memory_space<vmem>>, vector<1x256xf32>
    %mul3A_7 = arith.constant 9.99999974E-5 : f32
    %mul3A_8 = vector.broadcast %mul3A_7 : f32 to vector<1x256xf32>
    %mul3A_9 = arith.mulf %get3A_6, %mul3A_8 : vector<1x256xf32>
    %mul3A_10 = arith.mulf %mul3A_3, %mul3A_3 : vector<1x256xf32>
    %sub3A = arith.subf %mul3A_9, %mul3A_10 : vector<1x256xf32>
    %get3A_11 = arith.constant 0 : index
    %get3A_12 = arith.constant 0 : index
    %get3A_13 = vector.load %arg4[%get3A_11, %get3A_12] : memref<1x256xf32, #tpu.memory_space<vmem>>, vector<1x256xf32>
    %add3A = arith.constant 9.99999974E-6 : f32
    %add3A_14 = vector.broadcast %add3A : f32 to vector<1x256xf32>
    %add3A_15 = arith.addf %sub3A, %add3A_14 : vector<1x256xf32>
    %rsqrt3A = math.rsqrt %add3A_15 : vector<1x256xf32>
    %mul3A_16 = arith.mulf %get3A_13, %rsqrt3A : vector<1x256xf32>
    %get3A_17 = arith.constant 0 : index
    %get3A_18 = arith.constant 0 : index
    %get3A_19 = vector.load %arg1[%get3A_17, %get3A_18] : memref<1000x256xf32, #tpu.memory_space<vmem>>, vector<1000x256xf32>
    %sub3A_20 = vector.broadcast %mul3A_3 : vector<1x256xf32> to vector<1000x256xf32>
    %sub3A_21 = arith.subf %get3A_19, %sub3A_20 : vector<1000x256xf32>
    %mul3A_22 = vector.broadcast %mul3A_16 : vector<1x256xf32> to vector<1000x256xf32>
    %mul3A_23 = arith.mulf %sub3A_21, %mul3A_22 : vector<1000x256xf32>
    %get3A_24 = arith.constant 0 : index
    %get3A_25 = arith.constant 0 : index
    %get3A_26 = vector.load %arg5[%get3A_24, %get3A_25] : memref<1x256xf32, #tpu.memory_space<vmem>>, vector<1x256xf32>
    %add3A_27 = vector.broadcast %get3A_26 : vector<1x256xf32> to vector<1000x256xf32>
    %add3A_28 = arith.addf %mul3A_23, %add3A_27 : vector<1000x256xf32>
    %max3A = arith.constant 0.000000e+00 : f32
    %max3A_29 = vector.broadcast %max3A : f32 to vector<1000x256xf32>
    %max3A_30 = arith.maximumf %add3A_28, %max3A_29 : vector<1000x256xf32>
    %slice3A = vector.extract_strided_slice %max3A_30 {offsets = [0, 0], sizes = [1000, 128], strides = [1, 1]} : vector<1000x256xf32> to vector<1000x128xf32>
    %swap3A = arith.constant 0 : index
    %swap3A_31 = arith.constant 0 : index
    %swap3A_32 = vector.load %arg6[%swap3A, %swap3A_31] : memref<1000x128xf32, #tpu.memory_space<vmem>>, vector<1000x128xf32>
    tpu.vector_store %arg6[%swap3A, %swap3A_31], %slice3A {strides = array<i32>} : memref<1000x128xf32, #tpu.memory_space<vmem>>, vector<1000x128xf32>,
    %slice3A_33 = vector.extract_strided_slice %max3A_30 {offsets = [0, 128], sizes = [1000, 128], strides = [1, 1]} : vector<1000x256xf32> to vector<1000x128xf32>
    %swap3A_34 = arith.constant 0 : index
    %swap3A_35 = arith.constant 0 : index
    %swap3A_36 = vector.load %arg7[%swap3A_34, %swap3A_35] : memref<1000x128xf32, #tpu.memory_space<vmem>>, vector<1000x128xf32>
    tpu.vector_store %arg7[%swap3A_34, %swap3A_35], %slice3A_33 {strides = array<i32>} : memref<1000x128xf32, #tpu.memory_space<vmem>>, vector<1000x128xf32>,
    return
  }
  func.func @transform_0(%arg0: i32) -> (i32, i32) {
    %c0_i32 = arith.constant 0 : i32
    %c0_i32_0 = arith.constant 0 : i32
    return %arg0, %c0_i32 : i32, i32
  }
  func.func @transform_1(%arg0: i32) -> (i32, i32) {
    %c0_i32 = arith.constant 0 : i32
    %c0_i32_0 = arith.constant 0 : i32
    %c0_i32_1 = arith.constant 0 : i32
    return %c0_i32, %c0_i32_0 : i32, i32
  }
  func.func @transform_2(%arg0: i32) -> (i32, i32) {
    %c0_i32 = arith.constant 0 : i32
    %c0_i32_0 = arith.constant 0 : i32
    %c0_i32_1 = arith.constant 0 : i32
    return %c0_i32, %c0_i32_0 : i32, i32
  }
  func.func @transform_3(%arg0: i32) -> (i32, i32) {
    %c0_i32 = arith.constant 0 : i32
    %c0_i32_0 = arith.constant 0 : i32
    %c0_i32_1 = arith.constant 0 : i32
    return %c0_i32, %c0_i32_0 : i32, i32
  }
  func.func @transform_4(%arg0: i32) -> (i32, i32) {
    %c0_i32 = arith.constant 0 : i32
    %c0_i32_0 = arith.constant 0 : i32
    %c0_i32_1 = arith.constant 0 : i32
    return %c0_i32, %c0_i32_0 : i32, i32
  }
  func.func @transform_5(%arg0: i32) -> (i32, i32) {
    %c0_i32 = arith.constant 0 : i32
    %c0_i32_0 = arith.constant 0 : i32
    return %arg0, %c0_i32 : i32, i32
  }
  func.func @transform_6(%arg0: i32) -> (i32, i32) {
    %c0_i32 = arith.constant 0 : i32
    %c0_i32_0 = arith.constant 0 : i32
    return %arg0, %c0_i32 : i32, i32
  }
}

module attributes {stable_mosaic.version = 14 : i64} {
  func.func @_lin_body(%arg0: i32, %arg1: memref<1000x128xf32, #tpu.memory_space<vmem>>, %arg2: memref<1000x128xf32, #tpu.memory_space<vmem>>, %arg3: memref<1000x128xf32, #tpu.memory_space<vmem>>, %arg4: memref<1000x128xf32, #tpu.memory_space<vmem>>, %arg5: memref<128x256xf32, #tpu.memory_space<vmem>>, %arg6: memref<128x256xf32, #tpu.memory_space<vmem>>, %arg7: memref<128x256xf32, #tpu.memory_space<vmem>>, %arg8: memref<128x256xf32, #tpu.memory_space<vmem>>, %arg9: memref<1x256xf32, #tpu.memory_space<vmem>>, %arg10: memref<1000x256xf32, #tpu.memory_space<vmem>>, %arg11: memref<1x256xf32, #tpu.memory_space<vmem>>, %arg12: memref<1x256xf32, #tpu.memory_space<vmem>>, %arg13: memref<2x256xf32, #tpu.memory_space<vmem>>) attributes {dimension_semantics = [#tpu.dimension_semantics<arbitrary>], iteration_bounds = array<i64: 10>, scalar_prefetch = 0 : i64, scratch_operands = 1 : i64, tpu.core_type = #tpu.core_type<tc>, window_params = [{transform_indices = @transform_0, window_bounds = array<i64: 1000, 128>}, {transform_indices = @transform_1, window_bounds = array<i64: 1000, 128>}, {transform_indices = @transform_2, window_bounds = array<i64: 1000, 128>}, {transform_indices = @transform_3, window_bounds = array<i64: 1000, 128>}, {pipeline_mode = #tpu.pipeline_mode<synchronous>, transform_indices = @transform_4, window_bounds = array<i64: 128, 256>}, {pipeline_mode = #tpu.pipeline_mode<synchronous>, transform_indices = @transform_5, window_bounds = array<i64: 128, 256>}, {pipeline_mode = #tpu.pipeline_mode<synchronous>, transform_indices = @transform_6, window_bounds = array<i64: 128, 256>}, {pipeline_mode = #tpu.pipeline_mode<synchronous>, transform_indices = @transform_7, window_bounds = array<i64: 128, 256>}, {pipeline_mode = #tpu.pipeline_mode<synchronous>, transform_indices = @transform_8, window_bounds = array<i64: 1, 256>}, {transform_indices = @transform_9, window_bounds = array<i64: 1000, 256>}, {pipeline_mode = #tpu.pipeline_mode<synchronous>, transform_indices = @transform_10, window_bounds = array<i64: 1, 256>}, {pipeline_mode = #tpu.pipeline_mode<synchronous>, transform_indices = @transform_11, window_bounds = array<i64: 1, 256>}]} {
    %get3A = arith.constant 0 : index
    %get3A_0 = arith.constant 0 : index
    %get3A_1 = vector.load %arg1[%get3A, %get3A_0] : memref<1000x128xf32, #tpu.memory_space<vmem>>, vector<1000x128xf32>
    %get3A_2 = arith.constant 0 : index
    %get3A_3 = arith.constant 0 : index
    %get3A_4 = vector.load %arg5[%get3A_2, %get3A_3] : memref<128x256xf32, #tpu.memory_space<vmem>>, vector<128x256xf32>
    %dot_general3A = arith.constant dense<0.000000e+00> : vector<1000x256xf32>
    %dot_general3A_5 = tpu.matmul %get3A_1, %get3A_4, %dot_general3A {dimension_numbers = #tpu.dot_dimension_numbers<[1], [0], [0], [1], [0, 0, 1, 1], [], []>, transpose_lhs_hint = false} : vector<1000x128xf32>, vector<128x256xf32>, vector<1000x256xf32> -> vector<1000x256xf32>
    %get3A_6 = arith.constant 0 : index
    %get3A_7 = arith.constant 0 : index
    %get3A_8 = vector.load %arg2[%get3A_6, %get3A_7] : memref<1000x128xf32, #tpu.memory_space<vmem>>, vector<1000x128xf32>
    %get3A_9 = arith.constant 0 : index
    %get3A_10 = arith.constant 0 : index
    %get3A_11 = vector.load %arg6[%get3A_9, %get3A_10] : memref<128x256xf32, #tpu.memory_space<vmem>>, vector<128x256xf32>
    %dot_general3A_12 = arith.constant dense<0.000000e+00> : vector<1000x256xf32>
    %dot_general3A_13 = tpu.matmul %get3A_8, %get3A_11, %dot_general3A_12 {dimension_numbers = #tpu.dot_dimension_numbers<[1], [0], [0], [1], [0, 0, 1, 1], [], []>, transpose_lhs_hint = false} : vector<1000x128xf32>, vector<128x256xf32>, vector<1000x256xf32> -> vector<1000x256xf32>
    %add3A = arith.addf %dot_general3A_5, %dot_general3A_13 : vector<1000x256xf32>
    %get3A_14 = arith.constant 0 : index
    %get3A_15 = arith.constant 0 : index
    %get3A_16 = vector.load %arg3[%get3A_14, %get3A_15] : memref<1000x128xf32, #tpu.memory_space<vmem>>, vector<1000x128xf32>
    %get3A_17 = arith.constant 0 : index
    %get3A_18 = arith.constant 0 : index
    %get3A_19 = vector.load %arg7[%get3A_17, %get3A_18] : memref<128x256xf32, #tpu.memory_space<vmem>>, vector<128x256xf32>
    %dot_general3A_20 = arith.constant dense<0.000000e+00> : vector<1000x256xf32>
    %dot_general3A_21 = tpu.matmul %get3A_16, %get3A_19, %dot_general3A_20 {dimension_numbers = #tpu.dot_dimension_numbers<[1], [0], [0], [1], [0, 0, 1, 1], [], []>, transpose_lhs_hint = false} : vector<1000x128xf32>, vector<128x256xf32>, vector<1000x256xf32> -> vector<1000x256xf32>
    %add3A_22 = arith.addf %add3A, %dot_general3A_21 : vector<1000x256xf32>
    %get3A_23 = arith.constant 0 : index
    %get3A_24 = arith.constant 0 : index
    %get3A_25 = vector.load %arg4[%get3A_23, %get3A_24] : memref<1000x128xf32, #tpu.memory_space<vmem>>, vector<1000x128xf32>
    %get3A_26 = arith.constant 0 : index
    %get3A_27 = arith.constant 0 : index
    %get3A_28 = vector.load %arg8[%get3A_26, %get3A_27] : memref<128x256xf32, #tpu.memory_space<vmem>>, vector<128x256xf32>
    %dot_general3A_29 = arith.constant dense<0.000000e+00> : vector<1000x256xf32>
    %dot_general3A_30 = tpu.matmul %get3A_25, %get3A_28, %dot_general3A_29 {dimension_numbers = #tpu.dot_dimension_numbers<[1], [0], [0], [1], [0, 0, 1, 1], [], []>, transpose_lhs_hint = false} : vector<1000x128xf32>, vector<128x256xf32>, vector<1000x256xf32> -> vector<1000x256xf32>
    %add3A_31 = arith.addf %add3A_22, %dot_general3A_30 : vector<1000x256xf32>
    %get3A_32 = arith.constant 0 : index
    %get3A_33 = arith.constant 0 : index
    %get3A_34 = vector.load %arg9[%get3A_32, %get3A_33] : memref<1x256xf32, #tpu.memory_space<vmem>>, vector<1x256xf32>
    %add3A_35 = vector.broadcast %get3A_34 : vector<1x256xf32> to vector<1000x256xf32>
    %add3A_36 = arith.addf %add3A_31, %add3A_35 : vector<1000x256xf32>
    %swap3A = arith.constant 0 : index
    %swap3A_37 = arith.constant 0 : index
    %swap3A_38 = vector.load %arg10[%swap3A, %swap3A_37] : memref<1000x256xf32, #tpu.memory_space<vmem>>, vector<1000x256xf32>
    tpu.vector_store %arg10[%swap3A, %swap3A_37], %add3A_36 {strides = array<i32>} : memref<1000x256xf32, #tpu.memory_space<vmem>>, vector<1000x256xf32>,
    %eq3A = arith.constant 0 : i32
    %eq3A_39 = arith.cmpi eq, %arg0, %eq3A : i32
    %convert_element_type3A = arith.extui %eq3A_39 : i1 to i32
    %cond3A = arith.constant 0 : i32
    %cond3A_40 = arith.cmpi ne, %convert_element_type3A, %cond3A : i32
    scf.if %cond3A_40 {
      %broadcast_in_dim3A_64 = arith.constant 0.000000e+00 : f32
      %broadcast_in_dim3A_65 = vector.broadcast %broadcast_in_dim3A_64 : f32 to vector<2x256xf32>
      %swap3A_66 = arith.constant 0 : index
      %swap3A_67 = arith.constant 0 : index
      %swap3A_68 = vector.load %arg13[%swap3A_66, %swap3A_67] : memref<2x256xf32, #tpu.memory_space<vmem>>, vector<2x256xf32>
      tpu.vector_store %arg13[%swap3A_66, %swap3A_67], %broadcast_in_dim3A_65 {strides = array<i32>} : memref<2x256xf32, #tpu.memory_space<vmem>>, vector<2x256xf32>,
    } else {
    }
    %get3A_41 = arith.constant 0 : index
    %get3A_42 = arith.constant 0 : index
    %get3A_43 = vector.load %arg13[%get3A_41, %get3A_42] : memref<2x256xf32, #tpu.memory_space<vmem>>, vector<1x256xf32>
    %reduce_sum3A = arith.constant dense<0.000000e+00> : vector<256xf32>
    %reduce_sum3A_44 = vector.multi_reduction <add>, %add3A_36, %reduce_sum3A [0] : vector<1000x256xf32> to vector<256xf32>
    %broadcast_in_dim3A = vector.shape_cast %reduce_sum3A_44 : vector<256xf32> to vector<1x256xf32>
    %add3A_45 = arith.addf %get3A_43, %broadcast_in_dim3A : vector<1x256xf32>
    %swap3A_46 = arith.constant 0 : index
    %swap3A_47 = arith.constant 0 : index
    %swap3A_48 = vector.load %arg13[%swap3A_46, %swap3A_47] : memref<2x256xf32, #tpu.memory_space<vmem>>, vector<1x256xf32>
    tpu.vector_store %arg13[%swap3A_46, %swap3A_47], %add3A_45 {strides = array<i32>} : memref<2x256xf32, #tpu.memory_space<vmem>>, vector<1x256xf32>,
    %get3A_49 = arith.constant 1 : index
    %get3A_50 = arith.constant 0 : index
    %get3A_51 = vector.load %arg13[%get3A_49, %get3A_50] : memref<2x256xf32, #tpu.memory_space<vmem>>, vector<1x256xf32>
    %mul3A = arith.mulf %add3A_36, %add3A_36 : vector<1000x256xf32>
    %reduce_sum3A_52 = arith.constant dense<0.000000e+00> : vector<256xf32>
    %reduce_sum3A_53 = vector.multi_reduction <add>, %mul3A, %reduce_sum3A_52 [0] : vector<1000x256xf32> to vector<256xf32>
    %broadcast_in_dim3A_54 = vector.shape_cast %reduce_sum3A_53 : vector<256xf32> to vector<1x256xf32>
    %add3A_55 = arith.addf %get3A_51, %broadcast_in_dim3A_54 : vector<1x256xf32>
    %swap3A_56 = arith.constant 1 : index
    %swap3A_57 = arith.constant 0 : index
    %swap3A_58 = vector.load %arg13[%swap3A_56, %swap3A_57] : memref<2x256xf32, #tpu.memory_space<vmem>>, vector<1x256xf32>
    tpu.vector_store %arg13[%swap3A_56, %swap3A_57], %add3A_55 {strides = array<i32>} : memref<2x256xf32, #tpu.memory_space<vmem>>, vector<1x256xf32>,
    %eq3A_59 = arith.constant 9 : i32
    %eq3A_60 = arith.cmpi eq, %arg0, %eq3A_59 : i32
    %convert_element_type3A_61 = arith.extui %eq3A_60 : i1 to i32
    %cond3A_62 = arith.constant 0 : i32
    %cond3A_63 = arith.cmpi ne, %convert_element_type3A_61, %cond3A_62 : i32
    scf.if %cond3A_63 {
      %get3A_64 = arith.constant 0 : index
      %get3A_65 = arith.constant 0 : index
      %get3A_66 = vector.load %arg13[%get3A_64, %get3A_65] : memref<2x256xf32, #tpu.memory_space<vmem>>, vector<1x256xf32>
      %swap3A_67 = arith.constant 0 : index
      %swap3A_68 = arith.constant 0 : index
      %swap3A_69 = vector.load %arg11[%swap3A_67, %swap3A_68] : memref<1x256xf32, #tpu.memory_space<vmem>>, vector<1x256xf32>
      tpu.vector_store %arg11[%swap3A_67, %swap3A_68], %get3A_66 {strides = array<i32>} : memref<1x256xf32, #tpu.memory_space<vmem>>, vector<1x256xf32>,
      %get3A_70 = arith.constant 1 : index
      %get3A_71 = arith.constant 0 : index
      %get3A_72 = vector.load %arg13[%get3A_70, %get3A_71] : memref<2x256xf32, #tpu.memory_space<vmem>>, vector<1x256xf32>
      %swap3A_73 = arith.constant 0 : index
      %swap3A_74 = arith.constant 0 : index
      %swap3A_75 = vector.load %arg12[%swap3A_73, %swap3A_74] : memref<1x256xf32, #tpu.memory_space<vmem>>, vector<1x256xf32>
      tpu.vector_store %arg12[%swap3A_73, %swap3A_74], %get3A_72 {strides = array<i32>} : memref<1x256xf32, #tpu.memory_space<vmem>>, vector<1x256xf32>,
    } else {
    }
    return
  }
  func.func @transform_0(%arg0: i32) -> (i32, i32) {
    %c0_i32 = arith.constant 0 : i32
    %c0_i32_0 = arith.constant 0 : i32
    return %arg0, %c0_i32 : i32, i32
  }
  func.func @transform_1(%arg0: i32) -> (i32, i32) {
    %c0_i32 = arith.constant 0 : i32
    %c0_i32_0 = arith.constant 0 : i32
    return %arg0, %c0_i32 : i32, i32
  }
  func.func @transform_2(%arg0: i32) -> (i32, i32) {
    %c0_i32 = arith.constant 0 : i32
    %c0_i32_0 = arith.constant 0 : i32
    return %arg0, %c0_i32 : i32, i32
  }
  func.func @transform_3(%arg0: i32) -> (i32, i32) {
    %c0_i32 = arith.constant 0 : i32
    %c0_i32_0 = arith.constant 0 : i32
    return %arg0, %c0_i32 : i32, i32
  }
  func.func @transform_4(%arg0: i32) -> (i32, i32) {
    %c0_i32 = arith.constant 0 : i32
    %c0_i32_0 = arith.constant 0 : i32
    %c0_i32_1 = arith.constant 0 : i32
    return %c0_i32, %c0_i32_0 : i32, i32
  }
  func.func @transform_5(%arg0: i32) -> (i32, i32) {
    %c0_i32 = arith.constant 0 : i32
    %c0_i32_0 = arith.constant 0 : i32
    %c0_i32_1 = arith.constant 0 : i32
    return %c0_i32, %c0_i32_0 : i32, i32
  }
  func.func @transform_6(%arg0: i32) -> (i32, i32) {
    %c0_i32 = arith.constant 0 : i32
    %c0_i32_0 = arith.constant 0 : i32
    %c0_i32_1 = arith.constant 0 : i32
    return %c0_i32, %c0_i32_0 : i32, i32
  }
  func.func @transform_7(%arg0: i32) -> (i32, i32) {
    %c0_i32 = arith.constant 0 : i32
    %c0_i32_0 = arith.constant 0 : i32
    %c0_i32_1 = arith.constant 0 : i32
    return %c0_i32, %c0_i32_0 : i32, i32
  }
  func.func @transform_8(%arg0: i32) -> (i32, i32) {
    %c0_i32 = arith.constant 0 : i32
    %c0_i32_0 = arith.constant 0 : i32
    %c0_i32_1 = arith.constant 0 : i32
    return %c0_i32, %c0_i32_0 : i32, i32
  }
  func.func @transform_9(%arg0: i32) -> (i32, i32) {
    %c0_i32 = arith.constant 0 : i32
    %c0_i32_0 = arith.constant 0 : i32
    return %arg0, %c0_i32 : i32, i32
  }
  func.func @transform_10(%arg0: i32) -> (i32, i32) {
    %c0_i32 = arith.constant 0 : i32
    %c0_i32_0 = arith.constant 0 : i32
    %c0_i32_1 = arith.constant 0 : i32
    return %c0_i32, %c0_i32_0 : i32, i32
  }
  func.func @transform_11(%arg0: i32) -> (i32, i32) {
    %c0_i32 = arith.constant 0 : i32
    %c0_i32_0 = arith.constant 0 : i32
    %c0_i32_1 = arith.constant 0 : i32
    return %c0_i32, %c0_i32_0 : i32, i32
  }
}

module attributes {stable_mosaic.version = 14 : i64} {
  func.func @_final_body(%arg0: i32, %arg1: memref<1000x256xf32, #tpu.memory_space<vmem>>, %arg2: memref<1x256xf32, #tpu.memory_space<vmem>>, %arg3: memref<1x256xf32, #tpu.memory_space<vmem>>, %arg4: memref<1x256xf32, #tpu.memory_space<vmem>>, %arg5: memref<1x256xf32, #tpu.memory_space<vmem>>, %arg6: memref<1x1x1000xi32, #tpu.memory_space<vmem>>, %arg7: memref<1x256xf32, #tpu.memory_space<vmem>>, %arg8: memref<1x1xf32, #tpu.memory_space<smem>>, %arg9: memref<1x64xf32, #tpu.memory_space<vmem>>, %arg10: memref<64x256xf32, #tpu.memory_space<vmem>>, %arg11: memref<1x64xf32, #tpu.memory_space<vmem>>) attributes {dimension_semantics = [#tpu.dimension_semantics<arbitrary>], iteration_bounds = array<i64: 10>, scalar_prefetch = 0 : i64, scratch_operands = 2 : i64, tpu.core_type = #tpu.core_type<tc>, window_params = [{transform_indices = @transform_0, window_bounds = array<i64: 1000, 256>}, {pipeline_mode = #tpu.pipeline_mode<synchronous>, transform_indices = @transform_1, window_bounds = array<i64: 1, 256>}, {pipeline_mode = #tpu.pipeline_mode<synchronous>, transform_indices = @transform_2, window_bounds = array<i64: 1, 256>}, {pipeline_mode = #tpu.pipeline_mode<synchronous>, transform_indices = @transform_3, window_bounds = array<i64: 1, 256>}, {pipeline_mode = #tpu.pipeline_mode<synchronous>, transform_indices = @transform_4, window_bounds = array<i64: 1, 256>}, {transform_indices = @transform_5, window_bounds = array<i64: 1, 1, 1000>}, {pipeline_mode = #tpu.pipeline_mode<synchronous>, transform_indices = @transform_6, window_bounds = array<i64: 1, 256>}, {transform_indices = @transform_7, window_bounds = array<i64: 1, 1>}, {pipeline_mode = #tpu.pipeline_mode<synchronous>, transform_indices = @transform_8, window_bounds = array<i64: 1, 64>}]} {
    %get3A = arith.constant 0 : index
    %get3A_0 = arith.constant 0 : index
    %get3A_1 = vector.load %arg2[%get3A, %get3A_0] : memref<1x256xf32, #tpu.memory_space<vmem>>, vector<1x256xf32>
    %mul3A = arith.constant 9.99999974E-5 : f32
    %mul3A_2 = vector.broadcast %mul3A : f32 to vector<1x256xf32>
    %mul3A_3 = arith.mulf %get3A_1, %mul3A_2 : vector<1x256xf32>
    %get3A_4 = arith.constant 0 : index
    %get3A_5 = arith.constant 0 : index
    %get3A_6 = vector.load %arg3[%get3A_4, %get3A_5] : memref<1x256xf32, #tpu.memory_space<vmem>>, vector<1x256xf32>
    %mul3A_7 = arith.constant 9.99999974E-5 : f32
    %mul3A_8 = vector.broadcast %mul3A_7 : f32 to vector<1x256xf32>
    %mul3A_9 = arith.mulf %get3A_6, %mul3A_8 : vector<1x256xf32>
    %mul3A_10 = arith.mulf %mul3A_3, %mul3A_3 : vector<1x256xf32>
    %sub3A = arith.subf %mul3A_9, %mul3A_10 : vector<1x256xf32>
    %get3A_11 = arith.constant 0 : index
    %get3A_12 = arith.constant 0 : index
    %get3A_13 = vector.load %arg4[%get3A_11, %get3A_12] : memref<1x256xf32, #tpu.memory_space<vmem>>, vector<1x256xf32>
    %add3A = arith.constant 9.99999974E-6 : f32
    %add3A_14 = vector.broadcast %add3A : f32 to vector<1x256xf32>
    %add3A_15 = arith.addf %sub3A, %add3A_14 : vector<1x256xf32>
    %rsqrt3A = math.rsqrt %add3A_15 : vector<1x256xf32>
    %mul3A_16 = arith.mulf %get3A_13, %rsqrt3A : vector<1x256xf32>
    %get3A_17 = arith.constant 0 : index
    %get3A_18 = arith.constant 0 : index
    %get3A_19 = vector.load %arg1[%get3A_17, %get3A_18] : memref<1000x256xf32, #tpu.memory_space<vmem>>, vector<1000x256xf32>
    %sub3A_20 = vector.broadcast %mul3A_3 : vector<1x256xf32> to vector<1000x256xf32>
    %sub3A_21 = arith.subf %get3A_19, %sub3A_20 : vector<1000x256xf32>
    %mul3A_22 = vector.broadcast %mul3A_16 : vector<1x256xf32> to vector<1000x256xf32>
    %mul3A_23 = arith.mulf %sub3A_21, %mul3A_22 : vector<1000x256xf32>
    %get3A_24 = arith.constant 0 : index
    %get3A_25 = arith.constant 0 : index
    %get3A_26 = vector.load %arg5[%get3A_24, %get3A_25] : memref<1x256xf32, #tpu.memory_space<vmem>>, vector<1x256xf32>
    %add3A_27 = vector.broadcast %get3A_26 : vector<1x256xf32> to vector<1000x256xf32>
    %add3A_28 = arith.addf %mul3A_23, %add3A_27 : vector<1000x256xf32>
    %max3A = arith.constant 0.000000e+00 : f32
    %max3A_29 = vector.broadcast %max3A : f32 to vector<1000x256xf32>
    %max3A_30 = arith.maximumf %add3A_28, %max3A_29 : vector<1000x256xf32>
    %get3A_31 = arith.constant 0 : index
    %get3A_32 = arith.constant 0 : index
    %get3A_33 = arith.constant 0 : index
    %get3A_34 = vector.load %arg6[%get3A_31, %get3A_32, %get3A_33] : memref<1x1x1000xi32, #tpu.memory_space<vmem>>, vector<1x1x1000xi32>
    %get3A_35 = vector.shape_cast %get3A_34 : vector<1x1x1000xi32> to vector<1000xi32>
    %broadcast_in_dim3A = vector.shape_cast %get3A_35 : vector<1000xi32> to vector<1000x1xi32>
    %iota3A = tpu.iota {dimensions = array<i32: 1>} : vector<1x64xi32>
    %eq3A = vector.broadcast %broadcast_in_dim3A : vector<1000x1xi32> to vector<1000x64xi32>
    %eq3A_36 = vector.broadcast %iota3A : vector<1x64xi32> to vector<1000x64xi32>
    %eq3A_37 = arith.cmpi eq, %eq3A, %eq3A_36 : vector<1000x64xi32>
    %convert_element_type3A = arith.extui %eq3A_37 : vector<1000x64xi1> to vector<1000x64xi32>
    %convert_element_type3A_38 = arith.sitofp %convert_element_type3A : vector<1000x64xi32> to vector<1000x64xf32>
    %eq3A_39 = arith.constant 0 : i32
    %eq3A_40 = arith.cmpi eq, %arg0, %eq3A_39 : i32
    %convert_element_type3A_41 = arith.extui %eq3A_40 : i1 to i32
    %cond3A = arith.constant 0 : i32
    %cond3A_42 = arith.cmpi ne, %convert_element_type3A_41, %cond3A : i32
    scf.if %cond3A_42 {
      %broadcast_in_dim3A_64 = arith.constant 0.000000e+00 : f32
      %broadcast_in_dim3A_65 = vector.broadcast %broadcast_in_dim3A_64 : f32 to vector<64x256xf32>
      %swap3A_66 = arith.constant 0 : index
      %swap3A_67 = arith.constant 0 : index
      %swap3A_68 = vector.load %arg10[%swap3A_66, %swap3A_67] : memref<64x256xf32, #tpu.memory_space<vmem>>, vector<64x256xf32>
      tpu.vector_store %arg10[%swap3A_66, %swap3A_67], %broadcast_in_dim3A_65 {strides = array<i32>} : memref<64x256xf32, #tpu.memory_space<vmem>>, vector<64x256xf32>,
      %broadcast_in_dim3A_69 = arith.constant 0.000000e+00 : f32
      %broadcast_in_dim3A_70 = vector.broadcast %broadcast_in_dim3A_69 : f32 to vector<1x64xf32>
      %swap3A_71 = arith.constant 0 : index
      %swap3A_72 = arith.constant 0 : index
      %swap3A_73 = vector.load %arg11[%swap3A_71, %swap3A_72] : memref<1x64xf32, #tpu.memory_space<vmem>>, vector<1x64xf32>
      tpu.vector_store %arg11[%swap3A_71, %swap3A_72], %broadcast_in_dim3A_70 {strides = array<i32>} : memref<1x64xf32, #tpu.memory_space<vmem>>, vector<1x64xf32>,
    } else {
    }
    %get3A_43 = arith.constant 0 : index
    %get3A_44 = arith.constant 0 : index
    %get3A_45 = vector.load %arg10[%get3A_43, %get3A_44] : memref<64x256xf32, #tpu.memory_space<vmem>>, vector<64x256xf32>
    %dot_general3A = arith.constant dense<0.000000e+00> : vector<64x256xf32>
    %dot_general3A_46 = tpu.matmul %convert_element_type3A_38, %max3A_30, %dot_general3A {dimension_numbers = #tpu.dot_dimension_numbers<[0], [0], [1], [1], [0, 1, 1, 1], [], []>, transpose_lhs_hint = false} : vector<1000x64xf32>, vector<1000x256xf32>, vector<64x256xf32> -> vector<64x256xf32>
    %add3A_47 = arith.addf %get3A_45, %dot_general3A_46 : vector<64x256xf32>
    %swap3A = arith.constant 0 : index
    %swap3A_48 = arith.constant 0 : index
    %swap3A_49 = vector.load %arg10[%swap3A, %swap3A_48] : memref<64x256xf32, #tpu.memory_space<vmem>>, vector<64x256xf32>
    tpu.vector_store %arg10[%swap3A, %swap3A_48], %add3A_47 {strides = array<i32>} : memref<64x256xf32, #tpu.memory_space<vmem>>, vector<64x256xf32>,
    %get3A_50 = arith.constant 0 : index
    %get3A_51 = arith.constant 0 : index
    %get3A_52 = vector.load %arg11[%get3A_50, %get3A_51] : memref<1x64xf32, #tpu.memory_space<vmem>>, vector<1x64xf32>
    %reduce_sum3A = arith.constant dense<0.000000e+00> : vector<64xf32>
    %reduce_sum3A_53 = vector.multi_reduction <add>, %convert_element_type3A_38, %reduce_sum3A [0] : vector<1000x64xf32> to vector<64xf32>
    %broadcast_in_dim3A_54 = vector.shape_cast %reduce_sum3A_53 : vector<64xf32> to vector<1x64xf32>
    %add3A_55 = arith.addf %get3A_52, %broadcast_in_dim3A_54 : vector<1x64xf32>
    %swap3A_56 = arith.constant 0 : index
    %swap3A_57 = arith.constant 0 : index
    %swap3A_58 = vector.load %arg11[%swap3A_56, %swap3A_57] : memref<1x64xf32, #tpu.memory_space<vmem>>, vector<1x64xf32>
    tpu.vector_store %arg11[%swap3A_56, %swap3A_57], %add3A_55 {strides = array<i32>} : memref<1x64xf32, #tpu.memory_space<vmem>>, vector<1x64xf32>,
    %eq3A_59 = arith.constant 9 : i32
    %eq3A_60 = arith.cmpi eq, %arg0, %eq3A_59 : i32
    %convert_element_type3A_61 = arith.extui %eq3A_60 : i1 to i32
    %cond3A_62 = arith.constant 0 : i32
    %cond3A_63 = arith.cmpi ne, %convert_element_type3A_61, %cond3A_62 : i32
    scf.if %cond3A_63 {
      %get3A_64 = arith.constant 0 : index
      %get3A_65 = arith.constant 0 : index
      %get3A_66 = vector.load %arg7[%get3A_64, %get3A_65] : memref<1x256xf32, #tpu.memory_space<vmem>>, vector<1x256xf32>
      %get3A_67 = arith.constant 0 : index
      %get3A_68 = arith.constant 0 : index
      %get3A_69 = vector.load %arg10[%get3A_67, %get3A_68] : memref<64x256xf32, #tpu.memory_space<vmem>>, vector<64x256xf32>
      %dot_general3A_70 = arith.constant dense<0.000000e+00> : vector<1x64xf32>
      %dot_general3A_71 = tpu.matmul %get3A_66, %get3A_69, %dot_general3A_70 {dimension_numbers = #tpu.dot_dimension_numbers<[1], [1], [0], [0], [0, 0, 1, 0], [], []>, transpose_lhs_hint = false} : vector<1x256xf32>, vector<64x256xf32>, vector<1x64xf32> -> vector<1x64xf32>
      %get3A_72 = arith.constant 0 : index
      %get3A_73 = arith.constant 0 : index
      %get3A_74 = vector.load %arg11[%get3A_72, %get3A_73] : memref<1x64xf32, #tpu.memory_space<vmem>>, vector<1x64xf32>
      %max3A_75 = arith.constant 1.000000e+00 : f32
      %max3A_76 = vector.broadcast %max3A_75 : f32 to vector<1x64xf32>
      %max3A_77 = arith.maximumf %get3A_74, %max3A_76 : vector<1x64xf32>
      %div3A = arith.divf %dot_general3A_71, %max3A_77 : vector<1x64xf32>
      %get3A_78 = arith.constant 0 : index
      %get3A_79 = arith.constant 0 : index
      %get3A_80 = memref.load %arg8[%get3A_78, %get3A_79] : memref<1x1xf32, #tpu.memory_space<smem>>
      %add3A_81 = vector.broadcast %get3A_80 : f32 to vector<1x64xf32>
      %add3A_82 = arith.addf %div3A, %add3A_81 : vector<1x64xf32>
      %neg3A = arith.constant 0.000000e+00 : f32
      %neg3A_83 = vector.broadcast %neg3A : f32 to vector<1x64xf32>
      %neg3A_84 = arith.subf %neg3A_83, %add3A_82 : vector<1x64xf32>
      %exp3A = math.exp %neg3A_84 : vector<1x64xf32>
      %add3A_85 = arith.constant 1.000000e+00 : f32
      %add3A_86 = vector.broadcast %add3A_85 : f32 to vector<1x64xf32>
      %add3A_87 = arith.addf %add3A_86, %exp3A : vector<1x64xf32>
      %div3A_88 = arith.constant 1.000000e+00 : f32
      %div3A_89 = vector.broadcast %div3A_88 : f32 to vector<1x64xf32>
      %div3A_90 = arith.divf %div3A_89, %add3A_87 : vector<1x64xf32>
      %swap3A_91 = arith.constant 0 : index
      %swap3A_92 = arith.constant 0 : index
      %swap3A_93 = vector.load %arg9[%swap3A_91, %swap3A_92] : memref<1x64xf32, #tpu.memory_space<vmem>>, vector<1x64xf32>
      tpu.vector_store %arg9[%swap3A_91, %swap3A_92], %div3A_90 {strides = array<i32>} : memref<1x64xf32, #tpu.memory_space<vmem>>, vector<1x64xf32>,
    } else {
    }
    return
  }
  func.func @transform_0(%arg0: i32) -> (i32, i32) {
    %c0_i32 = arith.constant 0 : i32
    %c0_i32_0 = arith.constant 0 : i32
    return %arg0, %c0_i32 : i32, i32
  }
  func.func @transform_1(%arg0: i32) -> (i32, i32) {
    %c0_i32 = arith.constant 0 : i32
    %c0_i32_0 = arith.constant 0 : i32
    %c0_i32_1 = arith.constant 0 : i32
    return %c0_i32, %c0_i32_0 : i32, i32
  }
  func.func @transform_2(%arg0: i32) -> (i32, i32) {
    %c0_i32 = arith.constant 0 : i32
    %c0_i32_0 = arith.constant 0 : i32
    %c0_i32_1 = arith.constant 0 : i32
    return %c0_i32, %c0_i32_0 : i32, i32
  }
  func.func @transform_3(%arg0: i32) -> (i32, i32) {
    %c0_i32 = arith.constant 0 : i32
    %c0_i32_0 = arith.constant 0 : i32
    %c0_i32_1 = arith.constant 0 : i32
    return %c0_i32, %c0_i32_0 : i32, i32
  }
  func.func @transform_4(%arg0: i32) -> (i32, i32) {
    %c0_i32 = arith.constant 0 : i32
    %c0_i32_0 = arith.constant 0 : i32
    %c0_i32_1 = arith.constant 0 : i32
    return %c0_i32, %c0_i32_0 : i32, i32
  }
  func.func @transform_5(%arg0: i32) -> (i32, i32, i32) {
    %c0_i32 = arith.constant 0 : i32
    %c0_i32_0 = arith.constant 0 : i32
    %c0_i32_1 = arith.constant 0 : i32
    return %arg0, %c0_i32, %c0_i32_0 : i32, i32, i32
  }
  func.func @transform_6(%arg0: i32) -> (i32, i32) {
    %c0_i32 = arith.constant 0 : i32
    %c0_i32_0 = arith.constant 0 : i32
    %c0_i32_1 = arith.constant 0 : i32
    return %c0_i32, %c0_i32_0 : i32, i32
  }
  func.func @transform_7(%arg0: i32) -> (i32, i32) {
    %c0_i32 = arith.constant 0 : i32
    %c0_i32_0 = arith.constant 0 : i32
    %c0_i32_1 = arith.constant 0 : i32
    return %c0_i32, %c0_i32_0 : i32, i32
  }
  func.func @transform_8(%arg0: i32) -> (i32, i32) {
    %c0_i32 = arith.constant 0 : i32
    %c0_i32_0 = arith.constant 0 : i32
    %c0_i32_1 = arith.constant 0 : i32
    return %c0_i32, %c0_i32_0 : i32, i32
  }
}

</mosaic_0001>

<sc_bundles>
// kernel: kernel.11.cloned.1.call-start
scs
__scs_entry_jumppad:
0x0: {  	(pc) =	sbr.rel $0x88, $3  }
0x1: {  	(tag) =	ssettag $0x0;
	lr =	simm.s32 $0x1  }
0x2: {  	[smem:$0x3F8C] =	sst lr;
	_ =	strace $0xD0000000  }
0x3: {  	_ = 	snop  }
0x4: {  	_ = 	snop  }
0x5: {  	_ = 	snop  }
0x6: {  	_ = 	snop  }
0x7: {  	_ = 	snop  }
__scs_overlays_trampoline_lowered:
0x8: {  	[smem:$0x3F9B] =	sst s0  }
0x9: {  	[smem:$0x3F9C] =	sst s1  }
0xa: {  	[smem:$0x3F9D] =	sst s2  }
0xb: {  	[smem:$0x3F9E] =	sst s3  }
0xc: {  	[smem:$0x3F9F] =	sst s4  }
0xd: {  	[smem:$0x3FA0] =	sst s5  }
0xe: {  	[smem:$0x3FA1] =	sst s6  }
0xf: {  	[smem:$0x3FA2] =	sst s7  }
0x10: {  	[smem:$0x3FA3] =	sst s8  }
0x11: {  	[smem:$0x3FA4] =	sst s9;
	s0 =	simm.s32 @!p0 $0x0  }
0x12: {  	s1 =	sld [smem:$0x3F8A];
	s0 =	simm.s32 @p0 $0x1  }
0x13: {  	[smem:$0x3FA5] =	sst s0;
	s0 =	simm.s32 @!p1 $0x0  }
0x14: {  	s2 =	sld [smem:$0x3F89];
	s0 =	simm.s32 @p1 $0x1  }
0x15: {  	[smem:$0x3FA6] =	sst s0;
	s0 =	simm.s32 @!p2 $0x0  }
0x16: {  	s3 =	sld [smem:$0x3FDB];
	s0 =	simm.s32 @p2 $0x1  }
0x17: {  	s4 =	simm.s32 $0x1BF5;
	[smem:$0x3FA8] =	sst s0  }
0x18: {  	s0 =	sld [smem:$0x3F8B];
	_ =	swait.ge [sflag:s4], $0x0  }
0x19: {  	s7 =	sld [smem:$0x3F8C]  }
0x1a: {  	s8 =	sadd.s32 $0xFFFFE003, lr  }
0x1b: {  	s9 =	sadd.s32 $0xFFFFFEF7, lr;
	s5 =	simm.s32 $0xFFFFFFFF;
	p2 =	slt.u32 s8, $0xFFFFF086  }
0x1c: {  	p1 =	slt.u32 s9, $0xF7A;
	s5 =	simm.s32 @!p2 $0x0  }
0x1d: {  	s5 =	simm.s32 @p1 $0x1;
	p0 =	seq.s32 s7, s2  }
0x1e: {  	s7 =	smul.u32 @!p0 $0xF7A, s2;
	p2 =	seq.s32 @!p0 s5, $0x0  }
0x1f: {  	s9 =	smul.u32 $0xF7A, s1;
	s8 =	simm.s32 @!p0 $0x1BF5;
	p2 =	por !p2, p0  }
0x20: {  	[sflag:s8] =	ssyncset.s32 @!p0 $0xFFFFF086;
	s6 =	sadd.s32 @!p0 s3, s7;
	s7 =	simm.s32 @!p0 $0x108  }
0x21: {  	s3 =	sadd.s32 s3, s9;
	s6 =	sadd.s32 @!p0 $0x88, s6;
	s7 =	simm.s32 @p2 $0x1082  }
0x22: {  	[simem:s7], [sflag:s8] =	dma.local @!p0 [hbm:s6], $0xF7A  }
0x23: {  	s9 =	sor.u32 $0xD0000000, s2;
	s6 =	simm.s32 $0x108;
	_ =	swait.ge @!p0 [sflag:s8], $0x0  }
0x24: {  	s3 =	sadd.s32 $0x88, s3;
	s6 =	simm.s32 @!p1 $0x1082;
	[sflag:s4] =	ssyncset.s32 $0xFFFFF086  }
0x25: {  	[simem:s6], [sflag:s4] =	dma.local [hbm:s3], $0xF7A  }
0x26: {  	[smem:$0x3F8C] =	sst s1;
	(tag) =	ssettag s2;
	_ =	strace s9  }
0x27: {  	s1 =	sld [smem:$0x3F9C]  }
0x28: {  	s2 =	sld [smem:$0x3F9D]  }
0x29: {  	s4 =	sld [smem:$0x3F9F]  }
0x2a: {  	p0 =	seq.s32 s5, $0x0;
	s5 =	sld [smem:$0x3FA0]  }
0x2b: {  	s6 =	sld [smem:$0x3FA1]  }
0x2c: {  	s7 =	sld [smem:$0x3FA2]  }
0x2d: {  	s3 =	simm.s32 $0x108;
	s8 =	sld [smem:$0x3FA3]  }
0x2e: {  	s3 =	simm.s32 @!p0 $0x1082;
	s9 =	sld [smem:$0x3FA4]  }
0x2f: {  	lr =	sadd.s32 s0, s3;
	s0 =	sld [smem:$0x3F9B]  }
0x30: {  	s3 =	sld [smem:$0x3F9E]  }
0x31: {  	[smem:$0x3FA7] =	sst s10  }
0x32: {  	s10 =	sld [smem:$0x3FA5];
	_ =	sdelay $0x3  }
0x33: {  	p0 =	seq.s32 s10, $0x1;
	s10 =	sld [smem:$0x3FA7];
	_ =	sdelay $0x3  }
0x34: {  	[smem:$0x3FA7] =	sst s10  }
0x35: {  	s10 =	sld [smem:$0x3FA6];
	_ =	sdelay $0x3  }
0x36: {  	p1 =	seq.s32 s10, $0x1;
	s10 =	sld [smem:$0x3FA7];
	_ =	sdelay $0x3  }
0x37: {  	[smem:$0x3FA7] =	sst s10  }
0x38: {  	s10 =	sld [smem:$0x3FA8]  }
0x39: {  	_ = 	snop;
	(pc) =	sbr.ind lr, $3  }
0x3a: {  	_ = 	snop  }
0x3b: {  	_ = 	snop  }
0x3c: {  	p2 =	seq.s32 s10, $0x1;
	s10 =	sld [smem:$0x3FA7]  }
0x3d: {  	_ =	shalt  }
0x3e: {  	_ =	shalt  }
0x3f: {  	_ =	shalt  }
0x40: {  	_ =	shalt  }
0x41: {  	_ =	shalt  }
0x42: {  	_ =	shalt  }
0x43: {  	_ =	shalt  }
0x44: {  	_ =	shalt  }
0x45: {  	_ =	shalt  }
0x46: {  	_ =	shalt  }
0x47: {  	_ =	shalt  }
0x48: {  	_ =	shalt  }
0x49: {  	_ =	shalt  }
0x4a: {  	_ =	shalt  }
0x4b: {  	_ =	shalt  }
0x4c: {  	_ =	shalt  }
0x4d: {  	_ =	shalt  }
0x4e: {  	_ =	shalt  }
0x4f: {  	_ =	shalt  }
0x50: {  	_ =	shalt  }
0x51: {  	_ =	shalt  }
0x52: {  	_ =	shalt  }
0x53: {  	_ =	shalt  }
0x54: {  	_ =	shalt  }
0x55: {  	_ =	shalt  }
0x56: {  	_ =	shalt  }
0x57: {  	_ =	shalt  }
0x58: {  	_ =	shalt  }
0x59: {  	_ =	shalt  }
0x5a: {  	_ =	shalt  }
0x5b: {  	_ =	shalt  }
0x5c: {  	_ =	shalt  }
0x5d: {  	_ =	shalt  }
0x5e: {  	_ =	shalt  }
0x5f: {  	_ =	shalt  }
0x60: {  	_ =	shalt  }
0x61: {  	_ =	shalt  }
0x62: {  	_ =	shalt  }
0x63: {  	_ =	shalt  }
0x64: {  	_ =	shalt  }
0x65: {  	_ =	shalt  }
0x66: {  	_ =	shalt  }
0x67: {  	_ =	shalt  }
0x68: {  	_ =	shalt  }
0x69: {  	_ =	shalt  }
0x6a: {  	_ =	shalt  }
0x6b: {  	_ =	shalt  }
0x6c: {  	_ =	shalt  }
0x6d: {  	_ =	shalt  }
0x6e: {  	_ =	shalt  }
0x6f: {  	_ =	shalt  }
0x70: {  	_ =	shalt  }
0x71: {  	_ =	shalt  }
0x72: {  	_ =	shalt  }
0x73: {  	_ =	shalt  }
0x74: {  	_ =	shalt  }
0x75: {  	_ =	shalt  }
0x76: {  	_ =	shalt  }
0x77: {  	_ =	shalt  }
0x78: {  	_ =	shalt  }
0x79: {  	_ =	shalt  }
0x7a: {  	_ =	shalt  }
0x7b: {  	_ =	shalt  }
0x7c: {  	_ =	shalt  }
0x7d: {  	_ =	shalt  }
0x7e: {  	_ =	shalt  }
0x7f: {  	_ =	shalt  }
0x80: {  	_ =	shalt  }
0x81: {  	_ =	shalt  }
0x82: {  	_ =	shalt  }
0x83: {  	_ =	shalt  }
0x84: {  	_ =	shalt  }
0x85: {  	_ =	shalt  }
0x86: {  	_ =	shalt  }
0x87: {  	_ =	shalt  }
.Lfunc_end0:
.L_simem_size_0:
called_computation_lowered:
.L_overlay_start_0:
0x88: {  	s2 =	sld [smem:$0x3FD9]  }
0x89: {  	s3 =	sld [smem:$0x3FFE];
	_ =	sdelay $0x1  }
0x8a: {  	s1 =	srdreg.scid  }
0x8b: {  	s0 =	sand.u32 $0x1, s1  }
0x8c: {  	s17 =	sshll.u32 s0, $0xA;
	s2 =	sadd.s32 s3, s2  }
0x8d: {  	s2 =	sadd.s32 s2, s17  }
0x8e: {  	[smem:$0x3FB3] =	sst s2  }
0x8f: {  	_ = 	snop  }
0x90: {  	s2 =	sld [smem:$0x3FC9];
	(tm) =	ssettm $0x1  }
0x91: {  	s18 =	sld [smem:$0x3FFB];
	_ =	sdelay $0x3  }
0x92: {  	_ =	strace s18  }
0x93: {  	s3 =	sld [smem:$0x3FFC];
	_ =	sdelay $0x3  }
0x94: {  	_ =	strace s3  }
0x95: {  	s3 =	sld [smem:$0x3FFD];
	_ =	sdelay $0x3  }
0x96: {  	_ =	strace s3  }
0x97: {  	_ =	strace $0x8FFFFFFF  }
0x98: {  	s19 =	sld [smem:$0x3FDB];
	_ =	sdelay $0x1  }
0x99: {  	s4 =	simm.s32 $_scs_section_size  }
0x9a: {  	s5 =	simm.s32 $_size__tile_overlayer_lowered;
	s6 =	simm.s32 $_tile_overlayer_lowered  }
0x9b: {  	s22 =	simm.s32 $0x1BFF;
	s21 =	sshll.u32 s6, $0x1;
	s3 =	sadd.s32 s4, s19  }
0x9c: {  	s7 =	simm.s32 $0x0;
	s20 =	sshll.u32 s5, $0x1;
	s5 =	sadd.s32 s21, s3  }
0x9d: {  	[timem:s7], [sflag:s22] =	dma.local [hbm:s5], s20  }
0x9e: {  	_ =	swait.ge [sflag:s22], s20  }
0x9f: {  	s4 =	ssub.s32 $0x0, s20;
	[sflag:s22] =	ssyncset.done $0x0  }
0xa0: {  	[sflag:s22] =	ssyncadd.s32 s4;
	_ =	sdelay $0x1  }
0xa1: {  	s23 =	simm.s32 $0x1B8B  }
0xa2: {  	_ =	swait.ge [sflag:s23], $0x1  }
0xa3: {  	[sflag:s23] =	ssyncset.done $0x0  }
0xa4: {  	s25 =	simm.s32 $0x1B8E;
	s24 =	sld [smem:$0x3FFE];
	[sflag:s23] =	ssyncadd.s32 $0xFFFFFFFF  }
0xa5: {  	s26 =	simm.s32 $execute0_lowered;
	[smem:$0x3FD2] =	sst s25  }
0xa6: {  	s5 =	sshll.u32 s26, $0x1;
	_ =	strace $0x80000046;
	[dreg:$0x1] =	wrdreg $0xFFFFFFFF  }
0xa7: {  	s28 =	simm.s32 $_size_execute0_lowered;
	s3 =	sadd.s32 s3, s5;
	[dreg:$0x0] =	wrdreg $0x0  }
0xa8: {  	s5 =	sshll.u32 s28, $0x1;
	[dreg:$0x2] =	wrdreg s3  }
0xa9: {  	[dreg:$0x3] =	wrdreg s5  }
0xaa: {  	[dreg:$0x4] =	wrdreg $0xC0  }
0xab: {  	_ =	task [dreg:s7], $0x5FFFF  }
0xac: {  	[dreg:$0x1] =	wrdreg $0xFFFFFFFF  }
0xad: {  	[dreg:$0x0] =	wrdreg $0x60  }
0xae: {  	[dreg:$0x2] =	wrdreg s2  }
0xaf: {  	[dreg:$0x3] =	wrdreg s24  }
0xb0: {  	[dreg:$0x4] =	wrdreg $0x98000  }
0xb1: {  	[dreg:$0x5] =	wrdreg $0x9  }
0xb2: {  	_ =	task.clear_ibuf [dreg:s7], $0x6FFFF;
	_ =	strace $0x90000046  }
0xb3: {  	s29 =	simm.s32 $0x9;
	_ =	strace $0x80000048  }
0xb4: {  	_ =	swait.ge [sflag:s29], $0x1  }
0xb5: {  	[sflag:s29] =	ssyncadd.s32 $0xFFFFFFFF  }
0xb6: {  	_ =	strace $0x90000048  }
0xb7: {  	_ =	sfence  }
0xb8: {  	s30 =	sld [smem:$0x0];
	_ =	sdelay $0x2  }
0xb9: {  	s31 =	sshll.u32 s1, $0xD;
	s1 =	sshrl.u32 s1, $0x2  }
0xba: {  	s3 =	sand.u32 $0x4000, s31;
	s1 =	sadd.s32 s1, s30  }
0xbb: {  	s0 =	sor.u32 s3, s0;
	s1 =	sshll.u32 s1, $0x11  }
0xbc: {  	s0 =	sor.u32 s1, s0  }
0xbd: {  	s0 =	sadd.s32 $0x8F2B, s0  }
0xbe: {  	[sflag:s0] =	ssyncadd.remote.s32 $0x1  }
0xbf: {  	_ =	sfence.sel $0xFFFF  }
0xc0: {  	[dreg:$0x0] =	wrdreg $0xFFFFFFFF;
	(pc) =	sbr.abs _section_cstart, $3  }
0xc1: {  	[dreg:$0x1] =	wrdreg $0xFFFFFFFF  }
0xc2: {  	_ =	task.clear_ibuf [dreg:s7], $0x2FFFF;
	_ =	strace $0x9FFFFFFF  }
0xc3: {  	(tm) =	ssettm $0x7FFFFFFF  }
tec
execute0_lowered:
.L_overlay_start_1:
0x0: {  	(tag) =	ssettag $0x1  }
0x1: {  	s1 =	rddreg [dreg:$0x0]  }
0x2: {  	s0 =	rddreg [dreg:$0x1]  }
0x3: {  	s2 =	srdreg.scid;
	s7 =	stileid.u32  }
0x4: {  	s4 =	rddreg [dreg:$0x2];
	s3 =	simm.s32 $0x0;
	s13 =	simm.s32 $0x1800  }
0x5: {  	s14 =	simm.s32 $0x3;
	s15 =	simm.s32 $0x800;
	s16 =	simm.s32 $0x1000  }
0x6: {  	s17 =	simm.s32 $0x80;
	s18 =	simm.s32 $0x1;
	s19 =	simm.s32 $0x5800  }
0x7: {  	s20 =	simm.s32 $0x2;
	s28 =	simm.s32 $0x400;
	s29 =	simm.s32 $0x480  }
0x8: {  	s30 =	simm.s32 $0x500;
	s31 =	simm.s32 $0x580;
	s5 =	smul.u32 $0x2800, s7  }
0x9: {  	s2 =	sand.u32 $0x1, s2;
	[smem:$0x7FF] =	sst s3;
	s7 =	smul.u32 $0x50000, s7  }
0xa: {  	s6 =	smul.u32 $0x28000, s2;
	_ =	strace $0x80000047;
	s8 =	ssub.s32 $0x2, s2  }
0xb: {  	p0 =	seq.s32 s2, $0x1;
	s2 =	simm.s32 $0x4DE00;
	s7 =	sshrl.u32 s7, $0x2  }
0xc: {  	s9 =	sshrl.u32 s8, $0x1;
	s2 =	simm.s32 @!p0 $0x25E00;
	s4 =	sadd.s32 s7, s4  }
0xd: {  	s6 =	sadd.s32 s5, s6;
	s22 =	sadd.s32 $0x4000, s4;
	[dreg:$0x5] =	wrdreg s4  }
0xe: {  	s21 =	ssub.s32 s8, s9;
	s23 =	sadd.s32 $0x8000, s4;
	[dreg:$0x6] =	wrdreg s22  }
0xf: {  	s7 =	simm.s32 $0x0;
	s24 =	sadd.s32 $0xC000, s4;
	[dreg:$0x7] =	wrdreg s23  }
0x10: {  	s6 =	sshrl.u32 s6, $0x3;
	s4 =	sadd.s32 $0x10000, s4;
	[dreg:$0x8] =	wrdreg s24  }
0x11: {  	s25 =	smax.u32 s21, $0x1;
	s21 =	simm.s32 $0x100;
	[dreg:$0x9] =	wrdreg s4  }
0x12: {  	s6 =	sadd.s32 s6, s0;
	[dreg:$0xa] =	wrdreg s25;
	s0 =	sadd.s32 s2, s0  }
0x13: {  	s22 =	simm.s32 $0x180;
	s23 =	simm.s32 $0x200;
	s24 =	simm.s32 $0x280  }
0x14: {  	s25 =	simm.s32 $0x300;
	s2 =	simm.s32 $0x600;
	s26 =	sadd.s32 $0x7E00, s6  }
0x15: {  	s0 =	sadd.s32 s0, s5;
	s11 =	sadd.s32 $0x1BE00, s6;
	s12 =	sadd.s32 $0x11E00, s6  }
0x16: {  	s5 =	simm.s32 $0x700;
	s6 =	simm.s32 $0x780;
	[dreg:$0xb] =	wrdreg s0  }
0x17: {  	v0 =	vimm.f32 $0.0e+00;
	[dreg:$0x4] =	wrdreg s26;
	s26 =	simm.s32 $0x380;
	s0 =	simm.s32 $0x680  }
.LBB2_1:
0x18: {  	s8 =	sand.u32 $0xFE00, s3  }
0x19: {  	s9 =	sand.u32 $0x70, s3;
	s10 =	sshrl.u32 s8, $0x2  }
0x1a: {  	s8 =	simm.s32 $0x40;
	s10 =	sor.u32 s9, s10;
	s9 =	simm.s32 $0x0  }
.LBB2_2:
0x1b: {  	p0 =	sne.s32 s8, $0xFFC0  }
0x1c: {  	[tilespmem:s10+$0x1800] =	vst v0;
	s9 =	sadd.s32 $0x10, s9;
	s10 =	smov.u32 s8;
	s8 =	sadd.s32 $0x40, s8  }
.Ltmp0:
0x1d: {  	(pc) =	sbr.rel @p0 .LBB2_2-.Ltmp0, $4  }
0x1e: {  	_ = 	snop  }
0x1f: {  	s10 =	sand.u32 $0xFE00, s10  }
0x20: {  	s4 =	sand.u32 $0x70, s9;
	s10 =	sshrl.u32 s10, $0x2  }
0x21: {  	s10 =	sor.u32 s4, s10  }
0x22: {  	[dreg:$0xc] =	wrdreg s7  }
0x23: {  	[tilespmem:s10+$0x1800] =	vst v0;
	s4 =	rddreg [dreg:$0x5]  }
0x24: {  	[spmem:s4] =	stream.linear.scatter [tilespmem:s13], [sflag:$0x3], $0x4000, $0x38;
	[tilespmem:$0x1D800] =	vst v63  }
0x25: {  	_ =	swait.ge [sflag:s14], $0x4000  }
0x26: {  	[sflag:s14] =	ssyncset.done $0x0  }
0x27: {  	s8 =	rddreg [dreg:$0x6];
	[sflag:s14] =	ssyncadd.s32 $0xFFFFC000  }
0x28: {  	[spmem:s8] =	stream.linear.scatter [tilespmem:s13], [sflag:$0x3], $0x4000, $0x38;
	[tilespmem:$0x1D800] =	vst v63  }
0x29: {  	_ =	swait.ge [sflag:s14], $0x4000  }
0x2a: {  	[sflag:s14] =	ssyncset.done $0x0  }
0x2b: {  	s9 =	rddreg [dreg:$0x7];
	[sflag:s14] =	ssyncadd.s32 $0xFFFFC000  }
0x2c: {  	[spmem:s9] =	stream.linear.scatter [tilespmem:s13], [sflag:$0x3], $0x4000, $0x38;
	[tilespmem:$0x1D800] =	vst v63  }
0x2d: {  	_ =	swait.ge [sflag:s14], $0x4000  }
0x2e: {  	[sflag:s14] =	ssyncset.done $0x0  }
0x2f: {  	s10 =	rddreg [dreg:$0x8];
	[sflag:s14] =	ssyncadd.s32 $0xFFFFC000  }
0x30: {  	[spmem:s10] =	stream.linear.scatter [tilespmem:s13], [sflag:$0x3], $0x4000, $0x38;
	[tilespmem:$0x1D800] =	vst v63  }
0x31: {  	_ =	swait.ge [sflag:s14], $0x4000  }
0x32: {  	[sflag:s14] =	ssyncset.done $0x0  }
0x33: {  	s7 =	rddreg [dreg:$0x9];
	[sflag:s14] =	ssyncadd.s32 $0xFFFFC000  }
0x34: {  	[spmem:s7] =	stream.linear.scatter [tilespmem:s13], [sflag:$0x3], $0x4000, $0x38;
	[tilespmem:$0x1D800] =	vst v63  }
0x35: {  	_ =	swait.ge [sflag:s14], $0x4000  }
0x36: {  	[sflag:s14] =	ssyncset.done $0x0  }
0x37: {  	[sflag:s14] =	ssyncadd.s32 $0xFFFFC000  }
0x38: {  	s8 =	sadd.s32 $0x0, s12;
	[bflag:$0x0] =	sbarrier.arrive $0xFFFF  }
0x39: {  	[tilespmem:s3], [sflag:$0x3] =	stream.linear.gather [hbm4b:s8+s3], $0x800, $0x38;
	[tilespmem:$0x1D800] =	vst v63  }
0x3a: {  	_ =	swait.ge [sflag:s14], $0x800  }
0x3b: {  	s9 =	rddreg [dreg:$0x4];
	[sflag:s14] =	ssyncset.done $0x0  }
0x3c: {  	[sflag:s14] =	ssyncadd.s32 $0xFFFFF800;
	s4 =	sadd.s32 $0x0, s9  }
0x3d: {  	[tilespmem:s15], [sflag:$0x3] =	stream.linear.gather [hbm4b:s4+s3], $0x800, $0x38;
	[tilespmem:$0x1D800] =	vst v63  }
0x3e: {  	_ =	swait.ge [sflag:s14], $0x800  }
0x3f: {  	[sflag:s14] =	ssyncset.done $0x0  }
0x40: {  	s10 =	sadd.s32 $0x0, s11;
	[sflag:s14] =	ssyncadd.s32 $0xFFFFF800  }
0x41: {  	[tilespmem:s16], [sflag:$0x3] =	stream.linear.gather [hbm4b:s10+s3], $0x800, $0x38;
	[tilespmem:$0x1D800] =	vst v63  }
0x42: {  	_ =	swait.ge [sflag:s14], $0x800  }
0x43: {  	[sflag:s14] =	ssyncset.done $0x0  }
0x44: {  	[sflag:s14] =	ssyncadd.s32 $0xFFFFF800  }
0x45: {  	[tilespmem:s13], [sflag:$0x1] =	stream.indirect.gather [hbm4b:s1+s17], $0x80, s3, s17, $0xb8;
	[tilespmem:$0x1D800] =	vst v63  }
0x46: {  	_ =	swait.ge [sflag:s18], $0x4000  }
0x47: {  	[sflag:s18] =	ssyncset.done $0x0  }
0x48: {  	[sflag:s18] =	ssyncadd.s32 $0xFFFFC000  }
0x49: {  	[tilespmem:s19], [sflag:$0x2] =	stream.indirect.gather [hbm4b:s1+s17], $0x80, s17, s17, $0xb8;
	[tilespmem:$0x1D800] =	vst v63  }
0x4a: {  	_ =	swait.ge [sflag:s20], $0x4000  }
0x4b: {  	[sflag:s20] =	ssyncset.done $0x0  }
0x4c: {  	[sflag:s20] =	ssyncadd.s32 $0xFFFFC000  }
0x4d: {  	[tilespmem:s13], [sflag:$0x1] =	stream.indirect.gather [hbm4b:s1+s17], $0x80, s21, s17, $0xb8;
	[tilespmem:$0x1D800] =	vst v63  }
0x4e: {  	_ =	swait.ge [sflag:s18], $0x4000  }
0x4f: {  	[sflag:s18] =	ssyncset.done $0x0  }
0x50: {  	[sflag:s18] =	ssyncadd.s32 $0xFFFFC000  }
0x51: {  	[tilespmem:s19], [sflag:$0x2] =	stream.indirect.gather [hbm4b:s1+s17], $0x80, s22, s17, $0xb8;
	[tilespmem:$0x1D800] =	vst v63  }
0x52: {  	_ =	swait.ge [sflag:s20], $0x4000  }
0x53: {  	[sflag:s20] =	ssyncset.done $0x0  }
0x54: {  	[sflag:s20] =	ssyncadd.s32 $0xFFFFC000  }
0x55: {  	[tilespmem:s13], [sflag:$0x1] =	stream.indirect.gather [hbm4b:s1+s17], $0x80, s23, s17, $0xb8;
	[tilespmem:$0x1D800] =	vst v63  }
0x56: {  	_ =	swait.ge [sflag:s18], $0x4000  }
0x57: {  	[sflag:s18] =	ssyncset.done $0x0  }
0x58: {  	[sflag:s18] =	ssyncadd.s32 $0xFFFFC000  }
0x59: {  	[tilespmem:s19], [sflag:$0x2] =	stream.indirect.gather [hbm4b:s1+s17], $0x80, s24, s17, $0xb8;
	[tilespmem:$0x1D800] =	vst v63  }
0x5a: {  	_ =	swait.ge [sflag:s20], $0x4000  }
0x5b: {  	[sflag:s20] =	ssyncset.done $0x0  }
0x5c: {  	[sflag:s20] =	ssyncadd.s32 $0xFFFFC000  }
0x5d: {  	[tilespmem:s13], [sflag:$0x1] =	stream.indirect.gather [hbm4b:s1+s17], $0x80, s25, s17, $0xb8;
	[tilespmem:$0x1D800] =	vst v63  }
0x5e: {  	_ =	swait.ge [sflag:s18], $0x4000  }
0x5f: {  	[sflag:s18] =	ssyncset.done $0x0  }
0x60: {  	[sflag:s18] =	ssyncadd.s32 $0xFFFFC000  }
0x61: {  	[tilespmem:s19], [sflag:$0x2] =	stream.indirect.gather [hbm4b:s1+s17], $0x80, s26, s17, $0xb8;
	[tilespmem:$0x1D800] =	vst v63  }
0x62: {  	_ =	swait.ge [sflag:s20], $0x4000  }
0x63: {  	[sflag:s20] =	ssyncset.done $0x0  }
0x64: {  	[sflag:s20] =	ssyncadd.s32 $0xFFFFC000  }
0x65: {  	[tilespmem:s13], [sflag:$0x1] =	stream.indirect.gather [hbm4b:s1+s17], $0x80, s28, s17, $0xb8;
	[tilespmem:$0x1D800] =	vst v63  }
0x66: {  	_ =	swait.ge [sflag:s18], $0x4000  }
0x67: {  	[sflag:s18] =	ssyncset.done $0x0  }
0x68: {  	[sflag:s18] =	ssyncadd.s32 $0xFFFFC000  }
0x69: {  	[tilespmem:s19], [sflag:$0x2] =	stream.indirect.gather [hbm4b:s1+s17], $0x80, s29, s17, $0xb8;
	[tilespmem:$0x1D800] =	vst v63  }
0x6a: {  	_ =	swait.ge [sflag:s20], $0x4000  }
0x6b: {  	[sflag:s20] =	ssyncset.done $0x0  }
0x6c: {  	[sflag:s20] =	ssyncadd.s32 $0xFFFFC000  }
0x6d: {  	[tilespmem:s13], [sflag:$0x1] =	stream.indirect.gather [hbm4b:s1+s17], $0x80, s30, s17, $0xb8;
	[tilespmem:$0x1D800] =	vst v63  }
0x6e: {  	_ =	swait.ge [sflag:s18], $0x4000  }
0x6f: {  	[sflag:s18] =	ssyncset.done $0x0  }
0x70: {  	[sflag:s18] =	ssyncadd.s32 $0xFFFFC000  }
0x71: {  	[tilespmem:s19], [sflag:$0x2] =	stream.indirect.gather [hbm4b:s1+s17], $0x80, s31, s17, $0xb8;
	[tilespmem:$0x1D800] =	vst v63  }
0x72: {  	_ =	swait.ge [sflag:s20], $0x4000  }
0x73: {  	[sflag:s20] =	ssyncset.done $0x0  }
0x74: {  	[sflag:s20] =	ssyncadd.s32 $0xFFFFC000  }
0x75: {  	[tilespmem:s13], [sflag:$0x1] =	stream.indirect.gather [hbm4b:s1+s17], $0x80, s2, s17, $0xb8;
	[tilespmem:$0x1D800] =	vst v63  }
0x76: {  	_ =	swait.ge [sflag:s18], $0x4000  }
0x77: {  	[sflag:s18] =	ssyncset.done $0x0  }
0x78: {  	[sflag:s18] =	ssyncadd.s32 $0xFFFFC000  }
0x79: {  	[tilespmem:s19], [sflag:$0x2] =	stream.indirect.gather [hbm4b:s1+s17], $0x80, s0, s17, $0xb8;
	[tilespmem:$0x1D800] =	vst v63  }
0x7a: {  	_ =	swait.ge [sflag:s20], $0x4000  }
0x7b: {  	[sflag:s20] =	ssyncset.done $0x0  }
0x7c: {  	[sflag:s20] =	ssyncadd.s32 $0xFFFFC000  }
0x7d: {  	[tilespmem:s13], [sflag:$0x1] =	stream.indirect.gather [hbm4b:s1+s17], $0x80, s5, s17, $0xb8;
	[tilespmem:$0x1D800] =	vst v63  }
0x7e: {  	_ =	swait.ge [sflag:s18], $0x4000  }
0x7f: {  	[sflag:s18] =	ssyncset.done $0x0  }
0x80: {  	[sflag:s18] =	ssyncadd.s32 $0xFFFFC000  }
0x81: {  	[tilespmem:s19], [sflag:$0x2] =	stream.indirect.gather [hbm4b:s1+s17], $0x80, s6, s17, $0xb8;
	[tilespmem:$0x1D800] =	vst v63  }
0x82: {  	_ =	swait.ge [sflag:s20], $0x4000  }
0x83: {  	s8 =	simm.s32 $0x100;
	s9 =	simm.s32 $0x200;
	[sflag:s20] =	ssyncset.done $0x0  }
.LBB2_4:
0x84: {  	s4 =	sadd.s32 s8, s12;
	[sflag:s20] =	ssyncadd.s32 $0xFFFFC000  }
0x85: {  	[tilespmem:s3], [sflag:$0x3] =	stream.linear.gather [hbm4b:s4+s3], $0x800, $0x38;
	[tilespmem:$0x1D800] =	vst v63  }
0x86: {  	s7 =	smov.u32 s9;
	s10 =	sadd.s32 $0x100, s9;
	_ =	swait.ge [sflag:s14], $0x800  }
0x87: {  	p0 =	sne.s32 s9, $0x400;
	s9 =	rddreg [dreg:$0x4];
	[sflag:s14] =	ssyncset.done $0x0  }
0x88: {  	[sflag:s14] =	ssyncadd.s32 $0xFFFFF800;
	s4 =	sadd.s32 s8, s9  }
0x89: {  	[tilespmem:s15], [sflag:$0x3] =	stream.linear.gather [hbm4b:s4+s3], $0x800, $0x38;
	[tilespmem:$0x1D800] =	vst v63  }
0x8a: {  	_ =	swait.ge [sflag:s14], $0x800  }
0x8b: {  	[sflag:s14] =	ssyncset.done $0x0  }
0x8c: {  	s9 =	sadd.s32 s8, s11;
	[sflag:s14] =	ssyncadd.s32 $0xFFFFF800  }
0x8d: {  	[tilespmem:s16], [sflag:$0x3] =	stream.linear.gather [hbm4b:s9+s3], $0x800, $0x38;
	[tilespmem:$0x1D800] =	vst v63  }
0x8e: {  	_ =	swait.ge [sflag:s14], $0x800  }
0x8f: {  	[sflag:s14] =	ssyncset.done $0x0  }
0x90: {  	[sflag:s14] =	ssyncadd.s32 $0xFFFFF800  }
0x91: {  	[tilespmem:s13], [sflag:$0x1] =	stream.indirect.gather [hbm4b:s1+s17], $0x80, s3, s17, $0xb8;
	[tilespmem:$0x1D800] =	vst v63  }
0x92: {  	_ =	swait.ge [sflag:s18], $0x4000  }
0x93: {  	[sflag:s18] =	ssyncset.done $0x0  }
0x94: {  	[sflag:s18] =	ssyncadd.s32 $0xFFFFC000  }
0x95: {  	[tilespmem:s19], [sflag:$0x2] =	stream.indirect.gather [hbm4b:s1+s17], $0x80, s17, s17, $0xb8;
	[tilespmem:$0x1D800] =	vst v63  }
0x96: {  	_ =	swait.ge [sflag:s20], $0x4000  }
0x97: {  	[sflag:s20] =	ssyncset.done $0x0  }
0x98: {  	[sflag:s20] =	ssyncadd.s32 $0xFFFFC000  }
0x99: {  	[tilespmem:s13], [sflag:$0x1] =	stream.indirect.gather [hbm4b:s1+s17], $0x80, s21, s17, $0xb8;
	[tilespmem:$0x1D800] =	vst v63  }
0x9a: {  	_ =	swait.ge [sflag:s18], $0x4000  }
0x9b: {  	[sflag:s18] =	ssyncset.done $0x0  }
0x9c: {  	[sflag:s18] =	ssyncadd.s32 $0xFFFFC000  }
0x9d: {  	[tilespmem:s19], [sflag:$0x2] =	stream.indirect.gather [hbm4b:s1+s17], $0x80, s22, s17, $0xb8;
	[tilespmem:$0x1D800] =	vst v63  }
0x9e: {  	_ =	swait.ge [sflag:s20], $0x4000  }
0x9f: {  	[sflag:s20] =	ssyncset.done $0x0  }
0xa0: {  	[sflag:s20] =	ssyncadd.s32 $0xFFFFC000  }
0xa1: {  	[tilespmem:s13], [sflag:$0x1] =	stream.indirect.gather [hbm4b:s1+s17], $0x80, s23, s17, $0xb8;
	[tilespmem:$0x1D800] =	vst v63  }
0xa2: {  	_ =	swait.ge [sflag:s18], $0x4000  }
0xa3: {  	[sflag:s18] =	ssyncset.done $0x0  }
0xa4: {  	[sflag:s18] =	ssyncadd.s32 $0xFFFFC000  }
0xa5: {  	[tilespmem:s19], [sflag:$0x2] =	stream.indirect.gather [hbm4b:s1+s17], $0x80, s24, s17, $0xb8;
	[tilespmem:$0x1D800] =	vst v63  }
0xa6: {  	_ =	swait.ge [sflag:s20], $0x4000  }
0xa7: {  	[sflag:s20] =	ssyncset.done $0x0  }
0xa8: {  	[sflag:s20] =	ssyncadd.s32 $0xFFFFC000  }
0xa9: {  	[tilespmem:s13], [sflag:$0x1] =	stream.indirect.gather [hbm4b:s1+s17], $0x80, s25, s17, $0xb8;
	[tilespmem:$0x1D800] =	vst v63  }
0xaa: {  	_ =	swait.ge [sflag:s18], $0x4000  }
0xab: {  	[sflag:s18] =	ssyncset.done $0x0  }
0xac: {  	[sflag:s18] =	ssyncadd.s32 $0xFFFFC000  }
0xad: {  	[tilespmem:s19], [sflag:$0x2] =	stream.indirect.gather [hbm4b:s1+s17], $0x80, s26, s17, $0xb8;
	[tilespmem:$0x1D800] =	vst v63  }
0xae: {  	_ =	swait.ge [sflag:s20], $0x4000  }
0xaf: {  	[sflag:s20] =	ssyncset.done $0x0  }
0xb0: {  	[sflag:s20] =	ssyncadd.s32 $0xFFFFC000  }
0xb1: {  	[tilespmem:s13], [sflag:$0x1] =	stream.indirect.gather [hbm4b:s1+s17], $0x80, s28, s17, $0xb8;
	[tilespmem:$0x1D800] =	vst v63  }
0xb2: {  	_ =	swait.ge [sflag:s18], $0x4000  }
0xb3: {  	[sflag:s18] =	ssyncset.done $0x0  }
0xb4: {  	[sflag:s18] =	ssyncadd.s32 $0xFFFFC000  }
0xb5: {  	[tilespmem:s19], [sflag:$0x2] =	stream.indirect.gather [hbm4b:s1+s17], $0x80, s29, s17, $0xb8;
	[tilespmem:$0x1D800] =	vst v63  }
0xb6: {  	_ =	swait.ge [sflag:s20], $0x4000  }
0xb7: {  	[sflag:s20] =	ssyncset.done $0x0  }
0xb8: {  	[sflag:s20] =	ssyncadd.s32 $0xFFFFC000  }
0xb9: {  	[tilespmem:s13], [sflag:$0x1] =	stream.indirect.gather [hbm4b:s1+s17], $0x80, s30, s17, $0xb8;
	[tilespmem:$0x1D800] =	vst v63  }
0xba: {  	_ =	swait.ge [sflag:s18], $0x4000  }
0xbb: {  	[sflag:s18] =	ssyncset.done $0x0  }
0xbc: {  	[sflag:s18] =	ssyncadd.s32 $0xFFFFC000  }
0xbd: {  	[tilespmem:s19], [sflag:$0x2] =	stream.indirect.gather [hbm4b:s1+s17], $0x80, s31, s17, $0xb8;
	[tilespmem:$0x1D800] =	vst v63  }
0xbe: {  	_ =	swait.ge [sflag:s20], $0x4000  }
0xbf: {  	[sflag:s20] =	ssyncset.done $0x0  }
0xc0: {  	[sflag:s20] =	ssyncadd.s32 $0xFFFFC000  }
0xc1: {  	[tilespmem:s13], [sflag:$0x1] =	stream.indirect.gather [hbm4b:s1+s17], $0x80, s2, s17, $0xb8;
	[tilespmem:$0x1D800] =	vst v63  }
0xc2: {  	_ =	swait.ge [sflag:s18], $0x4000  }
0xc3: {  	[sflag:s18] =	ssyncset.done $0x0  }
0xc4: {  	[sflag:s18] =	ssyncadd.s32 $0xFFFFC000  }
0xc5: {  	[tilespmem:s19], [sflag:$0x2] =	stream.indirect.gather [hbm4b:s1+s17], $0x80, s0, s17, $0xb8;
	[tilespmem:$0x1D800] =	vst v63  }
0xc6: {  	_ =	swait.ge [sflag:s20], $0x4000  }
0xc7: {  	[sflag:s20] =	ssyncset.done $0x0  }
0xc8: {  	[sflag:s20] =	ssyncadd.s32 $0xFFFFC000  }
0xc9: {  	[tilespmem:s13], [sflag:$0x1] =	stream.indirect.gather [hbm4b:s1+s17], $0x80, s5, s17, $0xb8;
	[tilespmem:$0x1D800] =	vst v63  }
0xca: {  	_ =	swait.ge [sflag:s18], $0x4000  }
.Ltmp1:
0xcb: {  	[sflag:s18] =	ssyncset.done $0x0;
	(pc) =	sbr.rel @p0 .LBB2_4-.Ltmp1, $4  }
0xcc: {  	[sflag:s18] =	ssyncadd.s32 $0xFFFFC000  }
0xcd: {  	[tilespmem:s19], [sflag:$0x2] =	stream.indirect.gather [hbm4b:s1+s17], $0x80, s6, s17, $0xb8;
	[tilespmem:$0x1D800] =	vst v63  }
0xce: {  	_ =	swait.ge [sflag:s20], $0x4000  }
0xcf: {  	s8 =	smov.u32 s7;
	s9 =	smov.u32 s10;
	[sflag:s20] =	ssyncset.done $0x0  }
0xd0: {  	s4 =	sadd.s32 s8, s12;
	[sflag:s20] =	ssyncadd.s32 $0xFFFFC000  }
0xd1: {  	[tilespmem:s3], [sflag:$0x3] =	stream.linear.gather [hbm4b:s4+s3], $0x800, $0x38;
	[tilespmem:$0x1D800] =	vst v63  }
0xd2: {  	_ =	swait.ge [sflag:s14], $0x800  }
0xd3: {  	s7 =	rddreg [dreg:$0x4];
	[sflag:s14] =	ssyncset.done $0x0  }
0xd4: {  	[sflag:s14] =	ssyncadd.s32 $0xFFFFF800;
	s4 =	sadd.s32 s8, s7  }
0xd5: {  	[tilespmem:s15], [sflag:$0x3] =	stream.linear.gather [hbm4b:s4+s3], $0x800, $0x38;
	[tilespmem:$0x1D800] =	vst v63  }
0xd6: {  	_ =	swait.ge [sflag:s14], $0x800  }
0xd7: {  	[sflag:s14] =	ssyncset.done $0x0  }
0xd8: {  	s8 =	sadd.s32 s8, s11;
	[sflag:s14] =	ssyncadd.s32 $0xFFFFF800  }
0xd9: {  	[tilespmem:s16], [sflag:$0x3] =	stream.linear.gather [hbm4b:s8+s3], $0x800, $0x38;
	[tilespmem:$0x1D800] =	vst v63  }
0xda: {  	_ =	swait.ge [sflag:s14], $0x800  }
0xdb: {  	[sflag:s14] =	ssyncset.done $0x0  }
0xdc: {  	[sflag:s14] =	ssyncadd.s32 $0xFFFFF800  }
0xdd: {  	[tilespmem:s13], [sflag:$0x1] =	stream.indirect.gather [hbm4b:s1+s17], $0x80, s3, s17, $0xb8;
	[tilespmem:$0x1D800] =	vst v63  }
0xde: {  	_ =	swait.ge [sflag:s18], $0x4000  }
0xdf: {  	[sflag:s18] =	ssyncset.done $0x0  }
0xe0: {  	[sflag:s18] =	ssyncadd.s32 $0xFFFFC000  }
0xe1: {  	[tilespmem:s19], [sflag:$0x2] =	stream.indirect.gather [hbm4b:s1+s17], $0x80, s17, s17, $0xb8;
	[tilespmem:$0x1D800] =	vst v63  }
0xe2: {  	_ =	swait.ge [sflag:s20], $0x4000  }
0xe3: {  	[sflag:s20] =	ssyncset.done $0x0  }
0xe4: {  	[sflag:s20] =	ssyncadd.s32 $0xFFFFC000  }
0xe5: {  	[tilespmem:s13], [sflag:$0x1] =	stream.indirect.gather [hbm4b:s1+s17], $0x80, s21, s17, $0xb8;
	[tilespmem:$0x1D800] =	vst v63  }
0xe6: {  	_ =	swait.ge [sflag:s18], $0x4000  }
0xe7: {  	[sflag:s18] =	ssyncset.done $0x0  }
0xe8: {  	[sflag:s18] =	ssyncadd.s32 $0xFFFFC000  }
0xe9: {  	[tilespmem:s19], [sflag:$0x2] =	stream.indirect.gather [hbm4b:s1+s17], $0x80, s22, s17, $0xb8;
	[tilespmem:$0x1D800] =	vst v63  }
0xea: {  	_ =	swait.ge [sflag:s20], $0x4000  }
0xeb: {  	[sflag:s20] =	ssyncset.done $0x0  }
0xec: {  	[sflag:s20] =	ssyncadd.s32 $0xFFFFC000  }
0xed: {  	[tilespmem:s13], [sflag:$0x1] =	stream.indirect.gather [hbm4b:s1+s17], $0x80, s23, s17, $0xb8;
	[tilespmem:$0x1D800] =	vst v63  }
0xee: {  	_ =	swait.ge [sflag:s18], $0x4000  }
0xef: {  	[sflag:s18] =	ssyncset.done $0x0  }
0xf0: {  	[sflag:s18] =	ssyncadd.s32 $0xFFFFC000  }
0xf1: {  	[tilespmem:s19], [sflag:$0x2] =	stream.indirect.gather [hbm4b:s1+s17], $0x80, s24, s17, $0xb8;
	[tilespmem:$0x1D800] =	vst v63  }
0xf2: {  	_ =	swait.ge [sflag:s20], $0x4000  }
0xf3: {  	[sflag:s20] =	ssyncset.done $0x0  }
0xf4: {  	[sflag:s20] =	ssyncadd.s32 $0xFFFFC000  }
0xf5: {  	[tilespmem:s13], [sflag:$0x1] =	stream.indirect.gather [hbm4b:s1+s17], $0x80, s25, s17, $0xb8;
	[tilespmem:$0x1D800] =	vst v63  }
0xf6: {  	_ =	swait.ge [sflag:s18], $0x4000  }
0xf7: {  	[sflag:s18] =	ssyncset.done $0x0  }
0xf8: {  	[sflag:s18] =	ssyncadd.s32 $0xFFFFC000  }
0xf9: {  	[tilespmem:s19], [sflag:$0x2] =	stream.indirect.gather [hbm4b:s1+s17], $0x80, s26, s17, $0xb8;
	[tilespmem:$0x1D800] =	vst v63  }
0xfa: {  	_ =	swait.ge [sflag:s20], $0x4000  }
0xfb: {  	[sflag:s20] =	ssyncset.done $0x0  }
0xfc: {  	[sflag:s20] =	ssyncadd.s32 $0xFFFFC000  }
0xfd: {  	[tilespmem:s13], [sflag:$0x1] =	stream.indirect.gather [hbm4b:s1+s17], $0x80, s28, s17, $0xb8;
	[tilespmem:$0x1D800] =	vst v63  }
0xfe: {  	_ =	swait.ge [sflag:s18], $0x4000  }
0xff: {  	[sflag:s18] =	ssyncset.done $0x0  }
0x100: {  	[sflag:s18] =	ssyncadd.s32 $0xFFFFC000  }
0x101: {  	[tilespmem:s19], [sflag:$0x2] =	stream.indirect.gather [hbm4b:s1+s17], $0x80, s29, s17, $0xb8;
	[tilespmem:$0x1D800] =	vst v63  }
0x102: {  	_ =	swait.ge [sflag:s20], $0x4000  }
0x103: {  	[sflag:s20] =	ssyncset.done $0x0  }
0x104: {  	[sflag:s20] =	ssyncadd.s32 $0xFFFFC000  }
0x105: {  	[tilespmem:s13], [sflag:$0x1] =	stream.indirect.gather [hbm4b:s1+s17], $0x80, s30, s17, $0xb8;
	[tilespmem:$0x1D800] =	vst v63  }
0x106: {  	_ =	swait.ge [sflag:s18], $0x4000  }
0x107: {  	[sflag:s18] =	ssyncset.done $0x0  }
0x108: {  	[sflag:s18] =	ssyncadd.s32 $0xFFFFC000  }
0x109: {  	[tilespmem:s19], [sflag:$0x2] =	stream.indirect.gather [hbm4b:s1+s17], $0x80, s31, s17, $0xb8;
	[tilespmem:$0x1D800] =	vst v63  }
0x10a: {  	_ =	swait.ge [sflag:s20], $0x4000  }
0x10b: {  	[sflag:s20] =	ssyncset.done $0x0  }
0x10c: {  	[sflag:s20] =	ssyncadd.s32 $0xFFFFC000  }
0x10d: {  	[tilespmem:s13], [sflag:$0x1] =	stream.indirect.gather [hbm4b:s1+s17], $0x80, s2, s17, $0xb8;
	[tilespmem:$0x1D800] =	vst v63  }
0x10e: {  	_ =	swait.ge [sflag:s18], $0x4000  }
0x10f: {  	[sflag:s18] =	ssyncset.done $0x0  }
0x110: {  	[sflag:s18] =	ssyncadd.s32 $0xFFFFC000  }
0x111: {  	[tilespmem:s19], [sflag:$0x2] =	stream.indirect.gather [hbm4b:s1+s17], $0x80, s0, s17, $0xb8;
	[tilespmem:$0x1D800] =	vst v63  }
0x112: {  	_ =	swait.ge [sflag:s20], $0x4000  }
0x113: {  	[sflag:s20] =	ssyncset.done $0x0  }
0x114: {  	[sflag:s20] =	ssyncadd.s32 $0xFFFFC000  }
0x115: {  	[tilespmem:s13], [sflag:$0x1] =	stream.indirect.gather [hbm4b:s1+s17], $0x80, s5, s17, $0xb8;
	[tilespmem:$0x1D800] =	vst v63  }
0x116: {  	_ =	swait.ge [sflag:s18], $0x4000  }
0x117: {  	[sflag:s18] =	ssyncset.done $0x0  }
0x118: {  	[sflag:s18] =	ssyncadd.s32 $0xFFFFC000  }
0x119: {  	[tilespmem:s19], [sflag:$0x2] =	stream.indirect.gather [hbm4b:s1+s17], $0x80, s6, s17, $0xb8;
	[tilespmem:$0x1D800] =	vst v63  }
0x11a: {  	_ =	swait.ge [sflag:s20], $0x4000  }
0x11b: {  	[sflag:s20] =	ssyncset.done $0x0  }
0x11c: {  	[sflag:s20] =	ssyncadd.s32 $0xFFFFC000  }
0x11d: {  	s9 =	stileid.u32;
	[bflag:$0x0] =	sbarrier.arrive $0xFFFF  }
0x11e: {  	s4 =	sshll.u32 s9, $0x6;
	s7 =	rddreg [dreg:$0x5]  }
0x11f: {  	s4 =	sor.u32 $0x1C03, s4;
	s10 =	rddreg [dreg:$0xb];
	s7 =	sshrl.u32 s7, $0x3  }
0x120: {  	[hbm:s10], [sflag:s4] =	dma.local [spmem:s7], $0x2800  }
0x121: {  	_ =	swait.ge [sflag:s14], $0x2800  }
0x122: {  	s9 =	rddreg [dreg:$0xc]  }
0x123: {  	s10 =	rddreg [dreg:$0xa];
	s7 =	sadd.s32 $0x1, s9  }
0x124: {  	p0 =	sne.s32 s7, s10  }
.Ltmp2:
0x125: {  	_ = 	snop;
	(pc) =	sbr.rel @p0 .LBB2_1-.Ltmp2, $3  }
0x126: {  	_ =	sdelay $0x1  }
0x127: {  	[sflag:s14] =	ssyncset.done $0x0  }
0x128: {  	[sflag:s14] =	ssyncadd.s32 $0xFFFFD800  }
0x129: {  	_ =	sfence.sel $0x180000  }
0x12a: {  	[bflag:$0x0] =	sbarrier.arrive $0xFFFF  }
0x12b: {  	_ =	strace $0x90000047  }
0x12c: {  	s0 =	stileid.u32;
	[bflag:$0x2] =	sbarrier.arrive $0xFFFF  }
0x12d: {  	p0 =	sne.s32 s0, $0x0;
	s0 =	rddreg [dreg:$0x3]  }
0x12e: {  	s0 =	sadd.s32 @!p0 $0x100000, s0  }
0x12f: {  	[sflag:s0] =	ssyncadd.tile.s32 @!p0 $0x1;
	_ =	shalt  }
.Lfunc_end2:
_tile_overlayer_lowered:
.L_overlay_start_2:
0x130: {  	(tag) =	ssettag $0x2  }
0x131: {  	s0 =	rddreg [dreg:$0x0];
	s2 =	stileid.u32  }
0x132: {  	s1 =	rddreg [dreg:$0x1];
	p0 =	sne.s32 s2, $0x0  }
0x133: {  	s3 =	rddreg [dreg:$0x2];
	[bflag:$0x3] =	sbarrier.arrive $0xFFFF;
	s2 =	simm.s32 @!p0 $0x1C03  }
0x134: {  	[timem:s3], [sflag:s2] =	dma.local @!p0 [hbm:s0], s1  }
0x135: {  	s0 =	simm.s32 @!p0 $0x3  }
0x136: {  	_ =	swait.ge @!p0 [sflag:s0], s1  }
0x137: {  	s1 =	ssub.s32 @!p0 $0x0, s1;
	[sflag:s0] =	ssyncset.done @!p0 $0x0  }
0x138: {  	[sflag:s0] =	ssyncadd.s32 @!p0 s1  }
0x139: {  	[bflag:$0x3] =	sbarrier.arrive $0xFFFF  }
0x13a: {  	_ =	shalt  }

// kernel: kernel.14.cloned.1.call-start
scs
__scs_entry_jumppad:
0x0: {  	(pc) =	sbr.rel $0x88, $3  }
0x1: {  	(tag) =	ssettag $0x0;
	lr =	simm.s32 $0x1  }
0x2: {  	[smem:$0x3F8C] =	sst lr;
	_ =	strace $0xD0000000  }
0x3: {  	_ = 	snop  }
0x4: {  	_ = 	snop  }
0x5: {  	_ = 	snop  }
0x6: {  	_ = 	snop  }
0x7: {  	_ = 	snop  }
__scs_overlays_trampoline_lowered:
0x8: {  	[smem:$0x3F9B] =	sst s0  }
0x9: {  	[smem:$0x3F9C] =	sst s1  }
0xa: {  	[smem:$0x3F9D] =	sst s2  }
0xb: {  	[smem:$0x3F9E] =	sst s3  }
0xc: {  	[smem:$0x3F9F] =	sst s4  }
0xd: {  	[smem:$0x3FA0] =	sst s5  }
0xe: {  	[smem:$0x3FA1] =	sst s6  }
0xf: {  	[smem:$0x3FA2] =	sst s7  }
0x10: {  	[smem:$0x3FA3] =	sst s8  }
0x11: {  	[smem:$0x3FA4] =	sst s9;
	s0 =	simm.s32 @!p0 $0x0  }
0x12: {  	s1 =	sld [smem:$0x3F8A];
	s0 =	simm.s32 @p0 $0x1  }
0x13: {  	[smem:$0x3FA5] =	sst s0;
	s0 =	simm.s32 @!p1 $0x0  }
0x14: {  	s2 =	sld [smem:$0x3F89];
	s0 =	simm.s32 @p1 $0x1  }
0x15: {  	[smem:$0x3FA6] =	sst s0;
	s0 =	simm.s32 @!p2 $0x0  }
0x16: {  	s3 =	sld [smem:$0x3FDB];
	s0 =	simm.s32 @p2 $0x1  }
0x17: {  	s4 =	simm.s32 $0x1BF5;
	[smem:$0x3FA8] =	sst s0  }
0x18: {  	s0 =	sld [smem:$0x3F8B];
	_ =	swait.ge [sflag:s4], $0x0  }
0x19: {  	s7 =	sld [smem:$0x3F8C]  }
0x1a: {  	s8 =	sadd.s32 $0xFFFFE003, lr  }
0x1b: {  	s9 =	sadd.s32 $0xFFFFFEF7, lr;
	s5 =	simm.s32 $0xFFFFFFFF;
	p2 =	slt.u32 s8, $0xFFFFF086  }
0x1c: {  	p1 =	slt.u32 s9, $0xF7A;
	s5 =	simm.s32 @!p2 $0x0  }
0x1d: {  	s5 =	simm.s32 @p1 $0x1;
	p0 =	seq.s32 s7, s2  }
0x1e: {  	s7 =	smul.u32 @!p0 $0xF7A, s2;
	p2 =	seq.s32 @!p0 s5, $0x0  }
0x1f: {  	s9 =	smul.u32 $0xF7A, s1;
	s8 =	simm.s32 @!p0 $0x1BF5;
	p2 =	por !p2, p0  }
0x20: {  	[sflag:s8] =	ssyncset.s32 @!p0 $0xFFFFF086;
	s6 =	sadd.s32 @!p0 s3, s7;
	s7 =	simm.s32 @!p0 $0x108  }
0x21: {  	s3 =	sadd.s32 s3, s9;
	s6 =	sadd.s32 @!p0 $0x88, s6;
	s7 =	simm.s32 @p2 $0x1082  }
0x22: {  	[simem:s7], [sflag:s8] =	dma.local @!p0 [hbm:s6], $0xF7A  }
0x23: {  	s9 =	sor.u32 $0xD0000000, s2;
	s6 =	simm.s32 $0x108;
	_ =	swait.ge @!p0 [sflag:s8], $0x0  }
0x24: {  	s3 =	sadd.s32 $0x88, s3;
	s6 =	simm.s32 @!p1 $0x1082;
	[sflag:s4] =	ssyncset.s32 $0xFFFFF086  }
0x25: {  	[simem:s6], [sflag:s4] =	dma.local [hbm:s3], $0xF7A  }
0x26: {  	[smem:$0x3F8C] =	sst s1;
	(tag) =	ssettag s2;
	_ =	strace s9  }
0x27: {  	s1 =	sld [smem:$0x3F9C]  }
0x28: {  	s2 =	sld [smem:$0x3F9D]  }
0x29: {  	s4 =	sld [smem:$0x3F9F]  }
0x2a: {  	p0 =	seq.s32 s5, $0x0;
	s5 =	sld [smem:$0x3FA0]  }
0x2b: {  	s6 =	sld [smem:$0x3FA1]  }
0x2c: {  	s7 =	sld [smem:$0x3FA2]  }
0x2d: {  	s3 =	simm.s32 $0x108;
	s8 =	sld [smem:$0x3FA3]  }
0x2e: {  	s3 =	simm.s32 @!p0 $0x1082;
	s9 =	sld [smem:$0x3FA4]  }
0x2f: {  	lr =	sadd.s32 s0, s3;
	s0 =	sld [smem:$0x3F9B]  }
0x30: {  	s3 =	sld [smem:$0x3F9E]  }
0x31: {  	[smem:$0x3FA7] =	sst s10  }
0x32: {  	s10 =	sld [smem:$0x3FA5];
	_ =	sdelay $0x3  }
0x33: {  	p0 =	seq.s32 s10, $0x1;
	s10 =	sld [smem:$0x3FA7];
	_ =	sdelay $0x3  }
0x34: {  	[smem:$0x3FA7] =	sst s10  }
0x35: {  	s10 =	sld [smem:$0x3FA6];
	_ =	sdelay $0x3  }
0x36: {  	p1 =	seq.s32 s10, $0x1;
	s10 =	sld [smem:$0x3FA7];
	_ =	sdelay $0x3  }
0x37: {  	[smem:$0x3FA7] =	sst s10  }
0x38: {  	s10 =	sld [smem:$0x3FA8]  }
0x39: {  	_ = 	snop;
	(pc) =	sbr.ind lr, $3  }
0x3a: {  	_ = 	snop  }
0x3b: {  	_ = 	snop  }
0x3c: {  	p2 =	seq.s32 s10, $0x1;
	s10 =	sld [smem:$0x3FA7]  }
0x3d: {  	_ =	shalt  }
0x3e: {  	_ =	shalt  }
0x3f: {  	_ =	shalt  }
0x40: {  	_ =	shalt  }
0x41: {  	_ =	shalt  }
0x42: {  	_ =	shalt  }
0x43: {  	_ =	shalt  }
0x44: {  	_ =	shalt  }
0x45: {  	_ =	shalt  }
0x46: {  	_ =	shalt  }
0x47: {  	_ =	shalt  }
0x48: {  	_ =	shalt  }
0x49: {  	_ =	shalt  }
0x4a: {  	_ =	shalt  }
0x4b: {  	_ =	shalt  }
0x4c: {  	_ =	shalt  }
0x4d: {  	_ =	shalt  }
0x4e: {  	_ =	shalt  }
0x4f: {  	_ =	shalt  }
0x50: {  	_ =	shalt  }
0x51: {  	_ =	shalt  }
0x52: {  	_ =	shalt  }
0x53: {  	_ =	shalt  }
0x54: {  	_ =	shalt  }
0x55: {  	_ =	shalt  }
0x56: {  	_ =	shalt  }
0x57: {  	_ =	shalt  }
0x58: {  	_ =	shalt  }
0x59: {  	_ =	shalt  }
0x5a: {  	_ =	shalt  }
0x5b: {  	_ =	shalt  }
0x5c: {  	_ =	shalt  }
0x5d: {  	_ =	shalt  }
0x5e: {  	_ =	shalt  }
0x5f: {  	_ =	shalt  }
0x60: {  	_ =	shalt  }
0x61: {  	_ =	shalt  }
0x62: {  	_ =	shalt  }
0x63: {  	_ =	shalt  }
0x64: {  	_ =	shalt  }
0x65: {  	_ =	shalt  }
0x66: {  	_ =	shalt  }
0x67: {  	_ =	shalt  }
0x68: {  	_ =	shalt  }
0x69: {  	_ =	shalt  }
0x6a: {  	_ =	shalt  }
0x6b: {  	_ =	shalt  }
0x6c: {  	_ =	shalt  }
0x6d: {  	_ =	shalt  }
0x6e: {  	_ =	shalt  }
0x6f: {  	_ =	shalt  }
0x70: {  	_ =	shalt  }
0x71: {  	_ =	shalt  }
0x72: {  	_ =	shalt  }
0x73: {  	_ =	shalt  }
0x74: {  	_ =	shalt  }
0x75: {  	_ =	shalt  }
0x76: {  	_ =	shalt  }
0x77: {  	_ =	shalt  }
0x78: {  	_ =	shalt  }
0x79: {  	_ =	shalt  }
0x7a: {  	_ =	shalt  }
0x7b: {  	_ =	shalt  }
0x7c: {  	_ =	shalt  }
0x7d: {  	_ =	shalt  }
0x7e: {  	_ =	shalt  }
0x7f: {  	_ =	shalt  }
0x80: {  	_ =	shalt  }
0x81: {  	_ =	shalt  }
0x82: {  	_ =	shalt  }
0x83: {  	_ =	shalt  }
0x84: {  	_ =	shalt  }
0x85: {  	_ =	shalt  }
0x86: {  	_ =	shalt  }
0x87: {  	_ =	shalt  }
.Lfunc_end0:
.L_simem_size_0:
called_computation.1_lowered:
.L_overlay_start_0:
0x88: {  	s2 =	sld [smem:$0x3FD9]  }
0x89: {  	s3 =	sld [smem:$0x3FFE];
	_ =	sdelay $0x1  }
0x8a: {  	s1 =	srdreg.scid  }
0x8b: {  	s0 =	sand.u32 $0x1, s1  }
0x8c: {  	s16 =	sshll.u32 s0, $0xA;
	s2 =	sadd.s32 s3, s2  }
0x8d: {  	s2 =	sadd.s32 s2, s16  }
0x8e: {  	[smem:$0x3FB3] =	sst s2  }
0x8f: {  	_ = 	snop  }
0x90: {  	(tm) =	ssettm $0x1  }
0x91: {  	s17 =	sld [smem:$0x3FFB];
	_ =	sdelay $0x3  }
0x92: {  	_ =	strace s17  }
0x93: {  	s2 =	sld [smem:$0x3FFC];
	_ =	sdelay $0x3  }
0x94: {  	_ =	strace s2  }
0x95: {  	s2 =	sld [smem:$0x3FFD];
	_ =	sdelay $0x3  }
0x96: {  	_ =	strace s2  }
0x97: {  	_ =	strace $0x8FFFFFFF  }
0x98: {  	s18 =	sld [smem:$0x3FDB];
	_ =	sdelay $0x1  }
0x99: {  	s19 =	simm.s32 $_scs_section_size  }
0x9a: {  	s4 =	simm.s32 $_size__tile_overlayer_lowered;
	s5 =	simm.s32 $_tile_overlayer_lowered  }
0x9b: {  	s22 =	simm.s32 $0x1BFF;
	s21 =	sshll.u32 s5, $0x1;
	s2 =	sadd.s32 s19, s18  }
0x9c: {  	s6 =	simm.s32 $0x0;
	s20 =	sshll.u32 s4, $0x1;
	s4 =	sadd.s32 s21, s2  }
0x9d: {  	[timem:s6], [sflag:s22] =	dma.local [hbm:s4], s20  }
0x9e: {  	_ =	swait.ge [sflag:s22], s20  }
0x9f: {  	s3 =	ssub.s32 $0x0, s20;
	[sflag:s22] =	ssyncset.done $0x0  }
0xa0: {  	[sflag:s22] =	ssyncadd.s32 s3;
	_ =	sdelay $0x1  }
0xa1: {  	s23 =	simm.s32 $0x1B8B  }
0xa2: {  	_ =	swait.ge [sflag:s23], $0x1  }
0xa3: {  	[sflag:s23] =	ssyncset.done $0x0  }
0xa4: {  	s25 =	simm.s32 $0x1B8E;
	s24 =	sld [smem:$0x3FFE];
	[sflag:s23] =	ssyncadd.s32 $0xFFFFFFFF  }
0xa5: {  	s26 =	simm.s32 $execute0_lowered;
	[smem:$0x3FD2] =	sst s25  }
0xa6: {  	s4 =	sshll.u32 s26, $0x1;
	_ =	strace $0x80000049;
	[dreg:$0x1] =	wrdreg $0xFFFFFFFF  }
0xa7: {  	s28 =	simm.s32 $_size_execute0_lowered;
	s2 =	sadd.s32 s2, s4;
	[dreg:$0x0] =	wrdreg $0x0  }
0xa8: {  	s4 =	sshll.u32 s28, $0x1;
	[dreg:$0x2] =	wrdreg s2  }
0xa9: {  	[dreg:$0x3] =	wrdreg s4  }
0xaa: {  	[dreg:$0x4] =	wrdreg $0xC0  }
0xab: {  	_ =	task [dreg:s6], $0x5FFFF  }
0xac: {  	[dreg:$0x1] =	wrdreg $0xFFFFFFFF  }
0xad: {  	[dreg:$0x0] =	wrdreg $0x60  }
0xae: {  	[dreg:$0x2] =	wrdreg s24  }
0xaf: {  	[dreg:$0x3] =	wrdreg $0x98000  }
0xb0: {  	[dreg:$0x4] =	wrdreg $0x9  }
0xb1: {  	_ =	task.clear_ibuf [dreg:s6], $0x5FFFF;
	_ =	strace $0x90000049  }
0xb2: {  	s29 =	simm.s32 $0x9;
	_ =	strace $0x8000004B  }
0xb3: {  	_ =	swait.ge [sflag:s29], $0x1  }
0xb4: {  	[sflag:s29] =	ssyncadd.s32 $0xFFFFFFFF  }
0xb5: {  	_ =	strace $0x9000004B  }
0xb6: {  	_ =	sfence  }
0xb7: {  	s30 =	sld [smem:$0x0];
	_ =	sdelay $0x2  }
0xb8: {  	s31 =	sshll.u32 s1, $0xD;
	s1 =	sshrl.u32 s1, $0x2  }
0xb9: {  	s3 =	sand.u32 $0x4000, s31;
	s1 =	sadd.s32 s1, s30  }
0xba: {  	s0 =	sor.u32 s3, s0;
	s1 =	sshll.u32 s1, $0x11  }
0xbb: {  	s0 =	sor.u32 s1, s0  }
0xbc: {  	s0 =	sadd.s32 $0x8F2B, s0  }
0xbd: {  	[sflag:s0] =	ssyncadd.remote.s32 $0x1  }
0xbe: {  	_ =	sfence.sel $0xFFFF  }
0xbf: {  	[dreg:$0x0] =	wrdreg $0xFFFFFFFF;
	(pc) =	sbr.abs _section_cstart, $3  }
0xc0: {  	[dreg:$0x1] =	wrdreg $0xFFFFFFFF  }
0xc1: {  	_ =	task.clear_ibuf [dreg:s6], $0x2FFFF;
	_ =	strace $0x9FFFFFFF  }
0xc2: {  	(tm) =	ssettm $0x7FFFFFFF  }
0xc3: {  	_ =	shalt  }
tec
execute0_lowered:
.L_overlay_start_1:
0x0: {  	(tag) =	ssettag $0x1  }
0x1: {  	s0 =	rddreg [dreg:$0x0]  }
0x2: {  	s1 =	rddreg [dreg:$0x1];
	s2 =	simm.s32 $0x0;
	s10 =	stileid.u32  }
0x3: {  	s4 =	srdreg.scid;
	s17 =	simm.s32 $0x1800;
	s18 =	simm.s32 $0x3  }
0x4: {  	s28 =	simm.s32 $0x200;
	s29 =	simm.s32 $0x280;
	s30 =	simm.s32 $0x300  }
0x5: {  	s31 =	simm.s32 $0x380;
	s11 =	simm.s32 $0x780;
	s19 =	simm.s32 $0x0  }
0x6: {  	[smem:$0x7FF] =	sst s2;
	s5 =	smul.u32 $0xA00, s10;
	s3 =	sadd.s32 $0x25E00, s0  }
0x7: {  	s6 =	sand.u32 $0x1, s4;
	s7 =	smul.u32 $0x50000, s10;
	s4 =	sadd.s32 $0x4D000, s0  }
0x8: {  	s9 =	sadd.s32 $0x74200, s0;
	s26 =	smul.u32 $0x2800, s10;
	s10 =	simm.s32 $0x700  }
0x9: {  	_ =	strace $0x8000004A;
	s8 =	ssub.s32 $0x2, s6;
	[dreg:$0x3] =	wrdreg s9  }
0xa: {  	p0 =	sne.s32 s6, $0x0;
	s6 =	simm.s32 $0x500;
	s9 =	simm.s32 $0x680  }
0xb: {  	s5 =	sadd.s32 s5, s0;
	s21 =	sshrl.u32 s8, $0x1;
	s7 =	sshrl.u32 s7, $0x2  }
0xc: {  	s0 =	sadd.s32 $0x9C200, s0;
	[dreg:$0xa] =	wrdreg s26;
	s26 =	simm.s32 $0x180  }
0xd: {  	[dreg:$0x4] =	wrdreg s0;
	s22 =	ssub.s32 s8, s21;
	s20 =	sadd.s32 s7, s1  }
0xe: {  	s14 =	sadd.s32 $0x7E00, s5;
	s15 =	sadd.s32 $0x1BE00, s5;
	s16 =	sadd.s32 $0x11E00, s5  }
0xf: {  	s21 =	simm.s32 $0x80;
	s1 =	sadd.s32 $0x4000, s20;
	[dreg:$0x5] =	wrdreg s20  }
0x10: {  	s5 =	simm.s32 $0x480;
	s23 =	sadd.s32 $0x8000, s20;
	[dreg:$0x6] =	wrdreg s1  }
.Ltmp0:
0x11: {  	s24 =	sadd.s32 $0xC000, s20;
	[dreg:$0x7] =	wrdreg s23;
	(pc) =	sbr.rel .LBB2_1-.Ltmp0, $4  }
0x12: {  	s8 =	simm.s32 $0x600;
	s25 =	sadd.s32 $0x10000, s20;
	[dreg:$0x8] =	wrdreg s24  }
0x13: {  	s0 =	smax.u32 s22, $0x1;
	s22 =	simm.s32 $0x1;
	[dreg:$0x9] =	wrdreg s25  }
0x14: {  	[dreg:$0xb] =	wrdreg s0;
	s23 =	simm.s32 $0x5800;
	s24 =	simm.s32 $0x2  }
0x15: {  	v0 =	vimm.f32 $0.0e+00;
	s25 =	simm.s32 $0x100;
	s0 =	simm.s32 $0x400;
	s1 =	simm.s32 $0x580  }
.LBB2_9:
0x16: {  	s7 =	sadd.s32 s13, s16;
	[sflag:s24] =	ssyncadd.s32 $0xFFFFC000  }
0x17: {  	[tilespmem:s2], [sflag:$0x3] =	stream.linear.gather [hbm4b:s7+s2], $0x800, $0x38;
	[tilespmem:$0x1D800] =	vst v63  }
0x18: {  	_ =	swait.ge [sflag:s18], $0x800  }
0x19: {  	[sflag:s18] =	ssyncset.done $0x0  }
0x1a: {  	s12 =	sadd.s32 s13, s14;
	[sflag:s18] =	ssyncadd.s32 $0xFFFFF800  }
0x1b: {  	[tilespmem:s19], [sflag:$0x3] =	stream.linear.gather [hbm4b:s12+s2], $0x800, $0x38;
	[tilespmem:$0x1D800] =	vst v63  }
0x1c: {  	_ =	swait.ge [sflag:s18], $0x800  }
0x1d: {  	[sflag:s18] =	ssyncset.done $0x0  }
0x1e: {  	s19 =	sadd.s32 s13, s15;
	[sflag:s18] =	ssyncadd.s32 $0xFFFFF800  }
0x1f: {  	[tilespmem:s20], [sflag:$0x3] =	stream.linear.gather [hbm4b:s19+s2], $0x800, $0x38;
	[tilespmem:$0x1D800] =	vst v63  }
0x20: {  	_ =	swait.ge [sflag:s18], $0x800  }
0x21: {  	[sflag:s18] =	ssyncset.done $0x0  }
0x22: {  	[sflag:s18] =	ssyncadd.s32 $0xFFFFF800  }
0x23: {  	[tilespmem:s17], [sflag:$0x1] =	stream.indirect.gather [hbm4b:s4+s21], $0x80, s2, s21, $0xb8;
	[tilespmem:$0x1D800] =	vst v63  }
0x24: {  	_ =	swait.ge [sflag:s22], $0x4000  }
0x25: {  	[sflag:s22] =	ssyncset.done $0x0  }
0x26: {  	[sflag:s22] =	ssyncadd.s32 $0xFFFFC000  }
0x27: {  	[tilespmem:s23], [sflag:$0x2] =	stream.indirect.gather [hbm4b:s4+s21], $0x80, s21, s21, $0xb8;
	[tilespmem:$0x1D800] =	vst v63  }
0x28: {  	_ =	swait.ge [sflag:s24], $0x4000  }
0x29: {  	[sflag:s24] =	ssyncset.done $0x0  }
0x2a: {  	[sflag:s24] =	ssyncadd.s32 $0xFFFFC000  }
0x2b: {  	[tilespmem:s17], [sflag:$0x1] =	stream.indirect.gather [hbm4b:s4+s21], $0x80, s25, s21, $0xb8;
	[tilespmem:$0x1D800] =	vst v63  }
0x2c: {  	_ =	swait.ge [sflag:s22], $0x4000  }
0x2d: {  	[sflag:s22] =	ssyncset.done $0x0  }
0x2e: {  	[sflag:s22] =	ssyncadd.s32 $0xFFFFC000  }
0x2f: {  	[tilespmem:s23], [sflag:$0x2] =	stream.indirect.gather [hbm4b:s4+s21], $0x80, s26, s21, $0xb8;
	[tilespmem:$0x1D800] =	vst v63  }
0x30: {  	_ =	swait.ge [sflag:s24], $0x4000  }
0x31: {  	[sflag:s24] =	ssyncset.done $0x0  }
0x32: {  	[sflag:s24] =	ssyncadd.s32 $0xFFFFC000  }
0x33: {  	[tilespmem:s17], [sflag:$0x1] =	stream.indirect.gather [hbm4b:s4+s21], $0x80, s28, s21, $0xb8;
	[tilespmem:$0x1D800] =	vst v63  }
0x34: {  	_ =	swait.ge [sflag:s22], $0x4000  }
0x35: {  	[sflag:s22] =	ssyncset.done $0x0  }
0x36: {  	[sflag:s22] =	ssyncadd.s32 $0xFFFFC000  }
0x37: {  	[tilespmem:s23], [sflag:$0x2] =	stream.indirect.gather [hbm4b:s4+s21], $0x80, s29, s21, $0xb8;
	[tilespmem:$0x1D800] =	vst v63  }
0x38: {  	_ =	swait.ge [sflag:s24], $0x4000  }
0x39: {  	[sflag:s24] =	ssyncset.done $0x0  }
0x3a: {  	[sflag:s24] =	ssyncadd.s32 $0xFFFFC000  }
0x3b: {  	[tilespmem:s17], [sflag:$0x1] =	stream.indirect.gather [hbm4b:s4+s21], $0x80, s30, s21, $0xb8;
	[tilespmem:$0x1D800] =	vst v63  }
0x3c: {  	_ =	swait.ge [sflag:s22], $0x4000  }
0x3d: {  	[sflag:s22] =	ssyncset.done $0x0  }
0x3e: {  	[sflag:s22] =	ssyncadd.s32 $0xFFFFC000  }
0x3f: {  	[tilespmem:s23], [sflag:$0x2] =	stream.indirect.gather [hbm4b:s4+s21], $0x80, s31, s21, $0xb8;
	[tilespmem:$0x1D800] =	vst v63  }
0x40: {  	_ =	swait.ge [sflag:s24], $0x4000  }
0x41: {  	[sflag:s24] =	ssyncset.done $0x0  }
0x42: {  	[sflag:s24] =	ssyncadd.s32 $0xFFFFC000  }
0x43: {  	[tilespmem:s17], [sflag:$0x1] =	stream.indirect.gather [hbm4b:s4+s21], $0x80, s0, s21, $0xb8;
	[tilespmem:$0x1D800] =	vst v63  }
0x44: {  	_ =	swait.ge [sflag:s22], $0x4000  }
0x45: {  	[sflag:s22] =	ssyncset.done $0x0  }
0x46: {  	[sflag:s22] =	ssyncadd.s32 $0xFFFFC000  }
0x47: {  	[tilespmem:s23], [sflag:$0x2] =	stream.indirect.gather [hbm4b:s4+s21], $0x80, s5, s21, $0xb8;
	[tilespmem:$0x1D800] =	vst v63  }
0x48: {  	_ =	swait.ge [sflag:s24], $0x4000  }
0x49: {  	[sflag:s24] =	ssyncset.done $0x0  }
0x4a: {  	[sflag:s24] =	ssyncadd.s32 $0xFFFFC000  }
0x4b: {  	[tilespmem:s17], [sflag:$0x1] =	stream.indirect.gather [hbm4b:s4+s21], $0x80, s6, s21, $0xb8;
	[tilespmem:$0x1D800] =	vst v63  }
0x4c: {  	_ =	swait.ge [sflag:s22], $0x4000  }
0x4d: {  	[sflag:s22] =	ssyncset.done $0x0  }
0x4e: {  	[sflag:s22] =	ssyncadd.s32 $0xFFFFC000  }
0x4f: {  	[tilespmem:s23], [sflag:$0x2] =	stream.indirect.gather [hbm4b:s4+s21], $0x80, s1, s21, $0xb8;
	[tilespmem:$0x1D800] =	vst v63  }
0x50: {  	_ =	swait.ge [sflag:s24], $0x4000  }
0x51: {  	[sflag:s24] =	ssyncset.done $0x0  }
0x52: {  	[sflag:s24] =	ssyncadd.s32 $0xFFFFC000  }
0x53: {  	[tilespmem:s17], [sflag:$0x1] =	stream.indirect.gather [hbm4b:s4+s21], $0x80, s8, s21, $0xb8;
	[tilespmem:$0x1D800] =	vst v63  }
0x54: {  	_ =	swait.ge [sflag:s22], $0x4000  }
0x55: {  	[sflag:s22] =	ssyncset.done $0x0  }
0x56: {  	[sflag:s22] =	ssyncadd.s32 $0xFFFFC000  }
0x57: {  	[tilespmem:s23], [sflag:$0x2] =	stream.indirect.gather [hbm4b:s4+s21], $0x80, s9, s21, $0xb8;
	[tilespmem:$0x1D800] =	vst v63  }
0x58: {  	_ =	swait.ge [sflag:s24], $0x4000  }
0x59: {  	[sflag:s24] =	ssyncset.done $0x0  }
0x5a: {  	[sflag:s24] =	ssyncadd.s32 $0xFFFFC000  }
0x5b: {  	[tilespmem:s17], [sflag:$0x1] =	stream.indirect.gather [hbm4b:s4+s21], $0x80, s10, s21, $0xb8;
	[tilespmem:$0x1D800] =	vst v63  }
0x5c: {  	_ =	swait.ge [sflag:s22], $0x4000  }
0x5d: {  	[sflag:s22] =	ssyncset.done $0x0  }
0x5e: {  	[sflag:s22] =	ssyncadd.s32 $0xFFFFC000  }
0x5f: {  	[tilespmem:s23], [sflag:$0x2] =	stream.indirect.gather [hbm4b:s4+s21], $0x80, s11, s21, $0xb8;
	[tilespmem:$0x1D800] =	vst v63  }
0x60: {  	_ =	swait.ge [sflag:s24], $0x4000  }
0x61: {  	[sflag:s24] =	ssyncset.done $0x0;
	s7 =	rddreg [dreg:$0x4]  }
0x62: {  	s19 =	rddreg [dreg:$0xc];
	[sflag:s24] =	ssyncadd.s32 $0xFFFFC000  }
.LBB2_10:
0x63: {  	s12 =	rddreg [dreg:$0xa];
	s20 =	stileid.u32;
	[bflag:$0x0] =	sbarrier.arrive $0xFFFF  }
0x64: {  	s7 =	sadd.s32 s7, s12;
	s12 =	sshll.u32 s20, $0x6;
	s20 =	rddreg [dreg:$0x5]  }
0x65: {  	s12 =	sor.u32 $0x1C03, s12;
	s13 =	sshrl.u32 s20, $0x3  }
0x66: {  	[hbm:s7], [sflag:s12] =	dma.local [spmem:s13], $0x2800  }
0x67: {  	_ =	swait.ge [sflag:s18], $0x2800  }
0x68: {  	s19 =	sadd.s32 $0x1, s19;
	s13 =	rddreg [dreg:$0xb]  }
0x69: {  	p1 =	sne.s32 s19, s13  }
.Ltmp1:
0x6a: {  	_ = 	snop;
	(pc) =	sbr.rel @!p1 .LBB2_11-.Ltmp1, $3  }
0x6b: {  	_ =	sdelay $0x1  }
0x6c: {  	[sflag:s18] =	ssyncset.done $0x0  }
0x6d: {  	[sflag:s18] =	ssyncadd.s32 $0xFFFFD800  }
.LBB2_1:
0x6e: {  	s7 =	sand.u32 $0xFE00, s2  }
0x6f: {  	[dreg:$0xc] =	wrdreg s19;
	s12 =	sand.u32 $0x70, s2;
	s13 =	sshrl.u32 s7, $0x2  }
0x70: {  	s7 =	simm.s32 $0x40;
	s12 =	sor.u32 s12, s13;
	s13 =	simm.s32 $0x0  }
.LBB2_2:
0x71: {  	p1 =	sne.s32 s7, $0xFFC0  }
0x72: {  	[tilespmem:s12+$0x1800] =	vst v0;
	s13 =	sadd.s32 $0x10, s13;
	s12 =	smov.u32 s7;
	s7 =	sadd.s32 $0x40, s7  }
.Ltmp2:
0x73: {  	(pc) =	sbr.rel @p1 .LBB2_2-.Ltmp2, $4  }
0x74: {  	_ = 	snop  }
0x75: {  	s12 =	sand.u32 $0xFE00, s12  }
0x76: {  	s19 =	sand.u32 $0x70, s13;
	s12 =	sshrl.u32 s12, $0x2  }
0x77: {  	s12 =	sor.u32 s19, s12  }
0x78: {  	[tilespmem:s12+$0x1800] =	vst v0  }
0x79: {  	[spmem:s20] =	stream.linear.scatter [tilespmem:s17], [sflag:$0x3], $0x4000, $0x38;
	[tilespmem:$0x1D800] =	vst v63  }
0x7a: {  	_ =	swait.ge [sflag:s18], $0x4000  }
0x7b: {  	[sflag:s18] =	ssyncset.done $0x0  }
0x7c: {  	s7 =	rddreg [dreg:$0x6];
	[sflag:s18] =	ssyncadd.s32 $0xFFFFC000  }
0x7d: {  	[spmem:s7] =	stream.linear.scatter [tilespmem:s17], [sflag:$0x3], $0x4000, $0x38;
	[tilespmem:$0x1D800] =	vst v63  }
0x7e: {  	_ =	swait.ge [sflag:s18], $0x4000  }
0x7f: {  	[sflag:s18] =	ssyncset.done $0x0  }
0x80: {  	s13 =	rddreg [dreg:$0x7];
	[sflag:s18] =	ssyncadd.s32 $0xFFFFC000  }
0x81: {  	[spmem:s13] =	stream.linear.scatter [tilespmem:s17], [sflag:$0x3], $0x4000, $0x38;
	[tilespmem:$0x1D800] =	vst v63  }
0x82: {  	_ =	swait.ge [sflag:s18], $0x4000  }
0x83: {  	[sflag:s18] =	ssyncset.done $0x0  }
0x84: {  	s19 =	rddreg [dreg:$0x8];
	[sflag:s18] =	ssyncadd.s32 $0xFFFFC000  }
0x85: {  	[spmem:s19] =	stream.linear.scatter [tilespmem:s17], [sflag:$0x3], $0x4000, $0x38;
	[tilespmem:$0x1D800] =	vst v63  }
0x86: {  	_ =	swait.ge [sflag:s18], $0x4000  }
0x87: {  	[sflag:s18] =	ssyncset.done $0x0  }
0x88: {  	s20 =	rddreg [dreg:$0x9];
	[sflag:s18] =	ssyncadd.s32 $0xFFFFC000  }
0x89: {  	[spmem:s20] =	stream.linear.scatter [tilespmem:s17], [sflag:$0x3], $0x4000, $0x38;
	[tilespmem:$0x1D800] =	vst v63  }
.Ltmp3:
0x8a: {  	_ =	swait.ge [sflag:s18], $0x4000;
	(pc) =	sbr.rel @p0 .LBB2_7-.Ltmp3, $4  }
0x8b: {  	[sflag:s18] =	ssyncset.done $0x0  }
0x8c: {  	[sflag:s18] =	ssyncadd.s32 $0xFFFFC000  }
0x8d: {  	[bflag:$0x0] =	sbarrier.arrive $0xFFFF  }
0x8e: {  	s7 =	sadd.s32 $0x0, s16  }
0x8f: {  	[tilespmem:s2], [sflag:$0x3] =	stream.linear.gather [hbm4b:s7+s2], $0x800, $0x38;
	[tilespmem:$0x1D800] =	vst v63  }
0x90: {  	_ =	swait.ge [sflag:s18], $0x800  }
0x91: {  	[sflag:s18] =	ssyncset.done $0x0  }
0x92: {  	s13 =	sadd.s32 $0x0, s14;
	s12 =	simm.s32 $0x800;
	[sflag:s18] =	ssyncadd.s32 $0xFFFFF800  }
0x93: {  	[tilespmem:s12], [sflag:$0x3] =	stream.linear.gather [hbm4b:s13+s2], $0x800, $0x38;
	[tilespmem:$0x1D800] =	vst v63  }
0x94: {  	_ =	swait.ge [sflag:s18], $0x800  }
0x95: {  	[sflag:s18] =	ssyncset.done $0x0  }
0x96: {  	s19 =	sadd.s32 $0x0, s15;
	s20 =	simm.s32 $0x1000;
	[sflag:s18] =	ssyncadd.s32 $0xFFFFF800  }
0x97: {  	[tilespmem:s20], [sflag:$0x3] =	stream.linear.gather [hbm4b:s19+s2], $0x800, $0x38;
	[tilespmem:$0x1D800] =	vst v63  }
0x98: {  	_ =	swait.ge [sflag:s18], $0x800  }
0x99: {  	[sflag:s18] =	ssyncset.done $0x0  }
0x9a: {  	[sflag:s18] =	ssyncadd.s32 $0xFFFFF800  }
0x9b: {  	[tilespmem:s17], [sflag:$0x1] =	stream.indirect.gather [hbm4b:s3+s21], $0x80, s2, s21, $0xb8;
	[tilespmem:$0x1D800] =	vst v63  }
0x9c: {  	_ =	swait.ge [sflag:s22], $0x4000  }
0x9d: {  	[sflag:s22] =	ssyncset.done $0x0  }
0x9e: {  	[sflag:s22] =	ssyncadd.s32 $0xFFFFC000  }
0x9f: {  	[tilespmem:s23], [sflag:$0x2] =	stream.indirect.gather [hbm4b:s3+s21], $0x80, s21, s21, $0xb8;
	[tilespmem:$0x1D800] =	vst v63  }
0xa0: {  	_ =	swait.ge [sflag:s24], $0x4000  }
0xa1: {  	[sflag:s24] =	ssyncset.done $0x0  }
0xa2: {  	[sflag:s24] =	ssyncadd.s32 $0xFFFFC000  }
0xa3: {  	[tilespmem:s17], [sflag:$0x1] =	stream.indirect.gather [hbm4b:s3+s21], $0x80, s25, s21, $0xb8;
	[tilespmem:$0x1D800] =	vst v63  }
0xa4: {  	_ =	swait.ge [sflag:s22], $0x4000  }
0xa5: {  	[sflag:s22] =	ssyncset.done $0x0  }
0xa6: {  	[sflag:s22] =	ssyncadd.s32 $0xFFFFC000  }
0xa7: {  	[tilespmem:s23], [sflag:$0x2] =	stream.indirect.gather [hbm4b:s3+s21], $0x80, s26, s21, $0xb8;
	[tilespmem:$0x1D800] =	vst v63  }
0xa8: {  	_ =	swait.ge [sflag:s24], $0x4000  }
0xa9: {  	[sflag:s24] =	ssyncset.done $0x0  }
0xaa: {  	[sflag:s24] =	ssyncadd.s32 $0xFFFFC000  }
0xab: {  	[tilespmem:s17], [sflag:$0x1] =	stream.indirect.gather [hbm4b:s3+s21], $0x80, s28, s21, $0xb8;
	[tilespmem:$0x1D800] =	vst v63  }
0xac: {  	_ =	swait.ge [sflag:s22], $0x4000  }
0xad: {  	[sflag:s22] =	ssyncset.done $0x0  }
0xae: {  	[sflag:s22] =	ssyncadd.s32 $0xFFFFC000  }
0xaf: {  	[tilespmem:s23], [sflag:$0x2] =	stream.indirect.gather [hbm4b:s3+s21], $0x80, s29, s21, $0xb8;
	[tilespmem:$0x1D800] =	vst v63  }
0xb0: {  	_ =	swait.ge [sflag:s24], $0x4000  }
0xb1: {  	[sflag:s24] =	ssyncset.done $0x0  }
0xb2: {  	[sflag:s24] =	ssyncadd.s32 $0xFFFFC000  }
0xb3: {  	[tilespmem:s17], [sflag:$0x1] =	stream.indirect.gather [hbm4b:s3+s21], $0x80, s30, s21, $0xb8;
	[tilespmem:$0x1D800] =	vst v63  }
0xb4: {  	_ =	swait.ge [sflag:s22], $0x4000  }
0xb5: {  	[sflag:s22] =	ssyncset.done $0x0  }
0xb6: {  	[sflag:s22] =	ssyncadd.s32 $0xFFFFC000  }
0xb7: {  	[tilespmem:s23], [sflag:$0x2] =	stream.indirect.gather [hbm4b:s3+s21], $0x80, s31, s21, $0xb8;
	[tilespmem:$0x1D800] =	vst v63  }
0xb8: {  	_ =	swait.ge [sflag:s24], $0x4000  }
0xb9: {  	[sflag:s24] =	ssyncset.done $0x0  }
0xba: {  	[sflag:s24] =	ssyncadd.s32 $0xFFFFC000  }
0xbb: {  	[tilespmem:s17], [sflag:$0x1] =	stream.indirect.gather [hbm4b:s3+s21], $0x80, s0, s21, $0xb8;
	[tilespmem:$0x1D800] =	vst v63  }
0xbc: {  	_ =	swait.ge [sflag:s22], $0x4000  }
0xbd: {  	[sflag:s22] =	ssyncset.done $0x0  }
0xbe: {  	[sflag:s22] =	ssyncadd.s32 $0xFFFFC000  }
0xbf: {  	[tilespmem:s23], [sflag:$0x2] =	stream.indirect.gather [hbm4b:s3+s21], $0x80, s5, s21, $0xb8;
	[tilespmem:$0x1D800] =	vst v63  }
0xc0: {  	_ =	swait.ge [sflag:s24], $0x4000  }
0xc1: {  	[sflag:s24] =	ssyncset.done $0x0  }
0xc2: {  	[sflag:s24] =	ssyncadd.s32 $0xFFFFC000  }
0xc3: {  	[tilespmem:s17], [sflag:$0x1] =	stream.indirect.gather [hbm4b:s3+s21], $0x80, s6, s21, $0xb8;
	[tilespmem:$0x1D800] =	vst v63  }
0xc4: {  	_ =	swait.ge [sflag:s22], $0x4000  }
0xc5: {  	[sflag:s22] =	ssyncset.done $0x0  }
0xc6: {  	[sflag:s22] =	ssyncadd.s32 $0xFFFFC000  }
0xc7: {  	[tilespmem:s23], [sflag:$0x2] =	stream.indirect.gather [hbm4b:s3+s21], $0x80, s1, s21, $0xb8;
	[tilespmem:$0x1D800] =	vst v63  }
0xc8: {  	_ =	swait.ge [sflag:s24], $0x4000  }
0xc9: {  	[sflag:s24] =	ssyncset.done $0x0  }
0xca: {  	[sflag:s24] =	ssyncadd.s32 $0xFFFFC000  }
0xcb: {  	[tilespmem:s17], [sflag:$0x1] =	stream.indirect.gather [hbm4b:s3+s21], $0x80, s8, s21, $0xb8;
	[tilespmem:$0x1D800] =	vst v63  }
0xcc: {  	_ =	swait.ge [sflag:s22], $0x4000  }
0xcd: {  	[sflag:s22] =	ssyncset.done $0x0  }
0xce: {  	[sflag:s22] =	ssyncadd.s32 $0xFFFFC000  }
0xcf: {  	[tilespmem:s23], [sflag:$0x2] =	stream.indirect.gather [hbm4b:s3+s21], $0x80, s9, s21, $0xb8;
	[tilespmem:$0x1D800] =	vst v63  }
0xd0: {  	_ =	swait.ge [sflag:s24], $0x4000  }
0xd1: {  	[sflag:s24] =	ssyncset.done $0x0  }
0xd2: {  	[sflag:s24] =	ssyncadd.s32 $0xFFFFC000  }
0xd3: {  	[tilespmem:s17], [sflag:$0x1] =	stream.indirect.gather [hbm4b:s3+s21], $0x80, s10, s21, $0xb8;
	[tilespmem:$0x1D800] =	vst v63  }
0xd4: {  	_ =	swait.ge [sflag:s22], $0x4000  }
0xd5: {  	[sflag:s22] =	ssyncset.done $0x0  }
0xd6: {  	[sflag:s22] =	ssyncadd.s32 $0xFFFFC000  }
0xd7: {  	[tilespmem:s23], [sflag:$0x2] =	stream.indirect.gather [hbm4b:s3+s21], $0x80, s11, s21, $0xb8;
	[tilespmem:$0x1D800] =	vst v63  }
0xd8: {  	_ =	swait.ge [sflag:s24], $0x4000  }
0xd9: {  	s7 =	simm.s32 $0x200;
	s13 =	simm.s32 $0x100;
	[sflag:s24] =	ssyncset.done $0x0  }
.LBB2_5:
0xda: {  	s19 =	sadd.s32 s13, s16  }
0xdb: {  	[sflag:s24] =	ssyncadd.s32 $0xFFFFC000;
	s20 =	smov.u32 s7;
	s12 =	sadd.s32 $0x100, s7  }
0xdc: {  	[tilespmem:s2], [sflag:$0x3] =	stream.linear.gather [hbm4b:s19+s2], $0x800, $0x38;
	[tilespmem:$0x1D800] =	vst v63  }
0xdd: {  	s19 =	simm.s32 $0x800  }
0xde: {  	p1 =	seq.s32 s7, $0x900;
	_ =	swait.ge [sflag:s18], $0x800  }
0xdf: {  	[sflag:s18] =	ssyncset.done $0x0  }
0xe0: {  	s7 =	sadd.s32 s13, s14;
	[sflag:s18] =	ssyncadd.s32 $0xFFFFF800  }
0xe1: {  	[tilespmem:s19], [sflag:$0x3] =	stream.linear.gather [hbm4b:s7+s2], $0x800, $0x38;
	[tilespmem:$0x1D800] =	vst v63  }
0xe2: {  	_ =	swait.ge [sflag:s18], $0x800  }
0xe3: {  	s7 =	sadd.s32 s13, s15;
	[sflag:s18] =	ssyncset.done $0x0  }
0xe4: {  	s13 =	smov.u32 s20;
	s20 =	simm.s32 $0x1000;
	[sflag:s18] =	ssyncadd.s32 $0xFFFFF800  }
0xe5: {  	[tilespmem:s20], [sflag:$0x3] =	stream.linear.gather [hbm4b:s7+s2], $0x800, $0x38;
	[tilespmem:$0x1D800] =	vst v63  }
0xe6: {  	_ =	swait.ge [sflag:s18], $0x800  }
0xe7: {  	[sflag:s18] =	ssyncset.done $0x0  }
0xe8: {  	[sflag:s18] =	ssyncadd.s32 $0xFFFFF800  }
0xe9: {  	[tilespmem:s17], [sflag:$0x1] =	stream.indirect.gather [hbm4b:s3+s21], $0x80, s2, s21, $0xb8;
	[tilespmem:$0x1D800] =	vst v63  }
0xea: {  	_ =	swait.ge [sflag:s22], $0x4000  }
0xeb: {  	[sflag:s22] =	ssyncset.done $0x0  }
0xec: {  	[sflag:s22] =	ssyncadd.s32 $0xFFFFC000  }
0xed: {  	[tilespmem:s23], [sflag:$0x2] =	stream.indirect.gather [hbm4b:s3+s21], $0x80, s21, s21, $0xb8;
	[tilespmem:$0x1D800] =	vst v63  }
0xee: {  	_ =	swait.ge [sflag:s24], $0x4000  }
0xef: {  	[sflag:s24] =	ssyncset.done $0x0  }
0xf0: {  	[sflag:s24] =	ssyncadd.s32 $0xFFFFC000  }
0xf1: {  	[tilespmem:s17], [sflag:$0x1] =	stream.indirect.gather [hbm4b:s3+s21], $0x80, s25, s21, $0xb8;
	[tilespmem:$0x1D800] =	vst v63  }
0xf2: {  	_ =	swait.ge [sflag:s22], $0x4000  }
0xf3: {  	[sflag:s22] =	ssyncset.done $0x0  }
0xf4: {  	[sflag:s22] =	ssyncadd.s32 $0xFFFFC000  }
0xf5: {  	[tilespmem:s23], [sflag:$0x2] =	stream.indirect.gather [hbm4b:s3+s21], $0x80, s26, s21, $0xb8;
	[tilespmem:$0x1D800] =	vst v63  }
0xf6: {  	_ =	swait.ge [sflag:s24], $0x4000  }
0xf7: {  	[sflag:s24] =	ssyncset.done $0x0  }
0xf8: {  	[sflag:s24] =	ssyncadd.s32 $0xFFFFC000  }
0xf9: {  	[tilespmem:s17], [sflag:$0x1] =	stream.indirect.gather [hbm4b:s3+s21], $0x80, s28, s21, $0xb8;
	[tilespmem:$0x1D800] =	vst v63  }
0xfa: {  	_ =	swait.ge [sflag:s22], $0x4000  }
0xfb: {  	[sflag:s22] =	ssyncset.done $0x0  }
0xfc: {  	[sflag:s22] =	ssyncadd.s32 $0xFFFFC000  }
0xfd: {  	[tilespmem:s23], [sflag:$0x2] =	stream.indirect.gather [hbm4b:s3+s21], $0x80, s29, s21, $0xb8;
	[tilespmem:$0x1D800] =	vst v63  }
0xfe: {  	_ =	swait.ge [sflag:s24], $0x4000  }
0xff: {  	[sflag:s24] =	ssyncset.done $0x0  }
0x100: {  	[sflag:s24] =	ssyncadd.s32 $0xFFFFC000  }
0x101: {  	[tilespmem:s17], [sflag:$0x1] =	stream.indirect.gather [hbm4b:s3+s21], $0x80, s30, s21, $0xb8;
	[tilespmem:$0x1D800] =	vst v63  }
0x102: {  	_ =	swait.ge [sflag:s22], $0x4000  }
0x103: {  	[sflag:s22] =	ssyncset.done $0x0  }
0x104: {  	[sflag:s22] =	ssyncadd.s32 $0xFFFFC000  }
0x105: {  	[tilespmem:s23], [sflag:$0x2] =	stream.indirect.gather [hbm4b:s3+s21], $0x80, s31, s21, $0xb8;
	[tilespmem:$0x1D800] =	vst v63  }
0x106: {  	_ =	swait.ge [sflag:s24], $0x4000  }
0x107: {  	[sflag:s24] =	ssyncset.done $0x0  }
0x108: {  	[sflag:s24] =	ssyncadd.s32 $0xFFFFC000  }
0x109: {  	[tilespmem:s17], [sflag:$0x1] =	stream.indirect.gather [hbm4b:s3+s21], $0x80, s0, s21, $0xb8;
	[tilespmem:$0x1D800] =	vst v63  }
0x10a: {  	_ =	swait.ge [sflag:s22], $0x4000  }
0x10b: {  	[sflag:s22] =	ssyncset.done $0x0  }
0x10c: {  	[sflag:s22] =	ssyncadd.s32 $0xFFFFC000  }
0x10d: {  	[tilespmem:s23], [sflag:$0x2] =	stream.indirect.gather [hbm4b:s3+s21], $0x80, s5, s21, $0xb8;
	[tilespmem:$0x1D800] =	vst v63  }
0x10e: {  	_ =	swait.ge [sflag:s24], $0x4000  }
0x10f: {  	[sflag:s24] =	ssyncset.done $0x0  }
0x110: {  	[sflag:s24] =	ssyncadd.s32 $0xFFFFC000  }
0x111: {  	[tilespmem:s17], [sflag:$0x1] =	stream.indirect.gather [hbm4b:s3+s21], $0x80, s6, s21, $0xb8;
	[tilespmem:$0x1D800] =	vst v63  }
0x112: {  	_ =	swait.ge [sflag:s22], $0x4000  }
0x113: {  	[sflag:s22] =	ssyncset.done $0x0  }
0x114: {  	[sflag:s22] =	ssyncadd.s32 $0xFFFFC000  }
0x115: {  	[tilespmem:s23], [sflag:$0x2] =	stream.indirect.gather [hbm4b:s3+s21], $0x80, s1, s21, $0xb8;
	[tilespmem:$0x1D800] =	vst v63  }
0x116: {  	_ =	swait.ge [sflag:s24], $0x4000  }
0x117: {  	[sflag:s24] =	ssyncset.done $0x0  }
0x118: {  	[sflag:s24] =	ssyncadd.s32 $0xFFFFC000  }
0x119: {  	[tilespmem:s17], [sflag:$0x1] =	stream.indirect.gather [hbm4b:s3+s21], $0x80, s8, s21, $0xb8;
	[tilespmem:$0x1D800] =	vst v63  }
0x11a: {  	_ =	swait.ge [sflag:s22], $0x4000  }
0x11b: {  	[sflag:s22] =	ssyncset.done $0x0  }
0x11c: {  	[sflag:s22] =	ssyncadd.s32 $0xFFFFC000  }
0x11d: {  	[tilespmem:s23], [sflag:$0x2] =	stream.indirect.gather [hbm4b:s3+s21], $0x80, s9, s21, $0xb8;
	[tilespmem:$0x1D800] =	vst v63  }
0x11e: {  	_ =	swait.ge [sflag:s24], $0x4000  }
0x11f: {  	[sflag:s24] =	ssyncset.done $0x0  }
0x120: {  	[sflag:s24] =	ssyncadd.s32 $0xFFFFC000  }
0x121: {  	[tilespmem:s17], [sflag:$0x1] =	stream.indirect.gather [hbm4b:s3+s21], $0x80, s10, s21, $0xb8;
	[tilespmem:$0x1D800] =	vst v63  }
0x122: {  	_ =	swait.ge [sflag:s22], $0x4000  }
.Ltmp4:
0x123: {  	[sflag:s22] =	ssyncset.done $0x0;
	(pc) =	sbr.rel @!p1 .LBB2_5-.Ltmp4, $4  }
0x124: {  	[sflag:s22] =	ssyncadd.s32 $0xFFFFC000  }
0x125: {  	[tilespmem:s23], [sflag:$0x2] =	stream.indirect.gather [hbm4b:s3+s21], $0x80, s11, s21, $0xb8;
	[tilespmem:$0x1D800] =	vst v63  }
0x126: {  	_ =	swait.ge [sflag:s24], $0x4000  }
0x127: {  	s7 =	smov.u32 s12;
	[sflag:s24] =	ssyncset.done $0x0  }
0x128: {  	s7 =	sadd.s32 s13, s16;
	[sflag:s24] =	ssyncadd.s32 $0xFFFFC000  }
0x129: {  	[tilespmem:s2], [sflag:$0x3] =	stream.linear.gather [hbm4b:s7+s2], $0x800, $0x38;
	[tilespmem:$0x1D800] =	vst v63  }
0x12a: {  	_ =	swait.ge [sflag:s18], $0x800  }
0x12b: {  	[sflag:s18] =	ssyncset.done $0x0  }
0x12c: {  	s12 =	sadd.s32 s13, s14;
	[sflag:s18] =	ssyncadd.s32 $0xFFFFF800  }
0x12d: {  	[tilespmem:s19], [sflag:$0x3] =	stream.linear.gather [hbm4b:s12+s2], $0x800, $0x38;
	[tilespmem:$0x1D800] =	vst v63  }
0x12e: {  	_ =	swait.ge [sflag:s18], $0x800  }
0x12f: {  	[sflag:s18] =	ssyncset.done $0x0  }
0x130: {  	s19 =	sadd.s32 s13, s15;
	[sflag:s18] =	ssyncadd.s32 $0xFFFFF800  }
0x131: {  	[tilespmem:s20], [sflag:$0x3] =	stream.linear.gather [hbm4b:s19+s2], $0x800, $0x38;
	[tilespmem:$0x1D800] =	vst v63  }
0x132: {  	_ =	swait.ge [sflag:s18], $0x800  }
0x133: {  	[sflag:s18] =	ssyncset.done $0x0  }
0x134: {  	[sflag:s18] =	ssyncadd.s32 $0xFFFFF800  }
0x135: {  	[tilespmem:s17], [sflag:$0x1] =	stream.indirect.gather [hbm4b:s3+s21], $0x80, s2, s21, $0xb8;
	[tilespmem:$0x1D800] =	vst v63  }
0x136: {  	_ =	swait.ge [sflag:s22], $0x4000  }
0x137: {  	[sflag:s22] =	ssyncset.done $0x0  }
0x138: {  	[sflag:s22] =	ssyncadd.s32 $0xFFFFC000  }
0x139: {  	[tilespmem:s23], [sflag:$0x2] =	stream.indirect.gather [hbm4b:s3+s21], $0x80, s21, s21, $0xb8;
	[tilespmem:$0x1D800] =	vst v63  }
0x13a: {  	_ =	swait.ge [sflag:s24], $0x4000  }
0x13b: {  	[sflag:s24] =	ssyncset.done $0x0  }
0x13c: {  	[sflag:s24] =	ssyncadd.s32 $0xFFFFC000  }
0x13d: {  	[tilespmem:s17], [sflag:$0x1] =	stream.indirect.gather [hbm4b:s3+s21], $0x80, s25, s21, $0xb8;
	[tilespmem:$0x1D800] =	vst v63  }
0x13e: {  	_ =	swait.ge [sflag:s22], $0x4000  }
0x13f: {  	[sflag:s22] =	ssyncset.done $0x0  }
0x140: {  	[sflag:s22] =	ssyncadd.s32 $0xFFFFC000  }
0x141: {  	[tilespmem:s23], [sflag:$0x2] =	stream.indirect.gather [hbm4b:s3+s21], $0x80, s26, s21, $0xb8;
	[tilespmem:$0x1D800] =	vst v63  }
0x142: {  	_ =	swait.ge [sflag:s24], $0x4000  }
0x143: {  	[sflag:s24] =	ssyncset.done $0x0  }
0x144: {  	[sflag:s24] =	ssyncadd.s32 $0xFFFFC000  }
0x145: {  	[tilespmem:s17], [sflag:$0x1] =	stream.indirect.gather [hbm4b:s3+s21], $0x80, s28, s21, $0xb8;
	[tilespmem:$0x1D800] =	vst v63  }
0x146: {  	_ =	swait.ge [sflag:s22], $0x4000  }
0x147: {  	[sflag:s22] =	ssyncset.done $0x0  }
0x148: {  	[sflag:s22] =	ssyncadd.s32 $0xFFFFC000  }
0x149: {  	[tilespmem:s23], [sflag:$0x2] =	stream.indirect.gather [hbm4b:s3+s21], $0x80, s29, s21, $0xb8;
	[tilespmem:$0x1D800] =	vst v63  }
0x14a: {  	_ =	swait.ge [sflag:s24], $0x4000  }
0x14b: {  	[sflag:s24] =	ssyncset.done $0x0  }
0x14c: {  	[sflag:s24] =	ssyncadd.s32 $0xFFFFC000  }
0x14d: {  	[tilespmem:s17], [sflag:$0x1] =	stream.indirect.gather [hbm4b:s3+s21], $0x80, s30, s21, $0xb8;
	[tilespmem:$0x1D800] =	vst v63  }
0x14e: {  	_ =	swait.ge [sflag:s22], $0x4000  }
0x14f: {  	[sflag:s22] =	ssyncset.done $0x0  }
0x150: {  	[sflag:s22] =	ssyncadd.s32 $0xFFFFC000  }
0x151: {  	[tilespmem:s23], [sflag:$0x2] =	stream.indirect.gather [hbm4b:s3+s21], $0x80, s31, s21, $0xb8;
	[tilespmem:$0x1D800] =	vst v63  }
0x152: {  	_ =	swait.ge [sflag:s24], $0x4000  }
0x153: {  	[sflag:s24] =	ssyncset.done $0x0  }
0x154: {  	[sflag:s24] =	ssyncadd.s32 $0xFFFFC000  }
0x155: {  	[tilespmem:s17], [sflag:$0x1] =	stream.indirect.gather [hbm4b:s3+s21], $0x80, s0, s21, $0xb8;
	[tilespmem:$0x1D800] =	vst v63  }
0x156: {  	_ =	swait.ge [sflag:s22], $0x4000  }
0x157: {  	[sflag:s22] =	ssyncset.done $0x0  }
0x158: {  	[sflag:s22] =	ssyncadd.s32 $0xFFFFC000  }
0x159: {  	[tilespmem:s23], [sflag:$0x2] =	stream.indirect.gather [hbm4b:s3+s21], $0x80, s5, s21, $0xb8;
	[tilespmem:$0x1D800] =	vst v63  }
0x15a: {  	_ =	swait.ge [sflag:s24], $0x4000  }
0x15b: {  	[sflag:s24] =	ssyncset.done $0x0  }
0x15c: {  	[sflag:s24] =	ssyncadd.s32 $0xFFFFC000  }
0x15d: {  	[tilespmem:s17], [sflag:$0x1] =	stream.indirect.gather [hbm4b:s3+s21], $0x80, s6, s21, $0xb8;
	[tilespmem:$0x1D800] =	vst v63  }
0x15e: {  	_ =	swait.ge [sflag:s22], $0x4000  }
0x15f: {  	[sflag:s22] =	ssyncset.done $0x0  }
0x160: {  	[sflag:s22] =	ssyncadd.s32 $0xFFFFC000  }
0x161: {  	[tilespmem:s23], [sflag:$0x2] =	stream.indirect.gather [hbm4b:s3+s21], $0x80, s1, s21, $0xb8;
	[tilespmem:$0x1D800] =	vst v63  }
0x162: {  	_ =	swait.ge [sflag:s24], $0x4000  }
0x163: {  	[sflag:s24] =	ssyncset.done $0x0  }
0x164: {  	[sflag:s24] =	ssyncadd.s32 $0xFFFFC000  }
0x165: {  	[tilespmem:s17], [sflag:$0x1] =	stream.indirect.gather [hbm4b:s3+s21], $0x80, s8, s21, $0xb8;
	[tilespmem:$0x1D800] =	vst v63  }
0x166: {  	_ =	swait.ge [sflag:s22], $0x4000  }
0x167: {  	[sflag:s22] =	ssyncset.done $0x0  }
0x168: {  	[sflag:s22] =	ssyncadd.s32 $0xFFFFC000  }
0x169: {  	[tilespmem:s23], [sflag:$0x2] =	stream.indirect.gather [hbm4b:s3+s21], $0x80, s9, s21, $0xb8;
	[tilespmem:$0x1D800] =	vst v63  }
0x16a: {  	_ =	swait.ge [sflag:s24], $0x4000  }
0x16b: {  	[sflag:s24] =	ssyncset.done $0x0  }
0x16c: {  	[sflag:s24] =	ssyncadd.s32 $0xFFFFC000  }
0x16d: {  	[tilespmem:s17], [sflag:$0x1] =	stream.indirect.gather [hbm4b:s3+s21], $0x80, s10, s21, $0xb8;
	[tilespmem:$0x1D800] =	vst v63  }
0x16e: {  	_ =	swait.ge [sflag:s22], $0x4000  }
0x16f: {  	[sflag:s22] =	ssyncset.done $0x0  }
.Ltmp5:
0x170: {  	[sflag:s22] =	ssyncadd.s32 $0xFFFFC000;
	(pc) =	sbr.rel .LBB2_10-.Ltmp5, $4  }
0x171: {  	[tilespmem:s23], [sflag:$0x2] =	stream.indirect.gather [hbm4b:s3+s21], $0x80, s11, s21, $0xb8;
	[tilespmem:$0x1D800] =	vst v63  }
0x172: {  	_ =	swait.ge [sflag:s24], $0x4000  }
0x173: {  	[sflag:s24] =	ssyncset.done $0x0;
	s7 =	rddreg [dreg:$0x3]  }
0x174: {  	s19 =	rddreg [dreg:$0xc];
	[sflag:s24] =	ssyncadd.s32 $0xFFFFC000  }
.LBB2_7:
0x175: {  	[tilespmem:s2], [sflag:$0x3] =	stream.linear.gather [hbm4b:s7+s2], $0x800, $0x38;
	[tilespmem:$0x1D800] =	vst v63  }
0x176: {  	_ =	swait.ge [sflag:s18], $0x800  }
0x177: {  	[sflag:s18] =	ssyncset.done $0x0  }
0x178: {  	s13 =	sadd.s32 $0x0, s14;
	s12 =	simm.s32 $0x800;
	[sflag:s18] =	ssyncadd.s32 $0xFFFFF800  }
0x179: {  	[tilespmem:s12], [sflag:$0x3] =	stream.linear.gather [hbm4b:s13+s2], $0x800, $0x38;
	[tilespmem:$0x1D800] =	vst v63  }
0x17a: {  	_ =	swait.ge [sflag:s18], $0x800  }
0x17b: {  	[sflag:s18] =	ssyncset.done $0x0  }
0x17c: {  	s19 =	sadd.s32 $0x0, s15;
	s20 =	simm.s32 $0x1000;
	[sflag:s18] =	ssyncadd.s32 $0xFFFFF800  }
0x17d: {  	[tilespmem:s20], [sflag:$0x3] =	stream.linear.gather [hbm4b:s19+s2], $0x800, $0x38;
	[tilespmem:$0x1D800] =	vst v63  }
0x17e: {  	_ =	swait.ge [sflag:s18], $0x800  }
0x17f: {  	[sflag:s18] =	ssyncset.done $0x0  }
0x180: {  	[sflag:s18] =	ssyncadd.s32 $0xFFFFF800  }
0x181: {  	[tilespmem:s17], [sflag:$0x1] =	stream.indirect.gather [hbm4b:s4+s21], $0x80, s2, s21, $0xb8;
	[tilespmem:$0x1D800] =	vst v63  }
0x182: {  	_ =	swait.ge [sflag:s22], $0x4000  }
0x183: {  	[sflag:s22] =	ssyncset.done $0x0  }
0x184: {  	[sflag:s22] =	ssyncadd.s32 $0xFFFFC000  }
0x185: {  	[tilespmem:s23], [sflag:$0x2] =	stream.indirect.gather [hbm4b:s4+s21], $0x80, s21, s21, $0xb8;
	[tilespmem:$0x1D800] =	vst v63  }
0x186: {  	_ =	swait.ge [sflag:s24], $0x4000  }
0x187: {  	[sflag:s24] =	ssyncset.done $0x0  }
0x188: {  	[sflag:s24] =	ssyncadd.s32 $0xFFFFC000  }
0x189: {  	[tilespmem:s17], [sflag:$0x1] =	stream.indirect.gather [hbm4b:s4+s21], $0x80, s25, s21, $0xb8;
	[tilespmem:$0x1D800] =	vst v63  }
0x18a: {  	_ =	swait.ge [sflag:s22], $0x4000  }
0x18b: {  	[sflag:s22] =	ssyncset.done $0x0  }
0x18c: {  	[sflag:s22] =	ssyncadd.s32 $0xFFFFC000  }
0x18d: {  	[tilespmem:s23], [sflag:$0x2] =	stream.indirect.gather [hbm4b:s4+s21], $0x80, s26, s21, $0xb8;
	[tilespmem:$0x1D800] =	vst v63  }
0x18e: {  	_ =	swait.ge [sflag:s24], $0x4000  }
0x18f: {  	[sflag:s24] =	ssyncset.done $0x0  }
0x190: {  	[sflag:s24] =	ssyncadd.s32 $0xFFFFC000  }
0x191: {  	[tilespmem:s17], [sflag:$0x1] =	stream.indirect.gather [hbm4b:s4+s21], $0x80, s28, s21, $0xb8;
	[tilespmem:$0x1D800] =	vst v63  }
0x192: {  	_ =	swait.ge [sflag:s22], $0x4000  }
0x193: {  	[sflag:s22] =	ssyncset.done $0x0  }
0x194: {  	[sflag:s22] =	ssyncadd.s32 $0xFFFFC000  }
0x195: {  	[tilespmem:s23], [sflag:$0x2] =	stream.indirect.gather [hbm4b:s4+s21], $0x80, s29, s21, $0xb8;
	[tilespmem:$0x1D800] =	vst v63  }
0x196: {  	_ =	swait.ge [sflag:s24], $0x4000  }
0x197: {  	[sflag:s24] =	ssyncset.done $0x0  }
0x198: {  	[sflag:s24] =	ssyncadd.s32 $0xFFFFC000  }
0x199: {  	[tilespmem:s17], [sflag:$0x1] =	stream.indirect.gather [hbm4b:s4+s21], $0x80, s30, s21, $0xb8;
	[tilespmem:$0x1D800] =	vst v63  }
0x19a: {  	_ =	swait.ge [sflag:s22], $0x4000  }
0x19b: {  	[sflag:s22] =	ssyncset.done $0x0  }
0x19c: {  	[sflag:s22] =	ssyncadd.s32 $0xFFFFC000  }
0x19d: {  	[tilespmem:s23], [sflag:$0x2] =	stream.indirect.gather [hbm4b:s4+s21], $0x80, s31, s21, $0xb8;
	[tilespmem:$0x1D800] =	vst v63  }
0x19e: {  	_ =	swait.ge [sflag:s24], $0x4000  }
0x19f: {  	[sflag:s24] =	ssyncset.done $0x0  }
0x1a0: {  	[sflag:s24] =	ssyncadd.s32 $0xFFFFC000  }
0x1a1: {  	[tilespmem:s17], [sflag:$0x1] =	stream.indirect.gather [hbm4b:s4+s21], $0x80, s0, s21, $0xb8;
	[tilespmem:$0x1D800] =	vst v63  }
0x1a2: {  	_ =	swait.ge [sflag:s22], $0x4000  }
0x1a3: {  	[sflag:s22] =	ssyncset.done $0x0  }
0x1a4: {  	[sflag:s22] =	ssyncadd.s32 $0xFFFFC000  }
0x1a5: {  	[tilespmem:s23], [sflag:$0x2] =	stream.indirect.gather [hbm4b:s4+s21], $0x80, s5, s21, $0xb8;
	[tilespmem:$0x1D800] =	vst v63  }
0x1a6: {  	_ =	swait.ge [sflag:s24], $0x4000  }
0x1a7: {  	[sflag:s24] =	ssyncset.done $0x0  }
0x1a8: {  	[sflag:s24] =	ssyncadd.s32 $0xFFFFC000  }
0x1a9: {  	[tilespmem:s17], [sflag:$0x1] =	stream.indirect.gather [hbm4b:s4+s21], $0x80, s6, s21, $0xb8;
	[tilespmem:$0x1D800] =	vst v63  }
0x1aa: {  	_ =	swait.ge [sflag:s22], $0x4000  }
0x1ab: {  	[sflag:s22] =	ssyncset.done $0x0  }
0x1ac: {  	[sflag:s22] =	ssyncadd.s32 $0xFFFFC000  }
0x1ad: {  	[tilespmem:s23], [sflag:$0x2] =	stream.indirect.gather [hbm4b:s4+s21], $0x80, s1, s21, $0xb8;
	[tilespmem:$0x1D800] =	vst v63  }
0x1ae: {  	_ =	swait.ge [sflag:s24], $0x4000  }
0x1af: {  	[sflag:s24] =	ssyncset.done $0x0  }
0x1b0: {  	[sflag:s24] =	ssyncadd.s32 $0xFFFFC000  }
0x1b1: {  	[tilespmem:s17], [sflag:$0x1] =	stream.indirect.gather [hbm4b:s4+s21], $0x80, s8, s21, $0xb8;
	[tilespmem:$0x1D800] =	vst v63  }
0x1b2: {  	_ =	swait.ge [sflag:s22], $0x4000  }
0x1b3: {  	[sflag:s22] =	ssyncset.done $0x0  }
0x1b4: {  	[sflag:s22] =	ssyncadd.s32 $0xFFFFC000  }
0x1b5: {  	[tilespmem:s23], [sflag:$0x2] =	stream.indirect.gather [hbm4b:s4+s21], $0x80, s9, s21, $0xb8;
	[tilespmem:$0x1D800] =	vst v63  }
0x1b6: {  	_ =	swait.ge [sflag:s24], $0x4000  }
0x1b7: {  	[sflag:s24] =	ssyncset.done $0x0  }
0x1b8: {  	[sflag:s24] =	ssyncadd.s32 $0xFFFFC000  }
0x1b9: {  	[tilespmem:s17], [sflag:$0x1] =	stream.indirect.gather [hbm4b:s4+s21], $0x80, s10, s21, $0xb8;
	[tilespmem:$0x1D800] =	vst v63  }
0x1ba: {  	_ =	swait.ge [sflag:s22], $0x4000  }
0x1bb: {  	[sflag:s22] =	ssyncset.done $0x0  }
0x1bc: {  	[sflag:s22] =	ssyncadd.s32 $0xFFFFC000  }
0x1bd: {  	[tilespmem:s23], [sflag:$0x2] =	stream.indirect.gather [hbm4b:s4+s21], $0x80, s11, s21, $0xb8;
	[tilespmem:$0x1D800] =	vst v63  }
0x1be: {  	_ =	swait.ge [sflag:s24], $0x4000  }
0x1bf: {  	s13 =	simm.s32 $0x100;
	s12 =	simm.s32 $0x200;
	[sflag:s24] =	ssyncset.done $0x0  }
.LBB2_8:
0x1c0: {  	s19 =	sadd.s32 s13, s16  }
0x1c1: {  	[sflag:s24] =	ssyncadd.s32 $0xFFFFC000;
	s20 =	smov.u32 s12;
	s7 =	sadd.s32 $0x100, s12  }
0x1c2: {  	[tilespmem:s2], [sflag:$0x3] =	stream.linear.gather [hbm4b:s19+s2], $0x800, $0x38;
	[tilespmem:$0x1D800] =	vst v63  }
0x1c3: {  	s19 =	simm.s32 $0x800  }
0x1c4: {  	p1 =	sne.s32 s12, $0x900;
	_ =	swait.ge [sflag:s18], $0x800  }
0x1c5: {  	[sflag:s18] =	ssyncset.done $0x0  }
0x1c6: {  	s12 =	sadd.s32 s13, s14;
	[sflag:s18] =	ssyncadd.s32 $0xFFFFF800  }
0x1c7: {  	[tilespmem:s19], [sflag:$0x3] =	stream.linear.gather [hbm4b:s12+s2], $0x800, $0x38;
	[tilespmem:$0x1D800] =	vst v63  }
0x1c8: {  	_ =	swait.ge [sflag:s18], $0x800  }
0x1c9: {  	s12 =	sadd.s32 s13, s15;
	[sflag:s18] =	ssyncset.done $0x0  }
0x1ca: {  	s13 =	smov.u32 s20;
	s20 =	simm.s32 $0x1000;
	[sflag:s18] =	ssyncadd.s32 $0xFFFFF800  }
0x1cb: {  	[tilespmem:s20], [sflag:$0x3] =	stream.linear.gather [hbm4b:s12+s2], $0x800, $0x38;
	[tilespmem:$0x1D800] =	vst v63  }
0x1cc: {  	_ =	swait.ge [sflag:s18], $0x800  }
0x1cd: {  	[sflag:s18] =	ssyncset.done $0x0  }
0x1ce: {  	[sflag:s18] =	ssyncadd.s32 $0xFFFFF800  }
0x1cf: {  	[tilespmem:s17], [sflag:$0x1] =	stream.indirect.gather [hbm4b:s4+s21], $0x80, s2, s21, $0xb8;
	[tilespmem:$0x1D800] =	vst v63  }
0x1d0: {  	_ =	swait.ge [sflag:s22], $0x4000  }
0x1d1: {  	[sflag:s22] =	ssyncset.done $0x0  }
0x1d2: {  	[sflag:s22] =	ssyncadd.s32 $0xFFFFC000  }
0x1d3: {  	[tilespmem:s23], [sflag:$0x2] =	stream.indirect.gather [hbm4b:s4+s21], $0x80, s21, s21, $0xb8;
	[tilespmem:$0x1D800] =	vst v63  }
0x1d4: {  	_ =	swait.ge [sflag:s24], $0x4000  }
0x1d5: {  	[sflag:s24] =	ssyncset.done $0x0  }
0x1d6: {  	[sflag:s24] =	ssyncadd.s32 $0xFFFFC000  }
0x1d7: {  	[tilespmem:s17], [sflag:$0x1] =	stream.indirect.gather [hbm4b:s4+s21], $0x80, s25, s21, $0xb8;
	[tilespmem:$0x1D800] =	vst v63  }
0x1d8: {  	_ =	swait.ge [sflag:s22], $0x4000  }
0x1d9: {  	[sflag:s22] =	ssyncset.done $0x0  }
0x1da: {  	[sflag:s22] =	ssyncadd.s32 $0xFFFFC000  }
0x1db: {  	[tilespmem:s23], [sflag:$0x2] =	stream.indirect.gather [hbm4b:s4+s21], $0x80, s26, s21, $0xb8;
	[tilespmem:$0x1D800] =	vst v63  }
0x1dc: {  	_ =	swait.ge [sflag:s24], $0x4000  }
0x1dd: {  	[sflag:s24] =	ssyncset.done $0x0  }
0x1de: {  	[sflag:s24] =	ssyncadd.s32 $0xFFFFC000  }
0x1df: {  	[tilespmem:s17], [sflag:$0x1] =	stream.indirect.gather [hbm4b:s4+s21], $0x80, s28, s21, $0xb8;
	[tilespmem:$0x1D800] =	vst v63  }
0x1e0: {  	_ =	swait.ge [sflag:s22], $0x4000  }
0x1e1: {  	[sflag:s22] =	ssyncset.done $0x0  }
0x1e2: {  	[sflag:s22] =	ssyncadd.s32 $0xFFFFC000  }
0x1e3: {  	[tilespmem:s23], [sflag:$0x2] =	stream.indirect.gather [hbm4b:s4+s21], $0x80, s29, s21, $0xb8;
	[tilespmem:$0x1D800] =	vst v63  }
0x1e4: {  	_ =	swait.ge [sflag:s24], $0x4000  }
0x1e5: {  	[sflag:s24] =	ssyncset.done $0x0  }
0x1e6: {  	[sflag:s24] =	ssyncadd.s32 $0xFFFFC000  }
0x1e7: {  	[tilespmem:s17], [sflag:$0x1] =	stream.indirect.gather [hbm4b:s4+s21], $0x80, s30, s21, $0xb8;
	[tilespmem:$0x1D800] =	vst v63  }
0x1e8: {  	_ =	swait.ge [sflag:s22], $0x4000  }
0x1e9: {  	[sflag:s22] =	ssyncset.done $0x0  }
0x1ea: {  	[sflag:s22] =	ssyncadd.s32 $0xFFFFC000  }
0x1eb: {  	[tilespmem:s23], [sflag:$0x2] =	stream.indirect.gather [hbm4b:s4+s21], $0x80, s31, s21, $0xb8;
	[tilespmem:$0x1D800] =	vst v63  }
0x1ec: {  	_ =	swait.ge [sflag:s24], $0x4000  }
0x1ed: {  	[sflag:s24] =	ssyncset.done $0x0  }
0x1ee: {  	[sflag:s24] =	ssyncadd.s32 $0xFFFFC000  }
0x1ef: {  	[tilespmem:s17], [sflag:$0x1] =	stream.indirect.gather [hbm4b:s4+s21], $0x80, s0, s21, $0xb8;
	[tilespmem:$0x1D800] =	vst v63  }
0x1f0: {  	_ =	swait.ge [sflag:s22], $0x4000  }
0x1f1: {  	[sflag:s22] =	ssyncset.done $0x0  }
0x1f2: {  	[sflag:s22] =	ssyncadd.s32 $0xFFFFC000  }
0x1f3: {  	[tilespmem:s23], [sflag:$0x2] =	stream.indirect.gather [hbm4b:s4+s21], $0x80, s5, s21, $0xb8;
	[tilespmem:$0x1D800] =	vst v63  }
0x1f4: {  	_ =	swait.ge [sflag:s24], $0x4000  }
0x1f5: {  	[sflag:s24] =	ssyncset.done $0x0  }
0x1f6: {  	[sflag:s24] =	ssyncadd.s32 $0xFFFFC000  }
0x1f7: {  	[tilespmem:s17], [sflag:$0x1] =	stream.indirect.gather [hbm4b:s4+s21], $0x80, s6, s21, $0xb8;
	[tilespmem:$0x1D800] =	vst v63  }
0x1f8: {  	_ =	swait.ge [sflag:s22], $0x4000  }
0x1f9: {  	[sflag:s22] =	ssyncset.done $0x0  }
0x1fa: {  	[sflag:s22] =	ssyncadd.s32 $0xFFFFC000  }
0x1fb: {  	[tilespmem:s23], [sflag:$0x2] =	stream.indirect.gather [hbm4b:s4+s21], $0x80, s1, s21, $0xb8;
	[tilespmem:$0x1D800] =	vst v63  }
0x1fc: {  	_ =	swait.ge [sflag:s24], $0x4000  }
0x1fd: {  	[sflag:s24] =	ssyncset.done $0x0  }
0x1fe: {  	[sflag:s24] =	ssyncadd.s32 $0xFFFFC000  }
0x1ff: {  	[tilespmem:s17], [sflag:$0x1] =	stream.indirect.gather [hbm4b:s4+s21], $0x80, s8, s21, $0xb8;
	[tilespmem:$0x1D800] =	vst v63  }
0x200: {  	_ =	swait.ge [sflag:s22], $0x4000  }
0x201: {  	[sflag:s22] =	ssyncset.done $0x0  }
0x202: {  	[sflag:s22] =	ssyncadd.s32 $0xFFFFC000  }
0x203: {  	[tilespmem:s23], [sflag:$0x2] =	stream.indirect.gather [hbm4b:s4+s21], $0x80, s9, s21, $0xb8;
	[tilespmem:$0x1D800] =	vst v63  }
0x204: {  	_ =	swait.ge [sflag:s24], $0x4000  }
0x205: {  	[sflag:s24] =	ssyncset.done $0x0  }
0x206: {  	[sflag:s24] =	ssyncadd.s32 $0xFFFFC000  }
0x207: {  	[tilespmem:s17], [sflag:$0x1] =	stream.indirect.gather [hbm4b:s4+s21], $0x80, s10, s21, $0xb8;
	[tilespmem:$0x1D800] =	vst v63  }
0x208: {  	_ =	swait.ge [sflag:s22], $0x4000  }
.Ltmp6:
0x209: {  	[sflag:s22] =	ssyncset.done $0x0;
	(pc) =	sbr.rel @p1 .LBB2_8-.Ltmp6, $4  }
0x20a: {  	[sflag:s22] =	ssyncadd.s32 $0xFFFFC000  }
0x20b: {  	[tilespmem:s23], [sflag:$0x2] =	stream.indirect.gather [hbm4b:s4+s21], $0x80, s11, s21, $0xb8;
	[tilespmem:$0x1D800] =	vst v63  }
0x20c: {  	_ =	swait.ge [sflag:s24], $0x4000  }
0x20d: {  	s12 =	smov.u32 s7;
	[sflag:s24] =	ssyncset.done $0x0  }
.Ltmp7:
0x20e: {  	_ = 	snop;
	(pc) =	sbr.rel .LBB2_9-.Ltmp7, $1  }
0x20f: {  	_ =	sdelay $0x3  }
.LBB2_11:
0x210: {  	_ =	sfence.sel $0x180000  }
0x211: {  	[bflag:$0x0] =	sbarrier.arrive $0xFFFF  }
0x212: {  	_ =	strace $0x9000004A  }
0x213: {  	s0 =	stileid.u32;
	[bflag:$0x2] =	sbarrier.arrive $0xFFFF  }
0x214: {  	p0 =	sne.s32 s0, $0x0;
	s0 =	rddreg [dreg:$0x2]  }
0x215: {  	s0 =	sadd.s32 @!p0 $0x100000, s0  }
0x216: {  	[sflag:s0] =	ssyncadd.tile.s32 @!p0 $0x1;
	_ =	shalt  }
.Lfunc_end2:
_tile_overlayer_lowered:
.L_overlay_start_2:
0x217: {  	(tag) =	ssettag $0x2  }
0x218: {  	s0 =	rddreg [dreg:$0x0];
	s2 =	stileid.u32  }
0x219: {  	s1 =	rddreg [dreg:$0x1];
	p0 =	sne.s32 s2, $0x0  }
0x21a: {  	s3 =	rddreg [dreg:$0x2];
	[bflag:$0x3] =	sbarrier.arrive $0xFFFF;
	s2 =	simm.s32 @!p0 $0x1C03  }
0x21b: {  	[timem:s3], [sflag:s2] =	dma.local @!p0 [hbm:s0], s1  }
0x21c: {  	s0 =	simm.s32 @!p0 $0x3  }
0x21d: {  	_ =	swait.ge @!p0 [sflag:s0], s1  }
0x21e: {  	s1 =	ssub.s32 @!p0 $0x0, s1;
	[sflag:s0] =	ssyncset.done @!p0 $0x0  }
0x21f: {  	[sflag:s0] =	ssyncadd.s32 @!p0 s1  }
0x220: {  	[bflag:$0x3] =	sbarrier.arrive $0xFFFF  }
0x221: {  	_ =	shalt  }

// kernel: kernel.17.cloned.1.call-start
scs
__scs_entry_jumppad:
0x0: {  	(pc) =	sbr.rel $0x88, $3  }
0x1: {  	(tag) =	ssettag $0x0;
	lr =	simm.s32 $0x1  }
0x2: {  	[smem:$0x3F8C] =	sst lr;
	_ =	strace $0xD0000000  }
0x3: {  	_ = 	snop  }
0x4: {  	_ = 	snop  }
0x5: {  	_ = 	snop  }
0x6: {  	_ = 	snop  }
0x7: {  	_ = 	snop  }
__scs_overlays_trampoline_lowered:
0x8: {  	[smem:$0x3F9B] =	sst s0  }
0x9: {  	[smem:$0x3F9C] =	sst s1  }
0xa: {  	[smem:$0x3F9D] =	sst s2  }
0xb: {  	[smem:$0x3F9E] =	sst s3  }
0xc: {  	[smem:$0x3F9F] =	sst s4  }
0xd: {  	[smem:$0x3FA0] =	sst s5  }
0xe: {  	[smem:$0x3FA1] =	sst s6  }
0xf: {  	[smem:$0x3FA2] =	sst s7  }
0x10: {  	[smem:$0x3FA3] =	sst s8  }
0x11: {  	[smem:$0x3FA4] =	sst s9;
	s0 =	simm.s32 @!p0 $0x0  }
0x12: {  	s1 =	sld [smem:$0x3F8A];
	s0 =	simm.s32 @p0 $0x1  }
0x13: {  	[smem:$0x3FA5] =	sst s0;
	s0 =	simm.s32 @!p1 $0x0  }
0x14: {  	s2 =	sld [smem:$0x3F89];
	s0 =	simm.s32 @p1 $0x1  }
0x15: {  	[smem:$0x3FA6] =	sst s0;
	s0 =	simm.s32 @!p2 $0x0  }
0x16: {  	s3 =	sld [smem:$0x3FDB];
	s0 =	simm.s32 @p2 $0x1  }
0x17: {  	s4 =	simm.s32 $0x1BF5;
	[smem:$0x3FA8] =	sst s0  }
0x18: {  	s0 =	sld [smem:$0x3F8B];
	_ =	swait.ge [sflag:s4], $0x0  }
0x19: {  	s7 =	sld [smem:$0x3F8C]  }
0x1a: {  	s8 =	sadd.s32 $0xFFFFE003, lr  }
0x1b: {  	s9 =	sadd.s32 $0xFFFFFEF7, lr;
	s5 =	simm.s32 $0xFFFFFFFF;
	p2 =	slt.u32 s8, $0xFFFFF086  }
0x1c: {  	p1 =	slt.u32 s9, $0xF7A;
	s5 =	simm.s32 @!p2 $0x0  }
0x1d: {  	s5 =	simm.s32 @p1 $0x1;
	p0 =	seq.s32 s7, s2  }
0x1e: {  	s7 =	smul.u32 @!p0 $0xF7A, s2;
	p2 =	seq.s32 @!p0 s5, $0x0  }
0x1f: {  	s9 =	smul.u32 $0xF7A, s1;
	s8 =	simm.s32 @!p0 $0x1BF5;
	p2 =	por !p2, p0  }
0x20: {  	[sflag:s8] =	ssyncset.s32 @!p0 $0xFFFFF086;
	s6 =	sadd.s32 @!p0 s3, s7;
	s7 =	simm.s32 @!p0 $0x108  }
0x21: {  	s3 =	sadd.s32 s3, s9;
	s6 =	sadd.s32 @!p0 $0x88, s6;
	s7 =	simm.s32 @p2 $0x1082  }
0x22: {  	[simem:s7], [sflag:s8] =	dma.local @!p0 [hbm:s6], $0xF7A  }
0x23: {  	s9 =	sor.u32 $0xD0000000, s2;
	s6 =	simm.s32 $0x108;
	_ =	swait.ge @!p0 [sflag:s8], $0x0  }
0x24: {  	s3 =	sadd.s32 $0x88, s3;
	s6 =	simm.s32 @!p1 $0x1082;
	[sflag:s4] =	ssyncset.s32 $0xFFFFF086  }
0x25: {  	[simem:s6], [sflag:s4] =	dma.local [hbm:s3], $0xF7A  }
0x26: {  	[smem:$0x3F8C] =	sst s1;
	(tag) =	ssettag s2;
	_ =	strace s9  }
0x27: {  	s1 =	sld [smem:$0x3F9C]  }
0x28: {  	s2 =	sld [smem:$0x3F9D]  }
0x29: {  	s4 =	sld [smem:$0x3F9F]  }
0x2a: {  	p0 =	seq.s32 s5, $0x0;
	s5 =	sld [smem:$0x3FA0]  }
0x2b: {  	s6 =	sld [smem:$0x3FA1]  }
0x2c: {  	s7 =	sld [smem:$0x3FA2]  }
0x2d: {  	s3 =	simm.s32 $0x108;
	s8 =	sld [smem:$0x3FA3]  }
0x2e: {  	s3 =	simm.s32 @!p0 $0x1082;
	s9 =	sld [smem:$0x3FA4]  }
0x2f: {  	lr =	sadd.s32 s0, s3;
	s0 =	sld [smem:$0x3F9B]  }
0x30: {  	s3 =	sld [smem:$0x3F9E]  }
0x31: {  	[smem:$0x3FA7] =	sst s10  }
0x32: {  	s10 =	sld [smem:$0x3FA5];
	_ =	sdelay $0x3  }
0x33: {  	p0 =	seq.s32 s10, $0x1;
	s10 =	sld [smem:$0x3FA7];
	_ =	sdelay $0x3  }
0x34: {  	[smem:$0x3FA7] =	sst s10  }
0x35: {  	s10 =	sld [smem:$0x3FA6];
	_ =	sdelay $0x3  }
0x36: {  	p1 =	seq.s32 s10, $0x1;
	s10 =	sld [smem:$0x3FA7];
	_ =	sdelay $0x3  }
0x37: {  	[smem:$0x3FA7] =	sst s10  }
0x38: {  	s10 =	sld [smem:$0x3FA8]  }
0x39: {  	_ = 	snop;
	(pc) =	sbr.ind lr, $3  }
0x3a: {  	_ = 	snop  }
0x3b: {  	_ = 	snop  }
0x3c: {  	p2 =	seq.s32 s10, $0x1;
	s10 =	sld [smem:$0x3FA7]  }
0x3d: {  	_ =	shalt  }
0x3e: {  	_ =	shalt  }
0x3f: {  	_ =	shalt  }
0x40: {  	_ =	shalt  }
0x41: {  	_ =	shalt  }
0x42: {  	_ =	shalt  }
0x43: {  	_ =	shalt  }
0x44: {  	_ =	shalt  }
0x45: {  	_ =	shalt  }
0x46: {  	_ =	shalt  }
0x47: {  	_ =	shalt  }
0x48: {  	_ =	shalt  }
0x49: {  	_ =	shalt  }
0x4a: {  	_ =	shalt  }
0x4b: {  	_ =	shalt  }
0x4c: {  	_ =	shalt  }
0x4d: {  	_ =	shalt  }
0x4e: {  	_ =	shalt  }
0x4f: {  	_ =	shalt  }
0x50: {  	_ =	shalt  }
0x51: {  	_ =	shalt  }
0x52: {  	_ =	shalt  }
0x53: {  	_ =	shalt  }
0x54: {  	_ =	shalt  }
0x55: {  	_ =	shalt  }
0x56: {  	_ =	shalt  }
0x57: {  	_ =	shalt  }
0x58: {  	_ =	shalt  }
0x59: {  	_ =	shalt  }
0x5a: {  	_ =	shalt  }
0x5b: {  	_ =	shalt  }
0x5c: {  	_ =	shalt  }
0x5d: {  	_ =	shalt  }
0x5e: {  	_ =	shalt  }
0x5f: {  	_ =	shalt  }
0x60: {  	_ =	shalt  }
0x61: {  	_ =	shalt  }
0x62: {  	_ =	shalt  }
0x63: {  	_ =	shalt  }
0x64: {  	_ =	shalt  }
0x65: {  	_ =	shalt  }
0x66: {  	_ =	shalt  }
0x67: {  	_ =	shalt  }
0x68: {  	_ =	shalt  }
0x69: {  	_ =	shalt  }
0x6a: {  	_ =	shalt  }
0x6b: {  	_ =	shalt  }
0x6c: {  	_ =	shalt  }
0x6d: {  	_ =	shalt  }
0x6e: {  	_ =	shalt  }
0x6f: {  	_ =	shalt  }
0x70: {  	_ =	shalt  }
0x71: {  	_ =	shalt  }
0x72: {  	_ =	shalt  }
0x73: {  	_ =	shalt  }
0x74: {  	_ =	shalt  }
0x75: {  	_ =	shalt  }
0x76: {  	_ =	shalt  }
0x77: {  	_ =	shalt  }
0x78: {  	_ =	shalt  }
0x79: {  	_ =	shalt  }
0x7a: {  	_ =	shalt  }
0x7b: {  	_ =	shalt  }
0x7c: {  	_ =	shalt  }
0x7d: {  	_ =	shalt  }
0x7e: {  	_ =	shalt  }
0x7f: {  	_ =	shalt  }
0x80: {  	_ =	shalt  }
0x81: {  	_ =	shalt  }
0x82: {  	_ =	shalt  }
0x83: {  	_ =	shalt  }
0x84: {  	_ =	shalt  }
0x85: {  	_ =	shalt  }
0x86: {  	_ =	shalt  }
0x87: {  	_ =	shalt  }
.Lfunc_end0:
.L_simem_size_0:
called_computation.2_lowered:
.L_overlay_start_0:
0x88: {  	s2 =	sld [smem:$0x3FD9]  }
0x89: {  	s3 =	sld [smem:$0x3FFE];
	_ =	sdelay $0x1  }
0x8a: {  	s1 =	srdreg.scid  }
0x8b: {  	s0 =	sand.u32 $0x1, s1  }
0x8c: {  	s16 =	sshll.u32 s0, $0xA;
	s2 =	sadd.s32 s3, s2  }
0x8d: {  	s2 =	sadd.s32 s2, s16  }
0x8e: {  	[smem:$0x3FB3] =	sst s2  }
0x8f: {  	_ = 	snop  }
0x90: {  	(tm) =	ssettm $0x1  }
0x91: {  	s17 =	sld [smem:$0x3FFB];
	_ =	sdelay $0x3  }
0x92: {  	_ =	strace s17  }
0x93: {  	s2 =	sld [smem:$0x3FFC];
	_ =	sdelay $0x3  }
0x94: {  	_ =	strace s2  }
0x95: {  	s2 =	sld [smem:$0x3FFD];
	_ =	sdelay $0x3  }
0x96: {  	_ =	strace s2  }
0x97: {  	_ =	strace $0x8FFFFFFF  }
0x98: {  	s18 =	sld [smem:$0x3FDB];
	_ =	sdelay $0x1  }
0x99: {  	s19 =	simm.s32 $_scs_section_size  }
0x9a: {  	s4 =	simm.s32 $_size__tile_overlayer_lowered;
	s5 =	simm.s32 $_tile_overlayer_lowered  }
0x9b: {  	s22 =	simm.s32 $0x1BFF;
	s21 =	sshll.u32 s5, $0x1;
	s2 =	sadd.s32 s19, s18  }
0x9c: {  	s6 =	simm.s32 $0x0;
	s20 =	sshll.u32 s4, $0x1;
	s4 =	sadd.s32 s21, s2  }
0x9d: {  	[timem:s6], [sflag:s22] =	dma.local [hbm:s4], s20  }
0x9e: {  	_ =	swait.ge [sflag:s22], s20  }
0x9f: {  	s3 =	ssub.s32 $0x0, s20;
	[sflag:s22] =	ssyncset.done $0x0  }
0xa0: {  	[sflag:s22] =	ssyncadd.s32 s3;
	_ =	sdelay $0x1  }
0xa1: {  	s23 =	simm.s32 $0x1B8B  }
0xa2: {  	_ =	swait.ge [sflag:s23], $0x1  }
0xa3: {  	[sflag:s23] =	ssyncset.done $0x0  }
0xa4: {  	s25 =	simm.s32 $0x1B8E;
	s24 =	sld [smem:$0x3FFE];
	[sflag:s23] =	ssyncadd.s32 $0xFFFFFFFF  }
0xa5: {  	s26 =	simm.s32 $execute0_lowered;
	[smem:$0x3FD2] =	sst s25  }
0xa6: {  	s4 =	sshll.u32 s26, $0x1;
	_ =	strace $0x8000004C;
	[dreg:$0x1] =	wrdreg $0xFFFFFFFF  }
0xa7: {  	s28 =	simm.s32 $_size_execute0_lowered;
	s2 =	sadd.s32 s2, s4;
	[dreg:$0x0] =	wrdreg $0x0  }
0xa8: {  	s4 =	sshll.u32 s28, $0x1;
	[dreg:$0x2] =	wrdreg s2  }
0xa9: {  	[dreg:$0x3] =	wrdreg s4  }
0xaa: {  	[dreg:$0x4] =	wrdreg $0xC0  }
0xab: {  	_ =	task [dreg:s6], $0x5FFFF  }
0xac: {  	[dreg:$0x1] =	wrdreg $0xFFFFFFFF  }
0xad: {  	[dreg:$0x0] =	wrdreg $0x60  }
0xae: {  	[dreg:$0x2] =	wrdreg s24  }
0xaf: {  	[dreg:$0x3] =	wrdreg $0x98000  }
0xb0: {  	[dreg:$0x4] =	wrdreg $0x9  }
0xb1: {  	_ =	task.clear_ibuf [dreg:s6], $0x5FFFF;
	_ =	strace $0x9000004C  }
0xb2: {  	s29 =	simm.s32 $0x9;
	_ =	strace $0x8000004E  }
0xb3: {  	_ =	swait.ge [sflag:s29], $0x1  }
0xb4: {  	[sflag:s29] =	ssyncadd.s32 $0xFFFFFFFF  }
0xb5: {  	_ =	strace $0x9000004E  }
0xb6: {  	_ =	sfence  }
0xb7: {  	s30 =	sld [smem:$0x0];
	_ =	sdelay $0x2  }
0xb8: {  	s31 =	sshll.u32 s1, $0xD;
	s1 =	sshrl.u32 s1, $0x2  }
0xb9: {  	s3 =	sand.u32 $0x4000, s31;
	s1 =	sadd.s32 s1, s30  }
0xba: {  	s0 =	sor.u32 s3, s0;
	s1 =	sshll.u32 s1, $0x11  }
0xbb: {  	s0 =	sor.u32 s1, s0  }
0xbc: {  	s0 =	sadd.s32 $0x8F2B, s0  }
0xbd: {  	[sflag:s0] =	ssyncadd.remote.s32 $0x1  }
0xbe: {  	_ =	sfence.sel $0xFFFF  }
0xbf: {  	[dreg:$0x0] =	wrdreg $0xFFFFFFFF;
	(pc) =	sbr.abs _section_cstart, $3  }
0xc0: {  	[dreg:$0x1] =	wrdreg $0xFFFFFFFF  }
0xc1: {  	_ =	task.clear_ibuf [dreg:s6], $0x2FFFF;
	_ =	strace $0x9FFFFFFF  }
0xc2: {  	(tm) =	ssettm $0x7FFFFFFF  }
0xc3: {  	_ =	shalt  }
tec
execute0_lowered:
.L_overlay_start_1:
0x0: {  	(tag) =	ssettag $0x1  }
0x1: {  	s0 =	rddreg [dreg:$0x0]  }
0x2: {  	s1 =	rddreg [dreg:$0x1];
	s2 =	simm.s32 $0x0;
	s10 =	stileid.u32  }
0x3: {  	s4 =	srdreg.scid;
	s17 =	simm.s32 $0x1800;
	s18 =	simm.s32 $0x3  }
0x4: {  	s28 =	simm.s32 $0x200;
	s29 =	simm.s32 $0x280;
	s30 =	simm.s32 $0x300  }
0x5: {  	s31 =	simm.s32 $0x380;
	s11 =	simm.s32 $0x780;
	s19 =	simm.s32 $0x0  }
0x6: {  	[smem:$0x7FF] =	sst s2;
	s5 =	smul.u32 $0xA00, s10;
	s3 =	sadd.s32 $0x25E00, s0  }
0x7: {  	s6 =	sand.u32 $0x1, s4;
	s7 =	smul.u32 $0x50000, s10;
	s4 =	sadd.s32 $0x4D000, s0  }
0x8: {  	s9 =	sadd.s32 $0x74200, s0;
	s26 =	smul.u32 $0x2800, s10;
	s10 =	simm.s32 $0x700  }
0x9: {  	_ =	strace $0x8000004D;
	s8 =	ssub.s32 $0x2, s6;
	[dreg:$0x3] =	wrdreg s9  }
0xa: {  	p0 =	sne.s32 s6, $0x0;
	s6 =	simm.s32 $0x500;
	s9 =	simm.s32 $0x680  }
0xb: {  	s5 =	sadd.s32 s5, s0;
	s21 =	sshrl.u32 s8, $0x1;
	s7 =	sshrl.u32 s7, $0x2  }
0xc: {  	s0 =	sadd.s32 $0x9C200, s0;
	[dreg:$0xa] =	wrdreg s26;
	s26 =	simm.s32 $0x180  }
0xd: {  	[dreg:$0x4] =	wrdreg s0;
	s22 =	ssub.s32 s8, s21;
	s20 =	sadd.s32 s7, s1  }
0xe: {  	s14 =	sadd.s32 $0x7E00, s5;
	s15 =	sadd.s32 $0x1BE00, s5;
	s16 =	sadd.s32 $0x11E00, s5  }
0xf: {  	s21 =	simm.s32 $0x80;
	s1 =	sadd.s32 $0x4000, s20;
	[dreg:$0x5] =	wrdreg s20  }
0x10: {  	s5 =	simm.s32 $0x480;
	s23 =	sadd.s32 $0x8000, s20;
	[dreg:$0x6] =	wrdreg s1  }
.Ltmp0:
0x11: {  	s24 =	sadd.s32 $0xC000, s20;
	[dreg:$0x7] =	wrdreg s23;
	(pc) =	sbr.rel .LBB2_1-.Ltmp0, $4  }
0x12: {  	s8 =	simm.s32 $0x600;
	s25 =	sadd.s32 $0x10000, s20;
	[dreg:$0x8] =	wrdreg s24  }
0x13: {  	s0 =	smax.u32 s22, $0x1;
	s22 =	simm.s32 $0x1;
	[dreg:$0x9] =	wrdreg s25  }
0x14: {  	[dreg:$0xb] =	wrdreg s0;
	s23 =	simm.s32 $0x5800;
	s24 =	simm.s32 $0x2  }
0x15: {  	v0 =	vimm.f32 $0.0e+00;
	s25 =	simm.s32 $0x100;
	s0 =	simm.s32 $0x400;
	s1 =	simm.s32 $0x580  }
.LBB2_9:
0x16: {  	s7 =	sadd.s32 s13, s16;
	[sflag:s24] =	ssyncadd.s32 $0xFFFFC000  }
0x17: {  	[tilespmem:s2], [sflag:$0x3] =	stream.linear.gather [hbm4b:s7+s2], $0x800, $0x38;
	[tilespmem:$0x1D800] =	vst v63  }
0x18: {  	_ =	swait.ge [sflag:s18], $0x800  }
0x19: {  	[sflag:s18] =	ssyncset.done $0x0  }
0x1a: {  	s12 =	sadd.s32 s13, s14;
	[sflag:s18] =	ssyncadd.s32 $0xFFFFF800  }
0x1b: {  	[tilespmem:s19], [sflag:$0x3] =	stream.linear.gather [hbm4b:s12+s2], $0x800, $0x38;
	[tilespmem:$0x1D800] =	vst v63  }
0x1c: {  	_ =	swait.ge [sflag:s18], $0x800  }
0x1d: {  	[sflag:s18] =	ssyncset.done $0x0  }
0x1e: {  	s19 =	sadd.s32 s13, s15;
	[sflag:s18] =	ssyncadd.s32 $0xFFFFF800  }
0x1f: {  	[tilespmem:s20], [sflag:$0x3] =	stream.linear.gather [hbm4b:s19+s2], $0x800, $0x38;
	[tilespmem:$0x1D800] =	vst v63  }
0x20: {  	_ =	swait.ge [sflag:s18], $0x800  }
0x21: {  	[sflag:s18] =	ssyncset.done $0x0  }
0x22: {  	[sflag:s18] =	ssyncadd.s32 $0xFFFFF800  }
0x23: {  	[tilespmem:s17], [sflag:$0x1] =	stream.indirect.gather [hbm4b:s4+s21], $0x80, s2, s21, $0xb8;
	[tilespmem:$0x1D800] =	vst v63  }
0x24: {  	_ =	swait.ge [sflag:s22], $0x4000  }
0x25: {  	[sflag:s22] =	ssyncset.done $0x0  }
0x26: {  	[sflag:s22] =	ssyncadd.s32 $0xFFFFC000  }
0x27: {  	[tilespmem:s23], [sflag:$0x2] =	stream.indirect.gather [hbm4b:s4+s21], $0x80, s21, s21, $0xb8;
	[tilespmem:$0x1D800] =	vst v63  }
0x28: {  	_ =	swait.ge [sflag:s24], $0x4000  }
0x29: {  	[sflag:s24] =	ssyncset.done $0x0  }
0x2a: {  	[sflag:s24] =	ssyncadd.s32 $0xFFFFC000  }
0x2b: {  	[tilespmem:s17], [sflag:$0x1] =	stream.indirect.gather [hbm4b:s4+s21], $0x80, s25, s21, $0xb8;
	[tilespmem:$0x1D800] =	vst v63  }
0x2c: {  	_ =	swait.ge [sflag:s22], $0x4000  }
0x2d: {  	[sflag:s22] =	ssyncset.done $0x0  }
0x2e: {  	[sflag:s22] =	ssyncadd.s32 $0xFFFFC000  }
0x2f: {  	[tilespmem:s23], [sflag:$0x2] =	stream.indirect.gather [hbm4b:s4+s21], $0x80, s26, s21, $0xb8;
	[tilespmem:$0x1D800] =	vst v63  }
0x30: {  	_ =	swait.ge [sflag:s24], $0x4000  }
0x31: {  	[sflag:s24] =	ssyncset.done $0x0  }
0x32: {  	[sflag:s24] =	ssyncadd.s32 $0xFFFFC000  }
0x33: {  	[tilespmem:s17], [sflag:$0x1] =	stream.indirect.gather [hbm4b:s4+s21], $0x80, s28, s21, $0xb8;
	[tilespmem:$0x1D800] =	vst v63  }
0x34: {  	_ =	swait.ge [sflag:s22], $0x4000  }
0x35: {  	[sflag:s22] =	ssyncset.done $0x0  }
0x36: {  	[sflag:s22] =	ssyncadd.s32 $0xFFFFC000  }
0x37: {  	[tilespmem:s23], [sflag:$0x2] =	stream.indirect.gather [hbm4b:s4+s21], $0x80, s29, s21, $0xb8;
	[tilespmem:$0x1D800] =	vst v63  }
0x38: {  	_ =	swait.ge [sflag:s24], $0x4000  }
0x39: {  	[sflag:s24] =	ssyncset.done $0x0  }
0x3a: {  	[sflag:s24] =	ssyncadd.s32 $0xFFFFC000  }
0x3b: {  	[tilespmem:s17], [sflag:$0x1] =	stream.indirect.gather [hbm4b:s4+s21], $0x80, s30, s21, $0xb8;
	[tilespmem:$0x1D800] =	vst v63  }
0x3c: {  	_ =	swait.ge [sflag:s22], $0x4000  }
0x3d: {  	[sflag:s22] =	ssyncset.done $0x0  }
0x3e: {  	[sflag:s22] =	ssyncadd.s32 $0xFFFFC000  }
0x3f: {  	[tilespmem:s23], [sflag:$0x2] =	stream.indirect.gather [hbm4b:s4+s21], $0x80, s31, s21, $0xb8;
	[tilespmem:$0x1D800] =	vst v63  }
0x40: {  	_ =	swait.ge [sflag:s24], $0x4000  }
0x41: {  	[sflag:s24] =	ssyncset.done $0x0  }
0x42: {  	[sflag:s24] =	ssyncadd.s32 $0xFFFFC000  }
0x43: {  	[tilespmem:s17], [sflag:$0x1] =	stream.indirect.gather [hbm4b:s4+s21], $0x80, s0, s21, $0xb8;
	[tilespmem:$0x1D800] =	vst v63  }
0x44: {  	_ =	swait.ge [sflag:s22], $0x4000  }
0x45: {  	[sflag:s22] =	ssyncset.done $0x0  }
0x46: {  	[sflag:s22] =	ssyncadd.s32 $0xFFFFC000  }
0x47: {  	[tilespmem:s23], [sflag:$0x2] =	stream.indirect.gather [hbm4b:s4+s21], $0x80, s5, s21, $0xb8;
	[tilespmem:$0x1D800] =	vst v63  }
0x48: {  	_ =	swait.ge [sflag:s24], $0x4000  }
0x49: {  	[sflag:s24] =	ssyncset.done $0x0  }
0x4a: {  	[sflag:s24] =	ssyncadd.s32 $0xFFFFC000  }
0x4b: {  	[tilespmem:s17], [sflag:$0x1] =	stream.indirect.gather [hbm4b:s4+s21], $0x80, s6, s21, $0xb8;
	[tilespmem:$0x1D800] =	vst v63  }
0x4c: {  	_ =	swait.ge [sflag:s22], $0x4000  }
0x4d: {  	[sflag:s22] =	ssyncset.done $0x0  }
0x4e: {  	[sflag:s22] =	ssyncadd.s32 $0xFFFFC000  }
0x4f: {  	[tilespmem:s23], [sflag:$0x2] =	stream.indirect.gather [hbm4b:s4+s21], $0x80, s1, s21, $0xb8;
	[tilespmem:$0x1D800] =	vst v63  }
0x50: {  	_ =	swait.ge [sflag:s24], $0x4000  }
0x51: {  	[sflag:s24] =	ssyncset.done $0x0  }
0x52: {  	[sflag:s24] =	ssyncadd.s32 $0xFFFFC000  }
0x53: {  	[tilespmem:s17], [sflag:$0x1] =	stream.indirect.gather [hbm4b:s4+s21], $0x80, s8, s21, $0xb8;
	[tilespmem:$0x1D800] =	vst v63  }
0x54: {  	_ =	swait.ge [sflag:s22], $0x4000  }
0x55: {  	[sflag:s22] =	ssyncset.done $0x0  }
0x56: {  	[sflag:s22] =	ssyncadd.s32 $0xFFFFC000  }
0x57: {  	[tilespmem:s23], [sflag:$0x2] =	stream.indirect.gather [hbm4b:s4+s21], $0x80, s9, s21, $0xb8;
	[tilespmem:$0x1D800] =	vst v63  }
0x58: {  	_ =	swait.ge [sflag:s24], $0x4000  }
0x59: {  	[sflag:s24] =	ssyncset.done $0x0  }
0x5a: {  	[sflag:s24] =	ssyncadd.s32 $0xFFFFC000  }
0x5b: {  	[tilespmem:s17], [sflag:$0x1] =	stream.indirect.gather [hbm4b:s4+s21], $0x80, s10, s21, $0xb8;
	[tilespmem:$0x1D800] =	vst v63  }
0x5c: {  	_ =	swait.ge [sflag:s22], $0x4000  }
0x5d: {  	[sflag:s22] =	ssyncset.done $0x0  }
0x5e: {  	[sflag:s22] =	ssyncadd.s32 $0xFFFFC000  }
0x5f: {  	[tilespmem:s23], [sflag:$0x2] =	stream.indirect.gather [hbm4b:s4+s21], $0x80, s11, s21, $0xb8;
	[tilespmem:$0x1D800] =	vst v63  }
0x60: {  	_ =	swait.ge [sflag:s24], $0x4000  }
0x61: {  	[sflag:s24] =	ssyncset.done $0x0;
	s7 =	rddreg [dreg:$0x4]  }
0x62: {  	s19 =	rddreg [dreg:$0xc];
	[sflag:s24] =	ssyncadd.s32 $0xFFFFC000  }
.LBB2_10:
0x63: {  	s12 =	rddreg [dreg:$0xa];
	s20 =	stileid.u32;
	[bflag:$0x0] =	sbarrier.arrive $0xFFFF  }
0x64: {  	s7 =	sadd.s32 s7, s12;
	s12 =	sshll.u32 s20, $0x6;
	s20 =	rddreg [dreg:$0x5]  }
0x65: {  	s12 =	sor.u32 $0x1C03, s12;
	s13 =	sshrl.u32 s20, $0x3  }
0x66: {  	[hbm:s7], [sflag:s12] =	dma.local [spmem:s13], $0x2800  }
0x67: {  	_ =	swait.ge [sflag:s18], $0x2800  }
0x68: {  	s19 =	sadd.s32 $0x1, s19;
	s13 =	rddreg [dreg:$0xb]  }
0x69: {  	p1 =	sne.s32 s19, s13  }
.Ltmp1:
0x6a: {  	_ = 	snop;
	(pc) =	sbr.rel @!p1 .LBB2_11-.Ltmp1, $3  }
0x6b: {  	_ =	sdelay $0x1  }
0x6c: {  	[sflag:s18] =	ssyncset.done $0x0  }
0x6d: {  	[sflag:s18] =	ssyncadd.s32 $0xFFFFD800  }
.LBB2_1:
0x6e: {  	s7 =	sand.u32 $0xFE00, s2  }
0x6f: {  	[dreg:$0xc] =	wrdreg s19;
	s12 =	sand.u32 $0x70, s2;
	s13 =	sshrl.u32 s7, $0x2  }
0x70: {  	s7 =	simm.s32 $0x40;
	s12 =	sor.u32 s12, s13;
	s13 =	simm.s32 $0x0  }
.LBB2_2:
0x71: {  	p1 =	sne.s32 s7, $0xFFC0  }
0x72: {  	[tilespmem:s12+$0x1800] =	vst v0;
	s13 =	sadd.s32 $0x10, s13;
	s12 =	smov.u32 s7;
	s7 =	sadd.s32 $0x40, s7  }
.Ltmp2:
0x73: {  	(pc) =	sbr.rel @p1 .LBB2_2-.Ltmp2, $4  }
0x74: {  	_ = 	snop  }
0x75: {  	s12 =	sand.u32 $0xFE00, s12  }
0x76: {  	s19 =	sand.u32 $0x70, s13;
	s12 =	sshrl.u32 s12, $0x2  }
0x77: {  	s12 =	sor.u32 s19, s12  }
0x78: {  	[tilespmem:s12+$0x1800] =	vst v0  }
0x79: {  	[spmem:s20] =	stream.linear.scatter [tilespmem:s17], [sflag:$0x3], $0x4000, $0x38;
	[tilespmem:$0x1D800] =	vst v63  }
0x7a: {  	_ =	swait.ge [sflag:s18], $0x4000  }
0x7b: {  	[sflag:s18] =	ssyncset.done $0x0  }
0x7c: {  	s7 =	rddreg [dreg:$0x6];
	[sflag:s18] =	ssyncadd.s32 $0xFFFFC000  }
0x7d: {  	[spmem:s7] =	stream.linear.scatter [tilespmem:s17], [sflag:$0x3], $0x4000, $0x38;
	[tilespmem:$0x1D800] =	vst v63  }
0x7e: {  	_ =	swait.ge [sflag:s18], $0x4000  }
0x7f: {  	[sflag:s18] =	ssyncset.done $0x0  }
0x80: {  	s13 =	rddreg [dreg:$0x7];
	[sflag:s18] =	ssyncadd.s32 $0xFFFFC000  }
0x81: {  	[spmem:s13] =	stream.linear.scatter [tilespmem:s17], [sflag:$0x3], $0x4000, $0x38;
	[tilespmem:$0x1D800] =	vst v63  }
0x82: {  	_ =	swait.ge [sflag:s18], $0x4000  }
0x83: {  	[sflag:s18] =	ssyncset.done $0x0  }
0x84: {  	s19 =	rddreg [dreg:$0x8];
	[sflag:s18] =	ssyncadd.s32 $0xFFFFC000  }
0x85: {  	[spmem:s19] =	stream.linear.scatter [tilespmem:s17], [sflag:$0x3], $0x4000, $0x38;
	[tilespmem:$0x1D800] =	vst v63  }
0x86: {  	_ =	swait.ge [sflag:s18], $0x4000  }
0x87: {  	[sflag:s18] =	ssyncset.done $0x0  }
0x88: {  	s20 =	rddreg [dreg:$0x9];
	[sflag:s18] =	ssyncadd.s32 $0xFFFFC000  }
0x89: {  	[spmem:s20] =	stream.linear.scatter [tilespmem:s17], [sflag:$0x3], $0x4000, $0x38;
	[tilespmem:$0x1D800] =	vst v63  }
.Ltmp3:
0x8a: {  	_ =	swait.ge [sflag:s18], $0x4000;
	(pc) =	sbr.rel @p0 .LBB2_7-.Ltmp3, $4  }
0x8b: {  	[sflag:s18] =	ssyncset.done $0x0  }
0x8c: {  	[sflag:s18] =	ssyncadd.s32 $0xFFFFC000  }
0x8d: {  	[bflag:$0x0] =	sbarrier.arrive $0xFFFF  }
0x8e: {  	s7 =	sadd.s32 $0x0, s16  }
0x8f: {  	[tilespmem:s2], [sflag:$0x3] =	stream.linear.gather [hbm4b:s7+s2], $0x800, $0x38;
	[tilespmem:$0x1D800] =	vst v63  }
0x90: {  	_ =	swait.ge [sflag:s18], $0x800  }
0x91: {  	[sflag:s18] =	ssyncset.done $0x0  }
0x92: {  	s13 =	sadd.s32 $0x0, s14;
	s12 =	simm.s32 $0x800;
	[sflag:s18] =	ssyncadd.s32 $0xFFFFF800  }
0x93: {  	[tilespmem:s12], [sflag:$0x3] =	stream.linear.gather [hbm4b:s13+s2], $0x800, $0x38;
	[tilespmem:$0x1D800] =	vst v63  }
0x94: {  	_ =	swait.ge [sflag:s18], $0x800  }
0x95: {  	[sflag:s18] =	ssyncset.done $0x0  }
0x96: {  	s19 =	sadd.s32 $0x0, s15;
	s20 =	simm.s32 $0x1000;
	[sflag:s18] =	ssyncadd.s32 $0xFFFFF800  }
0x97: {  	[tilespmem:s20], [sflag:$0x3] =	stream.linear.gather [hbm4b:s19+s2], $0x800, $0x38;
	[tilespmem:$0x1D800] =	vst v63  }
0x98: {  	_ =	swait.ge [sflag:s18], $0x800  }
0x99: {  	[sflag:s18] =	ssyncset.done $0x0  }
0x9a: {  	[sflag:s18] =	ssyncadd.s32 $0xFFFFF800  }
0x9b: {  	[tilespmem:s17], [sflag:$0x1] =	stream.indirect.gather [hbm4b:s3+s21], $0x80, s2, s21, $0xb8;
	[tilespmem:$0x1D800] =	vst v63  }
0x9c: {  	_ =	swait.ge [sflag:s22], $0x4000  }
0x9d: {  	[sflag:s22] =	ssyncset.done $0x0  }
0x9e: {  	[sflag:s22] =	ssyncadd.s32 $0xFFFFC000  }
0x9f: {  	[tilespmem:s23], [sflag:$0x2] =	stream.indirect.gather [hbm4b:s3+s21], $0x80, s21, s21, $0xb8;
	[tilespmem:$0x1D800] =	vst v63  }
0xa0: {  	_ =	swait.ge [sflag:s24], $0x4000  }
0xa1: {  	[sflag:s24] =	ssyncset.done $0x0  }
0xa2: {  	[sflag:s24] =	ssyncadd.s32 $0xFFFFC000  }
0xa3: {  	[tilespmem:s17], [sflag:$0x1] =	stream.indirect.gather [hbm4b:s3+s21], $0x80, s25, s21, $0xb8;
	[tilespmem:$0x1D800] =	vst v63  }
0xa4: {  	_ =	swait.ge [sflag:s22], $0x4000  }
0xa5: {  	[sflag:s22] =	ssyncset.done $0x0  }
0xa6: {  	[sflag:s22] =	ssyncadd.s32 $0xFFFFC000  }
0xa7: {  	[tilespmem:s23], [sflag:$0x2] =	stream.indirect.gather [hbm4b:s3+s21], $0x80, s26, s21, $0xb8;
	[tilespmem:$0x1D800] =	vst v63  }
0xa8: {  	_ =	swait.ge [sflag:s24], $0x4000  }
0xa9: {  	[sflag:s24] =	ssyncset.done $0x0  }
0xaa: {  	[sflag:s24] =	ssyncadd.s32 $0xFFFFC000  }
0xab: {  	[tilespmem:s17], [sflag:$0x1] =	stream.indirect.gather [hbm4b:s3+s21], $0x80, s28, s21, $0xb8;
	[tilespmem:$0x1D800] =	vst v63  }
0xac: {  	_ =	swait.ge [sflag:s22], $0x4000  }
0xad: {  	[sflag:s22] =	ssyncset.done $0x0  }
0xae: {  	[sflag:s22] =	ssyncadd.s32 $0xFFFFC000  }
0xaf: {  	[tilespmem:s23], [sflag:$0x2] =	stream.indirect.gather [hbm4b:s3+s21], $0x80, s29, s21, $0xb8;
	[tilespmem:$0x1D800] =	vst v63  }
0xb0: {  	_ =	swait.ge [sflag:s24], $0x4000  }
0xb1: {  	[sflag:s24] =	ssyncset.done $0x0  }
0xb2: {  	[sflag:s24] =	ssyncadd.s32 $0xFFFFC000  }
0xb3: {  	[tilespmem:s17], [sflag:$0x1] =	stream.indirect.gather [hbm4b:s3+s21], $0x80, s30, s21, $0xb8;
	[tilespmem:$0x1D800] =	vst v63  }
0xb4: {  	_ =	swait.ge [sflag:s22], $0x4000  }
0xb5: {  	[sflag:s22] =	ssyncset.done $0x0  }
0xb6: {  	[sflag:s22] =	ssyncadd.s32 $0xFFFFC000  }
0xb7: {  	[tilespmem:s23], [sflag:$0x2] =	stream.indirect.gather [hbm4b:s3+s21], $0x80, s31, s21, $0xb8;
	[tilespmem:$0x1D800] =	vst v63  }
0xb8: {  	_ =	swait.ge [sflag:s24], $0x4000  }
0xb9: {  	[sflag:s24] =	ssyncset.done $0x0  }
0xba: {  	[sflag:s24] =	ssyncadd.s32 $0xFFFFC000  }
0xbb: {  	[tilespmem:s17], [sflag:$0x1] =	stream.indirect.gather [hbm4b:s3+s21], $0x80, s0, s21, $0xb8;
	[tilespmem:$0x1D800] =	vst v63  }
0xbc: {  	_ =	swait.ge [sflag:s22], $0x4000  }
0xbd: {  	[sflag:s22] =	ssyncset.done $0x0  }
0xbe: {  	[sflag:s22] =	ssyncadd.s32 $0xFFFFC000  }
0xbf: {  	[tilespmem:s23], [sflag:$0x2] =	stream.indirect.gather [hbm4b:s3+s21], $0x80, s5, s21, $0xb8;
	[tilespmem:$0x1D800] =	vst v63  }
0xc0: {  	_ =	swait.ge [sflag:s24], $0x4000  }
0xc1: {  	[sflag:s24] =	ssyncset.done $0x0  }
0xc2: {  	[sflag:s24] =	ssyncadd.s32 $0xFFFFC000  }
0xc3: {  	[tilespmem:s17], [sflag:$0x1] =	stream.indirect.gather [hbm4b:s3+s21], $0x80, s6, s21, $0xb8;
	[tilespmem:$0x1D800] =	vst v63  }
0xc4: {  	_ =	swait.ge [sflag:s22], $0x4000  }
0xc5: {  	[sflag:s22] =	ssyncset.done $0x0  }
0xc6: {  	[sflag:s22] =	ssyncadd.s32 $0xFFFFC000  }
0xc7: {  	[tilespmem:s23], [sflag:$0x2] =	stream.indirect.gather [hbm4b:s3+s21], $0x80, s1, s21, $0xb8;
	[tilespmem:$0x1D800] =	vst v63  }
0xc8: {  	_ =	swait.ge [sflag:s24], $0x4000  }
0xc9: {  	[sflag:s24] =	ssyncset.done $0x0  }
0xca: {  	[sflag:s24] =	ssyncadd.s32 $0xFFFFC000  }
0xcb: {  	[tilespmem:s17], [sflag:$0x1] =	stream.indirect.gather [hbm4b:s3+s21], $0x80, s8, s21, $0xb8;
	[tilespmem:$0x1D800] =	vst v63  }
0xcc: {  	_ =	swait.ge [sflag:s22], $0x4000  }
0xcd: {  	[sflag:s22] =	ssyncset.done $0x0  }
0xce: {  	[sflag:s22] =	ssyncadd.s32 $0xFFFFC000  }
0xcf: {  	[tilespmem:s23], [sflag:$0x2] =	stream.indirect.gather [hbm4b:s3+s21], $0x80, s9, s21, $0xb8;
	[tilespmem:$0x1D800] =	vst v63  }
0xd0: {  	_ =	swait.ge [sflag:s24], $0x4000  }
0xd1: {  	[sflag:s24] =	ssyncset.done $0x0  }
0xd2: {  	[sflag:s24] =	ssyncadd.s32 $0xFFFFC000  }
0xd3: {  	[tilespmem:s17], [sflag:$0x1] =	stream.indirect.gather [hbm4b:s3+s21], $0x80, s10, s21, $0xb8;
	[tilespmem:$0x1D800] =	vst v63  }
0xd4: {  	_ =	swait.ge [sflag:s22], $0x4000  }
0xd5: {  	[sflag:s22] =	ssyncset.done $0x0  }
0xd6: {  	[sflag:s22] =	ssyncadd.s32 $0xFFFFC000  }
0xd7: {  	[tilespmem:s23], [sflag:$0x2] =	stream.indirect.gather [hbm4b:s3+s21], $0x80, s11, s21, $0xb8;
	[tilespmem:$0x1D800] =	vst v63  }
0xd8: {  	_ =	swait.ge [sflag:s24], $0x4000  }
0xd9: {  	s7 =	simm.s32 $0x200;
	s13 =	simm.s32 $0x100;
	[sflag:s24] =	ssyncset.done $0x0  }
.LBB2_5:
0xda: {  	s19 =	sadd.s32 s13, s16  }
0xdb: {  	[sflag:s24] =	ssyncadd.s32 $0xFFFFC000;
	s20 =	smov.u32 s7;
	s12 =	sadd.s32 $0x100, s7  }
0xdc: {  	[tilespmem:s2], [sflag:$0x3] =	stream.linear.gather [hbm4b:s19+s2], $0x800, $0x38;
	[tilespmem:$0x1D800] =	vst v63  }
0xdd: {  	s19 =	simm.s32 $0x800  }
0xde: {  	p1 =	seq.s32 s7, $0x900;
	_ =	swait.ge [sflag:s18], $0x800  }
0xdf: {  	[sflag:s18] =	ssyncset.done $0x0  }
0xe0: {  	s7 =	sadd.s32 s13, s14;
	[sflag:s18] =	ssyncadd.s32 $0xFFFFF800  }
0xe1: {  	[tilespmem:s19], [sflag:$0x3] =	stream.linear.gather [hbm4b:s7+s2], $0x800, $0x38;
	[tilespmem:$0x1D800] =	vst v63  }
0xe2: {  	_ =	swait.ge [sflag:s18], $0x800  }
0xe3: {  	s7 =	sadd.s32 s13, s15;
	[sflag:s18] =	ssyncset.done $0x0  }
0xe4: {  	s13 =	smov.u32 s20;
	s20 =	simm.s32 $0x1000;
	[sflag:s18] =	ssyncadd.s32 $0xFFFFF800  }
0xe5: {  	[tilespmem:s20], [sflag:$0x3] =	stream.linear.gather [hbm4b:s7+s2], $0x800, $0x38;
	[tilespmem:$0x1D800] =	vst v63  }
0xe6: {  	_ =	swait.ge [sflag:s18], $0x800  }
0xe7: {  	[sflag:s18] =	ssyncset.done $0x0  }
0xe8: {  	[sflag:s18] =	ssyncadd.s32 $0xFFFFF800  }
0xe9: {  	[tilespmem:s17], [sflag:$0x1] =	stream.indirect.gather [hbm4b:s3+s21], $0x80, s2, s21, $0xb8;
	[tilespmem:$0x1D800] =	vst v63  }
0xea: {  	_ =	swait.ge [sflag:s22], $0x4000  }
0xeb: {  	[sflag:s22] =	ssyncset.done $0x0  }
0xec: {  	[sflag:s22] =	ssyncadd.s32 $0xFFFFC000  }
0xed: {  	[tilespmem:s23], [sflag:$0x2] =	stream.indirect.gather [hbm4b:s3+s21], $0x80, s21, s21, $0xb8;
	[tilespmem:$0x1D800] =	vst v63  }
0xee: {  	_ =	swait.ge [sflag:s24], $0x4000  }
0xef: {  	[sflag:s24] =	ssyncset.done $0x0  }
0xf0: {  	[sflag:s24] =	ssyncadd.s32 $0xFFFFC000  }
0xf1: {  	[tilespmem:s17], [sflag:$0x1] =	stream.indirect.gather [hbm4b:s3+s21], $0x80, s25, s21, $0xb8;
	[tilespmem:$0x1D800] =	vst v63  }
0xf2: {  	_ =	swait.ge [sflag:s22], $0x4000  }
0xf3: {  	[sflag:s22] =	ssyncset.done $0x0  }
0xf4: {  	[sflag:s22] =	ssyncadd.s32 $0xFFFFC000  }
0xf5: {  	[tilespmem:s23], [sflag:$0x2] =	stream.indirect.gather [hbm4b:s3+s21], $0x80, s26, s21, $0xb8;
	[tilespmem:$0x1D800] =	vst v63  }
0xf6: {  	_ =	swait.ge [sflag:s24], $0x4000  }
0xf7: {  	[sflag:s24] =	ssyncset.done $0x0  }
0xf8: {  	[sflag:s24] =	ssyncadd.s32 $0xFFFFC000  }
0xf9: {  	[tilespmem:s17], [sflag:$0x1] =	stream.indirect.gather [hbm4b:s3+s21], $0x80, s28, s21, $0xb8;
	[tilespmem:$0x1D800] =	vst v63  }
0xfa: {  	_ =	swait.ge [sflag:s22], $0x4000  }
0xfb: {  	[sflag:s22] =	ssyncset.done $0x0  }
0xfc: {  	[sflag:s22] =	ssyncadd.s32 $0xFFFFC000  }
0xfd: {  	[tilespmem:s23], [sflag:$0x2] =	stream.indirect.gather [hbm4b:s3+s21], $0x80, s29, s21, $0xb8;
	[tilespmem:$0x1D800] =	vst v63  }
0xfe: {  	_ =	swait.ge [sflag:s24], $0x4000  }
0xff: {  	[sflag:s24] =	ssyncset.done $0x0  }
0x100: {  	[sflag:s24] =	ssyncadd.s32 $0xFFFFC000  }
0x101: {  	[tilespmem:s17], [sflag:$0x1] =	stream.indirect.gather [hbm4b:s3+s21], $0x80, s30, s21, $0xb8;
	[tilespmem:$0x1D800] =	vst v63  }
0x102: {  	_ =	swait.ge [sflag:s22], $0x4000  }
0x103: {  	[sflag:s22] =	ssyncset.done $0x0  }
0x104: {  	[sflag:s22] =	ssyncadd.s32 $0xFFFFC000  }
0x105: {  	[tilespmem:s23], [sflag:$0x2] =	stream.indirect.gather [hbm4b:s3+s21], $0x80, s31, s21, $0xb8;
	[tilespmem:$0x1D800] =	vst v63  }
0x106: {  	_ =	swait.ge [sflag:s24], $0x4000  }
0x107: {  	[sflag:s24] =	ssyncset.done $0x0  }
0x108: {  	[sflag:s24] =	ssyncadd.s32 $0xFFFFC000  }
0x109: {  	[tilespmem:s17], [sflag:$0x1] =	stream.indirect.gather [hbm4b:s3+s21], $0x80, s0, s21, $0xb8;
	[tilespmem:$0x1D800] =	vst v63  }
0x10a: {  	_ =	swait.ge [sflag:s22], $0x4000  }
0x10b: {  	[sflag:s22] =	ssyncset.done $0x0  }
0x10c: {  	[sflag:s22] =	ssyncadd.s32 $0xFFFFC000  }
0x10d: {  	[tilespmem:s23], [sflag:$0x2] =	stream.indirect.gather [hbm4b:s3+s21], $0x80, s5, s21, $0xb8;
	[tilespmem:$0x1D800] =	vst v63  }
0x10e: {  	_ =	swait.ge [sflag:s24], $0x4000  }
0x10f: {  	[sflag:s24] =	ssyncset.done $0x0  }
0x110: {  	[sflag:s24] =	ssyncadd.s32 $0xFFFFC000  }
0x111: {  	[tilespmem:s17], [sflag:$0x1] =	stream.indirect.gather [hbm4b:s3+s21], $0x80, s6, s21, $0xb8;
	[tilespmem:$0x1D800] =	vst v63  }
0x112: {  	_ =	swait.ge [sflag:s22], $0x4000  }
0x113: {  	[sflag:s22] =	ssyncset.done $0x0  }
0x114: {  	[sflag:s22] =	ssyncadd.s32 $0xFFFFC000  }
0x115: {  	[tilespmem:s23], [sflag:$0x2] =	stream.indirect.gather [hbm4b:s3+s21], $0x80, s1, s21, $0xb8;
	[tilespmem:$0x1D800] =	vst v63  }
0x116: {  	_ =	swait.ge [sflag:s24], $0x4000  }
0x117: {  	[sflag:s24] =	ssyncset.done $0x0  }
0x118: {  	[sflag:s24] =	ssyncadd.s32 $0xFFFFC000  }
0x119: {  	[tilespmem:s17], [sflag:$0x1] =	stream.indirect.gather [hbm4b:s3+s21], $0x80, s8, s21, $0xb8;
	[tilespmem:$0x1D800] =	vst v63  }
0x11a: {  	_ =	swait.ge [sflag:s22], $0x4000  }
0x11b: {  	[sflag:s22] =	ssyncset.done $0x0  }
0x11c: {  	[sflag:s22] =	ssyncadd.s32 $0xFFFFC000  }
0x11d: {  	[tilespmem:s23], [sflag:$0x2] =	stream.indirect.gather [hbm4b:s3+s21], $0x80, s9, s21, $0xb8;
	[tilespmem:$0x1D800] =	vst v63  }
0x11e: {  	_ =	swait.ge [sflag:s24], $0x4000  }
0x11f: {  	[sflag:s24] =	ssyncset.done $0x0  }
0x120: {  	[sflag:s24] =	ssyncadd.s32 $0xFFFFC000  }
0x121: {  	[tilespmem:s17], [sflag:$0x1] =	stream.indirect.gather [hbm4b:s3+s21], $0x80, s10, s21, $0xb8;
	[tilespmem:$0x1D800] =	vst v63  }
0x122: {  	_ =	swait.ge [sflag:s22], $0x4000  }
.Ltmp4:
0x123: {  	[sflag:s22] =	ssyncset.done $0x0;
	(pc) =	sbr.rel @!p1 .LBB2_5-.Ltmp4, $4  }
0x124: {  	[sflag:s22] =	ssyncadd.s32 $0xFFFFC000  }
0x125: {  	[tilespmem:s23], [sflag:$0x2] =	stream.indirect.gather [hbm4b:s3+s21], $0x80, s11, s21, $0xb8;
	[tilespmem:$0x1D800] =	vst v63  }
0x126: {  	_ =	swait.ge [sflag:s24], $0x4000  }
0x127: {  	s7 =	smov.u32 s12;
	[sflag:s24] =	ssyncset.done $0x0  }
0x128: {  	s7 =	sadd.s32 s13, s16;
	[sflag:s24] =	ssyncadd.s32 $0xFFFFC000  }
0x129: {  	[tilespmem:s2], [sflag:$0x3] =	stream.linear.gather [hbm4b:s7+s2], $0x800, $0x38;
	[tilespmem:$0x1D800] =	vst v63  }
0x12a: {  	_ =	swait.ge [sflag:s18], $0x800  }
0x12b: {  	[sflag:s18] =	ssyncset.done $0x0  }
0x12c: {  	s12 =	sadd.s32 s13, s14;
	[sflag:s18] =	ssyncadd.s32 $0xFFFFF800  }
0x12d: {  	[tilespmem:s19], [sflag:$0x3] =	stream.linear.gather [hbm4b:s12+s2], $0x800, $0x38;
	[tilespmem:$0x1D800] =	vst v63  }
0x12e: {  	_ =	swait.ge [sflag:s18], $0x800  }
0x12f: {  	[sflag:s18] =	ssyncset.done $0x0  }
0x130: {  	s19 =	sadd.s32 s13, s15;
	[sflag:s18] =	ssyncadd.s32 $0xFFFFF800  }
0x131: {  	[tilespmem:s20], [sflag:$0x3] =	stream.linear.gather [hbm4b:s19+s2], $0x800, $0x38;
	[tilespmem:$0x1D800] =	vst v63  }
0x132: {  	_ =	swait.ge [sflag:s18], $0x800  }
0x133: {  	[sflag:s18] =	ssyncset.done $0x0  }
0x134: {  	[sflag:s18] =	ssyncadd.s32 $0xFFFFF800  }
0x135: {  	[tilespmem:s17], [sflag:$0x1] =	stream.indirect.gather [hbm4b:s3+s21], $0x80, s2, s21, $0xb8;
	[tilespmem:$0x1D800] =	vst v63  }
0x136: {  	_ =	swait.ge [sflag:s22], $0x4000  }
0x137: {  	[sflag:s22] =	ssyncset.done $0x0  }
0x138: {  	[sflag:s22] =	ssyncadd.s32 $0xFFFFC000  }
0x139: {  	[tilespmem:s23], [sflag:$0x2] =	stream.indirect.gather [hbm4b:s3+s21], $0x80, s21, s21, $0xb8;
	[tilespmem:$0x1D800] =	vst v63  }
0x13a: {  	_ =	swait.ge [sflag:s24], $0x4000  }
0x13b: {  	[sflag:s24] =	ssyncset.done $0x0  }
0x13c: {  	[sflag:s24] =	ssyncadd.s32 $0xFFFFC000  }
0x13d: {  	[tilespmem:s17], [sflag:$0x1] =	stream.indirect.gather [hbm4b:s3+s21], $0x80, s25, s21, $0xb8;
	[tilespmem:$0x1D800] =	vst v63  }
0x13e: {  	_ =	swait.ge [sflag:s22], $0x4000  }
0x13f: {  	[sflag:s22] =	ssyncset.done $0x0  }
0x140: {  	[sflag:s22] =	ssyncadd.s32 $0xFFFFC000  }
0x141: {  	[tilespmem:s23], [sflag:$0x2] =	stream.indirect.gather [hbm4b:s3+s21], $0x80, s26, s21, $0xb8;
	[tilespmem:$0x1D800] =	vst v63  }
0x142: {  	_ =	swait.ge [sflag:s24], $0x4000  }
0x143: {  	[sflag:s24] =	ssyncset.done $0x0  }
0x144: {  	[sflag:s24] =	ssyncadd.s32 $0xFFFFC000  }
0x145: {  	[tilespmem:s17], [sflag:$0x1] =	stream.indirect.gather [hbm4b:s3+s21], $0x80, s28, s21, $0xb8;
	[tilespmem:$0x1D800] =	vst v63  }
0x146: {  	_ =	swait.ge [sflag:s22], $0x4000  }
0x147: {  	[sflag:s22] =	ssyncset.done $0x0  }
0x148: {  	[sflag:s22] =	ssyncadd.s32 $0xFFFFC000  }
0x149: {  	[tilespmem:s23], [sflag:$0x2] =	stream.indirect.gather [hbm4b:s3+s21], $0x80, s29, s21, $0xb8;
	[tilespmem:$0x1D800] =	vst v63  }
0x14a: {  	_ =	swait.ge [sflag:s24], $0x4000  }
0x14b: {  	[sflag:s24] =	ssyncset.done $0x0  }
0x14c: {  	[sflag:s24] =	ssyncadd.s32 $0xFFFFC000  }
0x14d: {  	[tilespmem:s17], [sflag:$0x1] =	stream.indirect.gather [hbm4b:s3+s21], $0x80, s30, s21, $0xb8;
	[tilespmem:$0x1D800] =	vst v63  }
0x14e: {  	_ =	swait.ge [sflag:s22], $0x4000  }
0x14f: {  	[sflag:s22] =	ssyncset.done $0x0  }
0x150: {  	[sflag:s22] =	ssyncadd.s32 $0xFFFFC000  }
0x151: {  	[tilespmem:s23], [sflag:$0x2] =	stream.indirect.gather [hbm4b:s3+s21], $0x80, s31, s21, $0xb8;
	[tilespmem:$0x1D800] =	vst v63  }
0x152: {  	_ =	swait.ge [sflag:s24], $0x4000  }
0x153: {  	[sflag:s24] =	ssyncset.done $0x0  }
0x154: {  	[sflag:s24] =	ssyncadd.s32 $0xFFFFC000  }
0x155: {  	[tilespmem:s17], [sflag:$0x1] =	stream.indirect.gather [hbm4b:s3+s21], $0x80, s0, s21, $0xb8;
	[tilespmem:$0x1D800] =	vst v63  }
0x156: {  	_ =	swait.ge [sflag:s22], $0x4000  }
0x157: {  	[sflag:s22] =	ssyncset.done $0x0  }
0x158: {  	[sflag:s22] =	ssyncadd.s32 $0xFFFFC000  }
0x159: {  	[tilespmem:s23], [sflag:$0x2] =	stream.indirect.gather [hbm4b:s3+s21], $0x80, s5, s21, $0xb8;
	[tilespmem:$0x1D800] =	vst v63  }
0x15a: {  	_ =	swait.ge [sflag:s24], $0x4000  }
0x15b: {  	[sflag:s24] =	ssyncset.done $0x0  }
0x15c: {  	[sflag:s24] =	ssyncadd.s32 $0xFFFFC000  }
0x15d: {  	[tilespmem:s17], [sflag:$0x1] =	stream.indirect.gather [hbm4b:s3+s21], $0x80, s6, s21, $0xb8;
	[tilespmem:$0x1D800] =	vst v63  }
0x15e: {  	_ =	swait.ge [sflag:s22], $0x4000  }
0x15f: {  	[sflag:s22] =	ssyncset.done $0x0  }
0x160: {  	[sflag:s22] =	ssyncadd.s32 $0xFFFFC000  }
0x161: {  	[tilespmem:s23], [sflag:$0x2] =	stream.indirect.gather [hbm4b:s3+s21], $0x80, s1, s21, $0xb8;
	[tilespmem:$0x1D800] =	vst v63  }
0x162: {  	_ =	swait.ge [sflag:s24], $0x4000  }
0x163: {  	[sflag:s24] =	ssyncset.done $0x0  }
0x164: {  	[sflag:s24] =	ssyncadd.s32 $0xFFFFC000  }
0x165: {  	[tilespmem:s17], [sflag:$0x1] =	stream.indirect.gather [hbm4b:s3+s21], $0x80, s8, s21, $0xb8;
	[tilespmem:$0x1D800] =	vst v63  }
0x166: {  	_ =	swait.ge [sflag:s22], $0x4000  }
0x167: {  	[sflag:s22] =	ssyncset.done $0x0  }
0x168: {  	[sflag:s22] =	ssyncadd.s32 $0xFFFFC000  }
0x169: {  	[tilespmem:s23], [sflag:$0x2] =	stream.indirect.gather [hbm4b:s3+s21], $0x80, s9, s21, $0xb8;
	[tilespmem:$0x1D800] =	vst v63  }
0x16a: {  	_ =	swait.ge [sflag:s24], $0x4000  }
0x16b: {  	[sflag:s24] =	ssyncset.done $0x0  }
0x16c: {  	[sflag:s24] =	ssyncadd.s32 $0xFFFFC000  }
0x16d: {  	[tilespmem:s17], [sflag:$0x1] =	stream.indirect.gather [hbm4b:s3+s21], $0x80, s10, s21, $0xb8;
	[tilespmem:$0x1D800] =	vst v63  }
0x16e: {  	_ =	swait.ge [sflag:s22], $0x4000  }
0x16f: {  	[sflag:s22] =	ssyncset.done $0x0  }
.Ltmp5:
0x170: {  	[sflag:s22] =	ssyncadd.s32 $0xFFFFC000;
	(pc) =	sbr.rel .LBB2_10-.Ltmp5, $4  }
0x171: {  	[tilespmem:s23], [sflag:$0x2] =	stream.indirect.gather [hbm4b:s3+s21], $0x80, s11, s21, $0xb8;
	[tilespmem:$0x1D800] =	vst v63  }
0x172: {  	_ =	swait.ge [sflag:s24], $0x4000  }
0x173: {  	[sflag:s24] =	ssyncset.done $0x0;
	s7 =	rddreg [dreg:$0x3]  }
0x174: {  	s19 =	rddreg [dreg:$0xc];
	[sflag:s24] =	ssyncadd.s32 $0xFFFFC000  }
.LBB2_7:
0x175: {  	[tilespmem:s2], [sflag:$0x3] =	stream.linear.gather [hbm4b:s7+s2], $0x800, $0x38;
	[tilespmem:$0x1D800] =	vst v63  }
0x176: {  	_ =	swait.ge [sflag:s18], $0x800  }
0x177: {  	[sflag:s18] =	ssyncset.done $0x0  }
0x178: {  	s13 =	sadd.s32 $0x0, s14;
	s12 =	simm.s32 $0x800;
	[sflag:s18] =	ssyncadd.s32 $0xFFFFF800  }
0x179: {  	[tilespmem:s12], [sflag:$0x3] =	stream.linear.gather [hbm4b:s13+s2], $0x800, $0x38;
	[tilespmem:$0x1D800] =	vst v63  }
0x17a: {  	_ =	swait.ge [sflag:s18], $0x800  }
0x17b: {  	[sflag:s18] =	ssyncset.done $0x0  }
0x17c: {  	s19 =	sadd.s32 $0x0, s15;
	s20 =	simm.s32 $0x1000;
	[sflag:s18] =	ssyncadd.s32 $0xFFFFF800  }
0x17d: {  	[tilespmem:s20], [sflag:$0x3] =	stream.linear.gather [hbm4b:s19+s2], $0x800, $0x38;
	[tilespmem:$0x1D800] =	vst v63  }
0x17e: {  	_ =	swait.ge [sflag:s18], $0x800  }
0x17f: {  	[sflag:s18] =	ssyncset.done $0x0  }
0x180: {  	[sflag:s18] =	ssyncadd.s32 $0xFFFFF800  }
0x181: {  	[tilespmem:s17], [sflag:$0x1] =	stream.indirect.gather [hbm4b:s4+s21], $0x80, s2, s21, $0xb8;
	[tilespmem:$0x1D800] =	vst v63  }
0x182: {  	_ =	swait.ge [sflag:s22], $0x4000  }
0x183: {  	[sflag:s22] =	ssyncset.done $0x0  }
0x184: {  	[sflag:s22] =	ssyncadd.s32 $0xFFFFC000  }
0x185: {  	[tilespmem:s23], [sflag:$0x2] =	stream.indirect.gather [hbm4b:s4+s21], $0x80, s21, s21, $0xb8;
	[tilespmem:$0x1D800] =	vst v63  }
0x186: {  	_ =	swait.ge [sflag:s24], $0x4000  }
0x187: {  	[sflag:s24] =	ssyncset.done $0x0  }
0x188: {  	[sflag:s24] =	ssyncadd.s32 $0xFFFFC000  }
0x189: {  	[tilespmem:s17], [sflag:$0x1] =	stream.indirect.gather [hbm4b:s4+s21], $0x80, s25, s21, $0xb8;
	[tilespmem:$0x1D800] =	vst v63  }
0x18a: {  	_ =	swait.ge [sflag:s22], $0x4000  }
0x18b: {  	[sflag:s22] =	ssyncset.done $0x0  }
0x18c: {  	[sflag:s22] =	ssyncadd.s32 $0xFFFFC000  }
0x18d: {  	[tilespmem:s23], [sflag:$0x2] =	stream.indirect.gather [hbm4b:s4+s21], $0x80, s26, s21, $0xb8;
	[tilespmem:$0x1D800] =	vst v63  }
0x18e: {  	_ =	swait.ge [sflag:s24], $0x4000  }
0x18f: {  	[sflag:s24] =	ssyncset.done $0x0  }
0x190: {  	[sflag:s24] =	ssyncadd.s32 $0xFFFFC000  }
0x191: {  	[tilespmem:s17], [sflag:$0x1] =	stream.indirect.gather [hbm4b:s4+s21], $0x80, s28, s21, $0xb8;
	[tilespmem:$0x1D800] =	vst v63  }
0x192: {  	_ =	swait.ge [sflag:s22], $0x4000  }
0x193: {  	[sflag:s22] =	ssyncset.done $0x0  }
0x194: {  	[sflag:s22] =	ssyncadd.s32 $0xFFFFC000  }
0x195: {  	[tilespmem:s23], [sflag:$0x2] =	stream.indirect.gather [hbm4b:s4+s21], $0x80, s29, s21, $0xb8;
	[tilespmem:$0x1D800] =	vst v63  }
0x196: {  	_ =	swait.ge [sflag:s24], $0x4000  }
0x197: {  	[sflag:s24] =	ssyncset.done $0x0  }
0x198: {  	[sflag:s24] =	ssyncadd.s32 $0xFFFFC000  }
0x199: {  	[tilespmem:s17], [sflag:$0x1] =	stream.indirect.gather [hbm4b:s4+s21], $0x80, s30, s21, $0xb8;
	[tilespmem:$0x1D800] =	vst v63  }
0x19a: {  	_ =	swait.ge [sflag:s22], $0x4000  }
0x19b: {  	[sflag:s22] =	ssyncset.done $0x0  }
0x19c: {  	[sflag:s22] =	ssyncadd.s32 $0xFFFFC000  }
0x19d: {  	[tilespmem:s23], [sflag:$0x2] =	stream.indirect.gather [hbm4b:s4+s21], $0x80, s31, s21, $0xb8;
	[tilespmem:$0x1D800] =	vst v63  }
0x19e: {  	_ =	swait.ge [sflag:s24], $0x4000  }
0x19f: {  	[sflag:s24] =	ssyncset.done $0x0  }
0x1a0: {  	[sflag:s24] =	ssyncadd.s32 $0xFFFFC000  }
0x1a1: {  	[tilespmem:s17], [sflag:$0x1] =	stream.indirect.gather [hbm4b:s4+s21], $0x80, s0, s21, $0xb8;
	[tilespmem:$0x1D800] =	vst v63  }
0x1a2: {  	_ =	swait.ge [sflag:s22], $0x4000  }
0x1a3: {  	[sflag:s22] =	ssyncset.done $0x0  }
0x1a4: {  	[sflag:s22] =	ssyncadd.s32 $0xFFFFC000  }
0x1a5: {  	[tilespmem:s23], [sflag:$0x2] =	stream.indirect.gather [hbm4b:s4+s21], $0x80, s5, s21, $0xb8;
	[tilespmem:$0x1D800] =	vst v63  }
0x1a6: {  	_ =	swait.ge [sflag:s24], $0x4000  }
0x1a7: {  	[sflag:s24] =	ssyncset.done $0x0  }
0x1a8: {  	[sflag:s24] =	ssyncadd.s32 $0xFFFFC000  }
0x1a9: {  	[tilespmem:s17], [sflag:$0x1] =	stream.indirect.gather [hbm4b:s4+s21], $0x80, s6, s21, $0xb8;
	[tilespmem:$0x1D800] =	vst v63  }
0x1aa: {  	_ =	swait.ge [sflag:s22], $0x4000  }
0x1ab: {  	[sflag:s22] =	ssyncset.done $0x0  }
0x1ac: {  	[sflag:s22] =	ssyncadd.s32 $0xFFFFC000  }
0x1ad: {  	[tilespmem:s23], [sflag:$0x2] =	stream.indirect.gather [hbm4b:s4+s21], $0x80, s1, s21, $0xb8;
	[tilespmem:$0x1D800] =	vst v63  }
0x1ae: {  	_ =	swait.ge [sflag:s24], $0x4000  }
0x1af: {  	[sflag:s24] =	ssyncset.done $0x0  }
0x1b0: {  	[sflag:s24] =	ssyncadd.s32 $0xFFFFC000  }
0x1b1: {  	[tilespmem:s17], [sflag:$0x1] =	stream.indirect.gather [hbm4b:s4+s21], $0x80, s8, s21, $0xb8;
	[tilespmem:$0x1D800] =	vst v63  }
0x1b2: {  	_ =	swait.ge [sflag:s22], $0x4000  }
0x1b3: {  	[sflag:s22] =	ssyncset.done $0x0  }
0x1b4: {  	[sflag:s22] =	ssyncadd.s32 $0xFFFFC000  }
0x1b5: {  	[tilespmem:s23], [sflag:$0x2] =	stream.indirect.gather [hbm4b:s4+s21], $0x80, s9, s21, $0xb8;
	[tilespmem:$0x1D800] =	vst v63  }
0x1b6: {  	_ =	swait.ge [sflag:s24], $0x4000  }
0x1b7: {  	[sflag:s24] =	ssyncset.done $0x0  }
0x1b8: {  	[sflag:s24] =	ssyncadd.s32 $0xFFFFC000  }
0x1b9: {  	[tilespmem:s17], [sflag:$0x1] =	stream.indirect.gather [hbm4b:s4+s21], $0x80, s10, s21, $0xb8;
	[tilespmem:$0x1D800] =	vst v63  }
0x1ba: {  	_ =	swait.ge [sflag:s22], $0x4000  }
0x1bb: {  	[sflag:s22] =	ssyncset.done $0x0  }
0x1bc: {  	[sflag:s22] =	ssyncadd.s32 $0xFFFFC000  }
0x1bd: {  	[tilespmem:s23], [sflag:$0x2] =	stream.indirect.gather [hbm4b:s4+s21], $0x80, s11, s21, $0xb8;
	[tilespmem:$0x1D800] =	vst v63  }
0x1be: {  	_ =	swait.ge [sflag:s24], $0x4000  }
0x1bf: {  	s13 =	simm.s32 $0x100;
	s12 =	simm.s32 $0x200;
	[sflag:s24] =	ssyncset.done $0x0  }
.LBB2_8:
0x1c0: {  	s19 =	sadd.s32 s13, s16  }
0x1c1: {  	[sflag:s24] =	ssyncadd.s32 $0xFFFFC000;
	s20 =	smov.u32 s12;
	s7 =	sadd.s32 $0x100, s12  }
0x1c2: {  	[tilespmem:s2], [sflag:$0x3] =	stream.linear.gather [hbm4b:s19+s2], $0x800, $0x38;
	[tilespmem:$0x1D800] =	vst v63  }
0x1c3: {  	s19 =	simm.s32 $0x800  }
0x1c4: {  	p1 =	sne.s32 s12, $0x900;
	_ =	swait.ge [sflag:s18], $0x800  }
0x1c5: {  	[sflag:s18] =	ssyncset.done $0x0  }
0x1c6: {  	s12 =	sadd.s32 s13, s14;
	[sflag:s18] =	ssyncadd.s32 $0xFFFFF800  }
0x1c7: {  	[tilespmem:s19], [sflag:$0x3] =	stream.linear.gather [hbm4b:s12+s2], $0x800, $0x38;
	[tilespmem:$0x1D800] =	vst v63  }
0x1c8: {  	_ =	swait.ge [sflag:s18], $0x800  }
0x1c9: {  	s12 =	sadd.s32 s13, s15;
	[sflag:s18] =	ssyncset.done $0x0  }
0x1ca: {  	s13 =	smov.u32 s20;
	s20 =	simm.s32 $0x1000;
	[sflag:s18] =	ssyncadd.s32 $0xFFFFF800  }
0x1cb: {  	[tilespmem:s20], [sflag:$0x3] =	stream.linear.gather [hbm4b:s12+s2], $0x800, $0x38;
	[tilespmem:$0x1D800] =	vst v63  }
0x1cc: {  	_ =	swait.ge [sflag:s18], $0x800  }
0x1cd: {  	[sflag:s18] =	ssyncset.done $0x0  }
0x1ce: {  	[sflag:s18] =	ssyncadd.s32 $0xFFFFF800  }
0x1cf: {  	[tilespmem:s17], [sflag:$0x1] =	stream.indirect.gather [hbm4b:s4+s21], $0x80, s2, s21, $0xb8;
	[tilespmem:$0x1D800] =	vst v63  }
0x1d0: {  	_ =	swait.ge [sflag:s22], $0x4000  }
0x1d1: {  	[sflag:s22] =	ssyncset.done $0x0  }
0x1d2: {  	[sflag:s22] =	ssyncadd.s32 $0xFFFFC000  }
0x1d3: {  	[tilespmem:s23], [sflag:$0x2] =	stream.indirect.gather [hbm4b:s4+s21], $0x80, s21, s21, $0xb8;
	[tilespmem:$0x1D800] =	vst v63  }
0x1d4: {  	_ =	swait.ge [sflag:s24], $0x4000  }
0x1d5: {  	[sflag:s24] =	ssyncset.done $0x0  }
0x1d6: {  	[sflag:s24] =	ssyncadd.s32 $0xFFFFC000  }
0x1d7: {  	[tilespmem:s17], [sflag:$0x1] =	stream.indirect.gather [hbm4b:s4+s21], $0x80, s25, s21, $0xb8;
	[tilespmem:$0x1D800] =	vst v63  }
0x1d8: {  	_ =	swait.ge [sflag:s22], $0x4000  }
0x1d9: {  	[sflag:s22] =	ssyncset.done $0x0  }
0x1da: {  	[sflag:s22] =	ssyncadd.s32 $0xFFFFC000  }
0x1db: {  	[tilespmem:s23], [sflag:$0x2] =	stream.indirect.gather [hbm4b:s4+s21], $0x80, s26, s21, $0xb8;
	[tilespmem:$0x1D800] =	vst v63  }
0x1dc: {  	_ =	swait.ge [sflag:s24], $0x4000  }
0x1dd: {  	[sflag:s24] =	ssyncset.done $0x0  }
0x1de: {  	[sflag:s24] =	ssyncadd.s32 $0xFFFFC000  }
0x1df: {  	[tilespmem:s17], [sflag:$0x1] =	stream.indirect.gather [hbm4b:s4+s21], $0x80, s28, s21, $0xb8;
	[tilespmem:$0x1D800] =	vst v63  }
0x1e0: {  	_ =	swait.ge [sflag:s22], $0x4000  }
0x1e1: {  	[sflag:s22] =	ssyncset.done $0x0  }
0x1e2: {  	[sflag:s22] =	ssyncadd.s32 $0xFFFFC000  }
0x1e3: {  	[tilespmem:s23], [sflag:$0x2] =	stream.indirect.gather [hbm4b:s4+s21], $0x80, s29, s21, $0xb8;
	[tilespmem:$0x1D800] =	vst v63  }
0x1e4: {  	_ =	swait.ge [sflag:s24], $0x4000  }
0x1e5: {  	[sflag:s24] =	ssyncset.done $0x0  }
0x1e6: {  	[sflag:s24] =	ssyncadd.s32 $0xFFFFC000  }
0x1e7: {  	[tilespmem:s17], [sflag:$0x1] =	stream.indirect.gather [hbm4b:s4+s21], $0x80, s30, s21, $0xb8;
	[tilespmem:$0x1D800] =	vst v63  }
0x1e8: {  	_ =	swait.ge [sflag:s22], $0x4000  }
0x1e9: {  	[sflag:s22] =	ssyncset.done $0x0  }
0x1ea: {  	[sflag:s22] =	ssyncadd.s32 $0xFFFFC000  }
0x1eb: {  	[tilespmem:s23], [sflag:$0x2] =	stream.indirect.gather [hbm4b:s4+s21], $0x80, s31, s21, $0xb8;
	[tilespmem:$0x1D800] =	vst v63  }
0x1ec: {  	_ =	swait.ge [sflag:s24], $0x4000  }
0x1ed: {  	[sflag:s24] =	ssyncset.done $0x0  }
0x1ee: {  	[sflag:s24] =	ssyncadd.s32 $0xFFFFC000  }
0x1ef: {  	[tilespmem:s17], [sflag:$0x1] =	stream.indirect.gather [hbm4b:s4+s21], $0x80, s0, s21, $0xb8;
	[tilespmem:$0x1D800] =	vst v63  }
0x1f0: {  	_ =	swait.ge [sflag:s22], $0x4000  }
0x1f1: {  	[sflag:s22] =	ssyncset.done $0x0  }
0x1f2: {  	[sflag:s22] =	ssyncadd.s32 $0xFFFFC000  }
0x1f3: {  	[tilespmem:s23], [sflag:$0x2] =	stream.indirect.gather [hbm4b:s4+s21], $0x80, s5, s21, $0xb8;
	[tilespmem:$0x1D800] =	vst v63  }
0x1f4: {  	_ =	swait.ge [sflag:s24], $0x4000  }
0x1f5: {  	[sflag:s24] =	ssyncset.done $0x0  }
0x1f6: {  	[sflag:s24] =	ssyncadd.s32 $0xFFFFC000  }
0x1f7: {  	[tilespmem:s17], [sflag:$0x1] =	stream.indirect.gather [hbm4b:s4+s21], $0x80, s6, s21, $0xb8;
	[tilespmem:$0x1D800] =	vst v63  }
0x1f8: {  	_ =	swait.ge [sflag:s22], $0x4000  }
0x1f9: {  	[sflag:s22] =	ssyncset.done $0x0  }
0x1fa: {  	[sflag:s22] =	ssyncadd.s32 $0xFFFFC000  }
0x1fb: {  	[tilespmem:s23], [sflag:$0x2] =	stream.indirect.gather [hbm4b:s4+s21], $0x80, s1, s21, $0xb8;
	[tilespmem:$0x1D800] =	vst v63  }
0x1fc: {  	_ =	swait.ge [sflag:s24], $0x4000  }
0x1fd: {  	[sflag:s24] =	ssyncset.done $0x0  }
0x1fe: {  	[sflag:s24] =	ssyncadd.s32 $0xFFFFC000  }
0x1ff: {  	[tilespmem:s17], [sflag:$0x1] =	stream.indirect.gather [hbm4b:s4+s21], $0x80, s8, s21, $0xb8;
	[tilespmem:$0x1D800] =	vst v63  }
0x200: {  	_ =	swait.ge [sflag:s22], $0x4000  }
0x201: {  	[sflag:s22] =	ssyncset.done $0x0  }
0x202: {  	[sflag:s22] =	ssyncadd.s32 $0xFFFFC000  }
0x203: {  	[tilespmem:s23], [sflag:$0x2] =	stream.indirect.gather [hbm4b:s4+s21], $0x80, s9, s21, $0xb8;
	[tilespmem:$0x1D800] =	vst v63  }
0x204: {  	_ =	swait.ge [sflag:s24], $0x4000  }
0x205: {  	[sflag:s24] =	ssyncset.done $0x0  }
0x206: {  	[sflag:s24] =	ssyncadd.s32 $0xFFFFC000  }
0x207: {  	[tilespmem:s17], [sflag:$0x1] =	stream.indirect.gather [hbm4b:s4+s21], $0x80, s10, s21, $0xb8;
	[tilespmem:$0x1D800] =	vst v63  }
0x208: {  	_ =	swait.ge [sflag:s22], $0x4000  }
.Ltmp6:
0x209: {  	[sflag:s22] =	ssyncset.done $0x0;
	(pc) =	sbr.rel @p1 .LBB2_8-.Ltmp6, $4  }
0x20a: {  	[sflag:s22] =	ssyncadd.s32 $0xFFFFC000  }
0x20b: {  	[tilespmem:s23], [sflag:$0x2] =	stream.indirect.gather [hbm4b:s4+s21], $0x80, s11, s21, $0xb8;
	[tilespmem:$0x1D800] =	vst v63  }
0x20c: {  	_ =	swait.ge [sflag:s24], $0x4000  }
0x20d: {  	s12 =	smov.u32 s7;
	[sflag:s24] =	ssyncset.done $0x0  }
.Ltmp7:
0x20e: {  	_ = 	snop;
	(pc) =	sbr.rel .LBB2_9-.Ltmp7, $1  }
0x20f: {  	_ =	sdelay $0x3  }
.LBB2_11:
0x210: {  	_ =	sfence.sel $0x180000  }
0x211: {  	[bflag:$0x0] =	sbarrier.arrive $0xFFFF  }
0x212: {  	_ =	strace $0x9000004D  }
0x213: {  	s0 =	stileid.u32;
	[bflag:$0x2] =	sbarrier.arrive $0xFFFF  }
0x214: {  	p0 =	sne.s32 s0, $0x0;
	s0 =	rddreg [dreg:$0x2]  }
0x215: {  	s0 =	sadd.s32 @!p0 $0x100000, s0  }
0x216: {  	[sflag:s0] =	ssyncadd.tile.s32 @!p0 $0x1;
	_ =	shalt  }
.Lfunc_end2:
_tile_overlayer_lowered:
.L_overlay_start_2:
0x217: {  	(tag) =	ssettag $0x2  }
0x218: {  	s0 =	rddreg [dreg:$0x0];
	s2 =	stileid.u32  }
0x219: {  	s1 =	rddreg [dreg:$0x1];
	p0 =	sne.s32 s2, $0x0  }
0x21a: {  	s3 =	rddreg [dreg:$0x2];
	[bflag:$0x3] =	sbarrier.arrive $0xFFFF;
	s2 =	simm.s32 @!p0 $0x1C03  }
0x21b: {  	[timem:s3], [sflag:s2] =	dma.local @!p0 [hbm:s0], s1  }
0x21c: {  	s0 =	simm.s32 @!p0 $0x3  }
0x21d: {  	_ =	swait.ge @!p0 [sflag:s0], s1  }
0x21e: {  	s1 =	ssub.s32 @!p0 $0x0, s1;
	[sflag:s0] =	ssyncset.done @!p0 $0x0  }
0x21f: {  	[sflag:s0] =	ssyncadd.s32 @!p0 s1  }
0x220: {  	[bflag:$0x3] =	sbarrier.arrive $0xFFFF  }
0x221: {  	_ =	shalt  }

</sc_bundles>
